<compile_context>
chip_gen: v7x
topology: tpu7x:2x2x1
jax: 0.10.2.dev20260603
libtpu: 0.0.44.dev20260713+nightly
codegen_flags: <defaults>
</compile_context>

<pallas_src>
import math

import jax
import jax.numpy as jnp
from jax import lax
from jax.experimental import pallas as pl
from jax.experimental.pallas import tpu as pltpu
from jax.experimental.pallas import tpu_sc as plsc

D_MODEL = 64
SCALE = math.sqrt(D_MODEL)

NC = 2
NS = 16
NW = NC * NS
CH = 128
NBUF = 2


def _make_kernel(n_idx):
    assert n_idx % (NW * CH) == 0
    chunks_per_w = n_idx // (NW * CH)
    mesh = plsc.VectorSubcoreMesh(core_axis_name="c", subcore_axis_name="s",
                                  num_cores=NC, num_subcores=NS)

    def emb_kernel(idx_hbm, table_hbm, out_hbm, idx_v, phys_v, rows_v, sta_v,
                   gsem, wsem):
        wid = lax.axis_index("s") * NC + lax.axis_index("c")
        pltpu.sync_copy(idx_hbm.at[pl.ds(wid * chunks_per_w, chunks_per_w)],
                        idx_v)
        out_base = wid * chunks_per_w * CH

        def prep_and_gather(c, b):
            for k in range(CH // 16):
                phys_v[b, pl.ds(k * 16, 16)] = (
                    idx_v[c, pl.ds(k * 16, 16)] >> 1)
            pltpu.async_copy(table_hbm.at[phys_v.at[b]], rows_v.at[b],
                             gsem.at[b])

        prep_and_gather(0, 0)

        def body(c, _):
            b = lax.rem(c, 2)
            for bs in range(NBUF):
                @pl.when(b == bs)
                def _():
                    nb = 1 - bs

                    @pl.when(c + 1 < chunks_per_w)
                    def _():
                        prep_and_gather(c + 1, nb)

                    pltpu.make_async_copy(table_hbm.at[phys_v.at[bs]],
                                          rows_v.at[bs], gsem.at[bs]).wait()

                    @pl.when(c >= 2)
                    def _():
                        old = out_base + (c - 2) * CH
                        pltpu.make_async_copy(
                            sta_v.at[bs],
                            out_hbm.at[pl.ds(pl.multiple_of(old, 8), CH)],
                            wsem.at[bs]).wait()

                    @plsc.parallel_loop(0, CH // 16)
                    def select_group(g):
                        parv = idx_v[c, pl.ds(g * 16, 16)] & 1
                        for jj in range(16):
                            off = parv[jj] * 64
                            j = g * 16 + jj
                            for s in range(4):
                                seg = rows_v[bs, j, pl.ds(off + s * 16, 16)]
                                sta_v[bs, j, pl.ds(s * 16, 16)] = seg * SCALE

                    dst = pl.multiple_of(out_base + c * CH, 8)
                    pltpu.async_copy(sta_v.at[bs],
                                     out_hbm.at[pl.ds(dst, CH)], wsem.at[bs])

            return 0

        lax.fori_loop(0, chunks_per_w, body, 0)

        for c in (chunks_per_w - 2, chunks_per_w - 1):
            b = c % NBUF
            pltpu.make_async_copy(
                sta_v.at[b],
                out_hbm.at[pl.ds(out_base + c * CH, CH)],
                wsem.at[b]).wait()

    return pl.kernel(
        emb_kernel,
        out_type=jax.ShapeDtypeStruct((n_idx, D_MODEL), jnp.float32),
        mesh=mesh,
        compiler_params=pltpu.CompilerParams(use_tc_tiling_on_sc=True),
        scratch_types=[
            pltpu.VMEM((chunks_per_w, CH), jnp.int32),
            pltpu.VMEM((NBUF, CH), jnp.int32),
            pltpu.VMEM((NBUF, CH, 2 * D_MODEL), jnp.float32),
            pltpu.VMEM((NBUF, CH, D_MODEL), jnp.float32),
            pltpu.SemaphoreType.DMA((NBUF,)),
            pltpu.SemaphoreType.DMA((NBUF,)),
        ],
    )


def kernel(x, lut):
    n_idx = x.shape[0] * x.shape[1]
    idx2d = x.reshape(n_idx // CH, CH)
    lutp = lut.reshape(lut.shape[0] // 2, 2 * D_MODEL)
    out = _make_kernel(n_idx)(idx2d, lutp)
    return out.reshape(x.shape[0], x.shape[1], D_MODEL)

# --- scband reference (transcript-rebuilt; emitter-appended) ---
"""Pipeline reference for scband-embeddings-29137058136084 (READ-ONLY COPY).

The authoritative reference and input builder live on the scoring server;
editing this copy changes nothing except your own understanding.
"""

import jax, jax.numpy as jnp
import numpy as np
import math

D_MODEL = 64
VOCAB = 1000000

def setup_inputs(seed: int = 0) -> dict:
    key = jax.random.key(seed)
    k1, k2 = jax.random.split(key)
    x = jax.random.randint(k1, (4096, 200), 0, VOCAB, dtype=jnp.int32)
    lut = jax.random.normal(k2, (VOCAB, D_MODEL), dtype=jnp.float32)
    return {"x": x, "lut": lut}

def reference(x, lut):
    # Embeddings.forward: self.lut(x) * sqrt(d_model)
    return jnp.take(lut, x, axis=0) * math.sqrt(D_MODEL)

if __name__ == "__main__":
    import jax
    _d = setup_inputs()
    print(jax.jit(kernel)(*tuple(_d.values())))

</pallas_src>

<mosaic_0001>
#map = affine_map<(d0, d1) -> (0, 0)>
module attributes {stable_mosaic.version = 14 : i64} {
  func.func @emb_kernel(%arg0: i32, %arg1: i32, %arg2: memref<6400x128xi32, #tpu.memory_space<hbm>>, %arg3: memref<500000x128xf32, #tpu.memory_space<hbm>>, %arg4: memref<819200x64xf32, #tpu.memory_space<hbm>>, %arg5: memref<200x128xi32, #tpu.memory_space<vmem>>, %arg6: memref<2x128xi32, #tpu.memory_space<vmem>>, %arg7: memref<2x128x128xf32, #tpu.memory_space<vmem>>, %arg8: memref<2x128x64xf32, #tpu.memory_space<vmem>>, %arg9: memref<2x!tpu.dma_semaphore, #tpu.memory_space<semaphore_mem>>, %arg10: memref<2x!tpu.dma_semaphore, #tpu.memory_space<semaphore_mem>>) attributes {dimension_semantics = [#tpu.dimension_semantics<core_parallel>, #tpu.dimension_semantics<subcore_parallel>], iteration_bounds = array<i64: 2, 16>, scalar_prefetch = 0 : i64, scratch_operands = 6 : i64, tpu.core_type = #tpu.core_type<sc_vector_subcore>, window_params = [{transform_indices = #map}, {transform_indices = #map}, {transform_indices = #map}]} {
    %mul3A = arith.constant 2 : i32
    %mul3A_0 = arith.muli %arg1, %mul3A : i32
    %add3A = arith.addi %mul3A_0, %arg0 : i32
    %mul3A_1 = arith.constant 200 : i32
    %mul3A_2 = arith.muli %add3A, %mul3A_1 : i32
    "tpu.region"() ({
      %run_scoped3A = tpu.sem_alloc : memref<!tpu.dma_semaphore, #tpu.memory_space<semaphore_mem>>
      %dma_start3A_171 = arith.constant 0 : i32
      %dma_start3A_172 = tpu.memref_slice %arg2[%mul3A_2, %dma_start3A_171] : memref<6400x128xi32, #tpu.memory_space<hbm>> -> memref<200x128xi32, #tpu.memory_space<hbm>>
      %dma_start3A_173 = arith.constant 0 : i32
      %dma_start3A_174 = tpu.memref_slice %arg2[%mul3A_2, %dma_start3A_173] : memref<6400x128xi32, #tpu.memory_space<hbm>> -> memref<200x128xi32, #tpu.memory_space<hbm>>
      tpu.enqueue_dma source(%dma_start3A_174 : memref<200x128xi32, #tpu.memory_space<hbm>>) target(%arg5 : memref<200x128xi32, #tpu.memory_space<vmem>>) target_semaphore(%run_scoped3A : memref<!tpu.dma_semaphore, #tpu.memory_space<semaphore_mem>>)
      %dma_wait3A_175 = arith.constant 0 : i32
      %dma_wait3A_176 = tpu.memref_slice %arg2[%mul3A_2, %dma_wait3A_175] : memref<6400x128xi32, #tpu.memory_space<hbm>> -> memref<200x128xi32, #tpu.memory_space<hbm>>
      %dma_wait3A_177 = arith.constant 0 : i32
      %dma_wait3A_178 = tpu.memref_slice %arg2[%mul3A_2, %dma_wait3A_177] : memref<6400x128xi32, #tpu.memory_space<hbm>> -> memref<200x128xi32, #tpu.memory_space<hbm>>
      tpu.wait_dma2 semaphore(%run_scoped3A : memref<!tpu.dma_semaphore, #tpu.memory_space<semaphore_mem>>) src(%dma_wait3A_178 : memref<200x128xi32, #tpu.memory_space<hbm>>) dst(%arg5 : memref<200x128xi32, #tpu.memory_space<vmem>>)
      tpu.yield
    }) : () -> ()
    %mul3A_3 = arith.constant 200 : i32
    %mul3A_4 = arith.muli %add3A, %mul3A_3 : i32
    %mul3A_5 = arith.constant 128 : i32
    %mul3A_6 = arith.muli %mul3A_4, %mul3A_5 : i32
    %get3A = arith.constant 0 : i32
    %get3A_7 = arith.index_cast %get3A : i32 to index
    %get3A_8 = arith.constant 0 : index
    %get3A_9 = tpu.vector_load %arg5[%get3A_7, %get3A_8] {strides = array<i32>} : memref<200x128xi32, #tpu.memory_space<vmem>>, vector<1x16xi32>,
    %get3A_10 = vector.shape_cast %get3A_9 : vector<1x16xi32> to vector<16xi32>
    %shift_right_arithmetic3A = arith.constant 1 : i32
    %shift_right_arithmetic3A_11 = vector.broadcast %shift_right_arithmetic3A : i32 to vector<16xi32>
    %shift_right_arithmetic3A_12 = arith.shrsi %get3A_10, %shift_right_arithmetic3A_11 : vector<16xi32>
    %swap3A = arith.constant 0 : i32
    %swap3A_13 = arith.index_cast %swap3A : i32 to index
    %swap3A_14 = arith.constant 0 : index
    %swap3A_15 = tpu.vector_load %arg6[%swap3A_13, %swap3A_14] {strides = array<i32>} : memref<2x128xi32, #tpu.memory_space<vmem>>, vector<1x16xi32>,
    %swap3A_16 = vector.shape_cast %swap3A_15 : vector<1x16xi32> to vector<16xi32>
    %swap3A_17 = vector.shape_cast %shift_right_arithmetic3A_12 : vector<16xi32> to vector<1x16xi32>
    tpu.vector_store %arg6[%swap3A_13, %swap3A_14], %swap3A_17 {strides = array<i32>} : memref<2x128xi32, #tpu.memory_space<vmem>>, vector<1x16xi32>,
    %get3A_18 = arith.constant 0 : i32
    %get3A_19 = arith.index_cast %get3A_18 : i32 to index
    %get3A_20 = arith.constant 16 : index
    %get3A_21 = tpu.vector_load %arg5[%get3A_19, %get3A_20] {strides = array<i32>} : memref<200x128xi32, #tpu.memory_space<vmem>>, vector<1x16xi32>,
    %get3A_22 = vector.shape_cast %get3A_21 : vector<1x16xi32> to vector<16xi32>
    %shift_right_arithmetic3A_23 = arith.constant 1 : i32
    %shift_right_arithmetic3A_24 = vector.broadcast %shift_right_arithmetic3A_23 : i32 to vector<16xi32>
    %shift_right_arithmetic3A_25 = arith.shrsi %get3A_22, %shift_right_arithmetic3A_24 : vector<16xi32>
    %swap3A_26 = arith.constant 0 : i32
    %swap3A_27 = arith.index_cast %swap3A_26 : i32 to index
    %swap3A_28 = arith.constant 16 : index
    %swap3A_29 = tpu.vector_load %arg6[%swap3A_27, %swap3A_28] {strides = array<i32>} : memref<2x128xi32, #tpu.memory_space<vmem>>, vector<1x16xi32>,
    %swap3A_30 = vector.shape_cast %swap3A_29 : vector<1x16xi32> to vector<16xi32>
    %swap3A_31 = vector.shape_cast %shift_right_arithmetic3A_25 : vector<16xi32> to vector<1x16xi32>
    tpu.vector_store %arg6[%swap3A_27, %swap3A_28], %swap3A_31 {strides = array<i32>} : memref<2x128xi32, #tpu.memory_space<vmem>>, vector<1x16xi32>,
    %get3A_32 = arith.constant 0 : i32
    %get3A_33 = arith.index_cast %get3A_32 : i32 to index
    %get3A_34 = arith.constant 32 : index
    %get3A_35 = tpu.vector_load %arg5[%get3A_33, %get3A_34] {strides = array<i32>} : memref<200x128xi32, #tpu.memory_space<vmem>>, vector<1x16xi32>,
    %get3A_36 = vector.shape_cast %get3A_35 : vector<1x16xi32> to vector<16xi32>
    %shift_right_arithmetic3A_37 = arith.constant 1 : i32
    %shift_right_arithmetic3A_38 = vector.broadcast %shift_right_arithmetic3A_37 : i32 to vector<16xi32>
    %shift_right_arithmetic3A_39 = arith.shrsi %get3A_36, %shift_right_arithmetic3A_38 : vector<16xi32>
    %swap3A_40 = arith.constant 0 : i32
    %swap3A_41 = arith.index_cast %swap3A_40 : i32 to index
    %swap3A_42 = arith.constant 32 : index
    %swap3A_43 = tpu.vector_load %arg6[%swap3A_41, %swap3A_42] {strides = array<i32>} : memref<2x128xi32, #tpu.memory_space<vmem>>, vector<1x16xi32>,
    %swap3A_44 = vector.shape_cast %swap3A_43 : vector<1x16xi32> to vector<16xi32>
    %swap3A_45 = vector.shape_cast %shift_right_arithmetic3A_39 : vector<16xi32> to vector<1x16xi32>
    tpu.vector_store %arg6[%swap3A_41, %swap3A_42], %swap3A_45 {strides = array<i32>} : memref<2x128xi32, #tpu.memory_space<vmem>>, vector<1x16xi32>,
    %get3A_46 = arith.constant 0 : i32
    %get3A_47 = arith.index_cast %get3A_46 : i32 to index
    %get3A_48 = arith.constant 48 : index
    %get3A_49 = tpu.vector_load %arg5[%get3A_47, %get3A_48] {strides = array<i32>} : memref<200x128xi32, #tpu.memory_space<vmem>>, vector<1x16xi32>,
    %get3A_50 = vector.shape_cast %get3A_49 : vector<1x16xi32> to vector<16xi32>
    %shift_right_arithmetic3A_51 = arith.constant 1 : i32
    %shift_right_arithmetic3A_52 = vector.broadcast %shift_right_arithmetic3A_51 : i32 to vector<16xi32>
    %shift_right_arithmetic3A_53 = arith.shrsi %get3A_50, %shift_right_arithmetic3A_52 : vector<16xi32>
    %swap3A_54 = arith.constant 0 : i32
    %swap3A_55 = arith.index_cast %swap3A_54 : i32 to index
    %swap3A_56 = arith.constant 48 : index
    %swap3A_57 = tpu.vector_load %arg6[%swap3A_55, %swap3A_56] {strides = array<i32>} : memref<2x128xi32, #tpu.memory_space<vmem>>, vector<1x16xi32>,
    %swap3A_58 = vector.shape_cast %swap3A_57 : vector<1x16xi32> to vector<16xi32>
    %swap3A_59 = vector.shape_cast %shift_right_arithmetic3A_53 : vector<16xi32> to vector<1x16xi32>
    tpu.vector_store %arg6[%swap3A_55, %swap3A_56], %swap3A_59 {strides = array<i32>} : memref<2x128xi32, #tpu.memory_space<vmem>>, vector<1x16xi32>,
    %get3A_60 = arith.constant 0 : i32
    %get3A_61 = arith.index_cast %get3A_60 : i32 to index
    %get3A_62 = arith.constant 64 : index
    %get3A_63 = tpu.vector_load %arg5[%get3A_61, %get3A_62] {strides = array<i32>} : memref<200x128xi32, #tpu.memory_space<vmem>>, vector<1x16xi32>,
    %get3A_64 = vector.shape_cast %get3A_63 : vector<1x16xi32> to vector<16xi32>
    %shift_right_arithmetic3A_65 = arith.constant 1 : i32
    %shift_right_arithmetic3A_66 = vector.broadcast %shift_right_arithmetic3A_65 : i32 to vector<16xi32>
    %shift_right_arithmetic3A_67 = arith.shrsi %get3A_64, %shift_right_arithmetic3A_66 : vector<16xi32>
    %swap3A_68 = arith.constant 0 : i32
    %swap3A_69 = arith.index_cast %swap3A_68 : i32 to index
    %swap3A_70 = arith.constant 64 : index
    %swap3A_71 = tpu.vector_load %arg6[%swap3A_69, %swap3A_70] {strides = array<i32>} : memref<2x128xi32, #tpu.memory_space<vmem>>, vector<1x16xi32>,
    %swap3A_72 = vector.shape_cast %swap3A_71 : vector<1x16xi32> to vector<16xi32>
    %swap3A_73 = vector.shape_cast %shift_right_arithmetic3A_67 : vector<16xi32> to vector<1x16xi32>
    tpu.vector_store %arg6[%swap3A_69, %swap3A_70], %swap3A_73 {strides = array<i32>} : memref<2x128xi32, #tpu.memory_space<vmem>>, vector<1x16xi32>,
    %get3A_74 = arith.constant 0 : i32
    %get3A_75 = arith.index_cast %get3A_74 : i32 to index
    %get3A_76 = arith.constant 80 : index
    %get3A_77 = tpu.vector_load %arg5[%get3A_75, %get3A_76] {strides = array<i32>} : memref<200x128xi32, #tpu.memory_space<vmem>>, vector<1x16xi32>,
    %get3A_78 = vector.shape_cast %get3A_77 : vector<1x16xi32> to vector<16xi32>
    %shift_right_arithmetic3A_79 = arith.constant 1 : i32
    %shift_right_arithmetic3A_80 = vector.broadcast %shift_right_arithmetic3A_79 : i32 to vector<16xi32>
    %shift_right_arithmetic3A_81 = arith.shrsi %get3A_78, %shift_right_arithmetic3A_80 : vector<16xi32>
    %swap3A_82 = arith.constant 0 : i32
    %swap3A_83 = arith.index_cast %swap3A_82 : i32 to index
    %swap3A_84 = arith.constant 80 : index
    %swap3A_85 = tpu.vector_load %arg6[%swap3A_83, %swap3A_84] {strides = array<i32>} : memref<2x128xi32, #tpu.memory_space<vmem>>, vector<1x16xi32>,
    %swap3A_86 = vector.shape_cast %swap3A_85 : vector<1x16xi32> to vector<16xi32>
    %swap3A_87 = vector.shape_cast %shift_right_arithmetic3A_81 : vector<16xi32> to vector<1x16xi32>
    tpu.vector_store %arg6[%swap3A_83, %swap3A_84], %swap3A_87 {strides = array<i32>} : memref<2x128xi32, #tpu.memory_space<vmem>>, vector<1x16xi32>,
    %get3A_88 = arith.constant 0 : i32
    %get3A_89 = arith.index_cast %get3A_88 : i32 to index
    %get3A_90 = arith.constant 96 : index
    %get3A_91 = tpu.vector_load %arg5[%get3A_89, %get3A_90] {strides = array<i32>} : memref<200x128xi32, #tpu.memory_space<vmem>>, vector<1x16xi32>,
    %get3A_92 = vector.shape_cast %get3A_91 : vector<1x16xi32> to vector<16xi32>
    %shift_right_arithmetic3A_93 = arith.constant 1 : i32
    %shift_right_arithmetic3A_94 = vector.broadcast %shift_right_arithmetic3A_93 : i32 to vector<16xi32>
    %shift_right_arithmetic3A_95 = arith.shrsi %get3A_92, %shift_right_arithmetic3A_94 : vector<16xi32>
    %swap3A_96 = arith.constant 0 : i32
    %swap3A_97 = arith.index_cast %swap3A_96 : i32 to index
    %swap3A_98 = arith.constant 96 : index
    %swap3A_99 = tpu.vector_load %arg6[%swap3A_97, %swap3A_98] {strides = array<i32>} : memref<2x128xi32, #tpu.memory_space<vmem>>, vector<1x16xi32>,
    %swap3A_100 = vector.shape_cast %swap3A_99 : vector<1x16xi32> to vector<16xi32>
    %swap3A_101 = vector.shape_cast %shift_right_arithmetic3A_95 : vector<16xi32> to vector<1x16xi32>
    tpu.vector_store %arg6[%swap3A_97, %swap3A_98], %swap3A_101 {strides = array<i32>} : memref<2x128xi32, #tpu.memory_space<vmem>>, vector<1x16xi32>,
    %get3A_102 = arith.constant 0 : i32
    %get3A_103 = arith.index_cast %get3A_102 : i32 to index
    %get3A_104 = arith.constant 112 : index
    %get3A_105 = tpu.vector_load %arg5[%get3A_103, %get3A_104] {strides = array<i32>} : memref<200x128xi32, #tpu.memory_space<vmem>>, vector<1x16xi32>,
    %get3A_106 = vector.shape_cast %get3A_105 : vector<1x16xi32> to vector<16xi32>
    %shift_right_arithmetic3A_107 = arith.constant 1 : i32
    %shift_right_arithmetic3A_108 = vector.broadcast %shift_right_arithmetic3A_107 : i32 to vector<16xi32>
    %shift_right_arithmetic3A_109 = arith.shrsi %get3A_106, %shift_right_arithmetic3A_108 : vector<16xi32>
    %swap3A_110 = arith.constant 0 : i32
    %swap3A_111 = arith.index_cast %swap3A_110 : i32 to index
    %swap3A_112 = arith.constant 112 : index
    %swap3A_113 = tpu.vector_load %arg6[%swap3A_111, %swap3A_112] {strides = array<i32>} : memref<2x128xi32, #tpu.memory_space<vmem>>, vector<1x16xi32>,
    %swap3A_114 = vector.shape_cast %swap3A_113 : vector<1x16xi32> to vector<16xi32>
    %swap3A_115 = vector.shape_cast %shift_right_arithmetic3A_109 : vector<16xi32> to vector<1x16xi32>
    tpu.vector_store %arg6[%swap3A_111, %swap3A_112], %swap3A_115 {strides = array<i32>} : memref<2x128xi32, #tpu.memory_space<vmem>>, vector<1x16xi32>,
    %dma_start3A = arith.constant 0 : i32
    %dma_start3A_116 = arith.constant 0 : i32
    %dma_start3A_117 = arith.constant 0 : i32
    %dma_start3A_118 = arith.constant 0 : i32
    %dma_start3A_119 = arith.constant 0 : i32
    %dma_start3A_120 = tpu.memref_slice %arg7[%dma_start3A_116, %dma_start3A_118, %dma_start3A_119] : memref<2x128x128xf32, #tpu.memory_space<vmem>> -> memref<1x128x128xf32, #tpu.memory_space<vmem>>
    %dma_start3A_121 = tpu.memref_squeeze %dma_start3A_120 : memref<1x128x128xf32, #tpu.memory_space<vmem>> -> memref<128x128xf32, #tpu.memory_space<vmem>>
    %dma_start3A_122 = arith.constant 0 : i32
    %dma_start3A_123 = tpu.memref_slice %arg6[%dma_start3A, %dma_start3A_122] : memref<2x128xi32, #tpu.memory_space<vmem>> -> memref<1x128xi32, #tpu.memory_space<vmem>>
    %dma_start3A_124 = tpu.memref_squeeze %dma_start3A_123 : memref<1x128xi32, #tpu.memory_space<vmem>> -> memref<128xi32, #tpu.memory_space<vmem>>
    %dma_start3A_125 = arith.constant 0 : i32
    %dma_start3A_126 = arith.constant 0 : i32
    %dma_start3A_127 = tpu.memref_slice %arg3[%dma_start3A_125, %dma_start3A_126] : memref<500000x128xf32, #tpu.memory_space<hbm>> -> memref<500000x128xf32, #tpu.memory_space<hbm>>
    %dma_start3A_128 = tpu.memref_slice %arg9[%dma_start3A_117] : memref<2x!tpu.dma_semaphore, #tpu.memory_space<semaphore_mem>> -> memref<1x!tpu.dma_semaphore, #tpu.memory_space<semaphore_mem>>
    %dma_start3A_129 = tpu.memref_squeeze %dma_start3A_128 : memref<1x!tpu.dma_semaphore, #tpu.memory_space<semaphore_mem>> -> memref<!tpu.dma_semaphore, #tpu.memory_space<semaphore_mem>>
    tpu.enqueue_indirect_dma source(%dma_start3A_127 : memref<500000x128xf32, #tpu.memory_space<hbm>>) target(%dma_start3A_121 : memref<128x128xf32, #tpu.memory_space<vmem>>) offsets(%dma_start3A_124 : memref<128xi32, #tpu.memory_space<vmem>>) semaphore(%dma_start3A_129 : memref<!tpu.dma_semaphore, #tpu.memory_space<semaphore_mem>>)
    %scan3A = arith.constant 0 : i32
    %scan3A_130 = arith.constant 0 : i32
    %scan3A_131 = arith.constant 200 : i32
    %scan3A_132 = arith.addi %scan3A_130, %scan3A_131 : i32
    %scan3A_133 = arith.constant 1 : i32
    %scan3A_134 = scf.for %scan3A_171 = %scan3A_130 to %scan3A_132 step %scan3A_133 iter_args(%scan3A_172 = %scan3A) -> (i32)  : i32 {
      %rem3A = arith.constant 2 : i32
      %rem3A_173 = arith.remsi %scan3A_171, %rem3A : i32
      %eq3A = arith.constant 0 : i32
      %eq3A_174 = arith.cmpi eq, %rem3A_173, %eq3A : i32
      %convert_element_type3A = arith.extui %eq3A_174 : i1 to i32
      %cond3A = arith.constant 0 : i32
      %cond3A_175 = arith.cmpi ne, %convert_element_type3A, %cond3A : i32
      scf.if %cond3A_175 {
        %add3A_182 = arith.constant 1 : i32
        %add3A_183 = arith.addi %scan3A_171, %add3A_182 : i32
        %lt3A = arith.constant 200 : i32
        %lt3A_184 = arith.cmpi slt, %add3A_183, %lt3A : i32
        %convert_element_type3A_185 = arith.extui %lt3A_184 : i1 to i32
        %cond3A_186 = arith.constant 0 : i32
        %cond3A_187 = arith.cmpi ne, %convert_element_type3A_185, %cond3A_186 : i32
        scf.if %cond3A_187 {
          %add3A_228 = arith.constant 1 : i32
          %add3A_229 = arith.addi %scan3A_171, %add3A_228 : i32
          %get3A_230 = arith.index_cast %add3A_229 : i32 to index
          %get3A_231 = arith.constant 0 : index
          %get3A_232 = tpu.vector_load %arg5[%get3A_230, %get3A_231] {strides = array<i32>} : memref<200x128xi32, #tpu.memory_space<vmem>>, vector<1x16xi32>,
          %get3A_233 = vector.shape_cast %get3A_232 : vector<1x16xi32> to vector<16xi32>
          %shift_right_arithmetic3A_234 = arith.constant 1 : i32
          %shift_right_arithmetic3A_235 = vector.broadcast %shift_right_arithmetic3A_234 : i32 to vector<16xi32>
          %shift_right_arithmetic3A_236 = arith.shrsi %get3A_233, %shift_right_arithmetic3A_235 : vector<16xi32>
          %swap3A_237 = arith.constant 1 : i32
          %swap3A_238 = arith.index_cast %swap3A_237 : i32 to index
          %swap3A_239 = arith.constant 0 : index
          %swap3A_240 = tpu.vector_load %arg6[%swap3A_238, %swap3A_239] {strides = array<i32>} : memref<2x128xi32, #tpu.memory_space<vmem>>, vector<1x16xi32>,
          %swap3A_241 = vector.shape_cast %swap3A_240 : vector<1x16xi32> to vector<16xi32>
          %swap3A_242 = vector.shape_cast %shift_right_arithmetic3A_236 : vector<16xi32> to vector<1x16xi32>
          tpu.vector_store %arg6[%swap3A_238, %swap3A_239], %swap3A_242 {strides = array<i32>} : memref<2x128xi32, #tpu.memory_space<vmem>>, vector<1x16xi32>,
          %get3A_243 = arith.index_cast %add3A_229 : i32 to index
          %get3A_244 = arith.constant 16 : index
          %get3A_245 = tpu.vector_load %arg5[%get3A_243, %get3A_244] {strides = array<i32>} : memref<200x128xi32, #tpu.memory_space<vmem>>, vector<1x16xi32>,
          %get3A_246 = vector.shape_cast %get3A_245 : vector<1x16xi32> to vector<16xi32>
          %shift_right_arithmetic3A_247 = arith.constant 1 : i32
          %shift_right_arithmetic3A_248 = vector.broadcast %shift_right_arithmetic3A_247 : i32 to vector<16xi32>
          %shift_right_arithmetic3A_249 = arith.shrsi %get3A_246, %shift_right_arithmetic3A_248 : vector<16xi32>
          %swap3A_250 = arith.constant 1 : i32
          %swap3A_251 = arith.index_cast %swap3A_250 : i32 to index
          %swap3A_252 = arith.constant 16 : index
          %swap3A_253 = tpu.vector_load %arg6[%swap3A_251, %swap3A_252] {strides = array<i32>} : memref<2x128xi32, #tpu.memory_space<vmem>>, vector<1x16xi32>,
          %swap3A_254 = vector.shape_cast %swap3A_253 : vector<1x16xi32> to vector<16xi32>
          %swap3A_255 = vector.shape_cast %shift_right_arithmetic3A_249 : vector<16xi32> to vector<1x16xi32>
          tpu.vector_store %arg6[%swap3A_251, %swap3A_252], %swap3A_255 {strides = array<i32>} : memref<2x128xi32, #tpu.memory_space<vmem>>, vector<1x16xi32>,
          %get3A_256 = arith.index_cast %add3A_229 : i32 to index
          %get3A_257 = arith.constant 32 : index
          %get3A_258 = tpu.vector_load %arg5[%get3A_256, %get3A_257] {strides = array<i32>} : memref<200x128xi32, #tpu.memory_space<vmem>>, vector<1x16xi32>,
          %get3A_259 = vector.shape_cast %get3A_258 : vector<1x16xi32> to vector<16xi32>
          %shift_right_arithmetic3A_260 = arith.constant 1 : i32
          %shift_right_arithmetic3A_261 = vector.broadcast %shift_right_arithmetic3A_260 : i32 to vector<16xi32>
          %shift_right_arithmetic3A_262 = arith.shrsi %get3A_259, %shift_right_arithmetic3A_261 : vector<16xi32>
          %swap3A_263 = arith.constant 1 : i32
          %swap3A_264 = arith.index_cast %swap3A_263 : i32 to index
          %swap3A_265 = arith.constant 32 : index
          %swap3A_266 = tpu.vector_load %arg6[%swap3A_264, %swap3A_265] {strides = array<i32>} : memref<2x128xi32, #tpu.memory_space<vmem>>, vector<1x16xi32>,
          %swap3A_267 = vector.shape_cast %swap3A_266 : vector<1x16xi32> to vector<16xi32>
          %swap3A_268 = vector.shape_cast %shift_right_arithmetic3A_262 : vector<16xi32> to vector<1x16xi32>
          tpu.vector_store %arg6[%swap3A_264, %swap3A_265], %swap3A_268 {strides = array<i32>} : memref<2x128xi32, #tpu.memory_space<vmem>>, vector<1x16xi32>,
          %get3A_269 = arith.index_cast %add3A_229 : i32 to index
          %get3A_270 = arith.constant 48 : index
          %get3A_271 = tpu.vector_load %arg5[%get3A_269, %get3A_270] {strides = array<i32>} : memref<200x128xi32, #tpu.memory_space<vmem>>, vector<1x16xi32>,
          %get3A_272 = vector.shape_cast %get3A_271 : vector<1x16xi32> to vector<16xi32>
          %shift_right_arithmetic3A_273 = arith.constant 1 : i32
          %shift_right_arithmetic3A_274 = vector.broadcast %shift_right_arithmetic3A_273 : i32 to vector<16xi32>
          %shift_right_arithmetic3A_275 = arith.shrsi %get3A_272, %shift_right_arithmetic3A_274 : vector<16xi32>
          %swap3A_276 = arith.constant 1 : i32
          %swap3A_277 = arith.index_cast %swap3A_276 : i32 to index
          %swap3A_278 = arith.constant 48 : index
          %swap3A_279 = tpu.vector_load %arg6[%swap3A_277, %swap3A_278] {strides = array<i32>} : memref<2x128xi32, #tpu.memory_space<vmem>>, vector<1x16xi32>,
          %swap3A_280 = vector.shape_cast %swap3A_279 : vector<1x16xi32> to vector<16xi32>
          %swap3A_281 = vector.shape_cast %shift_right_arithmetic3A_275 : vector<16xi32> to vector<1x16xi32>
          tpu.vector_store %arg6[%swap3A_277, %swap3A_278], %swap3A_281 {strides = array<i32>} : memref<2x128xi32, #tpu.memory_space<vmem>>, vector<1x16xi32>,
          %get3A_282 = arith.index_cast %add3A_229 : i32 to index
          %get3A_283 = arith.constant 64 : index
          %get3A_284 = tpu.vector_load %arg5[%get3A_282, %get3A_283] {strides = array<i32>} : memref<200x128xi32, #tpu.memory_space<vmem>>, vector<1x16xi32>,
          %get3A_285 = vector.shape_cast %get3A_284 : vector<1x16xi32> to vector<16xi32>
          %shift_right_arithmetic3A_286 = arith.constant 1 : i32
          %shift_right_arithmetic3A_287 = vector.broadcast %shift_right_arithmetic3A_286 : i32 to vector<16xi32>
          %shift_right_arithmetic3A_288 = arith.shrsi %get3A_285, %shift_right_arithmetic3A_287 : vector<16xi32>
          %swap3A_289 = arith.constant 1 : i32
          %swap3A_290 = arith.index_cast %swap3A_289 : i32 to index
          %swap3A_291 = arith.constant 64 : index
          %swap3A_292 = tpu.vector_load %arg6[%swap3A_290, %swap3A_291] {strides = array<i32>} : memref<2x128xi32, #tpu.memory_space<vmem>>, vector<1x16xi32>,
          %swap3A_293 = vector.shape_cast %swap3A_292 : vector<1x16xi32> to vector<16xi32>
          %swap3A_294 = vector.shape_cast %shift_right_arithmetic3A_288 : vector<16xi32> to vector<1x16xi32>
          tpu.vector_store %arg6[%swap3A_290, %swap3A_291], %swap3A_294 {strides = array<i32>} : memref<2x128xi32, #tpu.memory_space<vmem>>, vector<1x16xi32>,
          %get3A_295 = arith.index_cast %add3A_229 : i32 to index
          %get3A_296 = arith.constant 80 : index
          %get3A_297 = tpu.vector_load %arg5[%get3A_295, %get3A_296] {strides = array<i32>} : memref<200x128xi32, #tpu.memory_space<vmem>>, vector<1x16xi32>,
          %get3A_298 = vector.shape_cast %get3A_297 : vector<1x16xi32> to vector<16xi32>
          %shift_right_arithmetic3A_299 = arith.constant 1 : i32
          %shift_right_arithmetic3A_300 = vector.broadcast %shift_right_arithmetic3A_299 : i32 to vector<16xi32>
          %shift_right_arithmetic3A_301 = arith.shrsi %get3A_298, %shift_right_arithmetic3A_300 : vector<16xi32>
          %swap3A_302 = arith.constant 1 : i32
          %swap3A_303 = arith.index_cast %swap3A_302 : i32 to index
          %swap3A_304 = arith.constant 80 : index
          %swap3A_305 = tpu.vector_load %arg6[%swap3A_303, %swap3A_304] {strides = array<i32>} : memref<2x128xi32, #tpu.memory_space<vmem>>, vector<1x16xi32>,
          %swap3A_306 = vector.shape_cast %swap3A_305 : vector<1x16xi32> to vector<16xi32>
          %swap3A_307 = vector.shape_cast %shift_right_arithmetic3A_301 : vector<16xi32> to vector<1x16xi32>
          tpu.vector_store %arg6[%swap3A_303, %swap3A_304], %swap3A_307 {strides = array<i32>} : memref<2x128xi32, #tpu.memory_space<vmem>>, vector<1x16xi32>,
          %get3A_308 = arith.index_cast %add3A_229 : i32 to index
          %get3A_309 = arith.constant 96 : index
          %get3A_310 = tpu.vector_load %arg5[%get3A_308, %get3A_309] {strides = array<i32>} : memref<200x128xi32, #tpu.memory_space<vmem>>, vector<1x16xi32>,
          %get3A_311 = vector.shape_cast %get3A_310 : vector<1x16xi32> to vector<16xi32>
          %shift_right_arithmetic3A_312 = arith.constant 1 : i32
          %shift_right_arithmetic3A_313 = vector.broadcast %shift_right_arithmetic3A_312 : i32 to vector<16xi32>
          %shift_right_arithmetic3A_314 = arith.shrsi %get3A_311, %shift_right_arithmetic3A_313 : vector<16xi32>
          %swap3A_315 = arith.constant 1 : i32
          %swap3A_316 = arith.index_cast %swap3A_315 : i32 to index
          %swap3A_317 = arith.constant 96 : index
          %swap3A_318 = tpu.vector_load %arg6[%swap3A_316, %swap3A_317] {strides = array<i32>} : memref<2x128xi32, #tpu.memory_space<vmem>>, vector<1x16xi32>,
          %swap3A_319 = vector.shape_cast %swap3A_318 : vector<1x16xi32> to vector<16xi32>
          %swap3A_320 = vector.shape_cast %shift_right_arithmetic3A_314 : vector<16xi32> to vector<1x16xi32>
          tpu.vector_store %arg6[%swap3A_316, %swap3A_317], %swap3A_320 {strides = array<i32>} : memref<2x128xi32, #tpu.memory_space<vmem>>, vector<1x16xi32>,
          %get3A_321 = arith.index_cast %add3A_229 : i32 to index
          %get3A_322 = arith.constant 112 : index
          %get3A_323 = tpu.vector_load %arg5[%get3A_321, %get3A_322] {strides = array<i32>} : memref<200x128xi32, #tpu.memory_space<vmem>>, vector<1x16xi32>,
          %get3A_324 = vector.shape_cast %get3A_323 : vector<1x16xi32> to vector<16xi32>
          %shift_right_arithmetic3A_325 = arith.constant 1 : i32
          %shift_right_arithmetic3A_326 = vector.broadcast %shift_right_arithmetic3A_325 : i32 to vector<16xi32>
          %shift_right_arithmetic3A_327 = arith.shrsi %get3A_324, %shift_right_arithmetic3A_326 : vector<16xi32>
          %swap3A_328 = arith.constant 1 : i32
          %swap3A_329 = arith.index_cast %swap3A_328 : i32 to index
          %swap3A_330 = arith.constant 112 : index
          %swap3A_331 = tpu.vector_load %arg6[%swap3A_329, %swap3A_330] {strides = array<i32>} : memref<2x128xi32, #tpu.memory_space<vmem>>, vector<1x16xi32>,
          %swap3A_332 = vector.shape_cast %swap3A_331 : vector<1x16xi32> to vector<16xi32>
          %swap3A_333 = vector.shape_cast %shift_right_arithmetic3A_327 : vector<16xi32> to vector<1x16xi32>
          tpu.vector_store %arg6[%swap3A_329, %swap3A_330], %swap3A_333 {strides = array<i32>} : memref<2x128xi32, #tpu.memory_space<vmem>>, vector<1x16xi32>,
          %dma_start3A_334 = arith.constant 1 : i32
          %dma_start3A_335 = arith.constant 1 : i32
          %dma_start3A_336 = arith.constant 1 : i32
          %dma_start3A_337 = arith.constant 0 : i32
          %dma_start3A_338 = arith.constant 0 : i32
          %dma_start3A_339 = tpu.memref_slice %arg7[%dma_start3A_335, %dma_start3A_337, %dma_start3A_338] : memref<2x128x128xf32, #tpu.memory_space<vmem>> -> memref<1x128x128xf32, #tpu.memory_space<vmem>>
          %dma_start3A_340 = tpu.memref_squeeze %dma_start3A_339 : memref<1x128x128xf32, #tpu.memory_space<vmem>> -> memref<128x128xf32, #tpu.memory_space<vmem>>
          %dma_start3A_341 = arith.constant 0 : i32
          %dma_start3A_342 = tpu.memref_slice %arg6[%dma_start3A_334, %dma_start3A_341] : memref<2x128xi32, #tpu.memory_space<vmem>> -> memref<1x128xi32, #tpu.memory_space<vmem>>
          %dma_start3A_343 = tpu.memref_squeeze %dma_start3A_342 : memref<1x128xi32, #tpu.memory_space<vmem>> -> memref<128xi32, #tpu.memory_space<vmem>>
          %dma_start3A_344 = arith.constant 0 : i32
          %dma_start3A_345 = arith.constant 0 : i32
          %dma_start3A_346 = tpu.memref_slice %arg3[%dma_start3A_344, %dma_start3A_345] : memref<500000x128xf32, #tpu.memory_space<hbm>> -> memref<500000x128xf32, #tpu.memory_space<hbm>>
          %dma_start3A_347 = tpu.memref_slice %arg9[%dma_start3A_336] : memref<2x!tpu.dma_semaphore, #tpu.memory_space<semaphore_mem>> -> memref<1x!tpu.dma_semaphore, #tpu.memory_space<semaphore_mem>>
          %dma_start3A_348 = tpu.memref_squeeze %dma_start3A_347 : memref<1x!tpu.dma_semaphore, #tpu.memory_space<semaphore_mem>> -> memref<!tpu.dma_semaphore, #tpu.memory_space<semaphore_mem>>
          tpu.enqueue_indirect_dma source(%dma_start3A_346 : memref<500000x128xf32, #tpu.memory_space<hbm>>) target(%dma_start3A_340 : memref<128x128xf32, #tpu.memory_space<vmem>>) offsets(%dma_start3A_343 : memref<128xi32, #tpu.memory_space<vmem>>) semaphore(%dma_start3A_348 : memref<!tpu.dma_semaphore, #tpu.memory_space<semaphore_mem>>)
        } else {
        }
        %dma_wait3A_188 = arith.constant 0 : i32
        %dma_wait3A_189 = arith.constant 0 : i32
        %dma_wait3A_190 = arith.constant 0 : i32
        %dma_wait3A_191 = arith.constant 0 : i32
        %dma_wait3A_192 = arith.constant 0 : i32
        %dma_wait3A_193 = tpu.memref_slice %arg7[%dma_wait3A_189, %dma_wait3A_191, %dma_wait3A_192] : memref<2x128x128xf32, #tpu.memory_space<vmem>> -> memref<1x128x128xf32, #tpu.memory_space<vmem>>
        %dma_wait3A_194 = tpu.memref_squeeze %dma_wait3A_193 : memref<1x128x128xf32, #tpu.memory_space<vmem>> -> memref<128x128xf32, #tpu.memory_space<vmem>>
        %dma_wait3A_195 = arith.constant 0 : i32
        %dma_wait3A_196 = tpu.memref_slice %arg6[%dma_wait3A_188, %dma_wait3A_195] : memref<2x128xi32, #tpu.memory_space<vmem>> -> memref<1x128xi32, #tpu.memory_space<vmem>>
        %dma_wait3A_197 = tpu.memref_squeeze %dma_wait3A_196 : memref<1x128xi32, #tpu.memory_space<vmem>> -> memref<128xi32, #tpu.memory_space<vmem>>
        %dma_wait3A_198 = arith.constant 0 : i32
        %dma_wait3A_199 = arith.constant 0 : i32
        %dma_wait3A_200 = tpu.memref_slice %arg3[%dma_wait3A_198, %dma_wait3A_199] : memref<500000x128xf32, #tpu.memory_space<hbm>> -> memref<500000x128xf32, #tpu.memory_space<hbm>>
        %dma_wait3A_201 = tpu.memref_slice %arg9[%dma_wait3A_190] : memref<2x!tpu.dma_semaphore, #tpu.memory_space<semaphore_mem>> -> memref<1x!tpu.dma_semaphore, #tpu.memory_space<semaphore_mem>>
        %dma_wait3A_202 = tpu.memref_squeeze %dma_wait3A_201 : memref<1x!tpu.dma_semaphore, #tpu.memory_space<semaphore_mem>> -> memref<!tpu.dma_semaphore, #tpu.memory_space<semaphore_mem>>
        tpu.wait_indirect_dma semaphore(%dma_wait3A_202 : memref<!tpu.dma_semaphore, #tpu.memory_space<semaphore_mem>>) src(%dma_wait3A_200 : memref<500000x128xf32, #tpu.memory_space<hbm>>) dst(%dma_wait3A_194 : memref<128x128xf32, #tpu.memory_space<vmem>>)
        %ge3A = arith.constant 2 : i32
        %ge3A_203 = arith.cmpi sge, %scan3A_171, %ge3A : i32
        %convert_element_type3A_204 = arith.extui %ge3A_203 : i1 to i32
        %cond3A_205 = arith.constant 0 : i32
        %cond3A_206 = arith.cmpi ne, %convert_element_type3A_204, %cond3A_205 : i32
        scf.if %cond3A_206 {
          %sub3A = arith.constant 2 : i32
          %sub3A_228 = arith.subi %scan3A_171, %sub3A : i32
          %mul3A_229 = arith.constant 128 : i32
          %mul3A_230 = arith.muli %sub3A_228, %mul3A_229 : i32
          %add3A_231 = arith.addi %mul3A_6, %mul3A_230 : i32
          %multiple_of3A_232 = tpu.assume_multiple %add3A_231, 8 : i32
          %dma_wait3A_233 = arith.constant 0 : i32
          %dma_wait3A_234 = arith.constant 0 : i32
          %dma_wait3A_235 = arith.constant 0 : i32
          %dma_wait3A_236 = arith.constant 0 : i32
          %dma_wait3A_237 = tpu.memref_slice %arg8[%dma_wait3A_233, %dma_wait3A_235, %dma_wait3A_236] : memref<2x128x64xf32, #tpu.memory_space<vmem>> -> memref<1x128x64xf32, #tpu.memory_space<vmem>>
          %dma_wait3A_238 = tpu.memref_squeeze %dma_wait3A_237 : memref<1x128x64xf32, #tpu.memory_space<vmem>> -> memref<128x64xf32, #tpu.memory_space<vmem>>
          %dma_wait3A_239 = arith.constant 0 : i32
          %dma_wait3A_240 = tpu.memref_slice %arg4[%multiple_of3A_232, %dma_wait3A_239] : memref<819200x64xf32, #tpu.memory_space<hbm>> -> memref<128x64xf32, #tpu.memory_space<hbm>>
          %dma_wait3A_241 = tpu.memref_slice %arg10[%dma_wait3A_234] : memref<2x!tpu.dma_semaphore, #tpu.memory_space<semaphore_mem>> -> memref<1x!tpu.dma_semaphore, #tpu.memory_space<semaphore_mem>>
          %dma_wait3A_242 = tpu.memref_squeeze %dma_wait3A_241 : memref<1x!tpu.dma_semaphore, #tpu.memory_space<semaphore_mem>> -> memref<!tpu.dma_semaphore, #tpu.memory_space<semaphore_mem>>
          %dma_wait3A_243 = arith.constant 0 : i32
          %dma_wait3A_244 = tpu.memref_slice %arg4[%multiple_of3A_232, %dma_wait3A_243] : memref<819200x64xf32, #tpu.memory_space<hbm>> -> memref<128x64xf32, #tpu.memory_space<hbm>>
          %dma_wait3A_245 = arith.constant 0 : i32
          %dma_wait3A_246 = arith.constant 0 : i32
          %dma_wait3A_247 = tpu.memref_slice %arg8[%dma_wait3A_233, %dma_wait3A_245, %dma_wait3A_246] : memref<2x128x64xf32, #tpu.memory_space<vmem>> -> memref<1x128x64xf32, #tpu.memory_space<vmem>>
          %dma_wait3A_248 = tpu.memref_squeeze %dma_wait3A_247 : memref<1x128x64xf32, #tpu.memory_space<vmem>> -> memref<128x64xf32, #tpu.memory_space<vmem>>
          tpu.wait_dma2 semaphore(%dma_wait3A_242 : memref<!tpu.dma_semaphore, #tpu.memory_space<semaphore_mem>>) src(%dma_wait3A_248 : memref<128x64xf32, #tpu.memory_space<vmem>>) dst(%dma_wait3A_244 : memref<128x64xf32, #tpu.memory_space<hbm>>)
        } else {
        }
        %parallel_loop3A = arith.constant 0 : i32
        %parallel_loop3A_207 = arith.constant 8 : i32
        %parallel_loop3A_208 = arith.constant 1 : i32
        scf.for %parallel_loop3A_228 = %parallel_loop3A to %parallel_loop3A_207 step %parallel_loop3A_208  : i32 {
          %parallel_loop3A_229 = arith.constant 16 : i32
          %parallel_loop3A_230 = arith.muli %parallel_loop3A_228, %parallel_loop3A_229 : i32
          %parallel_loop3A_231 = arith.index_cast %scan3A_171 : i32 to index
          %parallel_loop3A_232 = arith.index_cast %parallel_loop3A_230 : i32 to index
          %parallel_loop3A_233 = tpu.vector_load %arg5[%parallel_loop3A_231, %parallel_loop3A_232] {strides = array<i32>} : memref<200x128xi32, #tpu.memory_space<vmem>>, vector<1x16xi32>,
          %parallel_loop3A_234 = vector.shape_cast %parallel_loop3A_233 : vector<1x16xi32> to vector<16xi32>
          %parallel_loop3A_235 = arith.constant 1 : i32
          %parallel_loop3A_236 = vector.broadcast %parallel_loop3A_235 : i32 to vector<16xi32>
          %parallel_loop3A_237 = arith.andi %parallel_loop3A_234, %parallel_loop3A_236 : vector<16xi32>
          %parallel_loop3A_238 = vector.extract_strided_slice %parallel_loop3A_237 {offsets = [0], sizes = [1], strides = [1]} : vector<16xi32> to vector<1xi32>
          %parallel_loop3A_239 = vector.extract %parallel_loop3A_238[0] : i32 from vector<1xi32>
          %parallel_loop3A_240 = arith.constant 64 : i32
          %parallel_loop3A_241 = arith.muli %parallel_loop3A_239, %parallel_loop3A_240 : i32
          %parallel_loop3A_242 = arith.constant 16 : i32
          %parallel_loop3A_243 = arith.muli %parallel_loop3A_228, %parallel_loop3A_242 : i32
          %parallel_loop3A_244 = arith.constant 0 : i32
          %parallel_loop3A_245 = arith.addi %parallel_loop3A_243, %parallel_loop3A_244 : i32
          %parallel_loop3A_246 = arith.constant 0 : i32
          %parallel_loop3A_247 = arith.addi %parallel_loop3A_241, %parallel_loop3A_246 : i32
          %parallel_loop3A_248 = arith.constant 0 : i32
          %parallel_loop3A_249 = arith.index_cast %parallel_loop3A_248 : i32 to index
          %parallel_loop3A_250 = arith.index_cast %parallel_loop3A_245 : i32 to index
          %parallel_loop3A_251 = arith.index_cast %parallel_loop3A_247 : i32 to index
          %parallel_loop3A_252 = tpu.vector_load %arg7[%parallel_loop3A_249, %parallel_loop3A_250, %parallel_loop3A_251] {strides = array<i32>} : memref<2x128x128xf32, #tpu.memory_space<vmem>>, vector<1x1x16xf32>,
          %parallel_loop3A_253 = vector.shape_cast %parallel_loop3A_252 : vector<1x1x16xf32> to vector<16xf32>
          %parallel_loop3A_254 = arith.constant 8.000000e+00 : f32
          %parallel_loop3A_255 = vector.broadcast %parallel_loop3A_254 : f32 to vector<16xf32>
          %parallel_loop3A_256 = arith.mulf %parallel_loop3A_253, %parallel_loop3A_255 : vector<16xf32>
          %parallel_loop3A_257 = arith.constant 0 : i32
          %parallel_loop3A_258 = arith.index_cast %parallel_loop3A_257 : i32 to index
          %parallel_loop3A_259 = arith.index_cast %parallel_loop3A_245 : i32 to index
          %parallel_loop3A_260 = arith.constant 0 : index
          %parallel_loop3A_261 = tpu.vector_load %arg8[%parallel_loop3A_258, %parallel_loop3A_259, %parallel_loop3A_260] {strides = array<i32>} : memref<2x128x64xf32, #tpu.memory_space<vmem>>, vector<1x1x16xf32>,
          %parallel_loop3A_262 = vector.shape_cast %parallel_loop3A_261 : vector<1x1x16xf32> to vector<16xf32>
          %parallel_loop3A_263 = vector.shape_cast %parallel_loop3A_256 : vector<16xf32> to vector<1x1x16xf32>
          tpu.vector_store %arg8[%parallel_loop3A_258, %parallel_loop3A_259, %parallel_loop3A_260], %parallel_loop3A_263 {strides = array<i32>} : memref<2x128x64xf32, #tpu.memory_space<vmem>>, vector<1x1x16xf32>,
          %parallel_loop3A_264 = arith.constant 16 : i32
          %parallel_loop3A_265 = arith.addi %parallel_loop3A_241, %parallel_loop3A_264 : i32
          %parallel_loop3A_266 = arith.constant 0 : i32
          %parallel_loop3A_267 = arith.index_cast %parallel_loop3A_266 : i32 to index
          %parallel_loop3A_268 = arith.index_cast %parallel_loop3A_245 : i32 to index
          %parallel_loop3A_269 = arith.index_cast %parallel_loop3A_265 : i32 to index
          %parallel_loop3A_270 = tpu.vector_load %arg7[%parallel_loop3A_267, %parallel_loop3A_268, %parallel_loop3A_269] {strides = array<i32>} : memref<2x128x128xf32, #tpu.memory_space<vmem>>, vector<1x1x16xf32>,
          %parallel_loop3A_271 = vector.shape_cast %parallel_loop3A_270 : vector<1x1x16xf32> to vector<16xf32>
          %parallel_loop3A_272 = arith.constant 8.000000e+00 : f32
          %parallel_loop3A_273 = vector.broadcast %parallel_loop3A_272 : f32 to vector<16xf32>
          %parallel_loop3A_274 = arith.mulf %parallel_loop3A_271, %parallel_loop3A_273 : vector<16xf32>
          %parallel_loop3A_275 = arith.constant 0 : i32
          %parallel_loop3A_276 = arith.index_cast %parallel_loop3A_275 : i32 to index
          %parallel_loop3A_277 = arith.index_cast %parallel_loop3A_245 : i32 to index
          %parallel_loop3A_278 = arith.constant 16 : index
          %parallel_loop3A_279 = tpu.vector_load %arg8[%parallel_loop3A_276, %parallel_loop3A_277, %parallel_loop3A_278] {strides = array<i32>} : memref<2x128x64xf32, #tpu.memory_space<vmem>>, vector<1x1x16xf32>,
          %parallel_loop3A_280 = vector.shape_cast %parallel_loop3A_279 : vector<1x1x16xf32> to vector<16xf32>
          %parallel_loop3A_281 = vector.shape_cast %parallel_loop3A_274 : vector<16xf32> to vector<1x1x16xf32>
          tpu.vector_store %arg8[%parallel_loop3A_276, %parallel_loop3A_277, %parallel_loop3A_278], %parallel_loop3A_281 {strides = array<i32>} : memref<2x128x64xf32, #tpu.memory_space<vmem>>, vector<1x1x16xf32>,
          %parallel_loop3A_282 = arith.constant 32 : i32
          %parallel_loop3A_283 = arith.addi %parallel_loop3A_241, %parallel_loop3A_282 : i32
          %parallel_loop3A_284 = arith.constant 0 : i32
          %parallel_loop3A_285 = arith.index_cast %parallel_loop3A_284 : i32 to index
          %parallel_loop3A_286 = arith.index_cast %parallel_loop3A_245 : i32 to index
          %parallel_loop3A_287 = arith.index_cast %parallel_loop3A_283 : i32 to index
          %parallel_loop3A_288 = tpu.vector_load %arg7[%parallel_loop3A_285, %parallel_loop3A_286, %parallel_loop3A_287] {strides = array<i32>} : memref<2x128x128xf32, #tpu.memory_space<vmem>>, vector<1x1x16xf32>,
          %parallel_loop3A_289 = vector.shape_cast %parallel_loop3A_288 : vector<1x1x16xf32> to vector<16xf32>
          %parallel_loop3A_290 = arith.constant 8.000000e+00 : f32
          %parallel_loop3A_291 = vector.broadcast %parallel_loop3A_290 : f32 to vector<16xf32>
          %parallel_loop3A_292 = arith.mulf %parallel_loop3A_289, %parallel_loop3A_291 : vector<16xf32>
          %parallel_loop3A_293 = arith.constant 0 : i32
          %parallel_loop3A_294 = arith.index_cast %parallel_loop3A_293 : i32 to index
          %parallel_loop3A_295 = arith.index_cast %parallel_loop3A_245 : i32 to index
          %parallel_loop3A_296 = arith.constant 32 : index
          %parallel_loop3A_297 = tpu.vector_load %arg8[%parallel_loop3A_294, %parallel_loop3A_295, %parallel_loop3A_296] {strides = array<i32>} : memref<2x128x64xf32, #tpu.memory_space<vmem>>, vector<1x1x16xf32>,
          %parallel_loop3A_298 = vector.shape_cast %parallel_loop3A_297 : vector<1x1x16xf32> to vector<16xf32>
          %parallel_loop3A_299 = vector.shape_cast %parallel_loop3A_292 : vector<16xf32> to vector<1x1x16xf32>
          tpu.vector_store %arg8[%parallel_loop3A_294, %parallel_loop3A_295, %parallel_loop3A_296], %parallel_loop3A_299 {strides = array<i32>} : memref<2x128x64xf32, #tpu.memory_space<vmem>>, vector<1x1x16xf32>,
          %parallel_loop3A_300 = arith.constant 48 : i32
          %parallel_loop3A_301 = arith.addi %parallel_loop3A_241, %parallel_loop3A_300 : i32
          %parallel_loop3A_302 = arith.constant 0 : i32
          %parallel_loop3A_303 = arith.index_cast %parallel_loop3A_302 : i32 to index
          %parallel_loop3A_304 = arith.index_cast %parallel_loop3A_245 : i32 to index
          %parallel_loop3A_305 = arith.index_cast %parallel_loop3A_301 : i32 to index
          %parallel_loop3A_306 = tpu.vector_load %arg7[%parallel_loop3A_303, %parallel_loop3A_304, %parallel_loop3A_305] {strides = array<i32>} : memref<2x128x128xf32, #tpu.memory_space<vmem>>, vector<1x1x16xf32>,
          %parallel_loop3A_307 = vector.shape_cast %parallel_loop3A_306 : vector<1x1x16xf32> to vector<16xf32>
          %parallel_loop3A_308 = arith.constant 8.000000e+00 : f32
          %parallel_loop3A_309 = vector.broadcast %parallel_loop3A_308 : f32 to vector<16xf32>
          %parallel_loop3A_310 = arith.mulf %parallel_loop3A_307, %parallel_loop3A_309 : vector<16xf32>
          %parallel_loop3A_311 = arith.constant 0 : i32
          %parallel_loop3A_312 = arith.index_cast %parallel_loop3A_311 : i32 to index
          %parallel_loop3A_313 = arith.index_cast %parallel_loop3A_245 : i32 to index
          %parallel_loop3A_314 = arith.constant 48 : index
          %parallel_loop3A_315 = tpu.vector_load %arg8[%parallel_loop3A_312, %parallel_loop3A_313, %parallel_loop3A_314] {strides = array<i32>} : memref<2x128x64xf32, #tpu.memory_space<vmem>>, vector<1x1x16xf32>,
          %parallel_loop3A_316 = vector.shape_cast %parallel_loop3A_315 : vector<1x1x16xf32> to vector<16xf32>
          %parallel_loop3A_317 = vector.shape_cast %parallel_loop3A_310 : vector<16xf32> to vector<1x1x16xf32>
          tpu.vector_store %arg8[%parallel_loop3A_312, %parallel_loop3A_313, %parallel_loop3A_314], %parallel_loop3A_317 {strides = array<i32>} : memref<2x128x64xf32, #tpu.memory_space<vmem>>, vector<1x1x16xf32>,
          %parallel_loop3A_318 = vector.extract_strided_slice %parallel_loop3A_237 {offsets = [1], sizes = [1], strides = [1]} : vector<16xi32> to vector<1xi32>
          %parallel_loop3A_319 = vector.extract %parallel_loop3A_318[0] : i32 from vector<1xi32>
          %parallel_loop3A_320 = arith.constant 64 : i32
          %parallel_loop3A_321 = arith.muli %parallel_loop3A_319, %parallel_loop3A_320 : i32
          %parallel_loop3A_322 = arith.constant 16 : i32
          %parallel_loop3A_323 = arith.muli %parallel_loop3A_228, %parallel_loop3A_322 : i32
          %parallel_loop3A_324 = arith.constant 1 : i32
          %parallel_loop3A_325 = arith.addi %parallel_loop3A_323, %parallel_loop3A_324 : i32
          %parallel_loop3A_326 = arith.constant 0 : i32
          %parallel_loop3A_327 = arith.addi %parallel_loop3A_321, %parallel_loop3A_326 : i32
          %parallel_loop3A_328 = arith.constant 0 : i32
          %parallel_loop3A_329 = arith.index_cast %parallel_loop3A_328 : i32 to index
          %parallel_loop3A_330 = arith.index_cast %parallel_loop3A_325 : i32 to index
          %parallel_loop3A_331 = arith.index_cast %parallel_loop3A_327 : i32 to index
          %parallel_loop3A_332 = tpu.vector_load %arg7[%parallel_loop3A_329, %parallel_loop3A_330, %parallel_loop3A_331] {strides = array<i32>} : memref<2x128x128xf32, #tpu.memory_space<vmem>>, vector<1x1x16xf32>,
          %parallel_loop3A_333 = vector.shape_cast %parallel_loop3A_332 : vector<1x1x16xf32> to vector<16xf32>
          %parallel_loop3A_334 = arith.constant 8.000000e+00 : f32
          %parallel_loop3A_335 = vector.broadcast %parallel_loop3A_334 : f32 to vector<16xf32>
          %parallel_loop3A_336 = arith.mulf %parallel_loop3A_333, %parallel_loop3A_335 : vector<16xf32>
          %parallel_loop3A_337 = arith.constant 0 : i32
          %parallel_loop3A_338 = arith.index_cast %parallel_loop3A_337 : i32 to index
          %parallel_loop3A_339 = arith.index_cast %parallel_loop3A_325 : i32 to index
          %parallel_loop3A_340 = arith.constant 0 : index
          %parallel_loop3A_341 = tpu.vector_load %arg8[%parallel_loop3A_338, %parallel_loop3A_339, %parallel_loop3A_340] {strides = array<i32>} : memref<2x128x64xf32, #tpu.memory_space<vmem>>, vector<1x1x16xf32>,
          %parallel_loop3A_342 = vector.shape_cast %parallel_loop3A_341 : vector<1x1x16xf32> to vector<16xf32>
          %parallel_loop3A_343 = vector.shape_cast %parallel_loop3A_336 : vector<16xf32> to vector<1x1x16xf32>
          tpu.vector_store %arg8[%parallel_loop3A_338, %parallel_loop3A_339, %parallel_loop3A_340], %parallel_loop3A_343 {strides = array<i32>} : memref<2x128x64xf32, #tpu.memory_space<vmem>>, vector<1x1x16xf32>,
          %parallel_loop3A_344 = arith.constant 16 : i32
          %parallel_loop3A_345 = arith.addi %parallel_loop3A_321, %parallel_loop3A_344 : i32
          %parallel_loop3A_346 = arith.constant 0 : i32
          %parallel_loop3A_347 = arith.index_cast %parallel_loop3A_346 : i32 to index
          %parallel_loop3A_348 = arith.index_cast %parallel_loop3A_325 : i32 to index
          %parallel_loop3A_349 = arith.index_cast %parallel_loop3A_345 : i32 to index
          %parallel_loop3A_350 = tpu.vector_load %arg7[%parallel_loop3A_347, %parallel_loop3A_348, %parallel_loop3A_349] {strides = array<i32>} : memref<2x128x128xf32, #tpu.memory_space<vmem>>, vector<1x1x16xf32>,
          %parallel_loop3A_351 = vector.shape_cast %parallel_loop3A_350 : vector<1x1x16xf32> to vector<16xf32>
          %parallel_loop3A_352 = arith.constant 8.000000e+00 : f32
          %parallel_loop3A_353 = vector.broadcast %parallel_loop3A_352 : f32 to vector<16xf32>
          %parallel_loop3A_354 = arith.mulf %parallel_loop3A_351, %parallel_loop3A_353 : vector<16xf32>
          %parallel_loop3A_355 = arith.constant 0 : i32
          %parallel_loop3A_356 = arith.index_cast %parallel_loop3A_355 : i32 to index
          %parallel_loop3A_357 = arith.index_cast %parallel_loop3A_325 : i32 to index
          %parallel_loop3A_358 = arith.constant 16 : index
          %parallel_loop3A_359 = tpu.vector_load %arg8[%parallel_loop3A_356, %parallel_loop3A_357, %parallel_loop3A_358] {strides = array<i32>} : memref<2x128x64xf32, #tpu.memory_space<vmem>>, vector<1x1x16xf32>,
          %parallel_loop3A_360 = vector.shape_cast %parallel_loop3A_359 : vector<1x1x16xf32> to vector<16xf32>
          %parallel_loop3A_361 = vector.shape_cast %parallel_loop3A_354 : vector<16xf32> to vector<1x1x16xf32>
          tpu.vector_store %arg8[%parallel_loop3A_356, %parallel_loop3A_357, %parallel_loop3A_358], %parallel_loop3A_361 {strides = array<i32>} : memref<2x128x64xf32, #tpu.memory_space<vmem>>, vector<1x1x16xf32>,
          %parallel_loop3A_362 = arith.constant 32 : i32
          %parallel_loop3A_363 = arith.addi %parallel_loop3A_321, %parallel_loop3A_362 : i32
          %parallel_loop3A_364 = arith.constant 0 : i32
          %parallel_loop3A_365 = arith.index_cast %parallel_loop3A_364 : i32 to index
          %parallel_loop3A_366 = arith.index_cast %parallel_loop3A_325 : i32 to index
          %parallel_loop3A_367 = arith.index_cast %parallel_loop3A_363 : i32 to index
          %parallel_loop3A_368 = tpu.vector_load %arg7[%parallel_loop3A_365, %parallel_loop3A_366, %parallel_loop3A_367] {strides = array<i32>} : memref<2x128x128xf32, #tpu.memory_space<vmem>>, vector<1x1x16xf32>,
          %parallel_loop3A_369 = vector.shape_cast %parallel_loop3A_368 : vector<1x1x16xf32> to vector<16xf32>
          %parallel_loop3A_370 = arith.constant 8.000000e+00 : f32
          %parallel_loop3A_371 = vector.broadcast %parallel_loop3A_370 : f32 to vector<16xf32>
          %parallel_loop3A_372 = arith.mulf %parallel_loop3A_369, %parallel_loop3A_371 : vector<16xf32>
          %parallel_loop3A_373 = arith.constant 0 : i32
          %parallel_loop3A_374 = arith.index_cast %parallel_loop3A_373 : i32 to index
          %parallel_loop3A_375 = arith.index_cast %parallel_loop3A_325 : i32 to index
          %parallel_loop3A_376 = arith.constant 32 : index
          %parallel_loop3A_377 = tpu.vector_load %arg8[%parallel_loop3A_374, %parallel_loop3A_375, %parallel_loop3A_376] {strides = array<i32>} : memref<2x128x64xf32, #tpu.memory_space<vmem>>, vector<1x1x16xf32>,
          %parallel_loop3A_378 = vector.shape_cast %parallel_loop3A_377 : vector<1x1x16xf32> to vector<16xf32>
          %parallel_loop3A_379 = vector.shape_cast %parallel_loop3A_372 : vector<16xf32> to vector<1x1x16xf32>
          tpu.vector_store %arg8[%parallel_loop3A_374, %parallel_loop3A_375, %parallel_loop3A_376], %parallel_loop3A_379 {strides = array<i32>} : memref<2x128x64xf32, #tpu.memory_space<vmem>>, vector<1x1x16xf32>,
          %parallel_loop3A_380 = arith.constant 48 : i32
          %parallel_loop3A_381 = arith.addi %parallel_loop3A_321, %parallel_loop3A_380 : i32
          %parallel_loop3A_382 = arith.constant 0 : i32
          %parallel_loop3A_383 = arith.index_cast %parallel_loop3A_382 : i32 to index
          %parallel_loop3A_384 = arith.index_cast %parallel_loop3A_325 : i32 to index
          %parallel_loop3A_385 = arith.index_cast %parallel_loop3A_381 : i32 to index
          %parallel_loop3A_386 = tpu.vector_load %arg7[%parallel_loop3A_383, %parallel_loop3A_384, %parallel_loop3A_385] {strides = array<i32>} : memref<2x128x128xf32, #tpu.memory_space<vmem>>, vector<1x1x16xf32>,
          %parallel_loop3A_387 = vector.shape_cast %parallel_loop3A_386 : vector<1x1x16xf32> to vector<16xf32>
          %parallel_loop3A_388 = arith.constant 8.000000e+00 : f32
          %parallel_loop3A_389 = vector.broadcast %parallel_loop3A_388 : f32 to vector<16xf32>
          %parallel_loop3A_390 = arith.mulf %parallel_loop3A_387, %parallel_loop3A_389 : vector<16xf32>
          %parallel_loop3A_391 = arith.constant 0 : i32
          %parallel_loop3A_392 = arith.index_cast %parallel_loop3A_391 : i32 to index
          %parallel_loop3A_393 = arith.index_cast %parallel_loop3A_325 : i32 to index
          %parallel_loop3A_394 = arith.constant 48 : index
          %parallel_loop3A_395 = tpu.vector_load %arg8[%parallel_loop3A_392, %parallel_loop3A_393, %parallel_loop3A_394] {strides = array<i32>} : memref<2x128x64xf32, #tpu.memory_space<vmem>>, vector<1x1x16xf32>,
          %parallel_loop3A_396 = vector.shape_cast %parallel_loop3A_395 : vector<1x1x16xf32> to vector<16xf32>
          %parallel_loop3A_397 = vector.shape_cast %parallel_loop3A_390 : vector<16xf32> to vector<1x1x16xf32>
          tpu.vector_store %arg8[%parallel_loop3A_392, %parallel_loop3A_393, %parallel_loop3A_394], %parallel_loop3A_397 {strides = array<i32>} : memref<2x128x64xf32, #tpu.memory_space<vmem>>, vector<1x1x16xf32>,
          %parallel_loop3A_398 = vector.extract_strided_slice %parallel_loop3A_237 {offsets = [2], sizes = [1], strides = [1]} : vector<16xi32> to vector<1xi32>
          %parallel_loop3A_399 = vector.extract %parallel_loop3A_398[0] : i32 from vector<1xi32>
          %parallel_loop3A_400 = arith.constant 64 : i32
          %parallel_loop3A_401 = arith.muli %parallel_loop3A_399, %parallel_loop3A_400 : i32
          %parallel_loop3A_402 = arith.constant 16 : i32
          %parallel_loop3A_403 = arith.muli %parallel_loop3A_228, %parallel_loop3A_402 : i32
          %parallel_loop3A_404 = arith.constant 2 : i32
          %parallel_loop3A_405 = arith.addi %parallel_loop3A_403, %parallel_loop3A_404 : i32
          %parallel_loop3A_406 = arith.constant 0 : i32
          %parallel_loop3A_407 = arith.addi %parallel_loop3A_401, %parallel_loop3A_406 : i32
          %parallel_loop3A_408 = arith.constant 0 : i32
          %parallel_loop3A_409 = arith.index_cast %parallel_loop3A_408 : i32 to index
          %parallel_loop3A_410 = arith.index_cast %parallel_loop3A_405 : i32 to index
          %parallel_loop3A_411 = arith.index_cast %parallel_loop3A_407 : i32 to index
          %parallel_loop3A_412 = tpu.vector_load %arg7[%parallel_loop3A_409, %parallel_loop3A_410, %parallel_loop3A_411] {strides = array<i32>} : memref<2x128x128xf32, #tpu.memory_space<vmem>>, vector<1x1x16xf32>,
          %parallel_loop3A_413 = vector.shape_cast %parallel_loop3A_412 : vector<1x1x16xf32> to vector<16xf32>
          %parallel_loop3A_414 = arith.constant 8.000000e+00 : f32
          %parallel_loop3A_415 = vector.broadcast %parallel_loop3A_414 : f32 to vector<16xf32>
          %parallel_loop3A_416 = arith.mulf %parallel_loop3A_413, %parallel_loop3A_415 : vector<16xf32>
          %parallel_loop3A_417 = arith.constant 0 : i32
          %parallel_loop3A_418 = arith.index_cast %parallel_loop3A_417 : i32 to index
          %parallel_loop3A_419 = arith.index_cast %parallel_loop3A_405 : i32 to index
          %parallel_loop3A_420 = arith.constant 0 : index
          %parallel_loop3A_421 = tpu.vector_load %arg8[%parallel_loop3A_418, %parallel_loop3A_419, %parallel_loop3A_420] {strides = array<i32>} : memref<2x128x64xf32, #tpu.memory_space<vmem>>, vector<1x1x16xf32>,
          %parallel_loop3A_422 = vector.shape_cast %parallel_loop3A_421 : vector<1x1x16xf32> to vector<16xf32>
          %parallel_loop3A_423 = vector.shape_cast %parallel_loop3A_416 : vector<16xf32> to vector<1x1x16xf32>
          tpu.vector_store %arg8[%parallel_loop3A_418, %parallel_loop3A_419, %parallel_loop3A_420], %parallel_loop3A_423 {strides = array<i32>} : memref<2x128x64xf32, #tpu.memory_space<vmem>>, vector<1x1x16xf32>,
          %parallel_loop3A_424 = arith.constant 16 : i32
          %parallel_loop3A_425 = arith.addi %parallel_loop3A_401, %parallel_loop3A_424 : i32
          %parallel_loop3A_426 = arith.constant 0 : i32
          %parallel_loop3A_427 = arith.index_cast %parallel_loop3A_426 : i32 to index
          %parallel_loop3A_428 = arith.index_cast %parallel_loop3A_405 : i32 to index
          %parallel_loop3A_429 = arith.index_cast %parallel_loop3A_425 : i32 to index
          %parallel_loop3A_430 = tpu.vector_load %arg7[%parallel_loop3A_427, %parallel_loop3A_428, %parallel_loop3A_429] {strides = array<i32>} : memref<2x128x128xf32, #tpu.memory_space<vmem>>, vector<1x1x16xf32>,
          %parallel_loop3A_431 = vector.shape_cast %parallel_loop3A_430 : vector<1x1x16xf32> to vector<16xf32>
          %parallel_loop3A_432 = arith.constant 8.000000e+00 : f32
          %parallel_loop3A_433 = vector.broadcast %parallel_loop3A_432 : f32 to vector<16xf32>
          %parallel_loop3A_434 = arith.mulf %parallel_loop3A_431, %parallel_loop3A_433 : vector<16xf32>
          %parallel_loop3A_435 = arith.constant 0 : i32
          %parallel_loop3A_436 = arith.index_cast %parallel_loop3A_435 : i32 to index
          %parallel_loop3A_437 = arith.index_cast %parallel_loop3A_405 : i32 to index
          %parallel_loop3A_438 = arith.constant 16 : index
          %parallel_loop3A_439 = tpu.vector_load %arg8[%parallel_loop3A_436, %parallel_loop3A_437, %parallel_loop3A_438] {strides = array<i32>} : memref<2x128x64xf32, #tpu.memory_space<vmem>>, vector<1x1x16xf32>,
          %parallel_loop3A_440 = vector.shape_cast %parallel_loop3A_439 : vector<1x1x16xf32> to vector<16xf32>
          %parallel_loop3A_441 = vector.shape_cast %parallel_loop3A_434 : vector<16xf32> to vector<1x1x16xf32>
          tpu.vector_store %arg8[%parallel_loop3A_436, %parallel_loop3A_437, %parallel_loop3A_438], %parallel_loop3A_441 {strides = array<i32>} : memref<2x128x64xf32, #tpu.memory_space<vmem>>, vector<1x1x16xf32>,
          %parallel_loop3A_442 = arith.constant 32 : i32
          %parallel_loop3A_443 = arith.addi %parallel_loop3A_401, %parallel_loop3A_442 : i32
          %parallel_loop3A_444 = arith.constant 0 : i32
          %parallel_loop3A_445 = arith.index_cast %parallel_loop3A_444 : i32 to index
          %parallel_loop3A_446 = arith.index_cast %parallel_loop3A_405 : i32 to index
          %parallel_loop3A_447 = arith.index_cast %parallel_loop3A_443 : i32 to index
          %parallel_loop3A_448 = tpu.vector_load %arg7[%parallel_loop3A_445, %parallel_loop3A_446, %parallel_loop3A_447] {strides = array<i32>} : memref<2x128x128xf32, #tpu.memory_space<vmem>>, vector<1x1x16xf32>,
          %parallel_loop3A_449 = vector.shape_cast %parallel_loop3A_448 : vector<1x1x16xf32> to vector<16xf32>
          %parallel_loop3A_450 = arith.constant 8.000000e+00 : f32
          %parallel_loop3A_451 = vector.broadcast %parallel_loop3A_450 : f32 to vector<16xf32>
          %parallel_loop3A_452 = arith.mulf %parallel_loop3A_449, %parallel_loop3A_451 : vector<16xf32>
          %parallel_loop3A_453 = arith.constant 0 : i32
          %parallel_loop3A_454 = arith.index_cast %parallel_loop3A_453 : i32 to index
          %parallel_loop3A_455 = arith.index_cast %parallel_loop3A_405 : i32 to index
          %parallel_loop3A_456 = arith.constant 32 : index
          %parallel_loop3A_457 = tpu.vector_load %arg8[%parallel_loop3A_454, %parallel_loop3A_455, %parallel_loop3A_456] {strides = array<i32>} : memref<2x128x64xf32, #tpu.memory_space<vmem>>, vector<1x1x16xf32>,
          %parallel_loop3A_458 = vector.shape_cast %parallel_loop3A_457 : vector<1x1x16xf32> to vector<16xf32>
          %parallel_loop3A_459 = vector.shape_cast %parallel_loop3A_452 : vector<16xf32> to vector<1x1x16xf32>
          tpu.vector_store %arg8[%parallel_loop3A_454, %parallel_loop3A_455, %parallel_loop3A_456], %parallel_loop3A_459 {strides = array<i32>} : memref<2x128x64xf32, #tpu.memory_space<vmem>>, vector<1x1x16xf32>,
          %parallel_loop3A_460 = arith.constant 48 : i32
          %parallel_loop3A_461 = arith.addi %parallel_loop3A_401, %parallel_loop3A_460 : i32
          %parallel_loop3A_462 = arith.constant 0 : i32
          %parallel_loop3A_463 = arith.index_cast %parallel_loop3A_462 : i32 to index
          %parallel_loop3A_464 = arith.index_cast %parallel_loop3A_405 : i32 to index
          %parallel_loop3A_465 = arith.index_cast %parallel_loop3A_461 : i32 to index
          %parallel_loop3A_466 = tpu.vector_load %arg7[%parallel_loop3A_463, %parallel_loop3A_464, %parallel_loop3A_465] {strides = array<i32>} : memref<2x128x128xf32, #tpu.memory_space<vmem>>, vector<1x1x16xf32>,
          %parallel_loop3A_467 = vector.shape_cast %parallel_loop3A_466 : vector<1x1x16xf32> to vector<16xf32>
          %parallel_loop3A_468 = arith.constant 8.000000e+00 : f32
          %parallel_loop3A_469 = vector.broadcast %parallel_loop3A_468 : f32 to vector<16xf32>
          %parallel_loop3A_470 = arith.mulf %parallel_loop3A_467, %parallel_loop3A_469 : vector<16xf32>
          %parallel_loop3A_471 = arith.constant 0 : i32
          %parallel_loop3A_472 = arith.index_cast %parallel_loop3A_471 : i32 to index
          %parallel_loop3A_473 = arith.index_cast %parallel_loop3A_405 : i32 to index
          %parallel_loop3A_474 = arith.constant 48 : index
          %parallel_loop3A_475 = tpu.vector_load %arg8[%parallel_loop3A_472, %parallel_loop3A_473, %parallel_loop3A_474] {strides = array<i32>} : memref<2x128x64xf32, #tpu.memory_space<vmem>>, vector<1x1x16xf32>,
          %parallel_loop3A_476 = vector.shape_cast %parallel_loop3A_475 : vector<1x1x16xf32> to vector<16xf32>
          %parallel_loop3A_477 = vector.shape_cast %parallel_loop3A_470 : vector<16xf32> to vector<1x1x16xf32>
          tpu.vector_store %arg8[%parallel_loop3A_472, %parallel_loop3A_473, %parallel_loop3A_474], %parallel_loop3A_477 {strides = array<i32>} : memref<2x128x64xf32, #tpu.memory_space<vmem>>, vector<1x1x16xf32>,
          %parallel_loop3A_478 = vector.extract_strided_slice %parallel_loop3A_237 {offsets = [3], sizes = [1], strides = [1]} : vector<16xi32> to vector<1xi32>
          %parallel_loop3A_479 = vector.extract %parallel_loop3A_478[0] : i32 from vector<1xi32>
          %parallel_loop3A_480 = arith.constant 64 : i32
          %parallel_loop3A_481 = arith.muli %parallel_loop3A_479, %parallel_loop3A_480 : i32
          %parallel_loop3A_482 = arith.constant 16 : i32
          %parallel_loop3A_483 = arith.muli %parallel_loop3A_228, %parallel_loop3A_482 : i32
          %parallel_loop3A_484 = arith.constant 3 : i32
          %parallel_loop3A_485 = arith.addi %parallel_loop3A_483, %parallel_loop3A_484 : i32
          %parallel_loop3A_486 = arith.constant 0 : i32
          %parallel_loop3A_487 = arith.addi %parallel_loop3A_481, %parallel_loop3A_486 : i32
          %parallel_loop3A_488 = arith.constant 0 : i32
          %parallel_loop3A_489 = arith.index_cast %parallel_loop3A_488 : i32 to index
          %parallel_loop3A_490 = arith.index_cast %parallel_loop3A_485 : i32 to index
          %parallel_loop3A_491 = arith.index_cast %parallel_loop3A_487 : i32 to index
          %parallel_loop3A_492 = tpu.vector_load %arg7[%parallel_loop3A_489, %parallel_loop3A_490, %parallel_loop3A_491] {strides = array<i32>} : memref<2x128x128xf32, #tpu.memory_space<vmem>>, vector<1x1x16xf32>,
          %parallel_loop3A_493 = vector.shape_cast %parallel_loop3A_492 : vector<1x1x16xf32> to vector<16xf32>
          %parallel_loop3A_494 = arith.constant 8.000000e+00 : f32
          %parallel_loop3A_495 = vector.broadcast %parallel_loop3A_494 : f32 to vector<16xf32>
          %parallel_loop3A_496 = arith.mulf %parallel_loop3A_493, %parallel_loop3A_495 : vector<16xf32>
          %parallel_loop3A_497 = arith.constant 0 : i32
          %parallel_loop3A_498 = arith.index_cast %parallel_loop3A_497 : i32 to index
          %parallel_loop3A_499 = arith.index_cast %parallel_loop3A_485 : i32 to index
          %parallel_loop3A_500 = arith.constant 0 : index
          %parallel_loop3A_501 = tpu.vector_load %arg8[%parallel_loop3A_498, %parallel_loop3A_499, %parallel_loop3A_500] {strides = array<i32>} : memref<2x128x64xf32, #tpu.memory_space<vmem>>, vector<1x1x16xf32>,
          %parallel_loop3A_502 = vector.shape_cast %parallel_loop3A_501 : vector<1x1x16xf32> to vector<16xf32>
          %parallel_loop3A_503 = vector.shape_cast %parallel_loop3A_496 : vector<16xf32> to vector<1x1x16xf32>
          tpu.vector_store %arg8[%parallel_loop3A_498, %parallel_loop3A_499, %parallel_loop3A_500], %parallel_loop3A_503 {strides = array<i32>} : memref<2x128x64xf32, #tpu.memory_space<vmem>>, vector<1x1x16xf32>,
          %parallel_loop3A_504 = arith.constant 16 : i32
          %parallel_loop3A_505 = arith.addi %parallel_loop3A_481, %parallel_loop3A_504 : i32
          %parallel_loop3A_506 = arith.constant 0 : i32
          %parallel_loop3A_507 = arith.index_cast %parallel_loop3A_506 : i32 to index
          %parallel_loop3A_508 = arith.index_cast %parallel_loop3A_485 : i32 to index
          %parallel_loop3A_509 = arith.index_cast %parallel_loop3A_505 : i32 to index
          %parallel_loop3A_510 = tpu.vector_load %arg7[%parallel_loop3A_507, %parallel_loop3A_508, %parallel_loop3A_509] {strides = array<i32>} : memref<2x128x128xf32, #tpu.memory_space<vmem>>, vector<1x1x16xf32>,
          %parallel_loop3A_511 = vector.shape_cast %parallel_loop3A_510 : vector<1x1x16xf32> to vector<16xf32>
          %parallel_loop3A_512 = arith.constant 8.000000e+00 : f32
          %parallel_loop3A_513 = vector.broadcast %parallel_loop3A_512 : f32 to vector<16xf32>
          %parallel_loop3A_514 = arith.mulf %parallel_loop3A_511, %parallel_loop3A_513 : vector<16xf32>
          %parallel_loop3A_515 = arith.constant 0 : i32
          %parallel_loop3A_516 = arith.index_cast %parallel_loop3A_515 : i32 to index
          %parallel_loop3A_517 = arith.index_cast %parallel_loop3A_485 : i32 to index
          %parallel_loop3A_518 = arith.constant 16 : index
          %parallel_loop3A_519 = tpu.vector_load %arg8[%parallel_loop3A_516, %parallel_loop3A_517, %parallel_loop3A_518] {strides = array<i32>} : memref<2x128x64xf32, #tpu.memory_space<vmem>>, vector<1x1x16xf32>,
          %parallel_loop3A_520 = vector.shape_cast %parallel_loop3A_519 : vector<1x1x16xf32> to vector<16xf32>
          %parallel_loop3A_521 = vector.shape_cast %parallel_loop3A_514 : vector<16xf32> to vector<1x1x16xf32>
          tpu.vector_store %arg8[%parallel_loop3A_516, %parallel_loop3A_517, %parallel_loop3A_518], %parallel_loop3A_521 {strides = array<i32>} : memref<2x128x64xf32, #tpu.memory_space<vmem>>, vector<1x1x16xf32>,
          %parallel_loop3A_522 = arith.constant 32 : i32
          %parallel_loop3A_523 = arith.addi %parallel_loop3A_481, %parallel_loop3A_522 : i32
          %parallel_loop3A_524 = arith.constant 0 : i32
          %parallel_loop3A_525 = arith.index_cast %parallel_loop3A_524 : i32 to index
          %parallel_loop3A_526 = arith.index_cast %parallel_loop3A_485 : i32 to index
          %parallel_loop3A_527 = arith.index_cast %parallel_loop3A_523 : i32 to index
          %parallel_loop3A_528 = tpu.vector_load %arg7[%parallel_loop3A_525, %parallel_loop3A_526, %parallel_loop3A_527] {strides = array<i32>} : memref<2x128x128xf32, #tpu.memory_space<vmem>>, vector<1x1x16xf32>,
          %parallel_loop3A_529 = vector.shape_cast %parallel_loop3A_528 : vector<1x1x16xf32> to vector<16xf32>
          %parallel_loop3A_530 = arith.constant 8.000000e+00 : f32
          %parallel_loop3A_531 = vector.broadcast %parallel_loop3A_530 : f32 to vector<16xf32>
          %parallel_loop3A_532 = arith.mulf %parallel_loop3A_529, %parallel_loop3A_531 : vector<16xf32>
          %parallel_loop3A_533 = arith.constant 0 : i32
          %parallel_loop3A_534 = arith.index_cast %parallel_loop3A_533 : i32 to index
          %parallel_loop3A_535 = arith.index_cast %parallel_loop3A_485 : i32 to index
          %parallel_loop3A_536 = arith.constant 32 : index
          %parallel_loop3A_537 = tpu.vector_load %arg8[%parallel_loop3A_534, %parallel_loop3A_535, %parallel_loop3A_536] {strides = array<i32>} : memref<2x128x64xf32, #tpu.memory_space<vmem>>, vector<1x1x16xf32>,
          %parallel_loop3A_538 = vector.shape_cast %parallel_loop3A_537 : vector<1x1x16xf32> to vector<16xf32>
          %parallel_loop3A_539 = vector.shape_cast %parallel_loop3A_532 : vector<16xf32> to vector<1x1x16xf32>
          tpu.vector_store %arg8[%parallel_loop3A_534, %parallel_loop3A_535, %parallel_loop3A_536], %parallel_loop3A_539 {strides = array<i32>} : memref<2x128x64xf32, #tpu.memory_space<vmem>>, vector<1x1x16xf32>,
          %parallel_loop3A_540 = arith.constant 48 : i32
          %parallel_loop3A_541 = arith.addi %parallel_loop3A_481, %parallel_loop3A_540 : i32
          %parallel_loop3A_542 = arith.constant 0 : i32
          %parallel_loop3A_543 = arith.index_cast %parallel_loop3A_542 : i32 to index
          %parallel_loop3A_544 = arith.index_cast %parallel_loop3A_485 : i32 to index
          %parallel_loop3A_545 = arith.index_cast %parallel_loop3A_541 : i32 to index
          %parallel_loop3A_546 = tpu.vector_load %arg7[%parallel_loop3A_543, %parallel_loop3A_544, %parallel_loop3A_545] {strides = array<i32>} : memref<2x128x128xf32, #tpu.memory_space<vmem>>, vector<1x1x16xf32>,
          %parallel_loop3A_547 = vector.shape_cast %parallel_loop3A_546 : vector<1x1x16xf32> to vector<16xf32>
          %parallel_loop3A_548 = arith.constant 8.000000e+00 : f32
          %parallel_loop3A_549 = vector.broadcast %parallel_loop3A_548 : f32 to vector<16xf32>
          %parallel_loop3A_550 = arith.mulf %parallel_loop3A_547, %parallel_loop3A_549 : vector<16xf32>
          %parallel_loop3A_551 = arith.constant 0 : i32
          %parallel_loop3A_552 = arith.index_cast %parallel_loop3A_551 : i32 to index
          %parallel_loop3A_553 = arith.index_cast %parallel_loop3A_485 : i32 to index
          %parallel_loop3A_554 = arith.constant 48 : index
          %parallel_loop3A_555 = tpu.vector_load %arg8[%parallel_loop3A_552, %parallel_loop3A_553, %parallel_loop3A_554] {strides = array<i32>} : memref<2x128x64xf32, #tpu.memory_space<vmem>>, vector<1x1x16xf32>,
          %parallel_loop3A_556 = vector.shape_cast %parallel_loop3A_555 : vector<1x1x16xf32> to vector<16xf32>
          %parallel_loop3A_557 = vector.shape_cast %parallel_loop3A_550 : vector<16xf32> to vector<1x1x16xf32>
          tpu.vector_store %arg8[%parallel_loop3A_552, %parallel_loop3A_553, %parallel_loop3A_554], %parallel_loop3A_557 {strides = array<i32>} : memref<2x128x64xf32, #tpu.memory_space<vmem>>, vector<1x1x16xf32>,
          %parallel_loop3A_558 = vector.extract_strided_slice %parallel_loop3A_237 {offsets = [4], sizes = [1], strides = [1]} : vector<16xi32> to vector<1xi32>
          %parallel_loop3A_559 = vector.extract %parallel_loop3A_558[0] : i32 from vector<1xi32>
          %parallel_loop3A_560 = arith.constant 64 : i32
          %parallel_loop3A_561 = arith.muli %parallel_loop3A_559, %parallel_loop3A_560 : i32
          %parallel_loop3A_562 = arith.constant 16 : i32
          %parallel_loop3A_563 = arith.muli %parallel_loop3A_228, %parallel_loop3A_562 : i32
          %parallel_loop3A_564 = arith.constant 4 : i32
          %parallel_loop3A_565 = arith.addi %parallel_loop3A_563, %parallel_loop3A_564 : i32
          %parallel_loop3A_566 = arith.constant 0 : i32
          %parallel_loop3A_567 = arith.addi %parallel_loop3A_561, %parallel_loop3A_566 : i32
          %parallel_loop3A_568 = arith.constant 0 : i32
          %parallel_loop3A_569 = arith.index_cast %parallel_loop3A_568 : i32 to index
          %parallel_loop3A_570 = arith.index_cast %parallel_loop3A_565 : i32 to index
          %parallel_loop3A_571 = arith.index_cast %parallel_loop3A_567 : i32 to index
          %parallel_loop3A_572 = tpu.vector_load %arg7[%parallel_loop3A_569, %parallel_loop3A_570, %parallel_loop3A_571] {strides = array<i32>} : memref<2x128x128xf32, #tpu.memory_space<vmem>>, vector<1x1x16xf32>,
          %parallel_loop3A_573 = vector.shape_cast %parallel_loop3A_572 : vector<1x1x16xf32> to vector<16xf32>
          %parallel_loop3A_574 = arith.constant 8.000000e+00 : f32
          %parallel_loop3A_575 = vector.broadcast %parallel_loop3A_574 : f32 to vector<16xf32>
          %parallel_loop3A_576 = arith.mulf %parallel_loop3A_573, %parallel_loop3A_575 : vector<16xf32>
          %parallel_loop3A_577 = arith.constant 0 : i32
          %parallel_loop3A_578 = arith.index_cast %parallel_loop3A_577 : i32 to index
          %parallel_loop3A_579 = arith.index_cast %parallel_loop3A_565 : i32 to index
          %parallel_loop3A_580 = arith.constant 0 : index
          %parallel_loop3A_581 = tpu.vector_load %arg8[%parallel_loop3A_578, %parallel_loop3A_579, %parallel_loop3A_580] {strides = array<i32>} : memref<2x128x64xf32, #tpu.memory_space<vmem>>, vector<1x1x16xf32>,
          %parallel_loop3A_582 = vector.shape_cast %parallel_loop3A_581 : vector<1x1x16xf32> to vector<16xf32>
          %parallel_loop3A_583 = vector.shape_cast %parallel_loop3A_576 : vector<16xf32> to vector<1x1x16xf32>
          tpu.vector_store %arg8[%parallel_loop3A_578, %parallel_loop3A_579, %parallel_loop3A_580], %parallel_loop3A_583 {strides = array<i32>} : memref<2x128x64xf32, #tpu.memory_space<vmem>>, vector<1x1x16xf32>,
          %parallel_loop3A_584 = arith.constant 16 : i32
          %parallel_loop3A_585 = arith.addi %parallel_loop3A_561, %parallel_loop3A_584 : i32
          %parallel_loop3A_586 = arith.constant 0 : i32
          %parallel_loop3A_587 = arith.index_cast %parallel_loop3A_586 : i32 to index
          %parallel_loop3A_588 = arith.index_cast %parallel_loop3A_565 : i32 to index
          %parallel_loop3A_589 = arith.index_cast %parallel_loop3A_585 : i32 to index
          %parallel_loop3A_590 = tpu.vector_load %arg7[%parallel_loop3A_587, %parallel_loop3A_588, %parallel_loop3A_589] {strides = array<i32>} : memref<2x128x128xf32, #tpu.memory_space<vmem>>, vector<1x1x16xf32>,
          %parallel_loop3A_591 = vector.shape_cast %parallel_loop3A_590 : vector<1x1x16xf32> to vector<16xf32>
          %parallel_loop3A_592 = arith.constant 8.000000e+00 : f32
          %parallel_loop3A_593 = vector.broadcast %parallel_loop3A_592 : f32 to vector<16xf32>
          %parallel_loop3A_594 = arith.mulf %parallel_loop3A_591, %parallel_loop3A_593 : vector<16xf32>
          %parallel_loop3A_595 = arith.constant 0 : i32
          %parallel_loop3A_596 = arith.index_cast %parallel_loop3A_595 : i32 to index
          %parallel_loop3A_597 = arith.index_cast %parallel_loop3A_565 : i32 to index
          %parallel_loop3A_598 = arith.constant 16 : index
          %parallel_loop3A_599 = tpu.vector_load %arg8[%parallel_loop3A_596, %parallel_loop3A_597, %parallel_loop3A_598] {strides = array<i32>} : memref<2x128x64xf32, #tpu.memory_space<vmem>>, vector<1x1x16xf32>,
          %parallel_loop3A_600 = vector.shape_cast %parallel_loop3A_599 : vector<1x1x16xf32> to vector<16xf32>
          %parallel_loop3A_601 = vector.shape_cast %parallel_loop3A_594 : vector<16xf32> to vector<1x1x16xf32>
          tpu.vector_store %arg8[%parallel_loop3A_596, %parallel_loop3A_597, %parallel_loop3A_598], %parallel_loop3A_601 {strides = array<i32>} : memref<2x128x64xf32, #tpu.memory_space<vmem>>, vector<1x1x16xf32>,
          %parallel_loop3A_602 = arith.constant 32 : i32
          %parallel_loop3A_603 = arith.addi %parallel_loop3A_561, %parallel_loop3A_602 : i32
          %parallel_loop3A_604 = arith.constant 0 : i32
          %parallel_loop3A_605 = arith.index_cast %parallel_loop3A_604 : i32 to index
          %parallel_loop3A_606 = arith.index_cast %parallel_loop3A_565 : i32 to index
          %parallel_loop3A_607 = arith.index_cast %parallel_loop3A_603 : i32 to index
          %parallel_loop3A_608 = tpu.vector_load %arg7[%parallel_loop3A_605, %parallel_loop3A_606, %parallel_loop3A_607] {strides = array<i32>} : memref<2x128x128xf32, #tpu.memory_space<vmem>>, vector<1x1x16xf32>,
          %parallel_loop3A_609 = vector.shape_cast %parallel_loop3A_608 : vector<1x1x16xf32> to vector<16xf32>
          %parallel_loop3A_610 = arith.constant 8.000000e+00 : f32
          %parallel_loop3A_611 = vector.broadcast %parallel_loop3A_610 : f32 to vector<16xf32>
          %parallel_loop3A_612 = arith.mulf %parallel_loop3A_609, %parallel_loop3A_611 : vector<16xf32>
          %parallel_loop3A_613 = arith.constant 0 : i32
          %parallel_loop3A_614 = arith.index_cast %parallel_loop3A_613 : i32 to index
          %parallel_loop3A_615 = arith.index_cast %parallel_loop3A_565 : i32 to index
          %parallel_loop3A_616 = arith.constant 32 : index
          %parallel_loop3A_617 = tpu.vector_load %arg8[%parallel_loop3A_614, %parallel_loop3A_615, %parallel_loop3A_616] {strides = array<i32>} : memref<2x128x64xf32, #tpu.memory_space<vmem>>, vector<1x1x16xf32>,
          %parallel_loop3A_618 = vector.shape_cast %parallel_loop3A_617 : vector<1x1x16xf32> to vector<16xf32>
          %parallel_loop3A_619 = vector.shape_cast %parallel_loop3A_612 : vector<16xf32> to vector<1x1x16xf32>
          tpu.vector_store %arg8[%parallel_loop3A_614, %parallel_loop3A_615, %parallel_loop3A_616], %parallel_loop3A_619 {strides = array<i32>} : memref<2x128x64xf32, #tpu.memory_space<vmem>>, vector<1x1x16xf32>,
          %parallel_loop3A_620 = arith.constant 48 : i32
          %parallel_loop3A_621 = arith.addi %parallel_loop3A_561, %parallel_loop3A_620 : i32
          %parallel_loop3A_622 = arith.constant 0 : i32
          %parallel_loop3A_623 = arith.index_cast %parallel_loop3A_622 : i32 to index
          %parallel_loop3A_624 = arith.index_cast %parallel_loop3A_565 : i32 to index
          %parallel_loop3A_625 = arith.index_cast %parallel_loop3A_621 : i32 to index
          %parallel_loop3A_626 = tpu.vector_load %arg7[%parallel_loop3A_623, %parallel_loop3A_624, %parallel_loop3A_625] {strides = array<i32>} : memref<2x128x128xf32, #tpu.memory_space<vmem>>, vector<1x1x16xf32>,
          %parallel_loop3A_627 = vector.shape_cast %parallel_loop3A_626 : vector<1x1x16xf32> to vector<16xf32>
          %parallel_loop3A_628 = arith.constant 8.000000e+00 : f32
          %parallel_loop3A_629 = vector.broadcast %parallel_loop3A_628 : f32 to vector<16xf32>
          %parallel_loop3A_630 = arith.mulf %parallel_loop3A_627, %parallel_loop3A_629 : vector<16xf32>
          %parallel_loop3A_631 = arith.constant 0 : i32
          %parallel_loop3A_632 = arith.index_cast %parallel_loop3A_631 : i32 to index
          %parallel_loop3A_633 = arith.index_cast %parallel_loop3A_565 : i32 to index
          %parallel_loop3A_634 = arith.constant 48 : index
          %parallel_loop3A_635 = tpu.vector_load %arg8[%parallel_loop3A_632, %parallel_loop3A_633, %parallel_loop3A_634] {strides = array<i32>} : memref<2x128x64xf32, #tpu.memory_space<vmem>>, vector<1x1x16xf32>,
          %parallel_loop3A_636 = vector.shape_cast %parallel_loop3A_635 : vector<1x1x16xf32> to vector<16xf32>
          %parallel_loop3A_637 = vector.shape_cast %parallel_loop3A_630 : vector<16xf32> to vector<1x1x16xf32>
          tpu.vector_store %arg8[%parallel_loop3A_632, %parallel_loop3A_633, %parallel_loop3A_634], %parallel_loop3A_637 {strides = array<i32>} : memref<2x128x64xf32, #tpu.memory_space<vmem>>, vector<1x1x16xf32>,
          %parallel_loop3A_638 = vector.extract_strided_slice %parallel_loop3A_237 {offsets = [5], sizes = [1], strides = [1]} : vector<16xi32> to vector<1xi32>
          %parallel_loop3A_639 = vector.extract %parallel_loop3A_638[0] : i32 from vector<1xi32>
          %parallel_loop3A_640 = arith.constant 64 : i32
          %parallel_loop3A_641 = arith.muli %parallel_loop3A_639, %parallel_loop3A_640 : i32
          %parallel_loop3A_642 = arith.constant 16 : i32
          %parallel_loop3A_643 = arith.muli %parallel_loop3A_228, %parallel_loop3A_642 : i32
          %parallel_loop3A_644 = arith.constant 5 : i32
          %parallel_loop3A_645 = arith.addi %parallel_loop3A_643, %parallel_loop3A_644 : i32
          %parallel_loop3A_646 = arith.constant 0 : i32
          %parallel_loop3A_647 = arith.addi %parallel_loop3A_641, %parallel_loop3A_646 : i32
          %parallel_loop3A_648 = arith.constant 0 : i32
          %parallel_loop3A_649 = arith.index_cast %parallel_loop3A_648 : i32 to index
          %parallel_loop3A_650 = arith.index_cast %parallel_loop3A_645 : i32 to index
          %parallel_loop3A_651 = arith.index_cast %parallel_loop3A_647 : i32 to index
          %parallel_loop3A_652 = tpu.vector_load %arg7[%parallel_loop3A_649, %parallel_loop3A_650, %parallel_loop3A_651] {strides = array<i32>} : memref<2x128x128xf32, #tpu.memory_space<vmem>>, vector<1x1x16xf32>,
          %parallel_loop3A_653 = vector.shape_cast %parallel_loop3A_652 : vector<1x1x16xf32> to vector<16xf32>
          %parallel_loop3A_654 = arith.constant 8.000000e+00 : f32
          %parallel_loop3A_655 = vector.broadcast %parallel_loop3A_654 : f32 to vector<16xf32>
          %parallel_loop3A_656 = arith.mulf %parallel_loop3A_653, %parallel_loop3A_655 : vector<16xf32>
          %parallel_loop3A_657 = arith.constant 0 : i32
          %parallel_loop3A_658 = arith.index_cast %parallel_loop3A_657 : i32 to index
          %parallel_loop3A_659 = arith.index_cast %parallel_loop3A_645 : i32 to index
          %parallel_loop3A_660 = arith.constant 0 : index
          %parallel_loop3A_661 = tpu.vector_load %arg8[%parallel_loop3A_658, %parallel_loop3A_659, %parallel_loop3A_660] {strides = array<i32>} : memref<2x128x64xf32, #tpu.memory_space<vmem>>, vector<1x1x16xf32>,
          %parallel_loop3A_662 = vector.shape_cast %parallel_loop3A_661 : vector<1x1x16xf32> to vector<16xf32>
          %parallel_loop3A_663 = vector.shape_cast %parallel_loop3A_656 : vector<16xf32> to vector<1x1x16xf32>
          tpu.vector_store %arg8[%parallel_loop3A_658, %parallel_loop3A_659, %parallel_loop3A_660], %parallel_loop3A_663 {strides = array<i32>} : memref<2x128x64xf32, #tpu.memory_space<vmem>>, vector<1x1x16xf32>,
          %parallel_loop3A_664 = arith.constant 16 : i32
          %parallel_loop3A_665 = arith.addi %parallel_loop3A_641, %parallel_loop3A_664 : i32
          %parallel_loop3A_666 = arith.constant 0 : i32
          %parallel_loop3A_667 = arith.index_cast %parallel_loop3A_666 : i32 to index
          %parallel_loop3A_668 = arith.index_cast %parallel_loop3A_645 : i32 to index
          %parallel_loop3A_669 = arith.index_cast %parallel_loop3A_665 : i32 to index
          %parallel_loop3A_670 = tpu.vector_load %arg7[%parallel_loop3A_667, %parallel_loop3A_668, %parallel_loop3A_669] {strides = array<i32>} : memref<2x128x128xf32, #tpu.memory_space<vmem>>, vector<1x1x16xf32>,
          %parallel_loop3A_671 = vector.shape_cast %parallel_loop3A_670 : vector<1x1x16xf32> to vector<16xf32>
          %parallel_loop3A_672 = arith.constant 8.000000e+00 : f32
          %parallel_loop3A_673 = vector.broadcast %parallel_loop3A_672 : f32 to vector<16xf32>
          %parallel_loop3A_674 = arith.mulf %parallel_loop3A_671, %parallel_loop3A_673 : vector<16xf32>
          %parallel_loop3A_675 = arith.constant 0 : i32
          %parallel_loop3A_676 = arith.index_cast %parallel_loop3A_675 : i32 to index
          %parallel_loop3A_677 = arith.index_cast %parallel_loop3A_645 : i32 to index
          %parallel_loop3A_678 = arith.constant 16 : index
          %parallel_loop3A_679 = tpu.vector_load %arg8[%parallel_loop3A_676, %parallel_loop3A_677, %parallel_loop3A_678] {strides = array<i32>} : memref<2x128x64xf32, #tpu.memory_space<vmem>>, vector<1x1x16xf32>,
          %parallel_loop3A_680 = vector.shape_cast %parallel_loop3A_679 : vector<1x1x16xf32> to vector<16xf32>
          %parallel_loop3A_681 = vector.shape_cast %parallel_loop3A_674 : vector<16xf32> to vector<1x1x16xf32>
          tpu.vector_store %arg8[%parallel_loop3A_676, %parallel_loop3A_677, %parallel_loop3A_678], %parallel_loop3A_681 {strides = array<i32>} : memref<2x128x64xf32, #tpu.memory_space<vmem>>, vector<1x1x16xf32>,
          %parallel_loop3A_682 = arith.constant 32 : i32
          %parallel_loop3A_683 = arith.addi %parallel_loop3A_641, %parallel_loop3A_682 : i32
          %parallel_loop3A_684 = arith.constant 0 : i32
          %parallel_loop3A_685 = arith.index_cast %parallel_loop3A_684 : i32 to index
          %parallel_loop3A_686 = arith.index_cast %parallel_loop3A_645 : i32 to index
          %parallel_loop3A_687 = arith.index_cast %parallel_loop3A_683 : i32 to index
          %parallel_loop3A_688 = tpu.vector_load %arg7[%parallel_loop3A_685, %parallel_loop3A_686, %parallel_loop3A_687] {strides = array<i32>} : memref<2x128x128xf32, #tpu.memory_space<vmem>>, vector<1x1x16xf32>,
          %parallel_loop3A_689 = vector.shape_cast %parallel_loop3A_688 : vector<1x1x16xf32> to vector<16xf32>
          %parallel_loop3A_690 = arith.constant 8.000000e+00 : f32
          %parallel_loop3A_691 = vector.broadcast %parallel_loop3A_690 : f32 to vector<16xf32>
          %parallel_loop3A_692 = arith.mulf %parallel_loop3A_689, %parallel_loop3A_691 : vector<16xf32>
          %parallel_loop3A_693 = arith.constant 0 : i32
          %parallel_loop3A_694 = arith.index_cast %parallel_loop3A_693 : i32 to index
          %parallel_loop3A_695 = arith.index_cast %parallel_loop3A_645 : i32 to index
          %parallel_loop3A_696 = arith.constant 32 : index
          %parallel_loop3A_697 = tpu.vector_load %arg8[%parallel_loop3A_694, %parallel_loop3A_695, %parallel_loop3A_696] {strides = array<i32>} : memref<2x128x64xf32, #tpu.memory_space<vmem>>, vector<1x1x16xf32>,
          %parallel_loop3A_698 = vector.shape_cast %parallel_loop3A_697 : vector<1x1x16xf32> to vector<16xf32>
          %parallel_loop3A_699 = vector.shape_cast %parallel_loop3A_692 : vector<16xf32> to vector<1x1x16xf32>
          tpu.vector_store %arg8[%parallel_loop3A_694, %parallel_loop3A_695, %parallel_loop3A_696], %parallel_loop3A_699 {strides = array<i32>} : memref<2x128x64xf32, #tpu.memory_space<vmem>>, vector<1x1x16xf32>,
          %parallel_loop3A_700 = arith.constant 48 : i32
          %parallel_loop3A_701 = arith.addi %parallel_loop3A_641, %parallel_loop3A_700 : i32
          %parallel_loop3A_702 = arith.constant 0 : i32
          %parallel_loop3A_703 = arith.index_cast %parallel_loop3A_702 : i32 to index
          %parallel_loop3A_704 = arith.index_cast %parallel_loop3A_645 : i32 to index
          %parallel_loop3A_705 = arith.index_cast %parallel_loop3A_701 : i32 to index
          %parallel_loop3A_706 = tpu.vector_load %arg7[%parallel_loop3A_703, %parallel_loop3A_704, %parallel_loop3A_705] {strides = array<i32>} : memref<2x128x128xf32, #tpu.memory_space<vmem>>, vector<1x1x16xf32>,
          %parallel_loop3A_707 = vector.shape_cast %parallel_loop3A_706 : vector<1x1x16xf32> to vector<16xf32>
          %parallel_loop3A_708 = arith.constant 8.000000e+00 : f32
          %parallel_loop3A_709 = vector.broadcast %parallel_loop3A_708 : f32 to vector<16xf32>
          %parallel_loop3A_710 = arith.mulf %parallel_loop3A_707, %parallel_loop3A_709 : vector<16xf32>
          %parallel_loop3A_711 = arith.constant 0 : i32
          %parallel_loop3A_712 = arith.index_cast %parallel_loop3A_711 : i32 to index
          %parallel_loop3A_713 = arith.index_cast %parallel_loop3A_645 : i32 to index
          %parallel_loop3A_714 = arith.constant 48 : index
          %parallel_loop3A_715 = tpu.vector_load %arg8[%parallel_loop3A_712, %parallel_loop3A_713, %parallel_loop3A_714] {strides = array<i32>} : memref<2x128x64xf32, #tpu.memory_space<vmem>>, vector<1x1x16xf32>,
          %parallel_loop3A_716 = vector.shape_cast %parallel_loop3A_715 : vector<1x1x16xf32> to vector<16xf32>
          %parallel_loop3A_717 = vector.shape_cast %parallel_loop3A_710 : vector<16xf32> to vector<1x1x16xf32>
          tpu.vector_store %arg8[%parallel_loop3A_712, %parallel_loop3A_713, %parallel_loop3A_714], %parallel_loop3A_717 {strides = array<i32>} : memref<2x128x64xf32, #tpu.memory_space<vmem>>, vector<1x1x16xf32>,
          %parallel_loop3A_718 = vector.extract_strided_slice %parallel_loop3A_237 {offsets = [6], sizes = [1], strides = [1]} : vector<16xi32> to vector<1xi32>
          %parallel_loop3A_719 = vector.extract %parallel_loop3A_718[0] : i32 from vector<1xi32>
          %parallel_loop3A_720 = arith.constant 64 : i32
          %parallel_loop3A_721 = arith.muli %parallel_loop3A_719, %parallel_loop3A_720 : i32
          %parallel_loop3A_722 = arith.constant 16 : i32
          %parallel_loop3A_723 = arith.muli %parallel_loop3A_228, %parallel_loop3A_722 : i32
          %parallel_loop3A_724 = arith.constant 6 : i32
          %parallel_loop3A_725 = arith.addi %parallel_loop3A_723, %parallel_loop3A_724 : i32
          %parallel_loop3A_726 = arith.constant 0 : i32
          %parallel_loop3A_727 = arith.addi %parallel_loop3A_721, %parallel_loop3A_726 : i32
          %parallel_loop3A_728 = arith.constant 0 : i32
          %parallel_loop3A_729 = arith.index_cast %parallel_loop3A_728 : i32 to index
          %parallel_loop3A_730 = arith.index_cast %parallel_loop3A_725 : i32 to index
          %parallel_loop3A_731 = arith.index_cast %parallel_loop3A_727 : i32 to index
          %parallel_loop3A_732 = tpu.vector_load %arg7[%parallel_loop3A_729, %parallel_loop3A_730, %parallel_loop3A_731] {strides = array<i32>} : memref<2x128x128xf32, #tpu.memory_space<vmem>>, vector<1x1x16xf32>,
          %parallel_loop3A_733 = vector.shape_cast %parallel_loop3A_732 : vector<1x1x16xf32> to vector<16xf32>
          %parallel_loop3A_734 = arith.constant 8.000000e+00 : f32
          %parallel_loop3A_735 = vector.broadcast %parallel_loop3A_734 : f32 to vector<16xf32>
          %parallel_loop3A_736 = arith.mulf %parallel_loop3A_733, %parallel_loop3A_735 : vector<16xf32>
          %parallel_loop3A_737 = arith.constant 0 : i32
          %parallel_loop3A_738 = arith.index_cast %parallel_loop3A_737 : i32 to index
          %parallel_loop3A_739 = arith.index_cast %parallel_loop3A_725 : i32 to index
          %parallel_loop3A_740 = arith.constant 0 : index
          %parallel_loop3A_741 = tpu.vector_load %arg8[%parallel_loop3A_738, %parallel_loop3A_739, %parallel_loop3A_740] {strides = array<i32>} : memref<2x128x64xf32, #tpu.memory_space<vmem>>, vector<1x1x16xf32>,
          %parallel_loop3A_742 = vector.shape_cast %parallel_loop3A_741 : vector<1x1x16xf32> to vector<16xf32>
          %parallel_loop3A_743 = vector.shape_cast %parallel_loop3A_736 : vector<16xf32> to vector<1x1x16xf32>
          tpu.vector_store %arg8[%parallel_loop3A_738, %parallel_loop3A_739, %parallel_loop3A_740], %parallel_loop3A_743 {strides = array<i32>} : memref<2x128x64xf32, #tpu.memory_space<vmem>>, vector<1x1x16xf32>,
          %parallel_loop3A_744 = arith.constant 16 : i32
          %parallel_loop3A_745 = arith.addi %parallel_loop3A_721, %parallel_loop3A_744 : i32
          %parallel_loop3A_746 = arith.constant 0 : i32
          %parallel_loop3A_747 = arith.index_cast %parallel_loop3A_746 : i32 to index
          %parallel_loop3A_748 = arith.index_cast %parallel_loop3A_725 : i32 to index
          %parallel_loop3A_749 = arith.index_cast %parallel_loop3A_745 : i32 to index
          %parallel_loop3A_750 = tpu.vector_load %arg7[%parallel_loop3A_747, %parallel_loop3A_748, %parallel_loop3A_749] {strides = array<i32>} : memref<2x128x128xf32, #tpu.memory_space<vmem>>, vector<1x1x16xf32>,
          %parallel_loop3A_751 = vector.shape_cast %parallel_loop3A_750 : vector<1x1x16xf32> to vector<16xf32>
          %parallel_loop3A_752 = arith.constant 8.000000e+00 : f32
          %parallel_loop3A_753 = vector.broadcast %parallel_loop3A_752 : f32 to vector<16xf32>
          %parallel_loop3A_754 = arith.mulf %parallel_loop3A_751, %parallel_loop3A_753 : vector<16xf32>
          %parallel_loop3A_755 = arith.constant 0 : i32
          %parallel_loop3A_756 = arith.index_cast %parallel_loop3A_755 : i32 to index
          %parallel_loop3A_757 = arith.index_cast %parallel_loop3A_725 : i32 to index
          %parallel_loop3A_758 = arith.constant 16 : index
          %parallel_loop3A_759 = tpu.vector_load %arg8[%parallel_loop3A_756, %parallel_loop3A_757, %parallel_loop3A_758] {strides = array<i32>} : memref<2x128x64xf32, #tpu.memory_space<vmem>>, vector<1x1x16xf32>,
          %parallel_loop3A_760 = vector.shape_cast %parallel_loop3A_759 : vector<1x1x16xf32> to vector<16xf32>
          %parallel_loop3A_761 = vector.shape_cast %parallel_loop3A_754 : vector<16xf32> to vector<1x1x16xf32>
          tpu.vector_store %arg8[%parallel_loop3A_756, %parallel_loop3A_757, %parallel_loop3A_758], %parallel_loop3A_761 {strides = array<i32>} : memref<2x128x64xf32, #tpu.memory_space<vmem>>, vector<1x1x16xf32>,
          %parallel_loop3A_762 = arith.constant 32 : i32
          %parallel_loop3A_763 = arith.addi %parallel_loop3A_721, %parallel_loop3A_762 : i32
          %parallel_loop3A_764 = arith.constant 0 : i32
          %parallel_loop3A_765 = arith.index_cast %parallel_loop3A_764 : i32 to index
          %parallel_loop3A_766 = arith.index_cast %parallel_loop3A_725 : i32 to index
          %parallel_loop3A_767 = arith.index_cast %parallel_loop3A_763 : i32 to index
          %parallel_loop3A_768 = tpu.vector_load %arg7[%parallel_loop3A_765, %parallel_loop3A_766, %parallel_loop3A_767] {strides = array<i32>} : memref<2x128x128xf32, #tpu.memory_space<vmem>>, vector<1x1x16xf32>,
          %parallel_loop3A_769 = vector.shape_cast %parallel_loop3A_768 : vector<1x1x16xf32> to vector<16xf32>
          %parallel_loop3A_770 = arith.constant 8.000000e+00 : f32
          %parallel_loop3A_771 = vector.broadcast %parallel_loop3A_770 : f32 to vector<16xf32>
          %parallel_loop3A_772 = arith.mulf %parallel_loop3A_769, %parallel_loop3A_771 : vector<16xf32>
          %parallel_loop3A_773 = arith.constant 0 : i32
          %parallel_loop3A_774 = arith.index_cast %parallel_loop3A_773 : i32 to index
          %parallel_loop3A_775 = arith.index_cast %parallel_loop3A_725 : i32 to index
          %parallel_loop3A_776 = arith.constant 32 : index
          %parallel_loop3A_777 = tpu.vector_load %arg8[%parallel_loop3A_774, %parallel_loop3A_775, %parallel_loop3A_776] {strides = array<i32>} : memref<2x128x64xf32, #tpu.memory_space<vmem>>, vector<1x1x16xf32>,
          %parallel_loop3A_778 = vector.shape_cast %parallel_loop3A_777 : vector<1x1x16xf32> to vector<16xf32>
          %parallel_loop3A_779 = vector.shape_cast %parallel_loop3A_772 : vector<16xf32> to vector<1x1x16xf32>
          tpu.vector_store %arg8[%parallel_loop3A_774, %parallel_loop3A_775, %parallel_loop3A_776], %parallel_loop3A_779 {strides = array<i32>} : memref<2x128x64xf32, #tpu.memory_space<vmem>>, vector<1x1x16xf32>,
          %parallel_loop3A_780 = arith.constant 48 : i32
          %parallel_loop3A_781 = arith.addi %parallel_loop3A_721, %parallel_loop3A_780 : i32
          %parallel_loop3A_782 = arith.constant 0 : i32
          %parallel_loop3A_783 = arith.index_cast %parallel_loop3A_782 : i32 to index
          %parallel_loop3A_784 = arith.index_cast %parallel_loop3A_725 : i32 to index
          %parallel_loop3A_785 = arith.index_cast %parallel_loop3A_781 : i32 to index
          %parallel_loop3A_786 = tpu.vector_load %arg7[%parallel_loop3A_783, %parallel_loop3A_784, %parallel_loop3A_785] {strides = array<i32>} : memref<2x128x128xf32, #tpu.memory_space<vmem>>, vector<1x1x16xf32>,
          %parallel_loop3A_787 = vector.shape_cast %parallel_loop3A_786 : vector<1x1x16xf32> to vector<16xf32>
          %parallel_loop3A_788 = arith.constant 8.000000e+00 : f32
          %parallel_loop3A_789 = vector.broadcast %parallel_loop3A_788 : f32 to vector<16xf32>
          %parallel_loop3A_790 = arith.mulf %parallel_loop3A_787, %parallel_loop3A_789 : vector<16xf32>
          %parallel_loop3A_791 = arith.constant 0 : i32
          %parallel_loop3A_792 = arith.index_cast %parallel_loop3A_791 : i32 to index
          %parallel_loop3A_793 = arith.index_cast %parallel_loop3A_725 : i32 to index
          %parallel_loop3A_794 = arith.constant 48 : index
          %parallel_loop3A_795 = tpu.vector_load %arg8[%parallel_loop3A_792, %parallel_loop3A_793, %parallel_loop3A_794] {strides = array<i32>} : memref<2x128x64xf32, #tpu.memory_space<vmem>>, vector<1x1x16xf32>,
          %parallel_loop3A_796 = vector.shape_cast %parallel_loop3A_795 : vector<1x1x16xf32> to vector<16xf32>
          %parallel_loop3A_797 = vector.shape_cast %parallel_loop3A_790 : vector<16xf32> to vector<1x1x16xf32>
          tpu.vector_store %arg8[%parallel_loop3A_792, %parallel_loop3A_793, %parallel_loop3A_794], %parallel_loop3A_797 {strides = array<i32>} : memref<2x128x64xf32, #tpu.memory_space<vmem>>, vector<1x1x16xf32>,
          %parallel_loop3A_798 = vector.extract_strided_slice %parallel_loop3A_237 {offsets = [7], sizes = [1], strides = [1]} : vector<16xi32> to vector<1xi32>
          %parallel_loop3A_799 = vector.extract %parallel_loop3A_798[0] : i32 from vector<1xi32>
          %parallel_loop3A_800 = arith.constant 64 : i32
          %parallel_loop3A_801 = arith.muli %parallel_loop3A_799, %parallel_loop3A_800 : i32
          %parallel_loop3A_802 = arith.constant 16 : i32
          %parallel_loop3A_803 = arith.muli %parallel_loop3A_228, %parallel_loop3A_802 : i32
          %parallel_loop3A_804 = arith.constant 7 : i32
          %parallel_loop3A_805 = arith.addi %parallel_loop3A_803, %parallel_loop3A_804 : i32
          %parallel_loop3A_806 = arith.constant 0 : i32
          %parallel_loop3A_807 = arith.addi %parallel_loop3A_801, %parallel_loop3A_806 : i32
          %parallel_loop3A_808 = arith.constant 0 : i32
          %parallel_loop3A_809 = arith.index_cast %parallel_loop3A_808 : i32 to index
          %parallel_loop3A_810 = arith.index_cast %parallel_loop3A_805 : i32 to index
          %parallel_loop3A_811 = arith.index_cast %parallel_loop3A_807 : i32 to index
          %parallel_loop3A_812 = tpu.vector_load %arg7[%parallel_loop3A_809, %parallel_loop3A_810, %parallel_loop3A_811] {strides = array<i32>} : memref<2x128x128xf32, #tpu.memory_space<vmem>>, vector<1x1x16xf32>,
          %parallel_loop3A_813 = vector.shape_cast %parallel_loop3A_812 : vector<1x1x16xf32> to vector<16xf32>
          %parallel_loop3A_814 = arith.constant 8.000000e+00 : f32
          %parallel_loop3A_815 = vector.broadcast %parallel_loop3A_814 : f32 to vector<16xf32>
          %parallel_loop3A_816 = arith.mulf %parallel_loop3A_813, %parallel_loop3A_815 : vector<16xf32>
          %parallel_loop3A_817 = arith.constant 0 : i32
          %parallel_loop3A_818 = arith.index_cast %parallel_loop3A_817 : i32 to index
          %parallel_loop3A_819 = arith.index_cast %parallel_loop3A_805 : i32 to index
          %parallel_loop3A_820 = arith.constant 0 : index
          %parallel_loop3A_821 = tpu.vector_load %arg8[%parallel_loop3A_818, %parallel_loop3A_819, %parallel_loop3A_820] {strides = array<i32>} : memref<2x128x64xf32, #tpu.memory_space<vmem>>, vector<1x1x16xf32>,
          %parallel_loop3A_822 = vector.shape_cast %parallel_loop3A_821 : vector<1x1x16xf32> to vector<16xf32>
          %parallel_loop3A_823 = vector.shape_cast %parallel_loop3A_816 : vector<16xf32> to vector<1x1x16xf32>
          tpu.vector_store %arg8[%parallel_loop3A_818, %parallel_loop3A_819, %parallel_loop3A_820], %parallel_loop3A_823 {strides = array<i32>} : memref<2x128x64xf32, #tpu.memory_space<vmem>>, vector<1x1x16xf32>,
          %parallel_loop3A_824 = arith.constant 16 : i32
          %parallel_loop3A_825 = arith.addi %parallel_loop3A_801, %parallel_loop3A_824 : i32
          %parallel_loop3A_826 = arith.constant 0 : i32
          %parallel_loop3A_827 = arith.index_cast %parallel_loop3A_826 : i32 to index
          %parallel_loop3A_828 = arith.index_cast %parallel_loop3A_805 : i32 to index
          %parallel_loop3A_829 = arith.index_cast %parallel_loop3A_825 : i32 to index
          %parallel_loop3A_830 = tpu.vector_load %arg7[%parallel_loop3A_827, %parallel_loop3A_828, %parallel_loop3A_829] {strides = array<i32>} : memref<2x128x128xf32, #tpu.memory_space<vmem>>, vector<1x1x16xf32>,
          %parallel_loop3A_831 = vector.shape_cast %parallel_loop3A_830 : vector<1x1x16xf32> to vector<16xf32>
          %parallel_loop3A_832 = arith.constant 8.000000e+00 : f32
          %parallel_loop3A_833 = vector.broadcast %parallel_loop3A_832 : f32 to vector<16xf32>
          %parallel_loop3A_834 = arith.mulf %parallel_loop3A_831, %parallel_loop3A_833 : vector<16xf32>
          %parallel_loop3A_835 = arith.constant 0 : i32
          %parallel_loop3A_836 = arith.index_cast %parallel_loop3A_835 : i32 to index
          %parallel_loop3A_837 = arith.index_cast %parallel_loop3A_805 : i32 to index
          %parallel_loop3A_838 = arith.constant 16 : index
          %parallel_loop3A_839 = tpu.vector_load %arg8[%parallel_loop3A_836, %parallel_loop3A_837, %parallel_loop3A_838] {strides = array<i32>} : memref<2x128x64xf32, #tpu.memory_space<vmem>>, vector<1x1x16xf32>,
          %parallel_loop3A_840 = vector.shape_cast %parallel_loop3A_839 : vector<1x1x16xf32> to vector<16xf32>
          %parallel_loop3A_841 = vector.shape_cast %parallel_loop3A_834 : vector<16xf32> to vector<1x1x16xf32>
          tpu.vector_store %arg8[%parallel_loop3A_836, %parallel_loop3A_837, %parallel_loop3A_838], %parallel_loop3A_841 {strides = array<i32>} : memref<2x128x64xf32, #tpu.memory_space<vmem>>, vector<1x1x16xf32>,
          %parallel_loop3A_842 = arith.constant 32 : i32
          %parallel_loop3A_843 = arith.addi %parallel_loop3A_801, %parallel_loop3A_842 : i32
          %parallel_loop3A_844 = arith.constant 0 : i32
          %parallel_loop3A_845 = arith.index_cast %parallel_loop3A_844 : i32 to index
          %parallel_loop3A_846 = arith.index_cast %parallel_loop3A_805 : i32 to index
          %parallel_loop3A_847 = arith.index_cast %parallel_loop3A_843 : i32 to index
          %parallel_loop3A_848 = tpu.vector_load %arg7[%parallel_loop3A_845, %parallel_loop3A_846, %parallel_loop3A_847] {strides = array<i32>} : memref<2x128x128xf32, #tpu.memory_space<vmem>>, vector<1x1x16xf32>,
          %parallel_loop3A_849 = vector.shape_cast %parallel_loop3A_848 : vector<1x1x16xf32> to vector<16xf32>
          %parallel_loop3A_850 = arith.constant 8.000000e+00 : f32
          %parallel_loop3A_851 = vector.broadcast %parallel_loop3A_850 : f32 to vector<16xf32>
          %parallel_loop3A_852 = arith.mulf %parallel_loop3A_849, %parallel_loop3A_851 : vector<16xf32>
          %parallel_loop3A_853 = arith.constant 0 : i32
          %parallel_loop3A_854 = arith.index_cast %parallel_loop3A_853 : i32 to index
          %parallel_loop3A_855 = arith.index_cast %parallel_loop3A_805 : i32 to index
          %parallel_loop3A_856 = arith.constant 32 : index
          %parallel_loop3A_857 = tpu.vector_load %arg8[%parallel_loop3A_854, %parallel_loop3A_855, %parallel_loop3A_856] {strides = array<i32>} : memref<2x128x64xf32, #tpu.memory_space<vmem>>, vector<1x1x16xf32>,
          %parallel_loop3A_858 = vector.shape_cast %parallel_loop3A_857 : vector<1x1x16xf32> to vector<16xf32>
          %parallel_loop3A_859 = vector.shape_cast %parallel_loop3A_852 : vector<16xf32> to vector<1x1x16xf32>
          tpu.vector_store %arg8[%parallel_loop3A_854, %parallel_loop3A_855, %parallel_loop3A_856], %parallel_loop3A_859 {strides = array<i32>} : memref<2x128x64xf32, #tpu.memory_space<vmem>>, vector<1x1x16xf32>,
          %parallel_loop3A_860 = arith.constant 48 : i32
          %parallel_loop3A_861 = arith.addi %parallel_loop3A_801, %parallel_loop3A_860 : i32
          %parallel_loop3A_862 = arith.constant 0 : i32
          %parallel_loop3A_863 = arith.index_cast %parallel_loop3A_862 : i32 to index
          %parallel_loop3A_864 = arith.index_cast %parallel_loop3A_805 : i32 to index
          %parallel_loop3A_865 = arith.index_cast %parallel_loop3A_861 : i32 to index
          %parallel_loop3A_866 = tpu.vector_load %arg7[%parallel_loop3A_863, %parallel_loop3A_864, %parallel_loop3A_865] {strides = array<i32>} : memref<2x128x128xf32, #tpu.memory_space<vmem>>, vector<1x1x16xf32>,
          %parallel_loop3A_867 = vector.shape_cast %parallel_loop3A_866 : vector<1x1x16xf32> to vector<16xf32>
          %parallel_loop3A_868 = arith.constant 8.000000e+00 : f32
          %parallel_loop3A_869 = vector.broadcast %parallel_loop3A_868 : f32 to vector<16xf32>
          %parallel_loop3A_870 = arith.mulf %parallel_loop3A_867, %parallel_loop3A_869 : vector<16xf32>
          %parallel_loop3A_871 = arith.constant 0 : i32
          %parallel_loop3A_872 = arith.index_cast %parallel_loop3A_871 : i32 to index
          %parallel_loop3A_873 = arith.index_cast %parallel_loop3A_805 : i32 to index
          %parallel_loop3A_874 = arith.constant 48 : index
          %parallel_loop3A_875 = tpu.vector_load %arg8[%parallel_loop3A_872, %parallel_loop3A_873, %parallel_loop3A_874] {strides = array<i32>} : memref<2x128x64xf32, #tpu.memory_space<vmem>>, vector<1x1x16xf32>,
          %parallel_loop3A_876 = vector.shape_cast %parallel_loop3A_875 : vector<1x1x16xf32> to vector<16xf32>
          %parallel_loop3A_877 = vector.shape_cast %parallel_loop3A_870 : vector<16xf32> to vector<1x1x16xf32>
          tpu.vector_store %arg8[%parallel_loop3A_872, %parallel_loop3A_873, %parallel_loop3A_874], %parallel_loop3A_877 {strides = array<i32>} : memref<2x128x64xf32, #tpu.memory_space<vmem>>, vector<1x1x16xf32>,
          %parallel_loop3A_878 = vector.extract_strided_slice %parallel_loop3A_237 {offsets = [8], sizes = [1], strides = [1]} : vector<16xi32> to vector<1xi32>
          %parallel_loop3A_879 = vector.extract %parallel_loop3A_878[0] : i32 from vector<1xi32>
          %parallel_loop3A_880 = arith.constant 64 : i32
          %parallel_loop3A_881 = arith.muli %parallel_loop3A_879, %parallel_loop3A_880 : i32
          %parallel_loop3A_882 = arith.constant 16 : i32
          %parallel_loop3A_883 = arith.muli %parallel_loop3A_228, %parallel_loop3A_882 : i32
          %parallel_loop3A_884 = arith.constant 8 : i32
          %parallel_loop3A_885 = arith.addi %parallel_loop3A_883, %parallel_loop3A_884 : i32
          %parallel_loop3A_886 = arith.constant 0 : i32
          %parallel_loop3A_887 = arith.addi %parallel_loop3A_881, %parallel_loop3A_886 : i32
          %parallel_loop3A_888 = arith.constant 0 : i32
          %parallel_loop3A_889 = arith.index_cast %parallel_loop3A_888 : i32 to index
          %parallel_loop3A_890 = arith.index_cast %parallel_loop3A_885 : i32 to index
          %parallel_loop3A_891 = arith.index_cast %parallel_loop3A_887 : i32 to index
          %parallel_loop3A_892 = tpu.vector_load %arg7[%parallel_loop3A_889, %parallel_loop3A_890, %parallel_loop3A_891] {strides = array<i32>} : memref<2x128x128xf32, #tpu.memory_space<vmem>>, vector<1x1x16xf32>,
          %parallel_loop3A_893 = vector.shape_cast %parallel_loop3A_892 : vector<1x1x16xf32> to vector<16xf32>
          %parallel_loop3A_894 = arith.constant 8.000000e+00 : f32
          %parallel_loop3A_895 = vector.broadcast %parallel_loop3A_894 : f32 to vector<16xf32>
          %parallel_loop3A_896 = arith.mulf %parallel_loop3A_893, %parallel_loop3A_895 : vector<16xf32>
          %parallel_loop3A_897 = arith.constant 0 : i32
          %parallel_loop3A_898 = arith.index_cast %parallel_loop3A_897 : i32 to index
          %parallel_loop3A_899 = arith.index_cast %parallel_loop3A_885 : i32 to index
          %parallel_loop3A_900 = arith.constant 0 : index
          %parallel_loop3A_901 = tpu.vector_load %arg8[%parallel_loop3A_898, %parallel_loop3A_899, %parallel_loop3A_900] {strides = array<i32>} : memref<2x128x64xf32, #tpu.memory_space<vmem>>, vector<1x1x16xf32>,
          %parallel_loop3A_902 = vector.shape_cast %parallel_loop3A_901 : vector<1x1x16xf32> to vector<16xf32>
          %parallel_loop3A_903 = vector.shape_cast %parallel_loop3A_896 : vector<16xf32> to vector<1x1x16xf32>
          tpu.vector_store %arg8[%parallel_loop3A_898, %parallel_loop3A_899, %parallel_loop3A_900], %parallel_loop3A_903 {strides = array<i32>} : memref<2x128x64xf32, #tpu.memory_space<vmem>>, vector<1x1x16xf32>,
          %parallel_loop3A_904 = arith.constant 16 : i32
          %parallel_loop3A_905 = arith.addi %parallel_loop3A_881, %parallel_loop3A_904 : i32
          %parallel_loop3A_906 = arith.constant 0 : i32
          %parallel_loop3A_907 = arith.index_cast %parallel_loop3A_906 : i32 to index
          %parallel_loop3A_908 = arith.index_cast %parallel_loop3A_885 : i32 to index
          %parallel_loop3A_909 = arith.index_cast %parallel_loop3A_905 : i32 to index
          %parallel_loop3A_910 = tpu.vector_load %arg7[%parallel_loop3A_907, %parallel_loop3A_908, %parallel_loop3A_909] {strides = array<i32>} : memref<2x128x128xf32, #tpu.memory_space<vmem>>, vector<1x1x16xf32>,
          %parallel_loop3A_911 = vector.shape_cast %parallel_loop3A_910 : vector<1x1x16xf32> to vector<16xf32>
          %parallel_loop3A_912 = arith.constant 8.000000e+00 : f32
          %parallel_loop3A_913 = vector.broadcast %parallel_loop3A_912 : f32 to vector<16xf32>
          %parallel_loop3A_914 = arith.mulf %parallel_loop3A_911, %parallel_loop3A_913 : vector<16xf32>
          %parallel_loop3A_915 = arith.constant 0 : i32
          %parallel_loop3A_916 = arith.index_cast %parallel_loop3A_915 : i32 to index
          %parallel_loop3A_917 = arith.index_cast %parallel_loop3A_885 : i32 to index
          %parallel_loop3A_918 = arith.constant 16 : index
          %parallel_loop3A_919 = tpu.vector_load %arg8[%parallel_loop3A_916, %parallel_loop3A_917, %parallel_loop3A_918] {strides = array<i32>} : memref<2x128x64xf32, #tpu.memory_space<vmem>>, vector<1x1x16xf32>,
          %parallel_loop3A_920 = vector.shape_cast %parallel_loop3A_919 : vector<1x1x16xf32> to vector<16xf32>
          %parallel_loop3A_921 = vector.shape_cast %parallel_loop3A_914 : vector<16xf32> to vector<1x1x16xf32>
          tpu.vector_store %arg8[%parallel_loop3A_916, %parallel_loop3A_917, %parallel_loop3A_918], %parallel_loop3A_921 {strides = array<i32>} : memref<2x128x64xf32, #tpu.memory_space<vmem>>, vector<1x1x16xf32>,
          %parallel_loop3A_922 = arith.constant 32 : i32
          %parallel_loop3A_923 = arith.addi %parallel_loop3A_881, %parallel_loop3A_922 : i32
          %parallel_loop3A_924 = arith.constant 0 : i32
          %parallel_loop3A_925 = arith.index_cast %parallel_loop3A_924 : i32 to index
          %parallel_loop3A_926 = arith.index_cast %parallel_loop3A_885 : i32 to index
          %parallel_loop3A_927 = arith.index_cast %parallel_loop3A_923 : i32 to index
          %parallel_loop3A_928 = tpu.vector_load %arg7[%parallel_loop3A_925, %parallel_loop3A_926, %parallel_loop3A_927] {strides = array<i32>} : memref<2x128x128xf32, #tpu.memory_space<vmem>>, vector<1x1x16xf32>,
          %parallel_loop3A_929 = vector.shape_cast %parallel_loop3A_928 : vector<1x1x16xf32> to vector<16xf32>
          %parallel_loop3A_930 = arith.constant 8.000000e+00 : f32
          %parallel_loop3A_931 = vector.broadcast %parallel_loop3A_930 : f32 to vector<16xf32>
          %parallel_loop3A_932 = arith.mulf %parallel_loop3A_929, %parallel_loop3A_931 : vector<16xf32>
          %parallel_loop3A_933 = arith.constant 0 : i32
          %parallel_loop3A_934 = arith.index_cast %parallel_loop3A_933 : i32 to index
          %parallel_loop3A_935 = arith.index_cast %parallel_loop3A_885 : i32 to index
          %parallel_loop3A_936 = arith.constant 32 : index
          %parallel_loop3A_937 = tpu.vector_load %arg8[%parallel_loop3A_934, %parallel_loop3A_935, %parallel_loop3A_936] {strides = array<i32>} : memref<2x128x64xf32, #tpu.memory_space<vmem>>, vector<1x1x16xf32>,
          %parallel_loop3A_938 = vector.shape_cast %parallel_loop3A_937 : vector<1x1x16xf32> to vector<16xf32>
          %parallel_loop3A_939 = vector.shape_cast %parallel_loop3A_932 : vector<16xf32> to vector<1x1x16xf32>
          tpu.vector_store %arg8[%parallel_loop3A_934, %parallel_loop3A_935, %parallel_loop3A_936], %parallel_loop3A_939 {strides = array<i32>} : memref<2x128x64xf32, #tpu.memory_space<vmem>>, vector<1x1x16xf32>,
          %parallel_loop3A_940 = arith.constant 48 : i32
          %parallel_loop3A_941 = arith.addi %parallel_loop3A_881, %parallel_loop3A_940 : i32
          %parallel_loop3A_942 = arith.constant 0 : i32
          %parallel_loop3A_943 = arith.index_cast %parallel_loop3A_942 : i32 to index
          %parallel_loop3A_944 = arith.index_cast %parallel_loop3A_885 : i32 to index
          %parallel_loop3A_945 = arith.index_cast %parallel_loop3A_941 : i32 to index
          %parallel_loop3A_946 = tpu.vector_load %arg7[%parallel_loop3A_943, %parallel_loop3A_944, %parallel_loop3A_945] {strides = array<i32>} : memref<2x128x128xf32, #tpu.memory_space<vmem>>, vector<1x1x16xf32>,
          %parallel_loop3A_947 = vector.shape_cast %parallel_loop3A_946 : vector<1x1x16xf32> to vector<16xf32>
          %parallel_loop3A_948 = arith.constant 8.000000e+00 : f32
          %parallel_loop3A_949 = vector.broadcast %parallel_loop3A_948 : f32 to vector<16xf32>
          %parallel_loop3A_950 = arith.mulf %parallel_loop3A_947, %parallel_loop3A_949 : vector<16xf32>
          %parallel_loop3A_951 = arith.constant 0 : i32
          %parallel_loop3A_952 = arith.index_cast %parallel_loop3A_951 : i32 to index
          %parallel_loop3A_953 = arith.index_cast %parallel_loop3A_885 : i32 to index
          %parallel_loop3A_954 = arith.constant 48 : index
          %parallel_loop3A_955 = tpu.vector_load %arg8[%parallel_loop3A_952, %parallel_loop3A_953, %parallel_loop3A_954] {strides = array<i32>} : memref<2x128x64xf32, #tpu.memory_space<vmem>>, vector<1x1x16xf32>,
          %parallel_loop3A_956 = vector.shape_cast %parallel_loop3A_955 : vector<1x1x16xf32> to vector<16xf32>
          %parallel_loop3A_957 = vector.shape_cast %parallel_loop3A_950 : vector<16xf32> to vector<1x1x16xf32>
          tpu.vector_store %arg8[%parallel_loop3A_952, %parallel_loop3A_953, %parallel_loop3A_954], %parallel_loop3A_957 {strides = array<i32>} : memref<2x128x64xf32, #tpu.memory_space<vmem>>, vector<1x1x16xf32>,
          %parallel_loop3A_958 = vector.extract_strided_slice %parallel_loop3A_237 {offsets = [9], sizes = [1], strides = [1]} : vector<16xi32> to vector<1xi32>
          %parallel_loop3A_959 = vector.extract %parallel_loop3A_958[0] : i32 from vector<1xi32>
          %parallel_loop3A_960 = arith.constant 64 : i32
          %parallel_loop3A_961 = arith.muli %parallel_loop3A_959, %parallel_loop3A_960 : i32
          %parallel_loop3A_962 = arith.constant 16 : i32
          %parallel_loop3A_963 = arith.muli %parallel_loop3A_228, %parallel_loop3A_962 : i32
          %parallel_loop3A_964 = arith.constant 9 : i32
          %parallel_loop3A_965 = arith.addi %parallel_loop3A_963, %parallel_loop3A_964 : i32
          %parallel_loop3A_966 = arith.constant 0 : i32
          %parallel_loop3A_967 = arith.addi %parallel_loop3A_961, %parallel_loop3A_966 : i32
          %parallel_loop3A_968 = arith.constant 0 : i32
          %parallel_loop3A_969 = arith.index_cast %parallel_loop3A_968 : i32 to index
          %parallel_loop3A_970 = arith.index_cast %parallel_loop3A_965 : i32 to index
          %parallel_loop3A_971 = arith.index_cast %parallel_loop3A_967 : i32 to index
          %parallel_loop3A_972 = tpu.vector_load %arg7[%parallel_loop3A_969, %parallel_loop3A_970, %parallel_loop3A_971] {strides = array<i32>} : memref<2x128x128xf32, #tpu.memory_space<vmem>>, vector<1x1x16xf32>,
          %parallel_loop3A_973 = vector.shape_cast %parallel_loop3A_972 : vector<1x1x16xf32> to vector<16xf32>
          %parallel_loop3A_974 = arith.constant 8.000000e+00 : f32
          %parallel_loop3A_975 = vector.broadcast %parallel_loop3A_974 : f32 to vector<16xf32>
          %parallel_loop3A_976 = arith.mulf %parallel_loop3A_973, %parallel_loop3A_975 : vector<16xf32>
          %parallel_loop3A_977 = arith.constant 0 : i32
          %parallel_loop3A_978 = arith.index_cast %parallel_loop3A_977 : i32 to index
          %parallel_loop3A_979 = arith.index_cast %parallel_loop3A_965 : i32 to index
          %parallel_loop3A_980 = arith.constant 0 : index
          %parallel_loop3A_981 = tpu.vector_load %arg8[%parallel_loop3A_978, %parallel_loop3A_979, %parallel_loop3A_980] {strides = array<i32>} : memref<2x128x64xf32, #tpu.memory_space<vmem>>, vector<1x1x16xf32>,
          %parallel_loop3A_982 = vector.shape_cast %parallel_loop3A_981 : vector<1x1x16xf32> to vector<16xf32>
          %parallel_loop3A_983 = vector.shape_cast %parallel_loop3A_976 : vector<16xf32> to vector<1x1x16xf32>
          tpu.vector_store %arg8[%parallel_loop3A_978, %parallel_loop3A_979, %parallel_loop3A_980], %parallel_loop3A_983 {strides = array<i32>} : memref<2x128x64xf32, #tpu.memory_space<vmem>>, vector<1x1x16xf32>,
          %parallel_loop3A_984 = arith.constant 16 : i32
          %parallel_loop3A_985 = arith.addi %parallel_loop3A_961, %parallel_loop3A_984 : i32
          %parallel_loop3A_986 = arith.constant 0 : i32
          %parallel_loop3A_987 = arith.index_cast %parallel_loop3A_986 : i32 to index
          %parallel_loop3A_988 = arith.index_cast %parallel_loop3A_965 : i32 to index
          %parallel_loop3A_989 = arith.index_cast %parallel_loop3A_985 : i32 to index
          %parallel_loop3A_990 = tpu.vector_load %arg7[%parallel_loop3A_987, %parallel_loop3A_988, %parallel_loop3A_989] {strides = array<i32>} : memref<2x128x128xf32, #tpu.memory_space<vmem>>, vector<1x1x16xf32>,
          %parallel_loop3A_991 = vector.shape_cast %parallel_loop3A_990 : vector<1x1x16xf32> to vector<16xf32>
          %parallel_loop3A_992 = arith.constant 8.000000e+00 : f32
          %parallel_loop3A_993 = vector.broadcast %parallel_loop3A_992 : f32 to vector<16xf32>
          %parallel_loop3A_994 = arith.mulf %parallel_loop3A_991, %parallel_loop3A_993 : vector<16xf32>
          %parallel_loop3A_995 = arith.constant 0 : i32
          %parallel_loop3A_996 = arith.index_cast %parallel_loop3A_995 : i32 to index
          %parallel_loop3A_997 = arith.index_cast %parallel_loop3A_965 : i32 to index
          %parallel_loop3A_998 = arith.constant 16 : index
          %parallel_loop3A_999 = tpu.vector_load %arg8[%parallel_loop3A_996, %parallel_loop3A_997, %parallel_loop3A_998] {strides = array<i32>} : memref<2x128x64xf32, #tpu.memory_space<vmem>>, vector<1x1x16xf32>,
          %parallel_loop3A_1000 = vector.shape_cast %parallel_loop3A_999 : vector<1x1x16xf32> to vector<16xf32>
          %parallel_loop3A_1001 = vector.shape_cast %parallel_loop3A_994 : vector<16xf32> to vector<1x1x16xf32>
          tpu.vector_store %arg8[%parallel_loop3A_996, %parallel_loop3A_997, %parallel_loop3A_998], %parallel_loop3A_1001 {strides = array<i32>} : memref<2x128x64xf32, #tpu.memory_space<vmem>>, vector<1x1x16xf32>,
          %parallel_loop3A_1002 = arith.constant 32 : i32
          %parallel_loop3A_1003 = arith.addi %parallel_loop3A_961, %parallel_loop3A_1002 : i32
          %parallel_loop3A_1004 = arith.constant 0 : i32
          %parallel_loop3A_1005 = arith.index_cast %parallel_loop3A_1004 : i32 to index
          %parallel_loop3A_1006 = arith.index_cast %parallel_loop3A_965 : i32 to index
          %parallel_loop3A_1007 = arith.index_cast %parallel_loop3A_1003 : i32 to index
          %parallel_loop3A_1008 = tpu.vector_load %arg7[%parallel_loop3A_1005, %parallel_loop3A_1006, %parallel_loop3A_1007] {strides = array<i32>} : memref<2x128x128xf32, #tpu.memory_space<vmem>>, vector<1x1x16xf32>,
          %parallel_loop3A_1009 = vector.shape_cast %parallel_loop3A_1008 : vector<1x1x16xf32> to vector<16xf32>
          %parallel_loop3A_1010 = arith.constant 8.000000e+00 : f32
          %parallel_loop3A_1011 = vector.broadcast %parallel_loop3A_1010 : f32 to vector<16xf32>
          %parallel_loop3A_1012 = arith.mulf %parallel_loop3A_1009, %parallel_loop3A_1011 : vector<16xf32>
          %parallel_loop3A_1013 = arith.constant 0 : i32
          %parallel_loop3A_1014 = arith.index_cast %parallel_loop3A_1013 : i32 to index
          %parallel_loop3A_1015 = arith.index_cast %parallel_loop3A_965 : i32 to index
          %parallel_loop3A_1016 = arith.constant 32 : index
          %parallel_loop3A_1017 = tpu.vector_load %arg8[%parallel_loop3A_1014, %parallel_loop3A_1015, %parallel_loop3A_1016] {strides = array<i32>} : memref<2x128x64xf32, #tpu.memory_space<vmem>>, vector<1x1x16xf32>,
          %parallel_loop3A_1018 = vector.shape_cast %parallel_loop3A_1017 : vector<1x1x16xf32> to vector<16xf32>
          %parallel_loop3A_1019 = vector.shape_cast %parallel_loop3A_1012 : vector<16xf32> to vector<1x1x16xf32>
          tpu.vector_store %arg8[%parallel_loop3A_1014, %parallel_loop3A_1015, %parallel_loop3A_1016], %parallel_loop3A_1019 {strides = array<i32>} : memref<2x128x64xf32, #tpu.memory_space<vmem>>, vector<1x1x16xf32>,
          %parallel_loop3A_1020 = arith.constant 48 : i32
          %parallel_loop3A_1021 = arith.addi %parallel_loop3A_961, %parallel_loop3A_1020 : i32
          %parallel_loop3A_1022 = arith.constant 0 : i32
          %parallel_loop3A_1023 = arith.index_cast %parallel_loop3A_1022 : i32 to index
          %parallel_loop3A_1024 = arith.index_cast %parallel_loop3A_965 : i32 to index
          %parallel_loop3A_1025 = arith.index_cast %parallel_loop3A_1021 : i32 to index
          %parallel_loop3A_1026 = tpu.vector_load %arg7[%parallel_loop3A_1023, %parallel_loop3A_1024, %parallel_loop3A_1025] {strides = array<i32>} : memref<2x128x128xf32, #tpu.memory_space<vmem>>, vector<1x1x16xf32>,
          %parallel_loop3A_1027 = vector.shape_cast %parallel_loop3A_1026 : vector<1x1x16xf32> to vector<16xf32>
          %parallel_loop3A_1028 = arith.constant 8.000000e+00 : f32
          %parallel_loop3A_1029 = vector.broadcast %parallel_loop3A_1028 : f32 to vector<16xf32>
          %parallel_loop3A_1030 = arith.mulf %parallel_loop3A_1027, %parallel_loop3A_1029 : vector<16xf32>
          %parallel_loop3A_1031 = arith.constant 0 : i32
          %parallel_loop3A_1032 = arith.index_cast %parallel_loop3A_1031 : i32 to index
          %parallel_loop3A_1033 = arith.index_cast %parallel_loop3A_965 : i32 to index
          %parallel_loop3A_1034 = arith.constant 48 : index
          %parallel_loop3A_1035 = tpu.vector_load %arg8[%parallel_loop3A_1032, %parallel_loop3A_1033, %parallel_loop3A_1034] {strides = array<i32>} : memref<2x128x64xf32, #tpu.memory_space<vmem>>, vector<1x1x16xf32>,
          %parallel_loop3A_1036 = vector.shape_cast %parallel_loop3A_1035 : vector<1x1x16xf32> to vector<16xf32>
          %parallel_loop3A_1037 = vector.shape_cast %parallel_loop3A_1030 : vector<16xf32> to vector<1x1x16xf32>
          tpu.vector_store %arg8[%parallel_loop3A_1032, %parallel_loop3A_1033, %parallel_loop3A_1034], %parallel_loop3A_1037 {strides = array<i32>} : memref<2x128x64xf32, #tpu.memory_space<vmem>>, vector<1x1x16xf32>,
          %parallel_loop3A_1038 = vector.extract_strided_slice %parallel_loop3A_237 {offsets = [10], sizes = [1], strides = [1]} : vector<16xi32> to vector<1xi32>
          %parallel_loop3A_1039 = vector.extract %parallel_loop3A_1038[0] : i32 from vector<1xi32>
          %parallel_loop3A_1040 = arith.constant 64 : i32
          %parallel_loop3A_1041 = arith.muli %parallel_loop3A_1039, %parallel_loop3A_1040 : i32
          %parallel_loop3A_1042 = arith.constant 16 : i32
          %parallel_loop3A_1043 = arith.muli %parallel_loop3A_228, %parallel_loop3A_1042 : i32
          %parallel_loop3A_1044 = arith.constant 10 : i32
          %parallel_loop3A_1045 = arith.addi %parallel_loop3A_1043, %parallel_loop3A_1044 : i32
          %parallel_loop3A_1046 = arith.constant 0 : i32
          %parallel_loop3A_1047 = arith.addi %parallel_loop3A_1041, %parallel_loop3A_1046 : i32
          %parallel_loop3A_1048 = arith.constant 0 : i32
          %parallel_loop3A_1049 = arith.index_cast %parallel_loop3A_1048 : i32 to index
          %parallel_loop3A_1050 = arith.index_cast %parallel_loop3A_1045 : i32 to index
          %parallel_loop3A_1051 = arith.index_cast %parallel_loop3A_1047 : i32 to index
          %parallel_loop3A_1052 = tpu.vector_load %arg7[%parallel_loop3A_1049, %parallel_loop3A_1050, %parallel_loop3A_1051] {strides = array<i32>} : memref<2x128x128xf32, #tpu.memory_space<vmem>>, vector<1x1x16xf32>,
          %parallel_loop3A_1053 = vector.shape_cast %parallel_loop3A_1052 : vector<1x1x16xf32> to vector<16xf32>
          %parallel_loop3A_1054 = arith.constant 8.000000e+00 : f32
          %parallel_loop3A_1055 = vector.broadcast %parallel_loop3A_1054 : f32 to vector<16xf32>
          %parallel_loop3A_1056 = arith.mulf %parallel_loop3A_1053, %parallel_loop3A_1055 : vector<16xf32>
          %parallel_loop3A_1057 = arith.constant 0 : i32
          %parallel_loop3A_1058 = arith.index_cast %parallel_loop3A_1057 : i32 to index
          %parallel_loop3A_1059 = arith.index_cast %parallel_loop3A_1045 : i32 to index
          %parallel_loop3A_1060 = arith.constant 0 : index
          %parallel_loop3A_1061 = tpu.vector_load %arg8[%parallel_loop3A_1058, %parallel_loop3A_1059, %parallel_loop3A_1060] {strides = array<i32>} : memref<2x128x64xf32, #tpu.memory_space<vmem>>, vector<1x1x16xf32>,
          %parallel_loop3A_1062 = vector.shape_cast %parallel_loop3A_1061 : vector<1x1x16xf32> to vector<16xf32>
          %parallel_loop3A_1063 = vector.shape_cast %parallel_loop3A_1056 : vector<16xf32> to vector<1x1x16xf32>
          tpu.vector_store %arg8[%parallel_loop3A_1058, %parallel_loop3A_1059, %parallel_loop3A_1060], %parallel_loop3A_1063 {strides = array<i32>} : memref<2x128x64xf32, #tpu.memory_space<vmem>>, vector<1x1x16xf32>,
          %parallel_loop3A_1064 = arith.constant 16 : i32
          %parallel_loop3A_1065 = arith.addi %parallel_loop3A_1041, %parallel_loop3A_1064 : i32
          %parallel_loop3A_1066 = arith.constant 0 : i32
          %parallel_loop3A_1067 = arith.index_cast %parallel_loop3A_1066 : i32 to index
          %parallel_loop3A_1068 = arith.index_cast %parallel_loop3A_1045 : i32 to index
          %parallel_loop3A_1069 = arith.index_cast %parallel_loop3A_1065 : i32 to index
          %parallel_loop3A_1070 = tpu.vector_load %arg7[%parallel_loop3A_1067, %parallel_loop3A_1068, %parallel_loop3A_1069] {strides = array<i32>} : memref<2x128x128xf32, #tpu.memory_space<vmem>>, vector<1x1x16xf32>,
          %parallel_loop3A_1071 = vector.shape_cast %parallel_loop3A_1070 : vector<1x1x16xf32> to vector<16xf32>
          %parallel_loop3A_1072 = arith.constant 8.000000e+00 : f32
          %parallel_loop3A_1073 = vector.broadcast %parallel_loop3A_1072 : f32 to vector<16xf32>
          %parallel_loop3A_1074 = arith.mulf %parallel_loop3A_1071, %parallel_loop3A_1073 : vector<16xf32>
          %parallel_loop3A_1075 = arith.constant 0 : i32
          %parallel_loop3A_1076 = arith.index_cast %parallel_loop3A_1075 : i32 to index
          %parallel_loop3A_1077 = arith.index_cast %parallel_loop3A_1045 : i32 to index
          %parallel_loop3A_1078 = arith.constant 16 : index
          %parallel_loop3A_1079 = tpu.vector_load %arg8[%parallel_loop3A_1076, %parallel_loop3A_1077, %parallel_loop3A_1078] {strides = array<i32>} : memref<2x128x64xf32, #tpu.memory_space<vmem>>, vector<1x1x16xf32>,
          %parallel_loop3A_1080 = vector.shape_cast %parallel_loop3A_1079 : vector<1x1x16xf32> to vector<16xf32>
          %parallel_loop3A_1081 = vector.shape_cast %parallel_loop3A_1074 : vector<16xf32> to vector<1x1x16xf32>
          tpu.vector_store %arg8[%parallel_loop3A_1076, %parallel_loop3A_1077, %parallel_loop3A_1078], %parallel_loop3A_1081 {strides = array<i32>} : memref<2x128x64xf32, #tpu.memory_space<vmem>>, vector<1x1x16xf32>,
          %parallel_loop3A_1082 = arith.constant 32 : i32
          %parallel_loop3A_1083 = arith.addi %parallel_loop3A_1041, %parallel_loop3A_1082 : i32
          %parallel_loop3A_1084 = arith.constant 0 : i32
          %parallel_loop3A_1085 = arith.index_cast %parallel_loop3A_1084 : i32 to index
          %parallel_loop3A_1086 = arith.index_cast %parallel_loop3A_1045 : i32 to index
          %parallel_loop3A_1087 = arith.index_cast %parallel_loop3A_1083 : i32 to index
          %parallel_loop3A_1088 = tpu.vector_load %arg7[%parallel_loop3A_1085, %parallel_loop3A_1086, %parallel_loop3A_1087] {strides = array<i32>} : memref<2x128x128xf32, #tpu.memory_space<vmem>>, vector<1x1x16xf32>,
          %parallel_loop3A_1089 = vector.shape_cast %parallel_loop3A_1088 : vector<1x1x16xf32> to vector<16xf32>
          %parallel_loop3A_1090 = arith.constant 8.000000e+00 : f32
          %parallel_loop3A_1091 = vector.broadcast %parallel_loop3A_1090 : f32 to vector<16xf32>
          %parallel_loop3A_1092 = arith.mulf %parallel_loop3A_1089, %parallel_loop3A_1091 : vector<16xf32>
          %parallel_loop3A_1093 = arith.constant 0 : i32
          %parallel_loop3A_1094 = arith.index_cast %parallel_loop3A_1093 : i32 to index
          %parallel_loop3A_1095 = arith.index_cast %parallel_loop3A_1045 : i32 to index
          %parallel_loop3A_1096 = arith.constant 32 : index
          %parallel_loop3A_1097 = tpu.vector_load %arg8[%parallel_loop3A_1094, %parallel_loop3A_1095, %parallel_loop3A_1096] {strides = array<i32>} : memref<2x128x64xf32, #tpu.memory_space<vmem>>, vector<1x1x16xf32>,
          %parallel_loop3A_1098 = vector.shape_cast %parallel_loop3A_1097 : vector<1x1x16xf32> to vector<16xf32>
          %parallel_loop3A_1099 = vector.shape_cast %parallel_loop3A_1092 : vector<16xf32> to vector<1x1x16xf32>
          tpu.vector_store %arg8[%parallel_loop3A_1094, %parallel_loop3A_1095, %parallel_loop3A_1096], %parallel_loop3A_1099 {strides = array<i32>} : memref<2x128x64xf32, #tpu.memory_space<vmem>>, vector<1x1x16xf32>,
          %parallel_loop3A_1100 = arith.constant 48 : i32
          %parallel_loop3A_1101 = arith.addi %parallel_loop3A_1041, %parallel_loop3A_1100 : i32
          %parallel_loop3A_1102 = arith.constant 0 : i32
          %parallel_loop3A_1103 = arith.index_cast %parallel_loop3A_1102 : i32 to index
          %parallel_loop3A_1104 = arith.index_cast %parallel_loop3A_1045 : i32 to index
          %parallel_loop3A_1105 = arith.index_cast %parallel_loop3A_1101 : i32 to index
          %parallel_loop3A_1106 = tpu.vector_load %arg7[%parallel_loop3A_1103, %parallel_loop3A_1104, %parallel_loop3A_1105] {strides = array<i32>} : memref<2x128x128xf32, #tpu.memory_space<vmem>>, vector<1x1x16xf32>,
          %parallel_loop3A_1107 = vector.shape_cast %parallel_loop3A_1106 : vector<1x1x16xf32> to vector<16xf32>
          %parallel_loop3A_1108 = arith.constant 8.000000e+00 : f32
          %parallel_loop3A_1109 = vector.broadcast %parallel_loop3A_1108 : f32 to vector<16xf32>
          %parallel_loop3A_1110 = arith.mulf %parallel_loop3A_1107, %parallel_loop3A_1109 : vector<16xf32>
          %parallel_loop3A_1111 = arith.constant 0 : i32
          %parallel_loop3A_1112 = arith.index_cast %parallel_loop3A_1111 : i32 to index
          %parallel_loop3A_1113 = arith.index_cast %parallel_loop3A_1045 : i32 to index
          %parallel_loop3A_1114 = arith.constant 48 : index
          %parallel_loop3A_1115 = tpu.vector_load %arg8[%parallel_loop3A_1112, %parallel_loop3A_1113, %parallel_loop3A_1114] {strides = array<i32>} : memref<2x128x64xf32, #tpu.memory_space<vmem>>, vector<1x1x16xf32>,
          %parallel_loop3A_1116 = vector.shape_cast %parallel_loop3A_1115 : vector<1x1x16xf32> to vector<16xf32>
          %parallel_loop3A_1117 = vector.shape_cast %parallel_loop3A_1110 : vector<16xf32> to vector<1x1x16xf32>
          tpu.vector_store %arg8[%parallel_loop3A_1112, %parallel_loop3A_1113, %parallel_loop3A_1114], %parallel_loop3A_1117 {strides = array<i32>} : memref<2x128x64xf32, #tpu.memory_space<vmem>>, vector<1x1x16xf32>,
          %parallel_loop3A_1118 = vector.extract_strided_slice %parallel_loop3A_237 {offsets = [11], sizes = [1], strides = [1]} : vector<16xi32> to vector<1xi32>
          %parallel_loop3A_1119 = vector.extract %parallel_loop3A_1118[0] : i32 from vector<1xi32>
          %parallel_loop3A_1120 = arith.constant 64 : i32
          %parallel_loop3A_1121 = arith.muli %parallel_loop3A_1119, %parallel_loop3A_1120 : i32
          %parallel_loop3A_1122 = arith.constant 16 : i32
          %parallel_loop3A_1123 = arith.muli %parallel_loop3A_228, %parallel_loop3A_1122 : i32
          %parallel_loop3A_1124 = arith.constant 11 : i32
          %parallel_loop3A_1125 = arith.addi %parallel_loop3A_1123, %parallel_loop3A_1124 : i32
          %parallel_loop3A_1126 = arith.constant 0 : i32
          %parallel_loop3A_1127 = arith.addi %parallel_loop3A_1121, %parallel_loop3A_1126 : i32
          %parallel_loop3A_1128 = arith.constant 0 : i32
          %parallel_loop3A_1129 = arith.index_cast %parallel_loop3A_1128 : i32 to index
          %parallel_loop3A_1130 = arith.index_cast %parallel_loop3A_1125 : i32 to index
          %parallel_loop3A_1131 = arith.index_cast %parallel_loop3A_1127 : i32 to index
          %parallel_loop3A_1132 = tpu.vector_load %arg7[%parallel_loop3A_1129, %parallel_loop3A_1130, %parallel_loop3A_1131] {strides = array<i32>} : memref<2x128x128xf32, #tpu.memory_space<vmem>>, vector<1x1x16xf32>,
          %parallel_loop3A_1133 = vector.shape_cast %parallel_loop3A_1132 : vector<1x1x16xf32> to vector<16xf32>
          %parallel_loop3A_1134 = arith.constant 8.000000e+00 : f32
          %parallel_loop3A_1135 = vector.broadcast %parallel_loop3A_1134 : f32 to vector<16xf32>
          %parallel_loop3A_1136 = arith.mulf %parallel_loop3A_1133, %parallel_loop3A_1135 : vector<16xf32>
          %parallel_loop3A_1137 = arith.constant 0 : i32
          %parallel_loop3A_1138 = arith.index_cast %parallel_loop3A_1137 : i32 to index
          %parallel_loop3A_1139 = arith.index_cast %parallel_loop3A_1125 : i32 to index
          %parallel_loop3A_1140 = arith.constant 0 : index
          %parallel_loop3A_1141 = tpu.vector_load %arg8[%parallel_loop3A_1138, %parallel_loop3A_1139, %parallel_loop3A_1140] {strides = array<i32>} : memref<2x128x64xf32, #tpu.memory_space<vmem>>, vector<1x1x16xf32>,
          %parallel_loop3A_1142 = vector.shape_cast %parallel_loop3A_1141 : vector<1x1x16xf32> to vector<16xf32>
          %parallel_loop3A_1143 = vector.shape_cast %parallel_loop3A_1136 : vector<16xf32> to vector<1x1x16xf32>
          tpu.vector_store %arg8[%parallel_loop3A_1138, %parallel_loop3A_1139, %parallel_loop3A_1140], %parallel_loop3A_1143 {strides = array<i32>} : memref<2x128x64xf32, #tpu.memory_space<vmem>>, vector<1x1x16xf32>,
          %parallel_loop3A_1144 = arith.constant 16 : i32
          %parallel_loop3A_1145 = arith.addi %parallel_loop3A_1121, %parallel_loop3A_1144 : i32
          %parallel_loop3A_1146 = arith.constant 0 : i32
          %parallel_loop3A_1147 = arith.index_cast %parallel_loop3A_1146 : i32 to index
          %parallel_loop3A_1148 = arith.index_cast %parallel_loop3A_1125 : i32 to index
          %parallel_loop3A_1149 = arith.index_cast %parallel_loop3A_1145 : i32 to index
          %parallel_loop3A_1150 = tpu.vector_load %arg7[%parallel_loop3A_1147, %parallel_loop3A_1148, %parallel_loop3A_1149] {strides = array<i32>} : memref<2x128x128xf32, #tpu.memory_space<vmem>>, vector<1x1x16xf32>,
          %parallel_loop3A_1151 = vector.shape_cast %parallel_loop3A_1150 : vector<1x1x16xf32> to vector<16xf32>
          %parallel_loop3A_1152 = arith.constant 8.000000e+00 : f32
          %parallel_loop3A_1153 = vector.broadcast %parallel_loop3A_1152 : f32 to vector<16xf32>
          %parallel_loop3A_1154 = arith.mulf %parallel_loop3A_1151, %parallel_loop3A_1153 : vector<16xf32>
          %parallel_loop3A_1155 = arith.constant 0 : i32
          %parallel_loop3A_1156 = arith.index_cast %parallel_loop3A_1155 : i32 to index
          %parallel_loop3A_1157 = arith.index_cast %parallel_loop3A_1125 : i32 to index
          %parallel_loop3A_1158 = arith.constant 16 : index
          %parallel_loop3A_1159 = tpu.vector_load %arg8[%parallel_loop3A_1156, %parallel_loop3A_1157, %parallel_loop3A_1158] {strides = array<i32>} : memref<2x128x64xf32, #tpu.memory_space<vmem>>, vector<1x1x16xf32>,
          %parallel_loop3A_1160 = vector.shape_cast %parallel_loop3A_1159 : vector<1x1x16xf32> to vector<16xf32>
          %parallel_loop3A_1161 = vector.shape_cast %parallel_loop3A_1154 : vector<16xf32> to vector<1x1x16xf32>
          tpu.vector_store %arg8[%parallel_loop3A_1156, %parallel_loop3A_1157, %parallel_loop3A_1158], %parallel_loop3A_1161 {strides = array<i32>} : memref<2x128x64xf32, #tpu.memory_space<vmem>>, vector<1x1x16xf32>,
          %parallel_loop3A_1162 = arith.constant 32 : i32
          %parallel_loop3A_1163 = arith.addi %parallel_loop3A_1121, %parallel_loop3A_1162 : i32
          %parallel_loop3A_1164 = arith.constant 0 : i32
          %parallel_loop3A_1165 = arith.index_cast %parallel_loop3A_1164 : i32 to index
          %parallel_loop3A_1166 = arith.index_cast %parallel_loop3A_1125 : i32 to index
          %parallel_loop3A_1167 = arith.index_cast %parallel_loop3A_1163 : i32 to index
          %parallel_loop3A_1168 = tpu.vector_load %arg7[%parallel_loop3A_1165, %parallel_loop3A_1166, %parallel_loop3A_1167] {strides = array<i32>} : memref<2x128x128xf32, #tpu.memory_space<vmem>>, vector<1x1x16xf32>,
          %parallel_loop3A_1169 = vector.shape_cast %parallel_loop3A_1168 : vector<1x1x16xf32> to vector<16xf32>
          %parallel_loop3A_1170 = arith.constant 8.000000e+00 : f32
          %parallel_loop3A_1171 = vector.broadcast %parallel_loop3A_1170 : f32 to vector<16xf32>
          %parallel_loop3A_1172 = arith.mulf %parallel_loop3A_1169, %parallel_loop3A_1171 : vector<16xf32>
          %parallel_loop3A_1173 = arith.constant 0 : i32
          %parallel_loop3A_1174 = arith.index_cast %parallel_loop3A_1173 : i32 to index
          %parallel_loop3A_1175 = arith.index_cast %parallel_loop3A_1125 : i32 to index
          %parallel_loop3A_1176 = arith.constant 32 : index
          %parallel_loop3A_1177 = tpu.vector_load %arg8[%parallel_loop3A_1174, %parallel_loop3A_1175, %parallel_loop3A_1176] {strides = array<i32>} : memref<2x128x64xf32, #tpu.memory_space<vmem>>, vector<1x1x16xf32>,
          %parallel_loop3A_1178 = vector.shape_cast %parallel_loop3A_1177 : vector<1x1x16xf32> to vector<16xf32>
          %parallel_loop3A_1179 = vector.shape_cast %parallel_loop3A_1172 : vector<16xf32> to vector<1x1x16xf32>
          tpu.vector_store %arg8[%parallel_loop3A_1174, %parallel_loop3A_1175, %parallel_loop3A_1176], %parallel_loop3A_1179 {strides = array<i32>} : memref<2x128x64xf32, #tpu.memory_space<vmem>>, vector<1x1x16xf32>,
          %parallel_loop3A_1180 = arith.constant 48 : i32
          %parallel_loop3A_1181 = arith.addi %parallel_loop3A_1121, %parallel_loop3A_1180 : i32
          %parallel_loop3A_1182 = arith.constant 0 : i32
          %parallel_loop3A_1183 = arith.index_cast %parallel_loop3A_1182 : i32 to index
          %parallel_loop3A_1184 = arith.index_cast %parallel_loop3A_1125 : i32 to index
          %parallel_loop3A_1185 = arith.index_cast %parallel_loop3A_1181 : i32 to index
          %parallel_loop3A_1186 = tpu.vector_load %arg7[%parallel_loop3A_1183, %parallel_loop3A_1184, %parallel_loop3A_1185] {strides = array<i32>} : memref<2x128x128xf32, #tpu.memory_space<vmem>>, vector<1x1x16xf32>,
          %parallel_loop3A_1187 = vector.shape_cast %parallel_loop3A_1186 : vector<1x1x16xf32> to vector<16xf32>
          %parallel_loop3A_1188 = arith.constant 8.000000e+00 : f32
          %parallel_loop3A_1189 = vector.broadcast %parallel_loop3A_1188 : f32 to vector<16xf32>
          %parallel_loop3A_1190 = arith.mulf %parallel_loop3A_1187, %parallel_loop3A_1189 : vector<16xf32>
          %parallel_loop3A_1191 = arith.constant 0 : i32
          %parallel_loop3A_1192 = arith.index_cast %parallel_loop3A_1191 : i32 to index
          %parallel_loop3A_1193 = arith.index_cast %parallel_loop3A_1125 : i32 to index
          %parallel_loop3A_1194 = arith.constant 48 : index
          %parallel_loop3A_1195 = tpu.vector_load %arg8[%parallel_loop3A_1192, %parallel_loop3A_1193, %parallel_loop3A_1194] {strides = array<i32>} : memref<2x128x64xf32, #tpu.memory_space<vmem>>, vector<1x1x16xf32>,
          %parallel_loop3A_1196 = vector.shape_cast %parallel_loop3A_1195 : vector<1x1x16xf32> to vector<16xf32>
          %parallel_loop3A_1197 = vector.shape_cast %parallel_loop3A_1190 : vector<16xf32> to vector<1x1x16xf32>
          tpu.vector_store %arg8[%parallel_loop3A_1192, %parallel_loop3A_1193, %parallel_loop3A_1194], %parallel_loop3A_1197 {strides = array<i32>} : memref<2x128x64xf32, #tpu.memory_space<vmem>>, vector<1x1x16xf32>,
          %parallel_loop3A_1198 = vector.extract_strided_slice %parallel_loop3A_237 {offsets = [12], sizes = [1], strides = [1]} : vector<16xi32> to vector<1xi32>
          %parallel_loop3A_1199 = vector.extract %parallel_loop3A_1198[0] : i32 from vector<1xi32>
          %parallel_loop3A_1200 = arith.constant 64 : i32
          %parallel_loop3A_1201 = arith.muli %parallel_loop3A_1199, %parallel_loop3A_1200 : i32
          %parallel_loop3A_1202 = arith.constant 16 : i32
          %parallel_loop3A_1203 = arith.muli %parallel_loop3A_228, %parallel_loop3A_1202 : i32
          %parallel_loop3A_1204 = arith.constant 12 : i32
          %parallel_loop3A_1205 = arith.addi %parallel_loop3A_1203, %parallel_loop3A_1204 : i32
          %parallel_loop3A_1206 = arith.constant 0 : i32
          %parallel_loop3A_1207 = arith.addi %parallel_loop3A_1201, %parallel_loop3A_1206 : i32
          %parallel_loop3A_1208 = arith.constant 0 : i32
          %parallel_loop3A_1209 = arith.index_cast %parallel_loop3A_1208 : i32 to index
          %parallel_loop3A_1210 = arith.index_cast %parallel_loop3A_1205 : i32 to index
          %parallel_loop3A_1211 = arith.index_cast %parallel_loop3A_1207 : i32 to index
          %parallel_loop3A_1212 = tpu.vector_load %arg7[%parallel_loop3A_1209, %parallel_loop3A_1210, %parallel_loop3A_1211] {strides = array<i32>} : memref<2x128x128xf32, #tpu.memory_space<vmem>>, vector<1x1x16xf32>,
          %parallel_loop3A_1213 = vector.shape_cast %parallel_loop3A_1212 : vector<1x1x16xf32> to vector<16xf32>
          %parallel_loop3A_1214 = arith.constant 8.000000e+00 : f32
          %parallel_loop3A_1215 = vector.broadcast %parallel_loop3A_1214 : f32 to vector<16xf32>
          %parallel_loop3A_1216 = arith.mulf %parallel_loop3A_1213, %parallel_loop3A_1215 : vector<16xf32>
          %parallel_loop3A_1217 = arith.constant 0 : i32
          %parallel_loop3A_1218 = arith.index_cast %parallel_loop3A_1217 : i32 to index
          %parallel_loop3A_1219 = arith.index_cast %parallel_loop3A_1205 : i32 to index
          %parallel_loop3A_1220 = arith.constant 0 : index
          %parallel_loop3A_1221 = tpu.vector_load %arg8[%parallel_loop3A_1218, %parallel_loop3A_1219, %parallel_loop3A_1220] {strides = array<i32>} : memref<2x128x64xf32, #tpu.memory_space<vmem>>, vector<1x1x16xf32>,
          %parallel_loop3A_1222 = vector.shape_cast %parallel_loop3A_1221 : vector<1x1x16xf32> to vector<16xf32>
          %parallel_loop3A_1223 = vector.shape_cast %parallel_loop3A_1216 : vector<16xf32> to vector<1x1x16xf32>
          tpu.vector_store %arg8[%parallel_loop3A_1218, %parallel_loop3A_1219, %parallel_loop3A_1220], %parallel_loop3A_1223 {strides = array<i32>} : memref<2x128x64xf32, #tpu.memory_space<vmem>>, vector<1x1x16xf32>,
          %parallel_loop3A_1224 = arith.constant 16 : i32
          %parallel_loop3A_1225 = arith.addi %parallel_loop3A_1201, %parallel_loop3A_1224 : i32
          %parallel_loop3A_1226 = arith.constant 0 : i32
          %parallel_loop3A_1227 = arith.index_cast %parallel_loop3A_1226 : i32 to index
          %parallel_loop3A_1228 = arith.index_cast %parallel_loop3A_1205 : i32 to index
          %parallel_loop3A_1229 = arith.index_cast %parallel_loop3A_1225 : i32 to index
          %parallel_loop3A_1230 = tpu.vector_load %arg7[%parallel_loop3A_1227, %parallel_loop3A_1228, %parallel_loop3A_1229] {strides = array<i32>} : memref<2x128x128xf32, #tpu.memory_space<vmem>>, vector<1x1x16xf32>,
          %parallel_loop3A_1231 = vector.shape_cast %parallel_loop3A_1230 : vector<1x1x16xf32> to vector<16xf32>
          %parallel_loop3A_1232 = arith.constant 8.000000e+00 : f32
          %parallel_loop3A_1233 = vector.broadcast %parallel_loop3A_1232 : f32 to vector<16xf32>
          %parallel_loop3A_1234 = arith.mulf %parallel_loop3A_1231, %parallel_loop3A_1233 : vector<16xf32>
          %parallel_loop3A_1235 = arith.constant 0 : i32
          %parallel_loop3A_1236 = arith.index_cast %parallel_loop3A_1235 : i32 to index
          %parallel_loop3A_1237 = arith.index_cast %parallel_loop3A_1205 : i32 to index
          %parallel_loop3A_1238 = arith.constant 16 : index
          %parallel_loop3A_1239 = tpu.vector_load %arg8[%parallel_loop3A_1236, %parallel_loop3A_1237, %parallel_loop3A_1238] {strides = array<i32>} : memref<2x128x64xf32, #tpu.memory_space<vmem>>, vector<1x1x16xf32>,
          %parallel_loop3A_1240 = vector.shape_cast %parallel_loop3A_1239 : vector<1x1x16xf32> to vector<16xf32>
          %parallel_loop3A_1241 = vector.shape_cast %parallel_loop3A_1234 : vector<16xf32> to vector<1x1x16xf32>
          tpu.vector_store %arg8[%parallel_loop3A_1236, %parallel_loop3A_1237, %parallel_loop3A_1238], %parallel_loop3A_1241 {strides = array<i32>} : memref<2x128x64xf32, #tpu.memory_space<vmem>>, vector<1x1x16xf32>,
          %parallel_loop3A_1242 = arith.constant 32 : i32
          %parallel_loop3A_1243 = arith.addi %parallel_loop3A_1201, %parallel_loop3A_1242 : i32
          %parallel_loop3A_1244 = arith.constant 0 : i32
          %parallel_loop3A_1245 = arith.index_cast %parallel_loop3A_1244 : i32 to index
          %parallel_loop3A_1246 = arith.index_cast %parallel_loop3A_1205 : i32 to index
          %parallel_loop3A_1247 = arith.index_cast %parallel_loop3A_1243 : i32 to index
          %parallel_loop3A_1248 = tpu.vector_load %arg7[%parallel_loop3A_1245, %parallel_loop3A_1246, %parallel_loop3A_1247] {strides = array<i32>} : memref<2x128x128xf32, #tpu.memory_space<vmem>>, vector<1x1x16xf32>,
          %parallel_loop3A_1249 = vector.shape_cast %parallel_loop3A_1248 : vector<1x1x16xf32> to vector<16xf32>
          %parallel_loop3A_1250 = arith.constant 8.000000e+00 : f32
          %parallel_loop3A_1251 = vector.broadcast %parallel_loop3A_1250 : f32 to vector<16xf32>
          %parallel_loop3A_1252 = arith.mulf %parallel_loop3A_1249, %parallel_loop3A_1251 : vector<16xf32>
          %parallel_loop3A_1253 = arith.constant 0 : i32
          %parallel_loop3A_1254 = arith.index_cast %parallel_loop3A_1253 : i32 to index
          %parallel_loop3A_1255 = arith.index_cast %parallel_loop3A_1205 : i32 to index
          %parallel_loop3A_1256 = arith.constant 32 : index
          %parallel_loop3A_1257 = tpu.vector_load %arg8[%parallel_loop3A_1254, %parallel_loop3A_1255, %parallel_loop3A_1256] {strides = array<i32>} : memref<2x128x64xf32, #tpu.memory_space<vmem>>, vector<1x1x16xf32>,
          %parallel_loop3A_1258 = vector.shape_cast %parallel_loop3A_1257 : vector<1x1x16xf32> to vector<16xf32>
          %parallel_loop3A_1259 = vector.shape_cast %parallel_loop3A_1252 : vector<16xf32> to vector<1x1x16xf32>
          tpu.vector_store %arg8[%parallel_loop3A_1254, %parallel_loop3A_1255, %parallel_loop3A_1256], %parallel_loop3A_1259 {strides = array<i32>} : memref<2x128x64xf32, #tpu.memory_space<vmem>>, vector<1x1x16xf32>,
          %parallel_loop3A_1260 = arith.constant 48 : i32
          %parallel_loop3A_1261 = arith.addi %parallel_loop3A_1201, %parallel_loop3A_1260 : i32
          %parallel_loop3A_1262 = arith.constant 0 : i32
          %parallel_loop3A_1263 = arith.index_cast %parallel_loop3A_1262 : i32 to index
          %parallel_loop3A_1264 = arith.index_cast %parallel_loop3A_1205 : i32 to index
          %parallel_loop3A_1265 = arith.index_cast %parallel_loop3A_1261 : i32 to index
          %parallel_loop3A_1266 = tpu.vector_load %arg7[%parallel_loop3A_1263, %parallel_loop3A_1264, %parallel_loop3A_1265] {strides = array<i32>} : memref<2x128x128xf32, #tpu.memory_space<vmem>>, vector<1x1x16xf32>,
          %parallel_loop3A_1267 = vector.shape_cast %parallel_loop3A_1266 : vector<1x1x16xf32> to vector<16xf32>
          %parallel_loop3A_1268 = arith.constant 8.000000e+00 : f32
          %parallel_loop3A_1269 = vector.broadcast %parallel_loop3A_1268 : f32 to vector<16xf32>
          %parallel_loop3A_1270 = arith.mulf %parallel_loop3A_1267, %parallel_loop3A_1269 : vector<16xf32>
          %parallel_loop3A_1271 = arith.constant 0 : i32
          %parallel_loop3A_1272 = arith.index_cast %parallel_loop3A_1271 : i32 to index
          %parallel_loop3A_1273 = arith.index_cast %parallel_loop3A_1205 : i32 to index
          %parallel_loop3A_1274 = arith.constant 48 : index
          %parallel_loop3A_1275 = tpu.vector_load %arg8[%parallel_loop3A_1272, %parallel_loop3A_1273, %parallel_loop3A_1274] {strides = array<i32>} : memref<2x128x64xf32, #tpu.memory_space<vmem>>, vector<1x1x16xf32>,
          %parallel_loop3A_1276 = vector.shape_cast %parallel_loop3A_1275 : vector<1x1x16xf32> to vector<16xf32>
          %parallel_loop3A_1277 = vector.shape_cast %parallel_loop3A_1270 : vector<16xf32> to vector<1x1x16xf32>
          tpu.vector_store %arg8[%parallel_loop3A_1272, %parallel_loop3A_1273, %parallel_loop3A_1274], %parallel_loop3A_1277 {strides = array<i32>} : memref<2x128x64xf32, #tpu.memory_space<vmem>>, vector<1x1x16xf32>,
          %parallel_loop3A_1278 = vector.extract_strided_slice %parallel_loop3A_237 {offsets = [13], sizes = [1], strides = [1]} : vector<16xi32> to vector<1xi32>
          %parallel_loop3A_1279 = vector.extract %parallel_loop3A_1278[0] : i32 from vector<1xi32>
          %parallel_loop3A_1280 = arith.constant 64 : i32
          %parallel_loop3A_1281 = arith.muli %parallel_loop3A_1279, %parallel_loop3A_1280 : i32
          %parallel_loop3A_1282 = arith.constant 16 : i32
          %parallel_loop3A_1283 = arith.muli %parallel_loop3A_228, %parallel_loop3A_1282 : i32
          %parallel_loop3A_1284 = arith.constant 13 : i32
          %parallel_loop3A_1285 = arith.addi %parallel_loop3A_1283, %parallel_loop3A_1284 : i32
          %parallel_loop3A_1286 = arith.constant 0 : i32
          %parallel_loop3A_1287 = arith.addi %parallel_loop3A_1281, %parallel_loop3A_1286 : i32
          %parallel_loop3A_1288 = arith.constant 0 : i32
          %parallel_loop3A_1289 = arith.index_cast %parallel_loop3A_1288 : i32 to index
          %parallel_loop3A_1290 = arith.index_cast %parallel_loop3A_1285 : i32 to index
          %parallel_loop3A_1291 = arith.index_cast %parallel_loop3A_1287 : i32 to index
          %parallel_loop3A_1292 = tpu.vector_load %arg7[%parallel_loop3A_1289, %parallel_loop3A_1290, %parallel_loop3A_1291] {strides = array<i32>} : memref<2x128x128xf32, #tpu.memory_space<vmem>>, vector<1x1x16xf32>,
          %parallel_loop3A_1293 = vector.shape_cast %parallel_loop3A_1292 : vector<1x1x16xf32> to vector<16xf32>
          %parallel_loop3A_1294 = arith.constant 8.000000e+00 : f32
          %parallel_loop3A_1295 = vector.broadcast %parallel_loop3A_1294 : f32 to vector<16xf32>
          %parallel_loop3A_1296 = arith.mulf %parallel_loop3A_1293, %parallel_loop3A_1295 : vector<16xf32>
          %parallel_loop3A_1297 = arith.constant 0 : i32
          %parallel_loop3A_1298 = arith.index_cast %parallel_loop3A_1297 : i32 to index
          %parallel_loop3A_1299 = arith.index_cast %parallel_loop3A_1285 : i32 to index
          %parallel_loop3A_1300 = arith.constant 0 : index
          %parallel_loop3A_1301 = tpu.vector_load %arg8[%parallel_loop3A_1298, %parallel_loop3A_1299, %parallel_loop3A_1300] {strides = array<i32>} : memref<2x128x64xf32, #tpu.memory_space<vmem>>, vector<1x1x16xf32>,
          %parallel_loop3A_1302 = vector.shape_cast %parallel_loop3A_1301 : vector<1x1x16xf32> to vector<16xf32>
          %parallel_loop3A_1303 = vector.shape_cast %parallel_loop3A_1296 : vector<16xf32> to vector<1x1x16xf32>
          tpu.vector_store %arg8[%parallel_loop3A_1298, %parallel_loop3A_1299, %parallel_loop3A_1300], %parallel_loop3A_1303 {strides = array<i32>} : memref<2x128x64xf32, #tpu.memory_space<vmem>>, vector<1x1x16xf32>,
          %parallel_loop3A_1304 = arith.constant 16 : i32
          %parallel_loop3A_1305 = arith.addi %parallel_loop3A_1281, %parallel_loop3A_1304 : i32
          %parallel_loop3A_1306 = arith.constant 0 : i32
          %parallel_loop3A_1307 = arith.index_cast %parallel_loop3A_1306 : i32 to index
          %parallel_loop3A_1308 = arith.index_cast %parallel_loop3A_1285 : i32 to index
          %parallel_loop3A_1309 = arith.index_cast %parallel_loop3A_1305 : i32 to index
          %parallel_loop3A_1310 = tpu.vector_load %arg7[%parallel_loop3A_1307, %parallel_loop3A_1308, %parallel_loop3A_1309] {strides = array<i32>} : memref<2x128x128xf32, #tpu.memory_space<vmem>>, vector<1x1x16xf32>,
          %parallel_loop3A_1311 = vector.shape_cast %parallel_loop3A_1310 : vector<1x1x16xf32> to vector<16xf32>
          %parallel_loop3A_1312 = arith.constant 8.000000e+00 : f32
          %parallel_loop3A_1313 = vector.broadcast %parallel_loop3A_1312 : f32 to vector<16xf32>
          %parallel_loop3A_1314 = arith.mulf %parallel_loop3A_1311, %parallel_loop3A_1313 : vector<16xf32>
          %parallel_loop3A_1315 = arith.constant 0 : i32
          %parallel_loop3A_1316 = arith.index_cast %parallel_loop3A_1315 : i32 to index
          %parallel_loop3A_1317 = arith.index_cast %parallel_loop3A_1285 : i32 to index
          %parallel_loop3A_1318 = arith.constant 16 : index
          %parallel_loop3A_1319 = tpu.vector_load %arg8[%parallel_loop3A_1316, %parallel_loop3A_1317, %parallel_loop3A_1318] {strides = array<i32>} : memref<2x128x64xf32, #tpu.memory_space<vmem>>, vector<1x1x16xf32>,
          %parallel_loop3A_1320 = vector.shape_cast %parallel_loop3A_1319 : vector<1x1x16xf32> to vector<16xf32>
          %parallel_loop3A_1321 = vector.shape_cast %parallel_loop3A_1314 : vector<16xf32> to vector<1x1x16xf32>
          tpu.vector_store %arg8[%parallel_loop3A_1316, %parallel_loop3A_1317, %parallel_loop3A_1318], %parallel_loop3A_1321 {strides = array<i32>} : memref<2x128x64xf32, #tpu.memory_space<vmem>>, vector<1x1x16xf32>,
          %parallel_loop3A_1322 = arith.constant 32 : i32
          %parallel_loop3A_1323 = arith.addi %parallel_loop3A_1281, %parallel_loop3A_1322 : i32
          %parallel_loop3A_1324 = arith.constant 0 : i32
          %parallel_loop3A_1325 = arith.index_cast %parallel_loop3A_1324 : i32 to index
          %parallel_loop3A_1326 = arith.index_cast %parallel_loop3A_1285 : i32 to index
          %parallel_loop3A_1327 = arith.index_cast %parallel_loop3A_1323 : i32 to index
          %parallel_loop3A_1328 = tpu.vector_load %arg7[%parallel_loop3A_1325, %parallel_loop3A_1326, %parallel_loop3A_1327] {strides = array<i32>} : memref<2x128x128xf32, #tpu.memory_space<vmem>>, vector<1x1x16xf32>,
          %parallel_loop3A_1329 = vector.shape_cast %parallel_loop3A_1328 : vector<1x1x16xf32> to vector<16xf32>
          %parallel_loop3A_1330 = arith.constant 8.000000e+00 : f32
          %parallel_loop3A_1331 = vector.broadcast %parallel_loop3A_1330 : f32 to vector<16xf32>
          %parallel_loop3A_1332 = arith.mulf %parallel_loop3A_1329, %parallel_loop3A_1331 : vector<16xf32>
          %parallel_loop3A_1333 = arith.constant 0 : i32
          %parallel_loop3A_1334 = arith.index_cast %parallel_loop3A_1333 : i32 to index
          %parallel_loop3A_1335 = arith.index_cast %parallel_loop3A_1285 : i32 to index
          %parallel_loop3A_1336 = arith.constant 32 : index
          %parallel_loop3A_1337 = tpu.vector_load %arg8[%parallel_loop3A_1334, %parallel_loop3A_1335, %parallel_loop3A_1336] {strides = array<i32>} : memref<2x128x64xf32, #tpu.memory_space<vmem>>, vector<1x1x16xf32>,
          %parallel_loop3A_1338 = vector.shape_cast %parallel_loop3A_1337 : vector<1x1x16xf32> to vector<16xf32>
          %parallel_loop3A_1339 = vector.shape_cast %parallel_loop3A_1332 : vector<16xf32> to vector<1x1x16xf32>
          tpu.vector_store %arg8[%parallel_loop3A_1334, %parallel_loop3A_1335, %parallel_loop3A_1336], %parallel_loop3A_1339 {strides = array<i32>} : memref<2x128x64xf32, #tpu.memory_space<vmem>>, vector<1x1x16xf32>,
          %parallel_loop3A_1340 = arith.constant 48 : i32
          %parallel_loop3A_1341 = arith.addi %parallel_loop3A_1281, %parallel_loop3A_1340 : i32
          %parallel_loop3A_1342 = arith.constant 0 : i32
          %parallel_loop3A_1343 = arith.index_cast %parallel_loop3A_1342 : i32 to index
          %parallel_loop3A_1344 = arith.index_cast %parallel_loop3A_1285 : i32 to index
          %parallel_loop3A_1345 = arith.index_cast %parallel_loop3A_1341 : i32 to index
          %parallel_loop3A_1346 = tpu.vector_load %arg7[%parallel_loop3A_1343, %parallel_loop3A_1344, %parallel_loop3A_1345] {strides = array<i32>} : memref<2x128x128xf32, #tpu.memory_space<vmem>>, vector<1x1x16xf32>,
          %parallel_loop3A_1347 = vector.shape_cast %parallel_loop3A_1346 : vector<1x1x16xf32> to vector<16xf32>
          %parallel_loop3A_1348 = arith.constant 8.000000e+00 : f32
          %parallel_loop3A_1349 = vector.broadcast %parallel_loop3A_1348 : f32 to vector<16xf32>
          %parallel_loop3A_1350 = arith.mulf %parallel_loop3A_1347, %parallel_loop3A_1349 : vector<16xf32>
          %parallel_loop3A_1351 = arith.constant 0 : i32
          %parallel_loop3A_1352 = arith.index_cast %parallel_loop3A_1351 : i32 to index
          %parallel_loop3A_1353 = arith.index_cast %parallel_loop3A_1285 : i32 to index
          %parallel_loop3A_1354 = arith.constant 48 : index
          %parallel_loop3A_1355 = tpu.vector_load %arg8[%parallel_loop3A_1352, %parallel_loop3A_1353, %parallel_loop3A_1354] {strides = array<i32>} : memref<2x128x64xf32, #tpu.memory_space<vmem>>, vector<1x1x16xf32>,
          %parallel_loop3A_1356 = vector.shape_cast %parallel_loop3A_1355 : vector<1x1x16xf32> to vector<16xf32>
          %parallel_loop3A_1357 = vector.shape_cast %parallel_loop3A_1350 : vector<16xf32> to vector<1x1x16xf32>
          tpu.vector_store %arg8[%parallel_loop3A_1352, %parallel_loop3A_1353, %parallel_loop3A_1354], %parallel_loop3A_1357 {strides = array<i32>} : memref<2x128x64xf32, #tpu.memory_space<vmem>>, vector<1x1x16xf32>,
          %parallel_loop3A_1358 = vector.extract_strided_slice %parallel_loop3A_237 {offsets = [14], sizes = [1], strides = [1]} : vector<16xi32> to vector<1xi32>
          %parallel_loop3A_1359 = vector.extract %parallel_loop3A_1358[0] : i32 from vector<1xi32>
          %parallel_loop3A_1360 = arith.constant 64 : i32
          %parallel_loop3A_1361 = arith.muli %parallel_loop3A_1359, %parallel_loop3A_1360 : i32
          %parallel_loop3A_1362 = arith.constant 16 : i32
          %parallel_loop3A_1363 = arith.muli %parallel_loop3A_228, %parallel_loop3A_1362 : i32
          %parallel_loop3A_1364 = arith.constant 14 : i32
          %parallel_loop3A_1365 = arith.addi %parallel_loop3A_1363, %parallel_loop3A_1364 : i32
          %parallel_loop3A_1366 = arith.constant 0 : i32
          %parallel_loop3A_1367 = arith.addi %parallel_loop3A_1361, %parallel_loop3A_1366 : i32
          %parallel_loop3A_1368 = arith.constant 0 : i32
          %parallel_loop3A_1369 = arith.index_cast %parallel_loop3A_1368 : i32 to index
          %parallel_loop3A_1370 = arith.index_cast %parallel_loop3A_1365 : i32 to index
          %parallel_loop3A_1371 = arith.index_cast %parallel_loop3A_1367 : i32 to index
          %parallel_loop3A_1372 = tpu.vector_load %arg7[%parallel_loop3A_1369, %parallel_loop3A_1370, %parallel_loop3A_1371] {strides = array<i32>} : memref<2x128x128xf32, #tpu.memory_space<vmem>>, vector<1x1x16xf32>,
          %parallel_loop3A_1373 = vector.shape_cast %parallel_loop3A_1372 : vector<1x1x16xf32> to vector<16xf32>
          %parallel_loop3A_1374 = arith.constant 8.000000e+00 : f32
          %parallel_loop3A_1375 = vector.broadcast %parallel_loop3A_1374 : f32 to vector<16xf32>
          %parallel_loop3A_1376 = arith.mulf %parallel_loop3A_1373, %parallel_loop3A_1375 : vector<16xf32>
          %parallel_loop3A_1377 = arith.constant 0 : i32
          %parallel_loop3A_1378 = arith.index_cast %parallel_loop3A_1377 : i32 to index
          %parallel_loop3A_1379 = arith.index_cast %parallel_loop3A_1365 : i32 to index
          %parallel_loop3A_1380 = arith.constant 0 : index
          %parallel_loop3A_1381 = tpu.vector_load %arg8[%parallel_loop3A_1378, %parallel_loop3A_1379, %parallel_loop3A_1380] {strides = array<i32>} : memref<2x128x64xf32, #tpu.memory_space<vmem>>, vector<1x1x16xf32>,
          %parallel_loop3A_1382 = vector.shape_cast %parallel_loop3A_1381 : vector<1x1x16xf32> to vector<16xf32>
          %parallel_loop3A_1383 = vector.shape_cast %parallel_loop3A_1376 : vector<16xf32> to vector<1x1x16xf32>
          tpu.vector_store %arg8[%parallel_loop3A_1378, %parallel_loop3A_1379, %parallel_loop3A_1380], %parallel_loop3A_1383 {strides = array<i32>} : memref<2x128x64xf32, #tpu.memory_space<vmem>>, vector<1x1x16xf32>,
          %parallel_loop3A_1384 = arith.constant 16 : i32
          %parallel_loop3A_1385 = arith.addi %parallel_loop3A_1361, %parallel_loop3A_1384 : i32
          %parallel_loop3A_1386 = arith.constant 0 : i32
          %parallel_loop3A_1387 = arith.index_cast %parallel_loop3A_1386 : i32 to index
          %parallel_loop3A_1388 = arith.index_cast %parallel_loop3A_1365 : i32 to index
          %parallel_loop3A_1389 = arith.index_cast %parallel_loop3A_1385 : i32 to index
          %parallel_loop3A_1390 = tpu.vector_load %arg7[%parallel_loop3A_1387, %parallel_loop3A_1388, %parallel_loop3A_1389] {strides = array<i32>} : memref<2x128x128xf32, #tpu.memory_space<vmem>>, vector<1x1x16xf32>,
          %parallel_loop3A_1391 = vector.shape_cast %parallel_loop3A_1390 : vector<1x1x16xf32> to vector<16xf32>
          %parallel_loop3A_1392 = arith.constant 8.000000e+00 : f32
          %parallel_loop3A_1393 = vector.broadcast %parallel_loop3A_1392 : f32 to vector<16xf32>
          %parallel_loop3A_1394 = arith.mulf %parallel_loop3A_1391, %parallel_loop3A_1393 : vector<16xf32>
          %parallel_loop3A_1395 = arith.constant 0 : i32
          %parallel_loop3A_1396 = arith.index_cast %parallel_loop3A_1395 : i32 to index
          %parallel_loop3A_1397 = arith.index_cast %parallel_loop3A_1365 : i32 to index
          %parallel_loop3A_1398 = arith.constant 16 : index
          %parallel_loop3A_1399 = tpu.vector_load %arg8[%parallel_loop3A_1396, %parallel_loop3A_1397, %parallel_loop3A_1398] {strides = array<i32>} : memref<2x128x64xf32, #tpu.memory_space<vmem>>, vector<1x1x16xf32>,
          %parallel_loop3A_1400 = vector.shape_cast %parallel_loop3A_1399 : vector<1x1x16xf32> to vector<16xf32>
          %parallel_loop3A_1401 = vector.shape_cast %parallel_loop3A_1394 : vector<16xf32> to vector<1x1x16xf32>
          tpu.vector_store %arg8[%parallel_loop3A_1396, %parallel_loop3A_1397, %parallel_loop3A_1398], %parallel_loop3A_1401 {strides = array<i32>} : memref<2x128x64xf32, #tpu.memory_space<vmem>>, vector<1x1x16xf32>,
          %parallel_loop3A_1402 = arith.constant 32 : i32
          %parallel_loop3A_1403 = arith.addi %parallel_loop3A_1361, %parallel_loop3A_1402 : i32
          %parallel_loop3A_1404 = arith.constant 0 : i32
          %parallel_loop3A_1405 = arith.index_cast %parallel_loop3A_1404 : i32 to index
          %parallel_loop3A_1406 = arith.index_cast %parallel_loop3A_1365 : i32 to index
          %parallel_loop3A_1407 = arith.index_cast %parallel_loop3A_1403 : i32 to index
          %parallel_loop3A_1408 = tpu.vector_load %arg7[%parallel_loop3A_1405, %parallel_loop3A_1406, %parallel_loop3A_1407] {strides = array<i32>} : memref<2x128x128xf32, #tpu.memory_space<vmem>>, vector<1x1x16xf32>,
          %parallel_loop3A_1409 = vector.shape_cast %parallel_loop3A_1408 : vector<1x1x16xf32> to vector<16xf32>
          %parallel_loop3A_1410 = arith.constant 8.000000e+00 : f32
          %parallel_loop3A_1411 = vector.broadcast %parallel_loop3A_1410 : f32 to vector<16xf32>
          %parallel_loop3A_1412 = arith.mulf %parallel_loop3A_1409, %parallel_loop3A_1411 : vector<16xf32>
          %parallel_loop3A_1413 = arith.constant 0 : i32
          %parallel_loop3A_1414 = arith.index_cast %parallel_loop3A_1413 : i32 to index
          %parallel_loop3A_1415 = arith.index_cast %parallel_loop3A_1365 : i32 to index
          %parallel_loop3A_1416 = arith.constant 32 : index
          %parallel_loop3A_1417 = tpu.vector_load %arg8[%parallel_loop3A_1414, %parallel_loop3A_1415, %parallel_loop3A_1416] {strides = array<i32>} : memref<2x128x64xf32, #tpu.memory_space<vmem>>, vector<1x1x16xf32>,
          %parallel_loop3A_1418 = vector.shape_cast %parallel_loop3A_1417 : vector<1x1x16xf32> to vector<16xf32>
          %parallel_loop3A_1419 = vector.shape_cast %parallel_loop3A_1412 : vector<16xf32> to vector<1x1x16xf32>
          tpu.vector_store %arg8[%parallel_loop3A_1414, %parallel_loop3A_1415, %parallel_loop3A_1416], %parallel_loop3A_1419 {strides = array<i32>} : memref<2x128x64xf32, #tpu.memory_space<vmem>>, vector<1x1x16xf32>,
          %parallel_loop3A_1420 = arith.constant 48 : i32
          %parallel_loop3A_1421 = arith.addi %parallel_loop3A_1361, %parallel_loop3A_1420 : i32
          %parallel_loop3A_1422 = arith.constant 0 : i32
          %parallel_loop3A_1423 = arith.index_cast %parallel_loop3A_1422 : i32 to index
          %parallel_loop3A_1424 = arith.index_cast %parallel_loop3A_1365 : i32 to index
          %parallel_loop3A_1425 = arith.index_cast %parallel_loop3A_1421 : i32 to index
          %parallel_loop3A_1426 = tpu.vector_load %arg7[%parallel_loop3A_1423, %parallel_loop3A_1424, %parallel_loop3A_1425] {strides = array<i32>} : memref<2x128x128xf32, #tpu.memory_space<vmem>>, vector<1x1x16xf32>,
          %parallel_loop3A_1427 = vector.shape_cast %parallel_loop3A_1426 : vector<1x1x16xf32> to vector<16xf32>
          %parallel_loop3A_1428 = arith.constant 8.000000e+00 : f32
          %parallel_loop3A_1429 = vector.broadcast %parallel_loop3A_1428 : f32 to vector<16xf32>
          %parallel_loop3A_1430 = arith.mulf %parallel_loop3A_1427, %parallel_loop3A_1429 : vector<16xf32>
          %parallel_loop3A_1431 = arith.constant 0 : i32
          %parallel_loop3A_1432 = arith.index_cast %parallel_loop3A_1431 : i32 to index
          %parallel_loop3A_1433 = arith.index_cast %parallel_loop3A_1365 : i32 to index
          %parallel_loop3A_1434 = arith.constant 48 : index
          %parallel_loop3A_1435 = tpu.vector_load %arg8[%parallel_loop3A_1432, %parallel_loop3A_1433, %parallel_loop3A_1434] {strides = array<i32>} : memref<2x128x64xf32, #tpu.memory_space<vmem>>, vector<1x1x16xf32>,
          %parallel_loop3A_1436 = vector.shape_cast %parallel_loop3A_1435 : vector<1x1x16xf32> to vector<16xf32>
          %parallel_loop3A_1437 = vector.shape_cast %parallel_loop3A_1430 : vector<16xf32> to vector<1x1x16xf32>
          tpu.vector_store %arg8[%parallel_loop3A_1432, %parallel_loop3A_1433, %parallel_loop3A_1434], %parallel_loop3A_1437 {strides = array<i32>} : memref<2x128x64xf32, #tpu.memory_space<vmem>>, vector<1x1x16xf32>,
          %parallel_loop3A_1438 = vector.extract_strided_slice %parallel_loop3A_237 {offsets = [15], sizes = [1], strides = [1]} : vector<16xi32> to vector<1xi32>
          %parallel_loop3A_1439 = vector.extract %parallel_loop3A_1438[0] : i32 from vector<1xi32>
          %parallel_loop3A_1440 = arith.constant 64 : i32
          %parallel_loop3A_1441 = arith.muli %parallel_loop3A_1439, %parallel_loop3A_1440 : i32
          %parallel_loop3A_1442 = arith.constant 16 : i32
          %parallel_loop3A_1443 = arith.muli %parallel_loop3A_228, %parallel_loop3A_1442 : i32
          %parallel_loop3A_1444 = arith.constant 15 : i32
          %parallel_loop3A_1445 = arith.addi %parallel_loop3A_1443, %parallel_loop3A_1444 : i32
          %parallel_loop3A_1446 = arith.constant 0 : i32
          %parallel_loop3A_1447 = arith.addi %parallel_loop3A_1441, %parallel_loop3A_1446 : i32
          %parallel_loop3A_1448 = arith.constant 0 : i32
          %parallel_loop3A_1449 = arith.index_cast %parallel_loop3A_1448 : i32 to index
          %parallel_loop3A_1450 = arith.index_cast %parallel_loop3A_1445 : i32 to index
          %parallel_loop3A_1451 = arith.index_cast %parallel_loop3A_1447 : i32 to index
          %parallel_loop3A_1452 = tpu.vector_load %arg7[%parallel_loop3A_1449, %parallel_loop3A_1450, %parallel_loop3A_1451] {strides = array<i32>} : memref<2x128x128xf32, #tpu.memory_space<vmem>>, vector<1x1x16xf32>,
          %parallel_loop3A_1453 = vector.shape_cast %parallel_loop3A_1452 : vector<1x1x16xf32> to vector<16xf32>
          %parallel_loop3A_1454 = arith.constant 8.000000e+00 : f32
          %parallel_loop3A_1455 = vector.broadcast %parallel_loop3A_1454 : f32 to vector<16xf32>
          %parallel_loop3A_1456 = arith.mulf %parallel_loop3A_1453, %parallel_loop3A_1455 : vector<16xf32>
          %parallel_loop3A_1457 = arith.constant 0 : i32
          %parallel_loop3A_1458 = arith.index_cast %parallel_loop3A_1457 : i32 to index
          %parallel_loop3A_1459 = arith.index_cast %parallel_loop3A_1445 : i32 to index
          %parallel_loop3A_1460 = arith.constant 0 : index
          %parallel_loop3A_1461 = tpu.vector_load %arg8[%parallel_loop3A_1458, %parallel_loop3A_1459, %parallel_loop3A_1460] {strides = array<i32>} : memref<2x128x64xf32, #tpu.memory_space<vmem>>, vector<1x1x16xf32>,
          %parallel_loop3A_1462 = vector.shape_cast %parallel_loop3A_1461 : vector<1x1x16xf32> to vector<16xf32>
          %parallel_loop3A_1463 = vector.shape_cast %parallel_loop3A_1456 : vector<16xf32> to vector<1x1x16xf32>
          tpu.vector_store %arg8[%parallel_loop3A_1458, %parallel_loop3A_1459, %parallel_loop3A_1460], %parallel_loop3A_1463 {strides = array<i32>} : memref<2x128x64xf32, #tpu.memory_space<vmem>>, vector<1x1x16xf32>,
          %parallel_loop3A_1464 = arith.constant 16 : i32
          %parallel_loop3A_1465 = arith.addi %parallel_loop3A_1441, %parallel_loop3A_1464 : i32
          %parallel_loop3A_1466 = arith.constant 0 : i32
          %parallel_loop3A_1467 = arith.index_cast %parallel_loop3A_1466 : i32 to index
          %parallel_loop3A_1468 = arith.index_cast %parallel_loop3A_1445 : i32 to index
          %parallel_loop3A_1469 = arith.index_cast %parallel_loop3A_1465 : i32 to index
          %parallel_loop3A_1470 = tpu.vector_load %arg7[%parallel_loop3A_1467, %parallel_loop3A_1468, %parallel_loop3A_1469] {strides = array<i32>} : memref<2x128x128xf32, #tpu.memory_space<vmem>>, vector<1x1x16xf32>,
          %parallel_loop3A_1471 = vector.shape_cast %parallel_loop3A_1470 : vector<1x1x16xf32> to vector<16xf32>
          %parallel_loop3A_1472 = arith.constant 8.000000e+00 : f32
          %parallel_loop3A_1473 = vector.broadcast %parallel_loop3A_1472 : f32 to vector<16xf32>
          %parallel_loop3A_1474 = arith.mulf %parallel_loop3A_1471, %parallel_loop3A_1473 : vector<16xf32>
          %parallel_loop3A_1475 = arith.constant 0 : i32
          %parallel_loop3A_1476 = arith.index_cast %parallel_loop3A_1475 : i32 to index
          %parallel_loop3A_1477 = arith.index_cast %parallel_loop3A_1445 : i32 to index
          %parallel_loop3A_1478 = arith.constant 16 : index
          %parallel_loop3A_1479 = tpu.vector_load %arg8[%parallel_loop3A_1476, %parallel_loop3A_1477, %parallel_loop3A_1478] {strides = array<i32>} : memref<2x128x64xf32, #tpu.memory_space<vmem>>, vector<1x1x16xf32>,
          %parallel_loop3A_1480 = vector.shape_cast %parallel_loop3A_1479 : vector<1x1x16xf32> to vector<16xf32>
          %parallel_loop3A_1481 = vector.shape_cast %parallel_loop3A_1474 : vector<16xf32> to vector<1x1x16xf32>
          tpu.vector_store %arg8[%parallel_loop3A_1476, %parallel_loop3A_1477, %parallel_loop3A_1478], %parallel_loop3A_1481 {strides = array<i32>} : memref<2x128x64xf32, #tpu.memory_space<vmem>>, vector<1x1x16xf32>,
          %parallel_loop3A_1482 = arith.constant 32 : i32
          %parallel_loop3A_1483 = arith.addi %parallel_loop3A_1441, %parallel_loop3A_1482 : i32
          %parallel_loop3A_1484 = arith.constant 0 : i32
          %parallel_loop3A_1485 = arith.index_cast %parallel_loop3A_1484 : i32 to index
          %parallel_loop3A_1486 = arith.index_cast %parallel_loop3A_1445 : i32 to index
          %parallel_loop3A_1487 = arith.index_cast %parallel_loop3A_1483 : i32 to index
          %parallel_loop3A_1488 = tpu.vector_load %arg7[%parallel_loop3A_1485, %parallel_loop3A_1486, %parallel_loop3A_1487] {strides = array<i32>} : memref<2x128x128xf32, #tpu.memory_space<vmem>>, vector<1x1x16xf32>,
          %parallel_loop3A_1489 = vector.shape_cast %parallel_loop3A_1488 : vector<1x1x16xf32> to vector<16xf32>
          %parallel_loop3A_1490 = arith.constant 8.000000e+00 : f32
          %parallel_loop3A_1491 = vector.broadcast %parallel_loop3A_1490 : f32 to vector<16xf32>
          %parallel_loop3A_1492 = arith.mulf %parallel_loop3A_1489, %parallel_loop3A_1491 : vector<16xf32>
          %parallel_loop3A_1493 = arith.constant 0 : i32
          %parallel_loop3A_1494 = arith.index_cast %parallel_loop3A_1493 : i32 to index
          %parallel_loop3A_1495 = arith.index_cast %parallel_loop3A_1445 : i32 to index
          %parallel_loop3A_1496 = arith.constant 32 : index
          %parallel_loop3A_1497 = tpu.vector_load %arg8[%parallel_loop3A_1494, %parallel_loop3A_1495, %parallel_loop3A_1496] {strides = array<i32>} : memref<2x128x64xf32, #tpu.memory_space<vmem>>, vector<1x1x16xf32>,
          %parallel_loop3A_1498 = vector.shape_cast %parallel_loop3A_1497 : vector<1x1x16xf32> to vector<16xf32>
          %parallel_loop3A_1499 = vector.shape_cast %parallel_loop3A_1492 : vector<16xf32> to vector<1x1x16xf32>
          tpu.vector_store %arg8[%parallel_loop3A_1494, %parallel_loop3A_1495, %parallel_loop3A_1496], %parallel_loop3A_1499 {strides = array<i32>} : memref<2x128x64xf32, #tpu.memory_space<vmem>>, vector<1x1x16xf32>,
          %parallel_loop3A_1500 = arith.constant 48 : i32
          %parallel_loop3A_1501 = arith.addi %parallel_loop3A_1441, %parallel_loop3A_1500 : i32
          %parallel_loop3A_1502 = arith.constant 0 : i32
          %parallel_loop3A_1503 = arith.index_cast %parallel_loop3A_1502 : i32 to index
          %parallel_loop3A_1504 = arith.index_cast %parallel_loop3A_1445 : i32 to index
          %parallel_loop3A_1505 = arith.index_cast %parallel_loop3A_1501 : i32 to index
          %parallel_loop3A_1506 = tpu.vector_load %arg7[%parallel_loop3A_1503, %parallel_loop3A_1504, %parallel_loop3A_1505] {strides = array<i32>} : memref<2x128x128xf32, #tpu.memory_space<vmem>>, vector<1x1x16xf32>,
          %parallel_loop3A_1507 = vector.shape_cast %parallel_loop3A_1506 : vector<1x1x16xf32> to vector<16xf32>
          %parallel_loop3A_1508 = arith.constant 8.000000e+00 : f32
          %parallel_loop3A_1509 = vector.broadcast %parallel_loop3A_1508 : f32 to vector<16xf32>
          %parallel_loop3A_1510 = arith.mulf %parallel_loop3A_1507, %parallel_loop3A_1509 : vector<16xf32>
          %parallel_loop3A_1511 = arith.constant 0 : i32
          %parallel_loop3A_1512 = arith.index_cast %parallel_loop3A_1511 : i32 to index
          %parallel_loop3A_1513 = arith.index_cast %parallel_loop3A_1445 : i32 to index
          %parallel_loop3A_1514 = arith.constant 48 : index
          %parallel_loop3A_1515 = tpu.vector_load %arg8[%parallel_loop3A_1512, %parallel_loop3A_1513, %parallel_loop3A_1514] {strides = array<i32>} : memref<2x128x64xf32, #tpu.memory_space<vmem>>, vector<1x1x16xf32>,
          %parallel_loop3A_1516 = vector.shape_cast %parallel_loop3A_1515 : vector<1x1x16xf32> to vector<16xf32>
          %parallel_loop3A_1517 = vector.shape_cast %parallel_loop3A_1510 : vector<16xf32> to vector<1x1x16xf32>
          tpu.vector_store %arg8[%parallel_loop3A_1512, %parallel_loop3A_1513, %parallel_loop3A_1514], %parallel_loop3A_1517 {strides = array<i32>} : memref<2x128x64xf32, #tpu.memory_space<vmem>>, vector<1x1x16xf32>,
        } {sc.loop_unroll_factor = 1 : i64, sc.parallel_access}
        %mul3A_209 = arith.constant 128 : i32
        %mul3A_210 = arith.muli %scan3A_171, %mul3A_209 : i32
        %add3A_211 = arith.addi %mul3A_6, %mul3A_210 : i32
        %multiple_of3A = tpu.assume_multiple %add3A_211, 8 : i32
        %dma_start3A_212 = arith.constant 0 : i32
        %dma_start3A_213 = arith.constant 0 : i32
        %dma_start3A_214 = arith.constant 0 : i32
        %dma_start3A_215 = arith.constant 0 : i32
        %dma_start3A_216 = tpu.memref_slice %arg8[%dma_start3A_212, %dma_start3A_214, %dma_start3A_215] : memref<2x128x64xf32, #tpu.memory_space<vmem>> -> memref<1x128x64xf32, #tpu.memory_space<vmem>>
        %dma_start3A_217 = tpu.memref_squeeze %dma_start3A_216 : memref<1x128x64xf32, #tpu.memory_space<vmem>> -> memref<128x64xf32, #tpu.memory_space<vmem>>
        %dma_start3A_218 = arith.constant 0 : i32
        %dma_start3A_219 = tpu.memref_slice %arg4[%multiple_of3A, %dma_start3A_218] : memref<819200x64xf32, #tpu.memory_space<hbm>> -> memref<128x64xf32, #tpu.memory_space<hbm>>
        %dma_start3A_220 = tpu.memref_slice %arg10[%dma_start3A_213] : memref<2x!tpu.dma_semaphore, #tpu.memory_space<semaphore_mem>> -> memref<1x!tpu.dma_semaphore, #tpu.memory_space<semaphore_mem>>
        %dma_start3A_221 = tpu.memref_squeeze %dma_start3A_220 : memref<1x!tpu.dma_semaphore, #tpu.memory_space<semaphore_mem>> -> memref<!tpu.dma_semaphore, #tpu.memory_space<semaphore_mem>>
        %dma_start3A_222 = arith.constant 0 : i32
        %dma_start3A_223 = tpu.memref_slice %arg4[%multiple_of3A, %dma_start3A_222] : memref<819200x64xf32, #tpu.memory_space<hbm>> -> memref<128x64xf32, #tpu.memory_space<hbm>>
        %dma_start3A_224 = arith.constant 0 : i32
        %dma_start3A_225 = arith.constant 0 : i32
        %dma_start3A_226 = tpu.memref_slice %arg8[%dma_start3A_212, %dma_start3A_224, %dma_start3A_225] : memref<2x128x64xf32, #tpu.memory_space<vmem>> -> memref<1x128x64xf32, #tpu.memory_space<vmem>>
        %dma_start3A_227 = tpu.memref_squeeze %dma_start3A_226 : memref<1x128x64xf32, #tpu.memory_space<vmem>> -> memref<128x64xf32, #tpu.memory_space<vmem>>
        tpu.enqueue_dma source(%dma_start3A_227 : memref<128x64xf32, #tpu.memory_space<vmem>>) target(%dma_start3A_223 : memref<128x64xf32, #tpu.memory_space<hbm>>) target_semaphore(%dma_start3A_221 : memref<!tpu.dma_semaphore, #tpu.memory_space<semaphore_mem>>)
      } else {
      }
      %eq3A_176 = arith.constant 1 : i32
      %eq3A_177 = arith.cmpi eq, %rem3A_173, %eq3A_176 : i32
      %convert_element_type3A_178 = arith.extui %eq3A_177 : i1 to i32
      %cond3A_179 = arith.constant 0 : i32
      %cond3A_180 = arith.cmpi ne, %convert_element_type3A_178, %cond3A_179 : i32
      scf.if %cond3A_180 {
        %add3A_182 = arith.constant 1 : i32
        %add3A_183 = arith.addi %scan3A_171, %add3A_182 : i32
        %lt3A = arith.constant 200 : i32
        %lt3A_184 = arith.cmpi slt, %add3A_183, %lt3A : i32
        %convert_element_type3A_185 = arith.extui %lt3A_184 : i1 to i32
        %cond3A_186 = arith.constant 0 : i32
        %cond3A_187 = arith.cmpi ne, %convert_element_type3A_185, %cond3A_186 : i32
        scf.if %cond3A_187 {
          %add3A_228 = arith.constant 1 : i32
          %add3A_229 = arith.addi %scan3A_171, %add3A_228 : i32
          %get3A_230 = arith.index_cast %add3A_229 : i32 to index
          %get3A_231 = arith.constant 0 : index
          %get3A_232 = tpu.vector_load %arg5[%get3A_230, %get3A_231] {strides = array<i32>} : memref<200x128xi32, #tpu.memory_space<vmem>>, vector<1x16xi32>,
          %get3A_233 = vector.shape_cast %get3A_232 : vector<1x16xi32> to vector<16xi32>
          %shift_right_arithmetic3A_234 = arith.constant 1 : i32
          %shift_right_arithmetic3A_235 = vector.broadcast %shift_right_arithmetic3A_234 : i32 to vector<16xi32>
          %shift_right_arithmetic3A_236 = arith.shrsi %get3A_233, %shift_right_arithmetic3A_235 : vector<16xi32>
          %swap3A_237 = arith.constant 0 : i32
          %swap3A_238 = arith.index_cast %swap3A_237 : i32 to index
          %swap3A_239 = arith.constant 0 : index
          %swap3A_240 = tpu.vector_load %arg6[%swap3A_238, %swap3A_239] {strides = array<i32>} : memref<2x128xi32, #tpu.memory_space<vmem>>, vector<1x16xi32>,
          %swap3A_241 = vector.shape_cast %swap3A_240 : vector<1x16xi32> to vector<16xi32>
          %swap3A_242 = vector.shape_cast %shift_right_arithmetic3A_236 : vector<16xi32> to vector<1x16xi32>
          tpu.vector_store %arg6[%swap3A_238, %swap3A_239], %swap3A_242 {strides = array<i32>} : memref<2x128xi32, #tpu.memory_space<vmem>>, vector<1x16xi32>,
          %get3A_243 = arith.index_cast %add3A_229 : i32 to index
          %get3A_244 = arith.constant 16 : index
          %get3A_245 = tpu.vector_load %arg5[%get3A_243, %get3A_244] {strides = array<i32>} : memref<200x128xi32, #tpu.memory_space<vmem>>, vector<1x16xi32>,
          %get3A_246 = vector.shape_cast %get3A_245 : vector<1x16xi32> to vector<16xi32>
          %shift_right_arithmetic3A_247 = arith.constant 1 : i32
          %shift_right_arithmetic3A_248 = vector.broadcast %shift_right_arithmetic3A_247 : i32 to vector<16xi32>
          %shift_right_arithmetic3A_249 = arith.shrsi %get3A_246, %shift_right_arithmetic3A_248 : vector<16xi32>
          %swap3A_250 = arith.constant 0 : i32
          %swap3A_251 = arith.index_cast %swap3A_250 : i32 to index
          %swap3A_252 = arith.constant 16 : index
          %swap3A_253 = tpu.vector_load %arg6[%swap3A_251, %swap3A_252] {strides = array<i32>} : memref<2x128xi32, #tpu.memory_space<vmem>>, vector<1x16xi32>,
          %swap3A_254 = vector.shape_cast %swap3A_253 : vector<1x16xi32> to vector<16xi32>
          %swap3A_255 = vector.shape_cast %shift_right_arithmetic3A_249 : vector<16xi32> to vector<1x16xi32>
          tpu.vector_store %arg6[%swap3A_251, %swap3A_252], %swap3A_255 {strides = array<i32>} : memref<2x128xi32, #tpu.memory_space<vmem>>, vector<1x16xi32>,
          %get3A_256 = arith.index_cast %add3A_229 : i32 to index
          %get3A_257 = arith.constant 32 : index
          %get3A_258 = tpu.vector_load %arg5[%get3A_256, %get3A_257] {strides = array<i32>} : memref<200x128xi32, #tpu.memory_space<vmem>>, vector<1x16xi32>,
          %get3A_259 = vector.shape_cast %get3A_258 : vector<1x16xi32> to vector<16xi32>
          %shift_right_arithmetic3A_260 = arith.constant 1 : i32
          %shift_right_arithmetic3A_261 = vector.broadcast %shift_right_arithmetic3A_260 : i32 to vector<16xi32>
          %shift_right_arithmetic3A_262 = arith.shrsi %get3A_259, %shift_right_arithmetic3A_261 : vector<16xi32>
          %swap3A_263 = arith.constant 0 : i32
          %swap3A_264 = arith.index_cast %swap3A_263 : i32 to index
          %swap3A_265 = arith.constant 32 : index
          %swap3A_266 = tpu.vector_load %arg6[%swap3A_264, %swap3A_265] {strides = array<i32>} : memref<2x128xi32, #tpu.memory_space<vmem>>, vector<1x16xi32>,
          %swap3A_267 = vector.shape_cast %swap3A_266 : vector<1x16xi32> to vector<16xi32>
          %swap3A_268 = vector.shape_cast %shift_right_arithmetic3A_262 : vector<16xi32> to vector<1x16xi32>
          tpu.vector_store %arg6[%swap3A_264, %swap3A_265], %swap3A_268 {strides = array<i32>} : memref<2x128xi32, #tpu.memory_space<vmem>>, vector<1x16xi32>,
          %get3A_269 = arith.index_cast %add3A_229 : i32 to index
          %get3A_270 = arith.constant 48 : index
          %get3A_271 = tpu.vector_load %arg5[%get3A_269, %get3A_270] {strides = array<i32>} : memref<200x128xi32, #tpu.memory_space<vmem>>, vector<1x16xi32>,
          %get3A_272 = vector.shape_cast %get3A_271 : vector<1x16xi32> to vector<16xi32>
          %shift_right_arithmetic3A_273 = arith.constant 1 : i32
          %shift_right_arithmetic3A_274 = vector.broadcast %shift_right_arithmetic3A_273 : i32 to vector<16xi32>
          %shift_right_arithmetic3A_275 = arith.shrsi %get3A_272, %shift_right_arithmetic3A_274 : vector<16xi32>
          %swap3A_276 = arith.constant 0 : i32
          %swap3A_277 = arith.index_cast %swap3A_276 : i32 to index
          %swap3A_278 = arith.constant 48 : index
          %swap3A_279 = tpu.vector_load %arg6[%swap3A_277, %swap3A_278] {strides = array<i32>} : memref<2x128xi32, #tpu.memory_space<vmem>>, vector<1x16xi32>,
          %swap3A_280 = vector.shape_cast %swap3A_279 : vector<1x16xi32> to vector<16xi32>
          %swap3A_281 = vector.shape_cast %shift_right_arithmetic3A_275 : vector<16xi32> to vector<1x16xi32>
          tpu.vector_store %arg6[%swap3A_277, %swap3A_278], %swap3A_281 {strides = array<i32>} : memref<2x128xi32, #tpu.memory_space<vmem>>, vector<1x16xi32>,
          %get3A_282 = arith.index_cast %add3A_229 : i32 to index
          %get3A_283 = arith.constant 64 : index
          %get3A_284 = tpu.vector_load %arg5[%get3A_282, %get3A_283] {strides = array<i32>} : memref<200x128xi32, #tpu.memory_space<vmem>>, vector<1x16xi32>,
          %get3A_285 = vector.shape_cast %get3A_284 : vector<1x16xi32> to vector<16xi32>
          %shift_right_arithmetic3A_286 = arith.constant 1 : i32
          %shift_right_arithmetic3A_287 = vector.broadcast %shift_right_arithmetic3A_286 : i32 to vector<16xi32>
          %shift_right_arithmetic3A_288 = arith.shrsi %get3A_285, %shift_right_arithmetic3A_287 : vector<16xi32>
          %swap3A_289 = arith.constant 0 : i32
          %swap3A_290 = arith.index_cast %swap3A_289 : i32 to index
          %swap3A_291 = arith.constant 64 : index
          %swap3A_292 = tpu.vector_load %arg6[%swap3A_290, %swap3A_291] {strides = array<i32>} : memref<2x128xi32, #tpu.memory_space<vmem>>, vector<1x16xi32>,
          %swap3A_293 = vector.shape_cast %swap3A_292 : vector<1x16xi32> to vector<16xi32>
          %swap3A_294 = vector.shape_cast %shift_right_arithmetic3A_288 : vector<16xi32> to vector<1x16xi32>
          tpu.vector_store %arg6[%swap3A_290, %swap3A_291], %swap3A_294 {strides = array<i32>} : memref<2x128xi32, #tpu.memory_space<vmem>>, vector<1x16xi32>,
          %get3A_295 = arith.index_cast %add3A_229 : i32 to index
          %get3A_296 = arith.constant 80 : index
          %get3A_297 = tpu.vector_load %arg5[%get3A_295, %get3A_296] {strides = array<i32>} : memref<200x128xi32, #tpu.memory_space<vmem>>, vector<1x16xi32>,
          %get3A_298 = vector.shape_cast %get3A_297 : vector<1x16xi32> to vector<16xi32>
          %shift_right_arithmetic3A_299 = arith.constant 1 : i32
          %shift_right_arithmetic3A_300 = vector.broadcast %shift_right_arithmetic3A_299 : i32 to vector<16xi32>
          %shift_right_arithmetic3A_301 = arith.shrsi %get3A_298, %shift_right_arithmetic3A_300 : vector<16xi32>
          %swap3A_302 = arith.constant 0 : i32
          %swap3A_303 = arith.index_cast %swap3A_302 : i32 to index
          %swap3A_304 = arith.constant 80 : index
          %swap3A_305 = tpu.vector_load %arg6[%swap3A_303, %swap3A_304] {strides = array<i32>} : memref<2x128xi32, #tpu.memory_space<vmem>>, vector<1x16xi32>,
          %swap3A_306 = vector.shape_cast %swap3A_305 : vector<1x16xi32> to vector<16xi32>
          %swap3A_307 = vector.shape_cast %shift_right_arithmetic3A_301 : vector<16xi32> to vector<1x16xi32>
          tpu.vector_store %arg6[%swap3A_303, %swap3A_304], %swap3A_307 {strides = array<i32>} : memref<2x128xi32, #tpu.memory_space<vmem>>, vector<1x16xi32>,
          %get3A_308 = arith.index_cast %add3A_229 : i32 to index
          %get3A_309 = arith.constant 96 : index
          %get3A_310 = tpu.vector_load %arg5[%get3A_308, %get3A_309] {strides = array<i32>} : memref<200x128xi32, #tpu.memory_space<vmem>>, vector<1x16xi32>,
          %get3A_311 = vector.shape_cast %get3A_310 : vector<1x16xi32> to vector<16xi32>
          %shift_right_arithmetic3A_312 = arith.constant 1 : i32
          %shift_right_arithmetic3A_313 = vector.broadcast %shift_right_arithmetic3A_312 : i32 to vector<16xi32>
          %shift_right_arithmetic3A_314 = arith.shrsi %get3A_311, %shift_right_arithmetic3A_313 : vector<16xi32>
          %swap3A_315 = arith.constant 0 : i32
          %swap3A_316 = arith.index_cast %swap3A_315 : i32 to index
          %swap3A_317 = arith.constant 96 : index
          %swap3A_318 = tpu.vector_load %arg6[%swap3A_316, %swap3A_317] {strides = array<i32>} : memref<2x128xi32, #tpu.memory_space<vmem>>, vector<1x16xi32>,
          %swap3A_319 = vector.shape_cast %swap3A_318 : vector<1x16xi32> to vector<16xi32>
          %swap3A_320 = vector.shape_cast %shift_right_arithmetic3A_314 : vector<16xi32> to vector<1x16xi32>
          tpu.vector_store %arg6[%swap3A_316, %swap3A_317], %swap3A_320 {strides = array<i32>} : memref<2x128xi32, #tpu.memory_space<vmem>>, vector<1x16xi32>,
          %get3A_321 = arith.index_cast %add3A_229 : i32 to index
          %get3A_322 = arith.constant 112 : index
          %get3A_323 = tpu.vector_load %arg5[%get3A_321, %get3A_322] {strides = array<i32>} : memref<200x128xi32, #tpu.memory_space<vmem>>, vector<1x16xi32>,
          %get3A_324 = vector.shape_cast %get3A_323 : vector<1x16xi32> to vector<16xi32>
          %shift_right_arithmetic3A_325 = arith.constant 1 : i32
          %shift_right_arithmetic3A_326 = vector.broadcast %shift_right_arithmetic3A_325 : i32 to vector<16xi32>
          %shift_right_arithmetic3A_327 = arith.shrsi %get3A_324, %shift_right_arithmetic3A_326 : vector<16xi32>
          %swap3A_328 = arith.constant 0 : i32
          %swap3A_329 = arith.index_cast %swap3A_328 : i32 to index
          %swap3A_330 = arith.constant 112 : index
          %swap3A_331 = tpu.vector_load %arg6[%swap3A_329, %swap3A_330] {strides = array<i32>} : memref<2x128xi32, #tpu.memory_space<vmem>>, vector<1x16xi32>,
          %swap3A_332 = vector.shape_cast %swap3A_331 : vector<1x16xi32> to vector<16xi32>
          %swap3A_333 = vector.shape_cast %shift_right_arithmetic3A_327 : vector<16xi32> to vector<1x16xi32>
          tpu.vector_store %arg6[%swap3A_329, %swap3A_330], %swap3A_333 {strides = array<i32>} : memref<2x128xi32, #tpu.memory_space<vmem>>, vector<1x16xi32>,
          %dma_start3A_334 = arith.constant 0 : i32
          %dma_start3A_335 = arith.constant 0 : i32
          %dma_start3A_336 = arith.constant 0 : i32
          %dma_start3A_337 = arith.constant 0 : i32
          %dma_start3A_338 = arith.constant 0 : i32
          %dma_start3A_339 = tpu.memref_slice %arg7[%dma_start3A_335, %dma_start3A_337, %dma_start3A_338] : memref<2x128x128xf32, #tpu.memory_space<vmem>> -> memref<1x128x128xf32, #tpu.memory_space<vmem>>
          %dma_start3A_340 = tpu.memref_squeeze %dma_start3A_339 : memref<1x128x128xf32, #tpu.memory_space<vmem>> -> memref<128x128xf32, #tpu.memory_space<vmem>>
          %dma_start3A_341 = arith.constant 0 : i32
          %dma_start3A_342 = tpu.memref_slice %arg6[%dma_start3A_334, %dma_start3A_341] : memref<2x128xi32, #tpu.memory_space<vmem>> -> memref<1x128xi32, #tpu.memory_space<vmem>>
          %dma_start3A_343 = tpu.memref_squeeze %dma_start3A_342 : memref<1x128xi32, #tpu.memory_space<vmem>> -> memref<128xi32, #tpu.memory_space<vmem>>
          %dma_start3A_344 = arith.constant 0 : i32
          %dma_start3A_345 = arith.constant 0 : i32
          %dma_start3A_346 = tpu.memref_slice %arg3[%dma_start3A_344, %dma_start3A_345] : memref<500000x128xf32, #tpu.memory_space<hbm>> -> memref<500000x128xf32, #tpu.memory_space<hbm>>
          %dma_start3A_347 = tpu.memref_slice %arg9[%dma_start3A_336] : memref<2x!tpu.dma_semaphore, #tpu.memory_space<semaphore_mem>> -> memref<1x!tpu.dma_semaphore, #tpu.memory_space<semaphore_mem>>
          %dma_start3A_348 = tpu.memref_squeeze %dma_start3A_347 : memref<1x!tpu.dma_semaphore, #tpu.memory_space<semaphore_mem>> -> memref<!tpu.dma_semaphore, #tpu.memory_space<semaphore_mem>>
          tpu.enqueue_indirect_dma source(%dma_start3A_346 : memref<500000x128xf32, #tpu.memory_space<hbm>>) target(%dma_start3A_340 : memref<128x128xf32, #tpu.memory_space<vmem>>) offsets(%dma_start3A_343 : memref<128xi32, #tpu.memory_space<vmem>>) semaphore(%dma_start3A_348 : memref<!tpu.dma_semaphore, #tpu.memory_space<semaphore_mem>>)
        } else {
        }
        %dma_wait3A_188 = arith.constant 1 : i32
        %dma_wait3A_189 = arith.constant 1 : i32
        %dma_wait3A_190 = arith.constant 1 : i32
        %dma_wait3A_191 = arith.constant 0 : i32
        %dma_wait3A_192 = arith.constant 0 : i32
        %dma_wait3A_193 = tpu.memref_slice %arg7[%dma_wait3A_189, %dma_wait3A_191, %dma_wait3A_192] : memref<2x128x128xf32, #tpu.memory_space<vmem>> -> memref<1x128x128xf32, #tpu.memory_space<vmem>>
        %dma_wait3A_194 = tpu.memref_squeeze %dma_wait3A_193 : memref<1x128x128xf32, #tpu.memory_space<vmem>> -> memref<128x128xf32, #tpu.memory_space<vmem>>
        %dma_wait3A_195 = arith.constant 0 : i32
        %dma_wait3A_196 = tpu.memref_slice %arg6[%dma_wait3A_188, %dma_wait3A_195] : memref<2x128xi32, #tpu.memory_space<vmem>> -> memref<1x128xi32, #tpu.memory_space<vmem>>
        %dma_wait3A_197 = tpu.memref_squeeze %dma_wait3A_196 : memref<1x128xi32, #tpu.memory_space<vmem>> -> memref<128xi32, #tpu.memory_space<vmem>>
        %dma_wait3A_198 = arith.constant 0 : i32
        %dma_wait3A_199 = arith.constant 0 : i32
        %dma_wait3A_200 = tpu.memref_slice %arg3[%dma_wait3A_198, %dma_wait3A_199] : memref<500000x128xf32, #tpu.memory_space<hbm>> -> memref<500000x128xf32, #tpu.memory_space<hbm>>
        %dma_wait3A_201 = tpu.memref_slice %arg9[%dma_wait3A_190] : memref<2x!tpu.dma_semaphore, #tpu.memory_space<semaphore_mem>> -> memref<1x!tpu.dma_semaphore, #tpu.memory_space<semaphore_mem>>
        %dma_wait3A_202 = tpu.memref_squeeze %dma_wait3A_201 : memref<1x!tpu.dma_semaphore, #tpu.memory_space<semaphore_mem>> -> memref<!tpu.dma_semaphore, #tpu.memory_space<semaphore_mem>>
        tpu.wait_indirect_dma semaphore(%dma_wait3A_202 : memref<!tpu.dma_semaphore, #tpu.memory_space<semaphore_mem>>) src(%dma_wait3A_200 : memref<500000x128xf32, #tpu.memory_space<hbm>>) dst(%dma_wait3A_194 : memref<128x128xf32, #tpu.memory_space<vmem>>)
        %ge3A = arith.constant 2 : i32
        %ge3A_203 = arith.cmpi sge, %scan3A_171, %ge3A : i32
        %convert_element_type3A_204 = arith.extui %ge3A_203 : i1 to i32
        %cond3A_205 = arith.constant 0 : i32
        %cond3A_206 = arith.cmpi ne, %convert_element_type3A_204, %cond3A_205 : i32
        scf.if %cond3A_206 {
          %sub3A = arith.constant 2 : i32
          %sub3A_228 = arith.subi %scan3A_171, %sub3A : i32
          %mul3A_229 = arith.constant 128 : i32
          %mul3A_230 = arith.muli %sub3A_228, %mul3A_229 : i32
          %add3A_231 = arith.addi %mul3A_6, %mul3A_230 : i32
          %multiple_of3A_232 = tpu.assume_multiple %add3A_231, 8 : i32
          %dma_wait3A_233 = arith.constant 1 : i32
          %dma_wait3A_234 = arith.constant 1 : i32
          %dma_wait3A_235 = arith.constant 0 : i32
          %dma_wait3A_236 = arith.constant 0 : i32
          %dma_wait3A_237 = tpu.memref_slice %arg8[%dma_wait3A_233, %dma_wait3A_235, %dma_wait3A_236] : memref<2x128x64xf32, #tpu.memory_space<vmem>> -> memref<1x128x64xf32, #tpu.memory_space<vmem>>
          %dma_wait3A_238 = tpu.memref_squeeze %dma_wait3A_237 : memref<1x128x64xf32, #tpu.memory_space<vmem>> -> memref<128x64xf32, #tpu.memory_space<vmem>>
          %dma_wait3A_239 = arith.constant 0 : i32
          %dma_wait3A_240 = tpu.memref_slice %arg4[%multiple_of3A_232, %dma_wait3A_239] : memref<819200x64xf32, #tpu.memory_space<hbm>> -> memref<128x64xf32, #tpu.memory_space<hbm>>
          %dma_wait3A_241 = tpu.memref_slice %arg10[%dma_wait3A_234] : memref<2x!tpu.dma_semaphore, #tpu.memory_space<semaphore_mem>> -> memref<1x!tpu.dma_semaphore, #tpu.memory_space<semaphore_mem>>
          %dma_wait3A_242 = tpu.memref_squeeze %dma_wait3A_241 : memref<1x!tpu.dma_semaphore, #tpu.memory_space<semaphore_mem>> -> memref<!tpu.dma_semaphore, #tpu.memory_space<semaphore_mem>>
          %dma_wait3A_243 = arith.constant 0 : i32
          %dma_wait3A_244 = tpu.memref_slice %arg4[%multiple_of3A_232, %dma_wait3A_243] : memref<819200x64xf32, #tpu.memory_space<hbm>> -> memref<128x64xf32, #tpu.memory_space<hbm>>
          %dma_wait3A_245 = arith.constant 0 : i32
          %dma_wait3A_246 = arith.constant 0 : i32
          %dma_wait3A_247 = tpu.memref_slice %arg8[%dma_wait3A_233, %dma_wait3A_245, %dma_wait3A_246] : memref<2x128x64xf32, #tpu.memory_space<vmem>> -> memref<1x128x64xf32, #tpu.memory_space<vmem>>
          %dma_wait3A_248 = tpu.memref_squeeze %dma_wait3A_247 : memref<1x128x64xf32, #tpu.memory_space<vmem>> -> memref<128x64xf32, #tpu.memory_space<vmem>>
          tpu.wait_dma2 semaphore(%dma_wait3A_242 : memref<!tpu.dma_semaphore, #tpu.memory_space<semaphore_mem>>) src(%dma_wait3A_248 : memref<128x64xf32, #tpu.memory_space<vmem>>) dst(%dma_wait3A_244 : memref<128x64xf32, #tpu.memory_space<hbm>>)
        } else {
        }
        %parallel_loop3A = arith.constant 0 : i32
        %parallel_loop3A_207 = arith.constant 8 : i32
        %parallel_loop3A_208 = arith.constant 1 : i32
        scf.for %parallel_loop3A_228 = %parallel_loop3A to %parallel_loop3A_207 step %parallel_loop3A_208  : i32 {
          %parallel_loop3A_229 = arith.constant 16 : i32
          %parallel_loop3A_230 = arith.muli %parallel_loop3A_228, %parallel_loop3A_229 : i32
          %parallel_loop3A_231 = arith.index_cast %scan3A_171 : i32 to index
          %parallel_loop3A_232 = arith.index_cast %parallel_loop3A_230 : i32 to index
          %parallel_loop3A_233 = tpu.vector_load %arg5[%parallel_loop3A_231, %parallel_loop3A_232] {strides = array<i32>} : memref<200x128xi32, #tpu.memory_space<vmem>>, vector<1x16xi32>,
          %parallel_loop3A_234 = vector.shape_cast %parallel_loop3A_233 : vector<1x16xi32> to vector<16xi32>
          %parallel_loop3A_235 = arith.constant 1 : i32
          %parallel_loop3A_236 = vector.broadcast %parallel_loop3A_235 : i32 to vector<16xi32>
          %parallel_loop3A_237 = arith.andi %parallel_loop3A_234, %parallel_loop3A_236 : vector<16xi32>
          %parallel_loop3A_238 = vector.extract_strided_slice %parallel_loop3A_237 {offsets = [0], sizes = [1], strides = [1]} : vector<16xi32> to vector<1xi32>
          %parallel_loop3A_239 = vector.extract %parallel_loop3A_238[0] : i32 from vector<1xi32>
          %parallel_loop3A_240 = arith.constant 64 : i32
          %parallel_loop3A_241 = arith.muli %parallel_loop3A_239, %parallel_loop3A_240 : i32
          %parallel_loop3A_242 = arith.constant 16 : i32
          %parallel_loop3A_243 = arith.muli %parallel_loop3A_228, %parallel_loop3A_242 : i32
          %parallel_loop3A_244 = arith.constant 0 : i32
          %parallel_loop3A_245 = arith.addi %parallel_loop3A_243, %parallel_loop3A_244 : i32
          %parallel_loop3A_246 = arith.constant 0 : i32
          %parallel_loop3A_247 = arith.addi %parallel_loop3A_241, %parallel_loop3A_246 : i32
          %parallel_loop3A_248 = arith.constant 1 : i32
          %parallel_loop3A_249 = arith.index_cast %parallel_loop3A_248 : i32 to index
          %parallel_loop3A_250 = arith.index_cast %parallel_loop3A_245 : i32 to index
          %parallel_loop3A_251 = arith.index_cast %parallel_loop3A_247 : i32 to index
          %parallel_loop3A_252 = tpu.vector_load %arg7[%parallel_loop3A_249, %parallel_loop3A_250, %parallel_loop3A_251] {strides = array<i32>} : memref<2x128x128xf32, #tpu.memory_space<vmem>>, vector<1x1x16xf32>,
          %parallel_loop3A_253 = vector.shape_cast %parallel_loop3A_252 : vector<1x1x16xf32> to vector<16xf32>
          %parallel_loop3A_254 = arith.constant 8.000000e+00 : f32
          %parallel_loop3A_255 = vector.broadcast %parallel_loop3A_254 : f32 to vector<16xf32>
          %parallel_loop3A_256 = arith.mulf %parallel_loop3A_253, %parallel_loop3A_255 : vector<16xf32>
          %parallel_loop3A_257 = arith.constant 1 : i32
          %parallel_loop3A_258 = arith.index_cast %parallel_loop3A_257 : i32 to index
          %parallel_loop3A_259 = arith.index_cast %parallel_loop3A_245 : i32 to index
          %parallel_loop3A_260 = arith.constant 0 : index
          %parallel_loop3A_261 = tpu.vector_load %arg8[%parallel_loop3A_258, %parallel_loop3A_259, %parallel_loop3A_260] {strides = array<i32>} : memref<2x128x64xf32, #tpu.memory_space<vmem>>, vector<1x1x16xf32>,
          %parallel_loop3A_262 = vector.shape_cast %parallel_loop3A_261 : vector<1x1x16xf32> to vector<16xf32>
          %parallel_loop3A_263 = vector.shape_cast %parallel_loop3A_256 : vector<16xf32> to vector<1x1x16xf32>
          tpu.vector_store %arg8[%parallel_loop3A_258, %parallel_loop3A_259, %parallel_loop3A_260], %parallel_loop3A_263 {strides = array<i32>} : memref<2x128x64xf32, #tpu.memory_space<vmem>>, vector<1x1x16xf32>,
          %parallel_loop3A_264 = arith.constant 16 : i32
          %parallel_loop3A_265 = arith.addi %parallel_loop3A_241, %parallel_loop3A_264 : i32
          %parallel_loop3A_266 = arith.constant 1 : i32
          %parallel_loop3A_267 = arith.index_cast %parallel_loop3A_266 : i32 to index
          %parallel_loop3A_268 = arith.index_cast %parallel_loop3A_245 : i32 to index
          %parallel_loop3A_269 = arith.index_cast %parallel_loop3A_265 : i32 to index
          %parallel_loop3A_270 = tpu.vector_load %arg7[%parallel_loop3A_267, %parallel_loop3A_268, %parallel_loop3A_269] {strides = array<i32>} : memref<2x128x128xf32, #tpu.memory_space<vmem>>, vector<1x1x16xf32>,
          %parallel_loop3A_271 = vector.shape_cast %parallel_loop3A_270 : vector<1x1x16xf32> to vector<16xf32>
          %parallel_loop3A_272 = arith.constant 8.000000e+00 : f32
          %parallel_loop3A_273 = vector.broadcast %parallel_loop3A_272 : f32 to vector<16xf32>
          %parallel_loop3A_274 = arith.mulf %parallel_loop3A_271, %parallel_loop3A_273 : vector<16xf32>
          %parallel_loop3A_275 = arith.constant 1 : i32
          %parallel_loop3A_276 = arith.index_cast %parallel_loop3A_275 : i32 to index
          %parallel_loop3A_277 = arith.index_cast %parallel_loop3A_245 : i32 to index
          %parallel_loop3A_278 = arith.constant 16 : index
          %parallel_loop3A_279 = tpu.vector_load %arg8[%parallel_loop3A_276, %parallel_loop3A_277, %parallel_loop3A_278] {strides = array<i32>} : memref<2x128x64xf32, #tpu.memory_space<vmem>>, vector<1x1x16xf32>,
          %parallel_loop3A_280 = vector.shape_cast %parallel_loop3A_279 : vector<1x1x16xf32> to vector<16xf32>
          %parallel_loop3A_281 = vector.shape_cast %parallel_loop3A_274 : vector<16xf32> to vector<1x1x16xf32>
          tpu.vector_store %arg8[%parallel_loop3A_276, %parallel_loop3A_277, %parallel_loop3A_278], %parallel_loop3A_281 {strides = array<i32>} : memref<2x128x64xf32, #tpu.memory_space<vmem>>, vector<1x1x16xf32>,
          %parallel_loop3A_282 = arith.constant 32 : i32
          %parallel_loop3A_283 = arith.addi %parallel_loop3A_241, %parallel_loop3A_282 : i32
          %parallel_loop3A_284 = arith.constant 1 : i32
          %parallel_loop3A_285 = arith.index_cast %parallel_loop3A_284 : i32 to index
          %parallel_loop3A_286 = arith.index_cast %parallel_loop3A_245 : i32 to index
          %parallel_loop3A_287 = arith.index_cast %parallel_loop3A_283 : i32 to index
          %parallel_loop3A_288 = tpu.vector_load %arg7[%parallel_loop3A_285, %parallel_loop3A_286, %parallel_loop3A_287] {strides = array<i32>} : memref<2x128x128xf32, #tpu.memory_space<vmem>>, vector<1x1x16xf32>,
          %parallel_loop3A_289 = vector.shape_cast %parallel_loop3A_288 : vector<1x1x16xf32> to vector<16xf32>
          %parallel_loop3A_290 = arith.constant 8.000000e+00 : f32
          %parallel_loop3A_291 = vector.broadcast %parallel_loop3A_290 : f32 to vector<16xf32>
          %parallel_loop3A_292 = arith.mulf %parallel_loop3A_289, %parallel_loop3A_291 : vector<16xf32>
          %parallel_loop3A_293 = arith.constant 1 : i32
          %parallel_loop3A_294 = arith.index_cast %parallel_loop3A_293 : i32 to index
          %parallel_loop3A_295 = arith.index_cast %parallel_loop3A_245 : i32 to index
          %parallel_loop3A_296 = arith.constant 32 : index
          %parallel_loop3A_297 = tpu.vector_load %arg8[%parallel_loop3A_294, %parallel_loop3A_295, %parallel_loop3A_296] {strides = array<i32>} : memref<2x128x64xf32, #tpu.memory_space<vmem>>, vector<1x1x16xf32>,
          %parallel_loop3A_298 = vector.shape_cast %parallel_loop3A_297 : vector<1x1x16xf32> to vector<16xf32>
          %parallel_loop3A_299 = vector.shape_cast %parallel_loop3A_292 : vector<16xf32> to vector<1x1x16xf32>
          tpu.vector_store %arg8[%parallel_loop3A_294, %parallel_loop3A_295, %parallel_loop3A_296], %parallel_loop3A_299 {strides = array<i32>} : memref<2x128x64xf32, #tpu.memory_space<vmem>>, vector<1x1x16xf32>,
          %parallel_loop3A_300 = arith.constant 48 : i32
          %parallel_loop3A_301 = arith.addi %parallel_loop3A_241, %parallel_loop3A_300 : i32
          %parallel_loop3A_302 = arith.constant 1 : i32
          %parallel_loop3A_303 = arith.index_cast %parallel_loop3A_302 : i32 to index
          %parallel_loop3A_304 = arith.index_cast %parallel_loop3A_245 : i32 to index
          %parallel_loop3A_305 = arith.index_cast %parallel_loop3A_301 : i32 to index
          %parallel_loop3A_306 = tpu.vector_load %arg7[%parallel_loop3A_303, %parallel_loop3A_304, %parallel_loop3A_305] {strides = array<i32>} : memref<2x128x128xf32, #tpu.memory_space<vmem>>, vector<1x1x16xf32>,
          %parallel_loop3A_307 = vector.shape_cast %parallel_loop3A_306 : vector<1x1x16xf32> to vector<16xf32>
          %parallel_loop3A_308 = arith.constant 8.000000e+00 : f32
          %parallel_loop3A_309 = vector.broadcast %parallel_loop3A_308 : f32 to vector<16xf32>
          %parallel_loop3A_310 = arith.mulf %parallel_loop3A_307, %parallel_loop3A_309 : vector<16xf32>
          %parallel_loop3A_311 = arith.constant 1 : i32
          %parallel_loop3A_312 = arith.index_cast %parallel_loop3A_311 : i32 to index
          %parallel_loop3A_313 = arith.index_cast %parallel_loop3A_245 : i32 to index
          %parallel_loop3A_314 = arith.constant 48 : index
          %parallel_loop3A_315 = tpu.vector_load %arg8[%parallel_loop3A_312, %parallel_loop3A_313, %parallel_loop3A_314] {strides = array<i32>} : memref<2x128x64xf32, #tpu.memory_space<vmem>>, vector<1x1x16xf32>,
          %parallel_loop3A_316 = vector.shape_cast %parallel_loop3A_315 : vector<1x1x16xf32> to vector<16xf32>
          %parallel_loop3A_317 = vector.shape_cast %parallel_loop3A_310 : vector<16xf32> to vector<1x1x16xf32>
          tpu.vector_store %arg8[%parallel_loop3A_312, %parallel_loop3A_313, %parallel_loop3A_314], %parallel_loop3A_317 {strides = array<i32>} : memref<2x128x64xf32, #tpu.memory_space<vmem>>, vector<1x1x16xf32>,
          %parallel_loop3A_318 = vector.extract_strided_slice %parallel_loop3A_237 {offsets = [1], sizes = [1], strides = [1]} : vector<16xi32> to vector<1xi32>
          %parallel_loop3A_319 = vector.extract %parallel_loop3A_318[0] : i32 from vector<1xi32>
          %parallel_loop3A_320 = arith.constant 64 : i32
          %parallel_loop3A_321 = arith.muli %parallel_loop3A_319, %parallel_loop3A_320 : i32
          %parallel_loop3A_322 = arith.constant 16 : i32
          %parallel_loop3A_323 = arith.muli %parallel_loop3A_228, %parallel_loop3A_322 : i32
          %parallel_loop3A_324 = arith.constant 1 : i32
          %parallel_loop3A_325 = arith.addi %parallel_loop3A_323, %parallel_loop3A_324 : i32
          %parallel_loop3A_326 = arith.constant 0 : i32
          %parallel_loop3A_327 = arith.addi %parallel_loop3A_321, %parallel_loop3A_326 : i32
          %parallel_loop3A_328 = arith.constant 1 : i32
          %parallel_loop3A_329 = arith.index_cast %parallel_loop3A_328 : i32 to index
          %parallel_loop3A_330 = arith.index_cast %parallel_loop3A_325 : i32 to index
          %parallel_loop3A_331 = arith.index_cast %parallel_loop3A_327 : i32 to index
          %parallel_loop3A_332 = tpu.vector_load %arg7[%parallel_loop3A_329, %parallel_loop3A_330, %parallel_loop3A_331] {strides = array<i32>} : memref<2x128x128xf32, #tpu.memory_space<vmem>>, vector<1x1x16xf32>,
          %parallel_loop3A_333 = vector.shape_cast %parallel_loop3A_332 : vector<1x1x16xf32> to vector<16xf32>
          %parallel_loop3A_334 = arith.constant 8.000000e+00 : f32
          %parallel_loop3A_335 = vector.broadcast %parallel_loop3A_334 : f32 to vector<16xf32>
          %parallel_loop3A_336 = arith.mulf %parallel_loop3A_333, %parallel_loop3A_335 : vector<16xf32>
          %parallel_loop3A_337 = arith.constant 1 : i32
          %parallel_loop3A_338 = arith.index_cast %parallel_loop3A_337 : i32 to index
          %parallel_loop3A_339 = arith.index_cast %parallel_loop3A_325 : i32 to index
          %parallel_loop3A_340 = arith.constant 0 : index
          %parallel_loop3A_341 = tpu.vector_load %arg8[%parallel_loop3A_338, %parallel_loop3A_339, %parallel_loop3A_340] {strides = array<i32>} : memref<2x128x64xf32, #tpu.memory_space<vmem>>, vector<1x1x16xf32>,
          %parallel_loop3A_342 = vector.shape_cast %parallel_loop3A_341 : vector<1x1x16xf32> to vector<16xf32>
          %parallel_loop3A_343 = vector.shape_cast %parallel_loop3A_336 : vector<16xf32> to vector<1x1x16xf32>
          tpu.vector_store %arg8[%parallel_loop3A_338, %parallel_loop3A_339, %parallel_loop3A_340], %parallel_loop3A_343 {strides = array<i32>} : memref<2x128x64xf32, #tpu.memory_space<vmem>>, vector<1x1x16xf32>,
          %parallel_loop3A_344 = arith.constant 16 : i32
          %parallel_loop3A_345 = arith.addi %parallel_loop3A_321, %parallel_loop3A_344 : i32
          %parallel_loop3A_346 = arith.constant 1 : i32
          %parallel_loop3A_347 = arith.index_cast %parallel_loop3A_346 : i32 to index
          %parallel_loop3A_348 = arith.index_cast %parallel_loop3A_325 : i32 to index
          %parallel_loop3A_349 = arith.index_cast %parallel_loop3A_345 : i32 to index
          %parallel_loop3A_350 = tpu.vector_load %arg7[%parallel_loop3A_347, %parallel_loop3A_348, %parallel_loop3A_349] {strides = array<i32>} : memref<2x128x128xf32, #tpu.memory_space<vmem>>, vector<1x1x16xf32>,
          %parallel_loop3A_351 = vector.shape_cast %parallel_loop3A_350 : vector<1x1x16xf32> to vector<16xf32>
          %parallel_loop3A_352 = arith.constant 8.000000e+00 : f32
          %parallel_loop3A_353 = vector.broadcast %parallel_loop3A_352 : f32 to vector<16xf32>
          %parallel_loop3A_354 = arith.mulf %parallel_loop3A_351, %parallel_loop3A_353 : vector<16xf32>
          %parallel_loop3A_355 = arith.constant 1 : i32
          %parallel_loop3A_356 = arith.index_cast %parallel_loop3A_355 : i32 to index
          %parallel_loop3A_357 = arith.index_cast %parallel_loop3A_325 : i32 to index
          %parallel_loop3A_358 = arith.constant 16 : index
          %parallel_loop3A_359 = tpu.vector_load %arg8[%parallel_loop3A_356, %parallel_loop3A_357, %parallel_loop3A_358] {strides = array<i32>} : memref<2x128x64xf32, #tpu.memory_space<vmem>>, vector<1x1x16xf32>,
          %parallel_loop3A_360 = vector.shape_cast %parallel_loop3A_359 : vector<1x1x16xf32> to vector<16xf32>
          %parallel_loop3A_361 = vector.shape_cast %parallel_loop3A_354 : vector<16xf32> to vector<1x1x16xf32>
          tpu.vector_store %arg8[%parallel_loop3A_356, %parallel_loop3A_357, %parallel_loop3A_358], %parallel_loop3A_361 {strides = array<i32>} : memref<2x128x64xf32, #tpu.memory_space<vmem>>, vector<1x1x16xf32>,
          %parallel_loop3A_362 = arith.constant 32 : i32
          %parallel_loop3A_363 = arith.addi %parallel_loop3A_321, %parallel_loop3A_362 : i32
          %parallel_loop3A_364 = arith.constant 1 : i32
          %parallel_loop3A_365 = arith.index_cast %parallel_loop3A_364 : i32 to index
          %parallel_loop3A_366 = arith.index_cast %parallel_loop3A_325 : i32 to index
          %parallel_loop3A_367 = arith.index_cast %parallel_loop3A_363 : i32 to index
          %parallel_loop3A_368 = tpu.vector_load %arg7[%parallel_loop3A_365, %parallel_loop3A_366, %parallel_loop3A_367] {strides = array<i32>} : memref<2x128x128xf32, #tpu.memory_space<vmem>>, vector<1x1x16xf32>,
          %parallel_loop3A_369 = vector.shape_cast %parallel_loop3A_368 : vector<1x1x16xf32> to vector<16xf32>
          %parallel_loop3A_370 = arith.constant 8.000000e+00 : f32
          %parallel_loop3A_371 = vector.broadcast %parallel_loop3A_370 : f32 to vector<16xf32>
          %parallel_loop3A_372 = arith.mulf %parallel_loop3A_369, %parallel_loop3A_371 : vector<16xf32>
          %parallel_loop3A_373 = arith.constant 1 : i32
          %parallel_loop3A_374 = arith.index_cast %parallel_loop3A_373 : i32 to index
          %parallel_loop3A_375 = arith.index_cast %parallel_loop3A_325 : i32 to index
          %parallel_loop3A_376 = arith.constant 32 : index
          %parallel_loop3A_377 = tpu.vector_load %arg8[%parallel_loop3A_374, %parallel_loop3A_375, %parallel_loop3A_376] {strides = array<i32>} : memref<2x128x64xf32, #tpu.memory_space<vmem>>, vector<1x1x16xf32>,
          %parallel_loop3A_378 = vector.shape_cast %parallel_loop3A_377 : vector<1x1x16xf32> to vector<16xf32>
          %parallel_loop3A_379 = vector.shape_cast %parallel_loop3A_372 : vector<16xf32> to vector<1x1x16xf32>
          tpu.vector_store %arg8[%parallel_loop3A_374, %parallel_loop3A_375, %parallel_loop3A_376], %parallel_loop3A_379 {strides = array<i32>} : memref<2x128x64xf32, #tpu.memory_space<vmem>>, vector<1x1x16xf32>,
          %parallel_loop3A_380 = arith.constant 48 : i32
          %parallel_loop3A_381 = arith.addi %parallel_loop3A_321, %parallel_loop3A_380 : i32
          %parallel_loop3A_382 = arith.constant 1 : i32
          %parallel_loop3A_383 = arith.index_cast %parallel_loop3A_382 : i32 to index
          %parallel_loop3A_384 = arith.index_cast %parallel_loop3A_325 : i32 to index
          %parallel_loop3A_385 = arith.index_cast %parallel_loop3A_381 : i32 to index
          %parallel_loop3A_386 = tpu.vector_load %arg7[%parallel_loop3A_383, %parallel_loop3A_384, %parallel_loop3A_385] {strides = array<i32>} : memref<2x128x128xf32, #tpu.memory_space<vmem>>, vector<1x1x16xf32>,
          %parallel_loop3A_387 = vector.shape_cast %parallel_loop3A_386 : vector<1x1x16xf32> to vector<16xf32>
          %parallel_loop3A_388 = arith.constant 8.000000e+00 : f32
          %parallel_loop3A_389 = vector.broadcast %parallel_loop3A_388 : f32 to vector<16xf32>
          %parallel_loop3A_390 = arith.mulf %parallel_loop3A_387, %parallel_loop3A_389 : vector<16xf32>
          %parallel_loop3A_391 = arith.constant 1 : i32
          %parallel_loop3A_392 = arith.index_cast %parallel_loop3A_391 : i32 to index
          %parallel_loop3A_393 = arith.index_cast %parallel_loop3A_325 : i32 to index
          %parallel_loop3A_394 = arith.constant 48 : index
          %parallel_loop3A_395 = tpu.vector_load %arg8[%parallel_loop3A_392, %parallel_loop3A_393, %parallel_loop3A_394] {strides = array<i32>} : memref<2x128x64xf32, #tpu.memory_space<vmem>>, vector<1x1x16xf32>,
          %parallel_loop3A_396 = vector.shape_cast %parallel_loop3A_395 : vector<1x1x16xf32> to vector<16xf32>
          %parallel_loop3A_397 = vector.shape_cast %parallel_loop3A_390 : vector<16xf32> to vector<1x1x16xf32>
          tpu.vector_store %arg8[%parallel_loop3A_392, %parallel_loop3A_393, %parallel_loop3A_394], %parallel_loop3A_397 {strides = array<i32>} : memref<2x128x64xf32, #tpu.memory_space<vmem>>, vector<1x1x16xf32>,
          %parallel_loop3A_398 = vector.extract_strided_slice %parallel_loop3A_237 {offsets = [2], sizes = [1], strides = [1]} : vector<16xi32> to vector<1xi32>
          %parallel_loop3A_399 = vector.extract %parallel_loop3A_398[0] : i32 from vector<1xi32>
          %parallel_loop3A_400 = arith.constant 64 : i32
          %parallel_loop3A_401 = arith.muli %parallel_loop3A_399, %parallel_loop3A_400 : i32
          %parallel_loop3A_402 = arith.constant 16 : i32
          %parallel_loop3A_403 = arith.muli %parallel_loop3A_228, %parallel_loop3A_402 : i32
          %parallel_loop3A_404 = arith.constant 2 : i32
          %parallel_loop3A_405 = arith.addi %parallel_loop3A_403, %parallel_loop3A_404 : i32
          %parallel_loop3A_406 = arith.constant 0 : i32
          %parallel_loop3A_407 = arith.addi %parallel_loop3A_401, %parallel_loop3A_406 : i32
          %parallel_loop3A_408 = arith.constant 1 : i32
          %parallel_loop3A_409 = arith.index_cast %parallel_loop3A_408 : i32 to index
          %parallel_loop3A_410 = arith.index_cast %parallel_loop3A_405 : i32 to index
          %parallel_loop3A_411 = arith.index_cast %parallel_loop3A_407 : i32 to index
          %parallel_loop3A_412 = tpu.vector_load %arg7[%parallel_loop3A_409, %parallel_loop3A_410, %parallel_loop3A_411] {strides = array<i32>} : memref<2x128x128xf32, #tpu.memory_space<vmem>>, vector<1x1x16xf32>,
          %parallel_loop3A_413 = vector.shape_cast %parallel_loop3A_412 : vector<1x1x16xf32> to vector<16xf32>
          %parallel_loop3A_414 = arith.constant 8.000000e+00 : f32
          %parallel_loop3A_415 = vector.broadcast %parallel_loop3A_414 : f32 to vector<16xf32>
          %parallel_loop3A_416 = arith.mulf %parallel_loop3A_413, %parallel_loop3A_415 : vector<16xf32>
          %parallel_loop3A_417 = arith.constant 1 : i32
          %parallel_loop3A_418 = arith.index_cast %parallel_loop3A_417 : i32 to index
          %parallel_loop3A_419 = arith.index_cast %parallel_loop3A_405 : i32 to index
          %parallel_loop3A_420 = arith.constant 0 : index
          %parallel_loop3A_421 = tpu.vector_load %arg8[%parallel_loop3A_418, %parallel_loop3A_419, %parallel_loop3A_420] {strides = array<i32>} : memref<2x128x64xf32, #tpu.memory_space<vmem>>, vector<1x1x16xf32>,
          %parallel_loop3A_422 = vector.shape_cast %parallel_loop3A_421 : vector<1x1x16xf32> to vector<16xf32>
          %parallel_loop3A_423 = vector.shape_cast %parallel_loop3A_416 : vector<16xf32> to vector<1x1x16xf32>
          tpu.vector_store %arg8[%parallel_loop3A_418, %parallel_loop3A_419, %parallel_loop3A_420], %parallel_loop3A_423 {strides = array<i32>} : memref<2x128x64xf32, #tpu.memory_space<vmem>>, vector<1x1x16xf32>,
          %parallel_loop3A_424 = arith.constant 16 : i32
          %parallel_loop3A_425 = arith.addi %parallel_loop3A_401, %parallel_loop3A_424 : i32
          %parallel_loop3A_426 = arith.constant 1 : i32
          %parallel_loop3A_427 = arith.index_cast %parallel_loop3A_426 : i32 to index
          %parallel_loop3A_428 = arith.index_cast %parallel_loop3A_405 : i32 to index
          %parallel_loop3A_429 = arith.index_cast %parallel_loop3A_425 : i32 to index
          %parallel_loop3A_430 = tpu.vector_load %arg7[%parallel_loop3A_427, %parallel_loop3A_428, %parallel_loop3A_429] {strides = array<i32>} : memref<2x128x128xf32, #tpu.memory_space<vmem>>, vector<1x1x16xf32>,
          %parallel_loop3A_431 = vector.shape_cast %parallel_loop3A_430 : vector<1x1x16xf32> to vector<16xf32>
          %parallel_loop3A_432 = arith.constant 8.000000e+00 : f32
          %parallel_loop3A_433 = vector.broadcast %parallel_loop3A_432 : f32 to vector<16xf32>
          %parallel_loop3A_434 = arith.mulf %parallel_loop3A_431, %parallel_loop3A_433 : vector<16xf32>
          %parallel_loop3A_435 = arith.constant 1 : i32
          %parallel_loop3A_436 = arith.index_cast %parallel_loop3A_435 : i32 to index
          %parallel_loop3A_437 = arith.index_cast %parallel_loop3A_405 : i32 to index
          %parallel_loop3A_438 = arith.constant 16 : index
          %parallel_loop3A_439 = tpu.vector_load %arg8[%parallel_loop3A_436, %parallel_loop3A_437, %parallel_loop3A_438] {strides = array<i32>} : memref<2x128x64xf32, #tpu.memory_space<vmem>>, vector<1x1x16xf32>,
          %parallel_loop3A_440 = vector.shape_cast %parallel_loop3A_439 : vector<1x1x16xf32> to vector<16xf32>
          %parallel_loop3A_441 = vector.shape_cast %parallel_loop3A_434 : vector<16xf32> to vector<1x1x16xf32>
          tpu.vector_store %arg8[%parallel_loop3A_436, %parallel_loop3A_437, %parallel_loop3A_438], %parallel_loop3A_441 {strides = array<i32>} : memref<2x128x64xf32, #tpu.memory_space<vmem>>, vector<1x1x16xf32>,
          %parallel_loop3A_442 = arith.constant 32 : i32
          %parallel_loop3A_443 = arith.addi %parallel_loop3A_401, %parallel_loop3A_442 : i32
          %parallel_loop3A_444 = arith.constant 1 : i32
          %parallel_loop3A_445 = arith.index_cast %parallel_loop3A_444 : i32 to index
          %parallel_loop3A_446 = arith.index_cast %parallel_loop3A_405 : i32 to index
          %parallel_loop3A_447 = arith.index_cast %parallel_loop3A_443 : i32 to index
          %parallel_loop3A_448 = tpu.vector_load %arg7[%parallel_loop3A_445, %parallel_loop3A_446, %parallel_loop3A_447] {strides = array<i32>} : memref<2x128x128xf32, #tpu.memory_space<vmem>>, vector<1x1x16xf32>,
          %parallel_loop3A_449 = vector.shape_cast %parallel_loop3A_448 : vector<1x1x16xf32> to vector<16xf32>
          %parallel_loop3A_450 = arith.constant 8.000000e+00 : f32
          %parallel_loop3A_451 = vector.broadcast %parallel_loop3A_450 : f32 to vector<16xf32>
          %parallel_loop3A_452 = arith.mulf %parallel_loop3A_449, %parallel_loop3A_451 : vector<16xf32>
          %parallel_loop3A_453 = arith.constant 1 : i32
          %parallel_loop3A_454 = arith.index_cast %parallel_loop3A_453 : i32 to index
          %parallel_loop3A_455 = arith.index_cast %parallel_loop3A_405 : i32 to index
          %parallel_loop3A_456 = arith.constant 32 : index
          %parallel_loop3A_457 = tpu.vector_load %arg8[%parallel_loop3A_454, %parallel_loop3A_455, %parallel_loop3A_456] {strides = array<i32>} : memref<2x128x64xf32, #tpu.memory_space<vmem>>, vector<1x1x16xf32>,
          %parallel_loop3A_458 = vector.shape_cast %parallel_loop3A_457 : vector<1x1x16xf32> to vector<16xf32>
          %parallel_loop3A_459 = vector.shape_cast %parallel_loop3A_452 : vector<16xf32> to vector<1x1x16xf32>
          tpu.vector_store %arg8[%parallel_loop3A_454, %parallel_loop3A_455, %parallel_loop3A_456], %parallel_loop3A_459 {strides = array<i32>} : memref<2x128x64xf32, #tpu.memory_space<vmem>>, vector<1x1x16xf32>,
          %parallel_loop3A_460 = arith.constant 48 : i32
          %parallel_loop3A_461 = arith.addi %parallel_loop3A_401, %parallel_loop3A_460 : i32
          %parallel_loop3A_462 = arith.constant 1 : i32
          %parallel_loop3A_463 = arith.index_cast %parallel_loop3A_462 : i32 to index
          %parallel_loop3A_464 = arith.index_cast %parallel_loop3A_405 : i32 to index
          %parallel_loop3A_465 = arith.index_cast %parallel_loop3A_461 : i32 to index
          %parallel_loop3A_466 = tpu.vector_load %arg7[%parallel_loop3A_463, %parallel_loop3A_464, %parallel_loop3A_465] {strides = array<i32>} : memref<2x128x128xf32, #tpu.memory_space<vmem>>, vector<1x1x16xf32>,
          %parallel_loop3A_467 = vector.shape_cast %parallel_loop3A_466 : vector<1x1x16xf32> to vector<16xf32>
          %parallel_loop3A_468 = arith.constant 8.000000e+00 : f32
          %parallel_loop3A_469 = vector.broadcast %parallel_loop3A_468 : f32 to vector<16xf32>
          %parallel_loop3A_470 = arith.mulf %parallel_loop3A_467, %parallel_loop3A_469 : vector<16xf32>
          %parallel_loop3A_471 = arith.constant 1 : i32
          %parallel_loop3A_472 = arith.index_cast %parallel_loop3A_471 : i32 to index
          %parallel_loop3A_473 = arith.index_cast %parallel_loop3A_405 : i32 to index
          %parallel_loop3A_474 = arith.constant 48 : index
          %parallel_loop3A_475 = tpu.vector_load %arg8[%parallel_loop3A_472, %parallel_loop3A_473, %parallel_loop3A_474] {strides = array<i32>} : memref<2x128x64xf32, #tpu.memory_space<vmem>>, vector<1x1x16xf32>,
          %parallel_loop3A_476 = vector.shape_cast %parallel_loop3A_475 : vector<1x1x16xf32> to vector<16xf32>
          %parallel_loop3A_477 = vector.shape_cast %parallel_loop3A_470 : vector<16xf32> to vector<1x1x16xf32>
          tpu.vector_store %arg8[%parallel_loop3A_472, %parallel_loop3A_473, %parallel_loop3A_474], %parallel_loop3A_477 {strides = array<i32>} : memref<2x128x64xf32, #tpu.memory_space<vmem>>, vector<1x1x16xf32>,
          %parallel_loop3A_478 = vector.extract_strided_slice %parallel_loop3A_237 {offsets = [3], sizes = [1], strides = [1]} : vector<16xi32> to vector<1xi32>
          %parallel_loop3A_479 = vector.extract %parallel_loop3A_478[0] : i32 from vector<1xi32>
          %parallel_loop3A_480 = arith.constant 64 : i32
          %parallel_loop3A_481 = arith.muli %parallel_loop3A_479, %parallel_loop3A_480 : i32
          %parallel_loop3A_482 = arith.constant 16 : i32
          %parallel_loop3A_483 = arith.muli %parallel_loop3A_228, %parallel_loop3A_482 : i32
          %parallel_loop3A_484 = arith.constant 3 : i32
          %parallel_loop3A_485 = arith.addi %parallel_loop3A_483, %parallel_loop3A_484 : i32
          %parallel_loop3A_486 = arith.constant 0 : i32
          %parallel_loop3A_487 = arith.addi %parallel_loop3A_481, %parallel_loop3A_486 : i32
          %parallel_loop3A_488 = arith.constant 1 : i32
          %parallel_loop3A_489 = arith.index_cast %parallel_loop3A_488 : i32 to index
          %parallel_loop3A_490 = arith.index_cast %parallel_loop3A_485 : i32 to index
          %parallel_loop3A_491 = arith.index_cast %parallel_loop3A_487 : i32 to index
          %parallel_loop3A_492 = tpu.vector_load %arg7[%parallel_loop3A_489, %parallel_loop3A_490, %parallel_loop3A_491] {strides = array<i32>} : memref<2x128x128xf32, #tpu.memory_space<vmem>>, vector<1x1x16xf32>,
          %parallel_loop3A_493 = vector.shape_cast %parallel_loop3A_492 : vector<1x1x16xf32> to vector<16xf32>
          %parallel_loop3A_494 = arith.constant 8.000000e+00 : f32
          %parallel_loop3A_495 = vector.broadcast %parallel_loop3A_494 : f32 to vector<16xf32>
          %parallel_loop3A_496 = arith.mulf %parallel_loop3A_493, %parallel_loop3A_495 : vector<16xf32>
          %parallel_loop3A_497 = arith.constant 1 : i32
          %parallel_loop3A_498 = arith.index_cast %parallel_loop3A_497 : i32 to index
          %parallel_loop3A_499 = arith.index_cast %parallel_loop3A_485 : i32 to index
          %parallel_loop3A_500 = arith.constant 0 : index
          %parallel_loop3A_501 = tpu.vector_load %arg8[%parallel_loop3A_498, %parallel_loop3A_499, %parallel_loop3A_500] {strides = array<i32>} : memref<2x128x64xf32, #tpu.memory_space<vmem>>, vector<1x1x16xf32>,
          %parallel_loop3A_502 = vector.shape_cast %parallel_loop3A_501 : vector<1x1x16xf32> to vector<16xf32>
          %parallel_loop3A_503 = vector.shape_cast %parallel_loop3A_496 : vector<16xf32> to vector<1x1x16xf32>
          tpu.vector_store %arg8[%parallel_loop3A_498, %parallel_loop3A_499, %parallel_loop3A_500], %parallel_loop3A_503 {strides = array<i32>} : memref<2x128x64xf32, #tpu.memory_space<vmem>>, vector<1x1x16xf32>,
          %parallel_loop3A_504 = arith.constant 16 : i32
          %parallel_loop3A_505 = arith.addi %parallel_loop3A_481, %parallel_loop3A_504 : i32
          %parallel_loop3A_506 = arith.constant 1 : i32
          %parallel_loop3A_507 = arith.index_cast %parallel_loop3A_506 : i32 to index
          %parallel_loop3A_508 = arith.index_cast %parallel_loop3A_485 : i32 to index
          %parallel_loop3A_509 = arith.index_cast %parallel_loop3A_505 : i32 to index
          %parallel_loop3A_510 = tpu.vector_load %arg7[%parallel_loop3A_507, %parallel_loop3A_508, %parallel_loop3A_509] {strides = array<i32>} : memref<2x128x128xf32, #tpu.memory_space<vmem>>, vector<1x1x16xf32>,
          %parallel_loop3A_511 = vector.shape_cast %parallel_loop3A_510 : vector<1x1x16xf32> to vector<16xf32>
          %parallel_loop3A_512 = arith.constant 8.000000e+00 : f32
          %parallel_loop3A_513 = vector.broadcast %parallel_loop3A_512 : f32 to vector<16xf32>
          %parallel_loop3A_514 = arith.mulf %parallel_loop3A_511, %parallel_loop3A_513 : vector<16xf32>
          %parallel_loop3A_515 = arith.constant 1 : i32
          %parallel_loop3A_516 = arith.index_cast %parallel_loop3A_515 : i32 to index
          %parallel_loop3A_517 = arith.index_cast %parallel_loop3A_485 : i32 to index
          %parallel_loop3A_518 = arith.constant 16 : index
          %parallel_loop3A_519 = tpu.vector_load %arg8[%parallel_loop3A_516, %parallel_loop3A_517, %parallel_loop3A_518] {strides = array<i32>} : memref<2x128x64xf32, #tpu.memory_space<vmem>>, vector<1x1x16xf32>,
          %parallel_loop3A_520 = vector.shape_cast %parallel_loop3A_519 : vector<1x1x16xf32> to vector<16xf32>
          %parallel_loop3A_521 = vector.shape_cast %parallel_loop3A_514 : vector<16xf32> to vector<1x1x16xf32>
          tpu.vector_store %arg8[%parallel_loop3A_516, %parallel_loop3A_517, %parallel_loop3A_518], %parallel_loop3A_521 {strides = array<i32>} : memref<2x128x64xf32, #tpu.memory_space<vmem>>, vector<1x1x16xf32>,
          %parallel_loop3A_522 = arith.constant 32 : i32
          %parallel_loop3A_523 = arith.addi %parallel_loop3A_481, %parallel_loop3A_522 : i32
          %parallel_loop3A_524 = arith.constant 1 : i32
          %parallel_loop3A_525 = arith.index_cast %parallel_loop3A_524 : i32 to index
          %parallel_loop3A_526 = arith.index_cast %parallel_loop3A_485 : i32 to index
          %parallel_loop3A_527 = arith.index_cast %parallel_loop3A_523 : i32 to index
          %parallel_loop3A_528 = tpu.vector_load %arg7[%parallel_loop3A_525, %parallel_loop3A_526, %parallel_loop3A_527] {strides = array<i32>} : memref<2x128x128xf32, #tpu.memory_space<vmem>>, vector<1x1x16xf32>,
          %parallel_loop3A_529 = vector.shape_cast %parallel_loop3A_528 : vector<1x1x16xf32> to vector<16xf32>
          %parallel_loop3A_530 = arith.constant 8.000000e+00 : f32
          %parallel_loop3A_531 = vector.broadcast %parallel_loop3A_530 : f32 to vector<16xf32>
          %parallel_loop3A_532 = arith.mulf %parallel_loop3A_529, %parallel_loop3A_531 : vector<16xf32>
          %parallel_loop3A_533 = arith.constant 1 : i32
          %parallel_loop3A_534 = arith.index_cast %parallel_loop3A_533 : i32 to index
          %parallel_loop3A_535 = arith.index_cast %parallel_loop3A_485 : i32 to index
          %parallel_loop3A_536 = arith.constant 32 : index
          %parallel_loop3A_537 = tpu.vector_load %arg8[%parallel_loop3A_534, %parallel_loop3A_535, %parallel_loop3A_536] {strides = array<i32>} : memref<2x128x64xf32, #tpu.memory_space<vmem>>, vector<1x1x16xf32>,
          %parallel_loop3A_538 = vector.shape_cast %parallel_loop3A_537 : vector<1x1x16xf32> to vector<16xf32>
          %parallel_loop3A_539 = vector.shape_cast %parallel_loop3A_532 : vector<16xf32> to vector<1x1x16xf32>
          tpu.vector_store %arg8[%parallel_loop3A_534, %parallel_loop3A_535, %parallel_loop3A_536], %parallel_loop3A_539 {strides = array<i32>} : memref<2x128x64xf32, #tpu.memory_space<vmem>>, vector<1x1x16xf32>,
          %parallel_loop3A_540 = arith.constant 48 : i32
          %parallel_loop3A_541 = arith.addi %parallel_loop3A_481, %parallel_loop3A_540 : i32
          %parallel_loop3A_542 = arith.constant 1 : i32
          %parallel_loop3A_543 = arith.index_cast %parallel_loop3A_542 : i32 to index
          %parallel_loop3A_544 = arith.index_cast %parallel_loop3A_485 : i32 to index
          %parallel_loop3A_545 = arith.index_cast %parallel_loop3A_541 : i32 to index
          %parallel_loop3A_546 = tpu.vector_load %arg7[%parallel_loop3A_543, %parallel_loop3A_544, %parallel_loop3A_545] {strides = array<i32>} : memref<2x128x128xf32, #tpu.memory_space<vmem>>, vector<1x1x16xf32>,
          %parallel_loop3A_547 = vector.shape_cast %parallel_loop3A_546 : vector<1x1x16xf32> to vector<16xf32>
          %parallel_loop3A_548 = arith.constant 8.000000e+00 : f32
          %parallel_loop3A_549 = vector.broadcast %parallel_loop3A_548 : f32 to vector<16xf32>
          %parallel_loop3A_550 = arith.mulf %parallel_loop3A_547, %parallel_loop3A_549 : vector<16xf32>
          %parallel_loop3A_551 = arith.constant 1 : i32
          %parallel_loop3A_552 = arith.index_cast %parallel_loop3A_551 : i32 to index
          %parallel_loop3A_553 = arith.index_cast %parallel_loop3A_485 : i32 to index
          %parallel_loop3A_554 = arith.constant 48 : index
          %parallel_loop3A_555 = tpu.vector_load %arg8[%parallel_loop3A_552, %parallel_loop3A_553, %parallel_loop3A_554] {strides = array<i32>} : memref<2x128x64xf32, #tpu.memory_space<vmem>>, vector<1x1x16xf32>,
          %parallel_loop3A_556 = vector.shape_cast %parallel_loop3A_555 : vector<1x1x16xf32> to vector<16xf32>
          %parallel_loop3A_557 = vector.shape_cast %parallel_loop3A_550 : vector<16xf32> to vector<1x1x16xf32>
          tpu.vector_store %arg8[%parallel_loop3A_552, %parallel_loop3A_553, %parallel_loop3A_554], %parallel_loop3A_557 {strides = array<i32>} : memref<2x128x64xf32, #tpu.memory_space<vmem>>, vector<1x1x16xf32>,
          %parallel_loop3A_558 = vector.extract_strided_slice %parallel_loop3A_237 {offsets = [4], sizes = [1], strides = [1]} : vector<16xi32> to vector<1xi32>
          %parallel_loop3A_559 = vector.extract %parallel_loop3A_558[0] : i32 from vector<1xi32>
          %parallel_loop3A_560 = arith.constant 64 : i32
          %parallel_loop3A_561 = arith.muli %parallel_loop3A_559, %parallel_loop3A_560 : i32
          %parallel_loop3A_562 = arith.constant 16 : i32
          %parallel_loop3A_563 = arith.muli %parallel_loop3A_228, %parallel_loop3A_562 : i32
          %parallel_loop3A_564 = arith.constant 4 : i32
          %parallel_loop3A_565 = arith.addi %parallel_loop3A_563, %parallel_loop3A_564 : i32
          %parallel_loop3A_566 = arith.constant 0 : i32
          %parallel_loop3A_567 = arith.addi %parallel_loop3A_561, %parallel_loop3A_566 : i32
          %parallel_loop3A_568 = arith.constant 1 : i32
          %parallel_loop3A_569 = arith.index_cast %parallel_loop3A_568 : i32 to index
          %parallel_loop3A_570 = arith.index_cast %parallel_loop3A_565 : i32 to index
          %parallel_loop3A_571 = arith.index_cast %parallel_loop3A_567 : i32 to index
          %parallel_loop3A_572 = tpu.vector_load %arg7[%parallel_loop3A_569, %parallel_loop3A_570, %parallel_loop3A_571] {strides = array<i32>} : memref<2x128x128xf32, #tpu.memory_space<vmem>>, vector<1x1x16xf32>,
          %parallel_loop3A_573 = vector.shape_cast %parallel_loop3A_572 : vector<1x1x16xf32> to vector<16xf32>
          %parallel_loop3A_574 = arith.constant 8.000000e+00 : f32
          %parallel_loop3A_575 = vector.broadcast %parallel_loop3A_574 : f32 to vector<16xf32>
          %parallel_loop3A_576 = arith.mulf %parallel_loop3A_573, %parallel_loop3A_575 : vector<16xf32>
          %parallel_loop3A_577 = arith.constant 1 : i32
          %parallel_loop3A_578 = arith.index_cast %parallel_loop3A_577 : i32 to index
          %parallel_loop3A_579 = arith.index_cast %parallel_loop3A_565 : i32 to index
          %parallel_loop3A_580 = arith.constant 0 : index
          %parallel_loop3A_581 = tpu.vector_load %arg8[%parallel_loop3A_578, %parallel_loop3A_579, %parallel_loop3A_580] {strides = array<i32>} : memref<2x128x64xf32, #tpu.memory_space<vmem>>, vector<1x1x16xf32>,
          %parallel_loop3A_582 = vector.shape_cast %parallel_loop3A_581 : vector<1x1x16xf32> to vector<16xf32>
          %parallel_loop3A_583 = vector.shape_cast %parallel_loop3A_576 : vector<16xf32> to vector<1x1x16xf32>
          tpu.vector_store %arg8[%parallel_loop3A_578, %parallel_loop3A_579, %parallel_loop3A_580], %parallel_loop3A_583 {strides = array<i32>} : memref<2x128x64xf32, #tpu.memory_space<vmem>>, vector<1x1x16xf32>,
          %parallel_loop3A_584 = arith.constant 16 : i32
          %parallel_loop3A_585 = arith.addi %parallel_loop3A_561, %parallel_loop3A_584 : i32
          %parallel_loop3A_586 = arith.constant 1 : i32
          %parallel_loop3A_587 = arith.index_cast %parallel_loop3A_586 : i32 to index
          %parallel_loop3A_588 = arith.index_cast %parallel_loop3A_565 : i32 to index
          %parallel_loop3A_589 = arith.index_cast %parallel_loop3A_585 : i32 to index
          %parallel_loop3A_590 = tpu.vector_load %arg7[%parallel_loop3A_587, %parallel_loop3A_588, %parallel_loop3A_589] {strides = array<i32>} : memref<2x128x128xf32, #tpu.memory_space<vmem>>, vector<1x1x16xf32>,
          %parallel_loop3A_591 = vector.shape_cast %parallel_loop3A_590 : vector<1x1x16xf32> to vector<16xf32>
          %parallel_loop3A_592 = arith.constant 8.000000e+00 : f32
          %parallel_loop3A_593 = vector.broadcast %parallel_loop3A_592 : f32 to vector<16xf32>
          %parallel_loop3A_594 = arith.mulf %parallel_loop3A_591, %parallel_loop3A_593 : vector<16xf32>
          %parallel_loop3A_595 = arith.constant 1 : i32
          %parallel_loop3A_596 = arith.index_cast %parallel_loop3A_595 : i32 to index
          %parallel_loop3A_597 = arith.index_cast %parallel_loop3A_565 : i32 to index
          %parallel_loop3A_598 = arith.constant 16 : index
          %parallel_loop3A_599 = tpu.vector_load %arg8[%parallel_loop3A_596, %parallel_loop3A_597, %parallel_loop3A_598] {strides = array<i32>} : memref<2x128x64xf32, #tpu.memory_space<vmem>>, vector<1x1x16xf32>,
          %parallel_loop3A_600 = vector.shape_cast %parallel_loop3A_599 : vector<1x1x16xf32> to vector<16xf32>
          %parallel_loop3A_601 = vector.shape_cast %parallel_loop3A_594 : vector<16xf32> to vector<1x1x16xf32>
          tpu.vector_store %arg8[%parallel_loop3A_596, %parallel_loop3A_597, %parallel_loop3A_598], %parallel_loop3A_601 {strides = array<i32>} : memref<2x128x64xf32, #tpu.memory_space<vmem>>, vector<1x1x16xf32>,
          %parallel_loop3A_602 = arith.constant 32 : i32
          %parallel_loop3A_603 = arith.addi %parallel_loop3A_561, %parallel_loop3A_602 : i32
          %parallel_loop3A_604 = arith.constant 1 : i32
          %parallel_loop3A_605 = arith.index_cast %parallel_loop3A_604 : i32 to index
          %parallel_loop3A_606 = arith.index_cast %parallel_loop3A_565 : i32 to index
          %parallel_loop3A_607 = arith.index_cast %parallel_loop3A_603 : i32 to index
          %parallel_loop3A_608 = tpu.vector_load %arg7[%parallel_loop3A_605, %parallel_loop3A_606, %parallel_loop3A_607] {strides = array<i32>} : memref<2x128x128xf32, #tpu.memory_space<vmem>>, vector<1x1x16xf32>,
          %parallel_loop3A_609 = vector.shape_cast %parallel_loop3A_608 : vector<1x1x16xf32> to vector<16xf32>
          %parallel_loop3A_610 = arith.constant 8.000000e+00 : f32
          %parallel_loop3A_611 = vector.broadcast %parallel_loop3A_610 : f32 to vector<16xf32>
          %parallel_loop3A_612 = arith.mulf %parallel_loop3A_609, %parallel_loop3A_611 : vector<16xf32>
          %parallel_loop3A_613 = arith.constant 1 : i32
          %parallel_loop3A_614 = arith.index_cast %parallel_loop3A_613 : i32 to index
          %parallel_loop3A_615 = arith.index_cast %parallel_loop3A_565 : i32 to index
          %parallel_loop3A_616 = arith.constant 32 : index
          %parallel_loop3A_617 = tpu.vector_load %arg8[%parallel_loop3A_614, %parallel_loop3A_615, %parallel_loop3A_616] {strides = array<i32>} : memref<2x128x64xf32, #tpu.memory_space<vmem>>, vector<1x1x16xf32>,
          %parallel_loop3A_618 = vector.shape_cast %parallel_loop3A_617 : vector<1x1x16xf32> to vector<16xf32>
          %parallel_loop3A_619 = vector.shape_cast %parallel_loop3A_612 : vector<16xf32> to vector<1x1x16xf32>
          tpu.vector_store %arg8[%parallel_loop3A_614, %parallel_loop3A_615, %parallel_loop3A_616], %parallel_loop3A_619 {strides = array<i32>} : memref<2x128x64xf32, #tpu.memory_space<vmem>>, vector<1x1x16xf32>,
          %parallel_loop3A_620 = arith.constant 48 : i32
          %parallel_loop3A_621 = arith.addi %parallel_loop3A_561, %parallel_loop3A_620 : i32
          %parallel_loop3A_622 = arith.constant 1 : i32
          %parallel_loop3A_623 = arith.index_cast %parallel_loop3A_622 : i32 to index
          %parallel_loop3A_624 = arith.index_cast %parallel_loop3A_565 : i32 to index
          %parallel_loop3A_625 = arith.index_cast %parallel_loop3A_621 : i32 to index
          %parallel_loop3A_626 = tpu.vector_load %arg7[%parallel_loop3A_623, %parallel_loop3A_624, %parallel_loop3A_625] {strides = array<i32>} : memref<2x128x128xf32, #tpu.memory_space<vmem>>, vector<1x1x16xf32>,
          %parallel_loop3A_627 = vector.shape_cast %parallel_loop3A_626 : vector<1x1x16xf32> to vector<16xf32>
          %parallel_loop3A_628 = arith.constant 8.000000e+00 : f32
          %parallel_loop3A_629 = vector.broadcast %parallel_loop3A_628 : f32 to vector<16xf32>
          %parallel_loop3A_630 = arith.mulf %parallel_loop3A_627, %parallel_loop3A_629 : vector<16xf32>
          %parallel_loop3A_631 = arith.constant 1 : i32
          %parallel_loop3A_632 = arith.index_cast %parallel_loop3A_631 : i32 to index
          %parallel_loop3A_633 = arith.index_cast %parallel_loop3A_565 : i32 to index
          %parallel_loop3A_634 = arith.constant 48 : index
          %parallel_loop3A_635 = tpu.vector_load %arg8[%parallel_loop3A_632, %parallel_loop3A_633, %parallel_loop3A_634] {strides = array<i32>} : memref<2x128x64xf32, #tpu.memory_space<vmem>>, vector<1x1x16xf32>,
          %parallel_loop3A_636 = vector.shape_cast %parallel_loop3A_635 : vector<1x1x16xf32> to vector<16xf32>
          %parallel_loop3A_637 = vector.shape_cast %parallel_loop3A_630 : vector<16xf32> to vector<1x1x16xf32>
          tpu.vector_store %arg8[%parallel_loop3A_632, %parallel_loop3A_633, %parallel_loop3A_634], %parallel_loop3A_637 {strides = array<i32>} : memref<2x128x64xf32, #tpu.memory_space<vmem>>, vector<1x1x16xf32>,
          %parallel_loop3A_638 = vector.extract_strided_slice %parallel_loop3A_237 {offsets = [5], sizes = [1], strides = [1]} : vector<16xi32> to vector<1xi32>
          %parallel_loop3A_639 = vector.extract %parallel_loop3A_638[0] : i32 from vector<1xi32>
          %parallel_loop3A_640 = arith.constant 64 : i32
          %parallel_loop3A_641 = arith.muli %parallel_loop3A_639, %parallel_loop3A_640 : i32
          %parallel_loop3A_642 = arith.constant 16 : i32
          %parallel_loop3A_643 = arith.muli %parallel_loop3A_228, %parallel_loop3A_642 : i32
          %parallel_loop3A_644 = arith.constant 5 : i32
          %parallel_loop3A_645 = arith.addi %parallel_loop3A_643, %parallel_loop3A_644 : i32
          %parallel_loop3A_646 = arith.constant 0 : i32
          %parallel_loop3A_647 = arith.addi %parallel_loop3A_641, %parallel_loop3A_646 : i32
          %parallel_loop3A_648 = arith.constant 1 : i32
          %parallel_loop3A_649 = arith.index_cast %parallel_loop3A_648 : i32 to index
          %parallel_loop3A_650 = arith.index_cast %parallel_loop3A_645 : i32 to index
          %parallel_loop3A_651 = arith.index_cast %parallel_loop3A_647 : i32 to index
          %parallel_loop3A_652 = tpu.vector_load %arg7[%parallel_loop3A_649, %parallel_loop3A_650, %parallel_loop3A_651] {strides = array<i32>} : memref<2x128x128xf32, #tpu.memory_space<vmem>>, vector<1x1x16xf32>,
          %parallel_loop3A_653 = vector.shape_cast %parallel_loop3A_652 : vector<1x1x16xf32> to vector<16xf32>
          %parallel_loop3A_654 = arith.constant 8.000000e+00 : f32
          %parallel_loop3A_655 = vector.broadcast %parallel_loop3A_654 : f32 to vector<16xf32>
          %parallel_loop3A_656 = arith.mulf %parallel_loop3A_653, %parallel_loop3A_655 : vector<16xf32>
          %parallel_loop3A_657 = arith.constant 1 : i32
          %parallel_loop3A_658 = arith.index_cast %parallel_loop3A_657 : i32 to index
          %parallel_loop3A_659 = arith.index_cast %parallel_loop3A_645 : i32 to index
          %parallel_loop3A_660 = arith.constant 0 : index
          %parallel_loop3A_661 = tpu.vector_load %arg8[%parallel_loop3A_658, %parallel_loop3A_659, %parallel_loop3A_660] {strides = array<i32>} : memref<2x128x64xf32, #tpu.memory_space<vmem>>, vector<1x1x16xf32>,
          %parallel_loop3A_662 = vector.shape_cast %parallel_loop3A_661 : vector<1x1x16xf32> to vector<16xf32>
          %parallel_loop3A_663 = vector.shape_cast %parallel_loop3A_656 : vector<16xf32> to vector<1x1x16xf32>
          tpu.vector_store %arg8[%parallel_loop3A_658, %parallel_loop3A_659, %parallel_loop3A_660], %parallel_loop3A_663 {strides = array<i32>} : memref<2x128x64xf32, #tpu.memory_space<vmem>>, vector<1x1x16xf32>,
          %parallel_loop3A_664 = arith.constant 16 : i32
          %parallel_loop3A_665 = arith.addi %parallel_loop3A_641, %parallel_loop3A_664 : i32
          %parallel_loop3A_666 = arith.constant 1 : i32
          %parallel_loop3A_667 = arith.index_cast %parallel_loop3A_666 : i32 to index
          %parallel_loop3A_668 = arith.index_cast %parallel_loop3A_645 : i32 to index
          %parallel_loop3A_669 = arith.index_cast %parallel_loop3A_665 : i32 to index
          %parallel_loop3A_670 = tpu.vector_load %arg7[%parallel_loop3A_667, %parallel_loop3A_668, %parallel_loop3A_669] {strides = array<i32>} : memref<2x128x128xf32, #tpu.memory_space<vmem>>, vector<1x1x16xf32>,
          %parallel_loop3A_671 = vector.shape_cast %parallel_loop3A_670 : vector<1x1x16xf32> to vector<16xf32>
          %parallel_loop3A_672 = arith.constant 8.000000e+00 : f32
          %parallel_loop3A_673 = vector.broadcast %parallel_loop3A_672 : f32 to vector<16xf32>
          %parallel_loop3A_674 = arith.mulf %parallel_loop3A_671, %parallel_loop3A_673 : vector<16xf32>
          %parallel_loop3A_675 = arith.constant 1 : i32
          %parallel_loop3A_676 = arith.index_cast %parallel_loop3A_675 : i32 to index
          %parallel_loop3A_677 = arith.index_cast %parallel_loop3A_645 : i32 to index
          %parallel_loop3A_678 = arith.constant 16 : index
          %parallel_loop3A_679 = tpu.vector_load %arg8[%parallel_loop3A_676, %parallel_loop3A_677, %parallel_loop3A_678] {strides = array<i32>} : memref<2x128x64xf32, #tpu.memory_space<vmem>>, vector<1x1x16xf32>,
          %parallel_loop3A_680 = vector.shape_cast %parallel_loop3A_679 : vector<1x1x16xf32> to vector<16xf32>
          %parallel_loop3A_681 = vector.shape_cast %parallel_loop3A_674 : vector<16xf32> to vector<1x1x16xf32>
          tpu.vector_store %arg8[%parallel_loop3A_676, %parallel_loop3A_677, %parallel_loop3A_678], %parallel_loop3A_681 {strides = array<i32>} : memref<2x128x64xf32, #tpu.memory_space<vmem>>, vector<1x1x16xf32>,
          %parallel_loop3A_682 = arith.constant 32 : i32
          %parallel_loop3A_683 = arith.addi %parallel_loop3A_641, %parallel_loop3A_682 : i32
          %parallel_loop3A_684 = arith.constant 1 : i32
          %parallel_loop3A_685 = arith.index_cast %parallel_loop3A_684 : i32 to index
          %parallel_loop3A_686 = arith.index_cast %parallel_loop3A_645 : i32 to index
          %parallel_loop3A_687 = arith.index_cast %parallel_loop3A_683 : i32 to index
          %parallel_loop3A_688 = tpu.vector_load %arg7[%parallel_loop3A_685, %parallel_loop3A_686, %parallel_loop3A_687] {strides = array<i32>} : memref<2x128x128xf32, #tpu.memory_space<vmem>>, vector<1x1x16xf32>,
          %parallel_loop3A_689 = vector.shape_cast %parallel_loop3A_688 : vector<1x1x16xf32> to vector<16xf32>
          %parallel_loop3A_690 = arith.constant 8.000000e+00 : f32
          %parallel_loop3A_691 = vector.broadcast %parallel_loop3A_690 : f32 to vector<16xf32>
          %parallel_loop3A_692 = arith.mulf %parallel_loop3A_689, %parallel_loop3A_691 : vector<16xf32>
          %parallel_loop3A_693 = arith.constant 1 : i32
          %parallel_loop3A_694 = arith.index_cast %parallel_loop3A_693 : i32 to index
          %parallel_loop3A_695 = arith.index_cast %parallel_loop3A_645 : i32 to index
          %parallel_loop3A_696 = arith.constant 32 : index
          %parallel_loop3A_697 = tpu.vector_load %arg8[%parallel_loop3A_694, %parallel_loop3A_695, %parallel_loop3A_696] {strides = array<i32>} : memref<2x128x64xf32, #tpu.memory_space<vmem>>, vector<1x1x16xf32>,
          %parallel_loop3A_698 = vector.shape_cast %parallel_loop3A_697 : vector<1x1x16xf32> to vector<16xf32>
          %parallel_loop3A_699 = vector.shape_cast %parallel_loop3A_692 : vector<16xf32> to vector<1x1x16xf32>
          tpu.vector_store %arg8[%parallel_loop3A_694, %parallel_loop3A_695, %parallel_loop3A_696], %parallel_loop3A_699 {strides = array<i32>} : memref<2x128x64xf32, #tpu.memory_space<vmem>>, vector<1x1x16xf32>,
          %parallel_loop3A_700 = arith.constant 48 : i32
          %parallel_loop3A_701 = arith.addi %parallel_loop3A_641, %parallel_loop3A_700 : i32
          %parallel_loop3A_702 = arith.constant 1 : i32
          %parallel_loop3A_703 = arith.index_cast %parallel_loop3A_702 : i32 to index
          %parallel_loop3A_704 = arith.index_cast %parallel_loop3A_645 : i32 to index
          %parallel_loop3A_705 = arith.index_cast %parallel_loop3A_701 : i32 to index
          %parallel_loop3A_706 = tpu.vector_load %arg7[%parallel_loop3A_703, %parallel_loop3A_704, %parallel_loop3A_705] {strides = array<i32>} : memref<2x128x128xf32, #tpu.memory_space<vmem>>, vector<1x1x16xf32>,
          %parallel_loop3A_707 = vector.shape_cast %parallel_loop3A_706 : vector<1x1x16xf32> to vector<16xf32>
          %parallel_loop3A_708 = arith.constant 8.000000e+00 : f32
          %parallel_loop3A_709 = vector.broadcast %parallel_loop3A_708 : f32 to vector<16xf32>
          %parallel_loop3A_710 = arith.mulf %parallel_loop3A_707, %parallel_loop3A_709 : vector<16xf32>
          %parallel_loop3A_711 = arith.constant 1 : i32
          %parallel_loop3A_712 = arith.index_cast %parallel_loop3A_711 : i32 to index
          %parallel_loop3A_713 = arith.index_cast %parallel_loop3A_645 : i32 to index
          %parallel_loop3A_714 = arith.constant 48 : index
          %parallel_loop3A_715 = tpu.vector_load %arg8[%parallel_loop3A_712, %parallel_loop3A_713, %parallel_loop3A_714] {strides = array<i32>} : memref<2x128x64xf32, #tpu.memory_space<vmem>>, vector<1x1x16xf32>,
          %parallel_loop3A_716 = vector.shape_cast %parallel_loop3A_715 : vector<1x1x16xf32> to vector<16xf32>
          %parallel_loop3A_717 = vector.shape_cast %parallel_loop3A_710 : vector<16xf32> to vector<1x1x16xf32>
          tpu.vector_store %arg8[%parallel_loop3A_712, %parallel_loop3A_713, %parallel_loop3A_714], %parallel_loop3A_717 {strides = array<i32>} : memref<2x128x64xf32, #tpu.memory_space<vmem>>, vector<1x1x16xf32>,
          %parallel_loop3A_718 = vector.extract_strided_slice %parallel_loop3A_237 {offsets = [6], sizes = [1], strides = [1]} : vector<16xi32> to vector<1xi32>
          %parallel_loop3A_719 = vector.extract %parallel_loop3A_718[0] : i32 from vector<1xi32>
          %parallel_loop3A_720 = arith.constant 64 : i32
          %parallel_loop3A_721 = arith.muli %parallel_loop3A_719, %parallel_loop3A_720 : i32
          %parallel_loop3A_722 = arith.constant 16 : i32
          %parallel_loop3A_723 = arith.muli %parallel_loop3A_228, %parallel_loop3A_722 : i32
          %parallel_loop3A_724 = arith.constant 6 : i32
          %parallel_loop3A_725 = arith.addi %parallel_loop3A_723, %parallel_loop3A_724 : i32
          %parallel_loop3A_726 = arith.constant 0 : i32
          %parallel_loop3A_727 = arith.addi %parallel_loop3A_721, %parallel_loop3A_726 : i32
          %parallel_loop3A_728 = arith.constant 1 : i32
          %parallel_loop3A_729 = arith.index_cast %parallel_loop3A_728 : i32 to index
          %parallel_loop3A_730 = arith.index_cast %parallel_loop3A_725 : i32 to index
          %parallel_loop3A_731 = arith.index_cast %parallel_loop3A_727 : i32 to index
          %parallel_loop3A_732 = tpu.vector_load %arg7[%parallel_loop3A_729, %parallel_loop3A_730, %parallel_loop3A_731] {strides = array<i32>} : memref<2x128x128xf32, #tpu.memory_space<vmem>>, vector<1x1x16xf32>,
          %parallel_loop3A_733 = vector.shape_cast %parallel_loop3A_732 : vector<1x1x16xf32> to vector<16xf32>
          %parallel_loop3A_734 = arith.constant 8.000000e+00 : f32
          %parallel_loop3A_735 = vector.broadcast %parallel_loop3A_734 : f32 to vector<16xf32>
          %parallel_loop3A_736 = arith.mulf %parallel_loop3A_733, %parallel_loop3A_735 : vector<16xf32>
          %parallel_loop3A_737 = arith.constant 1 : i32
          %parallel_loop3A_738 = arith.index_cast %parallel_loop3A_737 : i32 to index
          %parallel_loop3A_739 = arith.index_cast %parallel_loop3A_725 : i32 to index
          %parallel_loop3A_740 = arith.constant 0 : index
          %parallel_loop3A_741 = tpu.vector_load %arg8[%parallel_loop3A_738, %parallel_loop3A_739, %parallel_loop3A_740] {strides = array<i32>} : memref<2x128x64xf32, #tpu.memory_space<vmem>>, vector<1x1x16xf32>,
          %parallel_loop3A_742 = vector.shape_cast %parallel_loop3A_741 : vector<1x1x16xf32> to vector<16xf32>
          %parallel_loop3A_743 = vector.shape_cast %parallel_loop3A_736 : vector<16xf32> to vector<1x1x16xf32>
          tpu.vector_store %arg8[%parallel_loop3A_738, %parallel_loop3A_739, %parallel_loop3A_740], %parallel_loop3A_743 {strides = array<i32>} : memref<2x128x64xf32, #tpu.memory_space<vmem>>, vector<1x1x16xf32>,
          %parallel_loop3A_744 = arith.constant 16 : i32
          %parallel_loop3A_745 = arith.addi %parallel_loop3A_721, %parallel_loop3A_744 : i32
          %parallel_loop3A_746 = arith.constant 1 : i32
          %parallel_loop3A_747 = arith.index_cast %parallel_loop3A_746 : i32 to index
          %parallel_loop3A_748 = arith.index_cast %parallel_loop3A_725 : i32 to index
          %parallel_loop3A_749 = arith.index_cast %parallel_loop3A_745 : i32 to index
          %parallel_loop3A_750 = tpu.vector_load %arg7[%parallel_loop3A_747, %parallel_loop3A_748, %parallel_loop3A_749] {strides = array<i32>} : memref<2x128x128xf32, #tpu.memory_space<vmem>>, vector<1x1x16xf32>,
          %parallel_loop3A_751 = vector.shape_cast %parallel_loop3A_750 : vector<1x1x16xf32> to vector<16xf32>
          %parallel_loop3A_752 = arith.constant 8.000000e+00 : f32
          %parallel_loop3A_753 = vector.broadcast %parallel_loop3A_752 : f32 to vector<16xf32>
          %parallel_loop3A_754 = arith.mulf %parallel_loop3A_751, %parallel_loop3A_753 : vector<16xf32>
          %parallel_loop3A_755 = arith.constant 1 : i32
          %parallel_loop3A_756 = arith.index_cast %parallel_loop3A_755 : i32 to index
          %parallel_loop3A_757 = arith.index_cast %parallel_loop3A_725 : i32 to index
          %parallel_loop3A_758 = arith.constant 16 : index
          %parallel_loop3A_759 = tpu.vector_load %arg8[%parallel_loop3A_756, %parallel_loop3A_757, %parallel_loop3A_758] {strides = array<i32>} : memref<2x128x64xf32, #tpu.memory_space<vmem>>, vector<1x1x16xf32>,
          %parallel_loop3A_760 = vector.shape_cast %parallel_loop3A_759 : vector<1x1x16xf32> to vector<16xf32>
          %parallel_loop3A_761 = vector.shape_cast %parallel_loop3A_754 : vector<16xf32> to vector<1x1x16xf32>
          tpu.vector_store %arg8[%parallel_loop3A_756, %parallel_loop3A_757, %parallel_loop3A_758], %parallel_loop3A_761 {strides = array<i32>} : memref<2x128x64xf32, #tpu.memory_space<vmem>>, vector<1x1x16xf32>,
          %parallel_loop3A_762 = arith.constant 32 : i32
          %parallel_loop3A_763 = arith.addi %parallel_loop3A_721, %parallel_loop3A_762 : i32
          %parallel_loop3A_764 = arith.constant 1 : i32
          %parallel_loop3A_765 = arith.index_cast %parallel_loop3A_764 : i32 to index
          %parallel_loop3A_766 = arith.index_cast %parallel_loop3A_725 : i32 to index
          %parallel_loop3A_767 = arith.index_cast %parallel_loop3A_763 : i32 to index
          %parallel_loop3A_768 = tpu.vector_load %arg7[%parallel_loop3A_765, %parallel_loop3A_766, %parallel_loop3A_767] {strides = array<i32>} : memref<2x128x128xf32, #tpu.memory_space<vmem>>, vector<1x1x16xf32>,
          %parallel_loop3A_769 = vector.shape_cast %parallel_loop3A_768 : vector<1x1x16xf32> to vector<16xf32>
          %parallel_loop3A_770 = arith.constant 8.000000e+00 : f32
          %parallel_loop3A_771 = vector.broadcast %parallel_loop3A_770 : f32 to vector<16xf32>
          %parallel_loop3A_772 = arith.mulf %parallel_loop3A_769, %parallel_loop3A_771 : vector<16xf32>
          %parallel_loop3A_773 = arith.constant 1 : i32
          %parallel_loop3A_774 = arith.index_cast %parallel_loop3A_773 : i32 to index
          %parallel_loop3A_775 = arith.index_cast %parallel_loop3A_725 : i32 to index
          %parallel_loop3A_776 = arith.constant 32 : index
          %parallel_loop3A_777 = tpu.vector_load %arg8[%parallel_loop3A_774, %parallel_loop3A_775, %parallel_loop3A_776] {strides = array<i32>} : memref<2x128x64xf32, #tpu.memory_space<vmem>>, vector<1x1x16xf32>,
          %parallel_loop3A_778 = vector.shape_cast %parallel_loop3A_777 : vector<1x1x16xf32> to vector<16xf32>
          %parallel_loop3A_779 = vector.shape_cast %parallel_loop3A_772 : vector<16xf32> to vector<1x1x16xf32>
          tpu.vector_store %arg8[%parallel_loop3A_774, %parallel_loop3A_775, %parallel_loop3A_776], %parallel_loop3A_779 {strides = array<i32>} : memref<2x128x64xf32, #tpu.memory_space<vmem>>, vector<1x1x16xf32>,
          %parallel_loop3A_780 = arith.constant 48 : i32
          %parallel_loop3A_781 = arith.addi %parallel_loop3A_721, %parallel_loop3A_780 : i32
          %parallel_loop3A_782 = arith.constant 1 : i32
          %parallel_loop3A_783 = arith.index_cast %parallel_loop3A_782 : i32 to index
          %parallel_loop3A_784 = arith.index_cast %parallel_loop3A_725 : i32 to index
          %parallel_loop3A_785 = arith.index_cast %parallel_loop3A_781 : i32 to index
          %parallel_loop3A_786 = tpu.vector_load %arg7[%parallel_loop3A_783, %parallel_loop3A_784, %parallel_loop3A_785] {strides = array<i32>} : memref<2x128x128xf32, #tpu.memory_space<vmem>>, vector<1x1x16xf32>,
          %parallel_loop3A_787 = vector.shape_cast %parallel_loop3A_786 : vector<1x1x16xf32> to vector<16xf32>
          %parallel_loop3A_788 = arith.constant 8.000000e+00 : f32
          %parallel_loop3A_789 = vector.broadcast %parallel_loop3A_788 : f32 to vector<16xf32>
          %parallel_loop3A_790 = arith.mulf %parallel_loop3A_787, %parallel_loop3A_789 : vector<16xf32>
          %parallel_loop3A_791 = arith.constant 1 : i32
          %parallel_loop3A_792 = arith.index_cast %parallel_loop3A_791 : i32 to index
          %parallel_loop3A_793 = arith.index_cast %parallel_loop3A_725 : i32 to index
          %parallel_loop3A_794 = arith.constant 48 : index
          %parallel_loop3A_795 = tpu.vector_load %arg8[%parallel_loop3A_792, %parallel_loop3A_793, %parallel_loop3A_794] {strides = array<i32>} : memref<2x128x64xf32, #tpu.memory_space<vmem>>, vector<1x1x16xf32>,
          %parallel_loop3A_796 = vector.shape_cast %parallel_loop3A_795 : vector<1x1x16xf32> to vector<16xf32>
          %parallel_loop3A_797 = vector.shape_cast %parallel_loop3A_790 : vector<16xf32> to vector<1x1x16xf32>
          tpu.vector_store %arg8[%parallel_loop3A_792, %parallel_loop3A_793, %parallel_loop3A_794], %parallel_loop3A_797 {strides = array<i32>} : memref<2x128x64xf32, #tpu.memory_space<vmem>>, vector<1x1x16xf32>,
          %parallel_loop3A_798 = vector.extract_strided_slice %parallel_loop3A_237 {offsets = [7], sizes = [1], strides = [1]} : vector<16xi32> to vector<1xi32>
          %parallel_loop3A_799 = vector.extract %parallel_loop3A_798[0] : i32 from vector<1xi32>
          %parallel_loop3A_800 = arith.constant 64 : i32
          %parallel_loop3A_801 = arith.muli %parallel_loop3A_799, %parallel_loop3A_800 : i32
          %parallel_loop3A_802 = arith.constant 16 : i32
          %parallel_loop3A_803 = arith.muli %parallel_loop3A_228, %parallel_loop3A_802 : i32
          %parallel_loop3A_804 = arith.constant 7 : i32
          %parallel_loop3A_805 = arith.addi %parallel_loop3A_803, %parallel_loop3A_804 : i32
          %parallel_loop3A_806 = arith.constant 0 : i32
          %parallel_loop3A_807 = arith.addi %parallel_loop3A_801, %parallel_loop3A_806 : i32
          %parallel_loop3A_808 = arith.constant 1 : i32
          %parallel_loop3A_809 = arith.index_cast %parallel_loop3A_808 : i32 to index
          %parallel_loop3A_810 = arith.index_cast %parallel_loop3A_805 : i32 to index
          %parallel_loop3A_811 = arith.index_cast %parallel_loop3A_807 : i32 to index
          %parallel_loop3A_812 = tpu.vector_load %arg7[%parallel_loop3A_809, %parallel_loop3A_810, %parallel_loop3A_811] {strides = array<i32>} : memref<2x128x128xf32, #tpu.memory_space<vmem>>, vector<1x1x16xf32>,
          %parallel_loop3A_813 = vector.shape_cast %parallel_loop3A_812 : vector<1x1x16xf32> to vector<16xf32>
          %parallel_loop3A_814 = arith.constant 8.000000e+00 : f32
          %parallel_loop3A_815 = vector.broadcast %parallel_loop3A_814 : f32 to vector<16xf32>
          %parallel_loop3A_816 = arith.mulf %parallel_loop3A_813, %parallel_loop3A_815 : vector<16xf32>
          %parallel_loop3A_817 = arith.constant 1 : i32
          %parallel_loop3A_818 = arith.index_cast %parallel_loop3A_817 : i32 to index
          %parallel_loop3A_819 = arith.index_cast %parallel_loop3A_805 : i32 to index
          %parallel_loop3A_820 = arith.constant 0 : index
          %parallel_loop3A_821 = tpu.vector_load %arg8[%parallel_loop3A_818, %parallel_loop3A_819, %parallel_loop3A_820] {strides = array<i32>} : memref<2x128x64xf32, #tpu.memory_space<vmem>>, vector<1x1x16xf32>,
          %parallel_loop3A_822 = vector.shape_cast %parallel_loop3A_821 : vector<1x1x16xf32> to vector<16xf32>
          %parallel_loop3A_823 = vector.shape_cast %parallel_loop3A_816 : vector<16xf32> to vector<1x1x16xf32>
          tpu.vector_store %arg8[%parallel_loop3A_818, %parallel_loop3A_819, %parallel_loop3A_820], %parallel_loop3A_823 {strides = array<i32>} : memref<2x128x64xf32, #tpu.memory_space<vmem>>, vector<1x1x16xf32>,
          %parallel_loop3A_824 = arith.constant 16 : i32
          %parallel_loop3A_825 = arith.addi %parallel_loop3A_801, %parallel_loop3A_824 : i32
          %parallel_loop3A_826 = arith.constant 1 : i32
          %parallel_loop3A_827 = arith.index_cast %parallel_loop3A_826 : i32 to index
          %parallel_loop3A_828 = arith.index_cast %parallel_loop3A_805 : i32 to index
          %parallel_loop3A_829 = arith.index_cast %parallel_loop3A_825 : i32 to index
          %parallel_loop3A_830 = tpu.vector_load %arg7[%parallel_loop3A_827, %parallel_loop3A_828, %parallel_loop3A_829] {strides = array<i32>} : memref<2x128x128xf32, #tpu.memory_space<vmem>>, vector<1x1x16xf32>,
          %parallel_loop3A_831 = vector.shape_cast %parallel_loop3A_830 : vector<1x1x16xf32> to vector<16xf32>
          %parallel_loop3A_832 = arith.constant 8.000000e+00 : f32
          %parallel_loop3A_833 = vector.broadcast %parallel_loop3A_832 : f32 to vector<16xf32>
          %parallel_loop3A_834 = arith.mulf %parallel_loop3A_831, %parallel_loop3A_833 : vector<16xf32>
          %parallel_loop3A_835 = arith.constant 1 : i32
          %parallel_loop3A_836 = arith.index_cast %parallel_loop3A_835 : i32 to index
          %parallel_loop3A_837 = arith.index_cast %parallel_loop3A_805 : i32 to index
          %parallel_loop3A_838 = arith.constant 16 : index
          %parallel_loop3A_839 = tpu.vector_load %arg8[%parallel_loop3A_836, %parallel_loop3A_837, %parallel_loop3A_838] {strides = array<i32>} : memref<2x128x64xf32, #tpu.memory_space<vmem>>, vector<1x1x16xf32>,
          %parallel_loop3A_840 = vector.shape_cast %parallel_loop3A_839 : vector<1x1x16xf32> to vector<16xf32>
          %parallel_loop3A_841 = vector.shape_cast %parallel_loop3A_834 : vector<16xf32> to vector<1x1x16xf32>
          tpu.vector_store %arg8[%parallel_loop3A_836, %parallel_loop3A_837, %parallel_loop3A_838], %parallel_loop3A_841 {strides = array<i32>} : memref<2x128x64xf32, #tpu.memory_space<vmem>>, vector<1x1x16xf32>,
          %parallel_loop3A_842 = arith.constant 32 : i32
          %parallel_loop3A_843 = arith.addi %parallel_loop3A_801, %parallel_loop3A_842 : i32
          %parallel_loop3A_844 = arith.constant 1 : i32
          %parallel_loop3A_845 = arith.index_cast %parallel_loop3A_844 : i32 to index
          %parallel_loop3A_846 = arith.index_cast %parallel_loop3A_805 : i32 to index
          %parallel_loop3A_847 = arith.index_cast %parallel_loop3A_843 : i32 to index
          %parallel_loop3A_848 = tpu.vector_load %arg7[%parallel_loop3A_845, %parallel_loop3A_846, %parallel_loop3A_847] {strides = array<i32>} : memref<2x128x128xf32, #tpu.memory_space<vmem>>, vector<1x1x16xf32>,
          %parallel_loop3A_849 = vector.shape_cast %parallel_loop3A_848 : vector<1x1x16xf32> to vector<16xf32>
          %parallel_loop3A_850 = arith.constant 8.000000e+00 : f32
          %parallel_loop3A_851 = vector.broadcast %parallel_loop3A_850 : f32 to vector<16xf32>
          %parallel_loop3A_852 = arith.mulf %parallel_loop3A_849, %parallel_loop3A_851 : vector<16xf32>
          %parallel_loop3A_853 = arith.constant 1 : i32
          %parallel_loop3A_854 = arith.index_cast %parallel_loop3A_853 : i32 to index
          %parallel_loop3A_855 = arith.index_cast %parallel_loop3A_805 : i32 to index
          %parallel_loop3A_856 = arith.constant 32 : index
          %parallel_loop3A_857 = tpu.vector_load %arg8[%parallel_loop3A_854, %parallel_loop3A_855, %parallel_loop3A_856] {strides = array<i32>} : memref<2x128x64xf32, #tpu.memory_space<vmem>>, vector<1x1x16xf32>,
          %parallel_loop3A_858 = vector.shape_cast %parallel_loop3A_857 : vector<1x1x16xf32> to vector<16xf32>
          %parallel_loop3A_859 = vector.shape_cast %parallel_loop3A_852 : vector<16xf32> to vector<1x1x16xf32>
          tpu.vector_store %arg8[%parallel_loop3A_854, %parallel_loop3A_855, %parallel_loop3A_856], %parallel_loop3A_859 {strides = array<i32>} : memref<2x128x64xf32, #tpu.memory_space<vmem>>, vector<1x1x16xf32>,
          %parallel_loop3A_860 = arith.constant 48 : i32
          %parallel_loop3A_861 = arith.addi %parallel_loop3A_801, %parallel_loop3A_860 : i32
          %parallel_loop3A_862 = arith.constant 1 : i32
          %parallel_loop3A_863 = arith.index_cast %parallel_loop3A_862 : i32 to index
          %parallel_loop3A_864 = arith.index_cast %parallel_loop3A_805 : i32 to index
          %parallel_loop3A_865 = arith.index_cast %parallel_loop3A_861 : i32 to index
          %parallel_loop3A_866 = tpu.vector_load %arg7[%parallel_loop3A_863, %parallel_loop3A_864, %parallel_loop3A_865] {strides = array<i32>} : memref<2x128x128xf32, #tpu.memory_space<vmem>>, vector<1x1x16xf32>,
          %parallel_loop3A_867 = vector.shape_cast %parallel_loop3A_866 : vector<1x1x16xf32> to vector<16xf32>
          %parallel_loop3A_868 = arith.constant 8.000000e+00 : f32
          %parallel_loop3A_869 = vector.broadcast %parallel_loop3A_868 : f32 to vector<16xf32>
          %parallel_loop3A_870 = arith.mulf %parallel_loop3A_867, %parallel_loop3A_869 : vector<16xf32>
          %parallel_loop3A_871 = arith.constant 1 : i32
          %parallel_loop3A_872 = arith.index_cast %parallel_loop3A_871 : i32 to index
          %parallel_loop3A_873 = arith.index_cast %parallel_loop3A_805 : i32 to index
          %parallel_loop3A_874 = arith.constant 48 : index
          %parallel_loop3A_875 = tpu.vector_load %arg8[%parallel_loop3A_872, %parallel_loop3A_873, %parallel_loop3A_874] {strides = array<i32>} : memref<2x128x64xf32, #tpu.memory_space<vmem>>, vector<1x1x16xf32>,
          %parallel_loop3A_876 = vector.shape_cast %parallel_loop3A_875 : vector<1x1x16xf32> to vector<16xf32>
          %parallel_loop3A_877 = vector.shape_cast %parallel_loop3A_870 : vector<16xf32> to vector<1x1x16xf32>
          tpu.vector_store %arg8[%parallel_loop3A_872, %parallel_loop3A_873, %parallel_loop3A_874], %parallel_loop3A_877 {strides = array<i32>} : memref<2x128x64xf32, #tpu.memory_space<vmem>>, vector<1x1x16xf32>,
          %parallel_loop3A_878 = vector.extract_strided_slice %parallel_loop3A_237 {offsets = [8], sizes = [1], strides = [1]} : vector<16xi32> to vector<1xi32>
          %parallel_loop3A_879 = vector.extract %parallel_loop3A_878[0] : i32 from vector<1xi32>
          %parallel_loop3A_880 = arith.constant 64 : i32
          %parallel_loop3A_881 = arith.muli %parallel_loop3A_879, %parallel_loop3A_880 : i32
          %parallel_loop3A_882 = arith.constant 16 : i32
          %parallel_loop3A_883 = arith.muli %parallel_loop3A_228, %parallel_loop3A_882 : i32
          %parallel_loop3A_884 = arith.constant 8 : i32
          %parallel_loop3A_885 = arith.addi %parallel_loop3A_883, %parallel_loop3A_884 : i32
          %parallel_loop3A_886 = arith.constant 0 : i32
          %parallel_loop3A_887 = arith.addi %parallel_loop3A_881, %parallel_loop3A_886 : i32
          %parallel_loop3A_888 = arith.constant 1 : i32
          %parallel_loop3A_889 = arith.index_cast %parallel_loop3A_888 : i32 to index
          %parallel_loop3A_890 = arith.index_cast %parallel_loop3A_885 : i32 to index
          %parallel_loop3A_891 = arith.index_cast %parallel_loop3A_887 : i32 to index
          %parallel_loop3A_892 = tpu.vector_load %arg7[%parallel_loop3A_889, %parallel_loop3A_890, %parallel_loop3A_891] {strides = array<i32>} : memref<2x128x128xf32, #tpu.memory_space<vmem>>, vector<1x1x16xf32>,
          %parallel_loop3A_893 = vector.shape_cast %parallel_loop3A_892 : vector<1x1x16xf32> to vector<16xf32>
          %parallel_loop3A_894 = arith.constant 8.000000e+00 : f32
          %parallel_loop3A_895 = vector.broadcast %parallel_loop3A_894 : f32 to vector<16xf32>
          %parallel_loop3A_896 = arith.mulf %parallel_loop3A_893, %parallel_loop3A_895 : vector<16xf32>
          %parallel_loop3A_897 = arith.constant 1 : i32
          %parallel_loop3A_898 = arith.index_cast %parallel_loop3A_897 : i32 to index
          %parallel_loop3A_899 = arith.index_cast %parallel_loop3A_885 : i32 to index
          %parallel_loop3A_900 = arith.constant 0 : index
          %parallel_loop3A_901 = tpu.vector_load %arg8[%parallel_loop3A_898, %parallel_loop3A_899, %parallel_loop3A_900] {strides = array<i32>} : memref<2x128x64xf32, #tpu.memory_space<vmem>>, vector<1x1x16xf32>,
          %parallel_loop3A_902 = vector.shape_cast %parallel_loop3A_901 : vector<1x1x16xf32> to vector<16xf32>
          %parallel_loop3A_903 = vector.shape_cast %parallel_loop3A_896 : vector<16xf32> to vector<1x1x16xf32>
          tpu.vector_store %arg8[%parallel_loop3A_898, %parallel_loop3A_899, %parallel_loop3A_900], %parallel_loop3A_903 {strides = array<i32>} : memref<2x128x64xf32, #tpu.memory_space<vmem>>, vector<1x1x16xf32>,
          %parallel_loop3A_904 = arith.constant 16 : i32
          %parallel_loop3A_905 = arith.addi %parallel_loop3A_881, %parallel_loop3A_904 : i32
          %parallel_loop3A_906 = arith.constant 1 : i32
          %parallel_loop3A_907 = arith.index_cast %parallel_loop3A_906 : i32 to index
          %parallel_loop3A_908 = arith.index_cast %parallel_loop3A_885 : i32 to index
          %parallel_loop3A_909 = arith.index_cast %parallel_loop3A_905 : i32 to index
          %parallel_loop3A_910 = tpu.vector_load %arg7[%parallel_loop3A_907, %parallel_loop3A_908, %parallel_loop3A_909] {strides = array<i32>} : memref<2x128x128xf32, #tpu.memory_space<vmem>>, vector<1x1x16xf32>,
          %parallel_loop3A_911 = vector.shape_cast %parallel_loop3A_910 : vector<1x1x16xf32> to vector<16xf32>
          %parallel_loop3A_912 = arith.constant 8.000000e+00 : f32
          %parallel_loop3A_913 = vector.broadcast %parallel_loop3A_912 : f32 to vector<16xf32>
          %parallel_loop3A_914 = arith.mulf %parallel_loop3A_911, %parallel_loop3A_913 : vector<16xf32>
          %parallel_loop3A_915 = arith.constant 1 : i32
          %parallel_loop3A_916 = arith.index_cast %parallel_loop3A_915 : i32 to index
          %parallel_loop3A_917 = arith.index_cast %parallel_loop3A_885 : i32 to index
          %parallel_loop3A_918 = arith.constant 16 : index
          %parallel_loop3A_919 = tpu.vector_load %arg8[%parallel_loop3A_916, %parallel_loop3A_917, %parallel_loop3A_918] {strides = array<i32>} : memref<2x128x64xf32, #tpu.memory_space<vmem>>, vector<1x1x16xf32>,
          %parallel_loop3A_920 = vector.shape_cast %parallel_loop3A_919 : vector<1x1x16xf32> to vector<16xf32>
          %parallel_loop3A_921 = vector.shape_cast %parallel_loop3A_914 : vector<16xf32> to vector<1x1x16xf32>
          tpu.vector_store %arg8[%parallel_loop3A_916, %parallel_loop3A_917, %parallel_loop3A_918], %parallel_loop3A_921 {strides = array<i32>} : memref<2x128x64xf32, #tpu.memory_space<vmem>>, vector<1x1x16xf32>,
          %parallel_loop3A_922 = arith.constant 32 : i32
          %parallel_loop3A_923 = arith.addi %parallel_loop3A_881, %parallel_loop3A_922 : i32
          %parallel_loop3A_924 = arith.constant 1 : i32
          %parallel_loop3A_925 = arith.index_cast %parallel_loop3A_924 : i32 to index
          %parallel_loop3A_926 = arith.index_cast %parallel_loop3A_885 : i32 to index
          %parallel_loop3A_927 = arith.index_cast %parallel_loop3A_923 : i32 to index
          %parallel_loop3A_928 = tpu.vector_load %arg7[%parallel_loop3A_925, %parallel_loop3A_926, %parallel_loop3A_927] {strides = array<i32>} : memref<2x128x128xf32, #tpu.memory_space<vmem>>, vector<1x1x16xf32>,
          %parallel_loop3A_929 = vector.shape_cast %parallel_loop3A_928 : vector<1x1x16xf32> to vector<16xf32>
          %parallel_loop3A_930 = arith.constant 8.000000e+00 : f32
          %parallel_loop3A_931 = vector.broadcast %parallel_loop3A_930 : f32 to vector<16xf32>
          %parallel_loop3A_932 = arith.mulf %parallel_loop3A_929, %parallel_loop3A_931 : vector<16xf32>
          %parallel_loop3A_933 = arith.constant 1 : i32
          %parallel_loop3A_934 = arith.index_cast %parallel_loop3A_933 : i32 to index
          %parallel_loop3A_935 = arith.index_cast %parallel_loop3A_885 : i32 to index
          %parallel_loop3A_936 = arith.constant 32 : index
          %parallel_loop3A_937 = tpu.vector_load %arg8[%parallel_loop3A_934, %parallel_loop3A_935, %parallel_loop3A_936] {strides = array<i32>} : memref<2x128x64xf32, #tpu.memory_space<vmem>>, vector<1x1x16xf32>,
          %parallel_loop3A_938 = vector.shape_cast %parallel_loop3A_937 : vector<1x1x16xf32> to vector<16xf32>
          %parallel_loop3A_939 = vector.shape_cast %parallel_loop3A_932 : vector<16xf32> to vector<1x1x16xf32>
          tpu.vector_store %arg8[%parallel_loop3A_934, %parallel_loop3A_935, %parallel_loop3A_936], %parallel_loop3A_939 {strides = array<i32>} : memref<2x128x64xf32, #tpu.memory_space<vmem>>, vector<1x1x16xf32>,
          %parallel_loop3A_940 = arith.constant 48 : i32
          %parallel_loop3A_941 = arith.addi %parallel_loop3A_881, %parallel_loop3A_940 : i32
          %parallel_loop3A_942 = arith.constant 1 : i32
          %parallel_loop3A_943 = arith.index_cast %parallel_loop3A_942 : i32 to index
          %parallel_loop3A_944 = arith.index_cast %parallel_loop3A_885 : i32 to index
          %parallel_loop3A_945 = arith.index_cast %parallel_loop3A_941 : i32 to index
          %parallel_loop3A_946 = tpu.vector_load %arg7[%parallel_loop3A_943, %parallel_loop3A_944, %parallel_loop3A_945] {strides = array<i32>} : memref<2x128x128xf32, #tpu.memory_space<vmem>>, vector<1x1x16xf32>,
          %parallel_loop3A_947 = vector.shape_cast %parallel_loop3A_946 : vector<1x1x16xf32> to vector<16xf32>
          %parallel_loop3A_948 = arith.constant 8.000000e+00 : f32
          %parallel_loop3A_949 = vector.broadcast %parallel_loop3A_948 : f32 to vector<16xf32>
          %parallel_loop3A_950 = arith.mulf %parallel_loop3A_947, %parallel_loop3A_949 : vector<16xf32>
          %parallel_loop3A_951 = arith.constant 1 : i32
          %parallel_loop3A_952 = arith.index_cast %parallel_loop3A_951 : i32 to index
          %parallel_loop3A_953 = arith.index_cast %parallel_loop3A_885 : i32 to index
          %parallel_loop3A_954 = arith.constant 48 : index
          %parallel_loop3A_955 = tpu.vector_load %arg8[%parallel_loop3A_952, %parallel_loop3A_953, %parallel_loop3A_954] {strides = array<i32>} : memref<2x128x64xf32, #tpu.memory_space<vmem>>, vector<1x1x16xf32>,
          %parallel_loop3A_956 = vector.shape_cast %parallel_loop3A_955 : vector<1x1x16xf32> to vector<16xf32>
          %parallel_loop3A_957 = vector.shape_cast %parallel_loop3A_950 : vector<16xf32> to vector<1x1x16xf32>
          tpu.vector_store %arg8[%parallel_loop3A_952, %parallel_loop3A_953, %parallel_loop3A_954], %parallel_loop3A_957 {strides = array<i32>} : memref<2x128x64xf32, #tpu.memory_space<vmem>>, vector<1x1x16xf32>,
          %parallel_loop3A_958 = vector.extract_strided_slice %parallel_loop3A_237 {offsets = [9], sizes = [1], strides = [1]} : vector<16xi32> to vector<1xi32>
          %parallel_loop3A_959 = vector.extract %parallel_loop3A_958[0] : i32 from vector<1xi32>
          %parallel_loop3A_960 = arith.constant 64 : i32
          %parallel_loop3A_961 = arith.muli %parallel_loop3A_959, %parallel_loop3A_960 : i32
          %parallel_loop3A_962 = arith.constant 16 : i32
          %parallel_loop3A_963 = arith.muli %parallel_loop3A_228, %parallel_loop3A_962 : i32
          %parallel_loop3A_964 = arith.constant 9 : i32
          %parallel_loop3A_965 = arith.addi %parallel_loop3A_963, %parallel_loop3A_964 : i32
          %parallel_loop3A_966 = arith.constant 0 : i32
          %parallel_loop3A_967 = arith.addi %parallel_loop3A_961, %parallel_loop3A_966 : i32
          %parallel_loop3A_968 = arith.constant 1 : i32
          %parallel_loop3A_969 = arith.index_cast %parallel_loop3A_968 : i32 to index
          %parallel_loop3A_970 = arith.index_cast %parallel_loop3A_965 : i32 to index
          %parallel_loop3A_971 = arith.index_cast %parallel_loop3A_967 : i32 to index
          %parallel_loop3A_972 = tpu.vector_load %arg7[%parallel_loop3A_969, %parallel_loop3A_970, %parallel_loop3A_971] {strides = array<i32>} : memref<2x128x128xf32, #tpu.memory_space<vmem>>, vector<1x1x16xf32>,
          %parallel_loop3A_973 = vector.shape_cast %parallel_loop3A_972 : vector<1x1x16xf32> to vector<16xf32>
          %parallel_loop3A_974 = arith.constant 8.000000e+00 : f32
          %parallel_loop3A_975 = vector.broadcast %parallel_loop3A_974 : f32 to vector<16xf32>
          %parallel_loop3A_976 = arith.mulf %parallel_loop3A_973, %parallel_loop3A_975 : vector<16xf32>
          %parallel_loop3A_977 = arith.constant 1 : i32
          %parallel_loop3A_978 = arith.index_cast %parallel_loop3A_977 : i32 to index
          %parallel_loop3A_979 = arith.index_cast %parallel_loop3A_965 : i32 to index
          %parallel_loop3A_980 = arith.constant 0 : index
          %parallel_loop3A_981 = tpu.vector_load %arg8[%parallel_loop3A_978, %parallel_loop3A_979, %parallel_loop3A_980] {strides = array<i32>} : memref<2x128x64xf32, #tpu.memory_space<vmem>>, vector<1x1x16xf32>,
          %parallel_loop3A_982 = vector.shape_cast %parallel_loop3A_981 : vector<1x1x16xf32> to vector<16xf32>
          %parallel_loop3A_983 = vector.shape_cast %parallel_loop3A_976 : vector<16xf32> to vector<1x1x16xf32>
          tpu.vector_store %arg8[%parallel_loop3A_978, %parallel_loop3A_979, %parallel_loop3A_980], %parallel_loop3A_983 {strides = array<i32>} : memref<2x128x64xf32, #tpu.memory_space<vmem>>, vector<1x1x16xf32>,
          %parallel_loop3A_984 = arith.constant 16 : i32
          %parallel_loop3A_985 = arith.addi %parallel_loop3A_961, %parallel_loop3A_984 : i32
          %parallel_loop3A_986 = arith.constant 1 : i32
          %parallel_loop3A_987 = arith.index_cast %parallel_loop3A_986 : i32 to index
          %parallel_loop3A_988 = arith.index_cast %parallel_loop3A_965 : i32 to index
          %parallel_loop3A_989 = arith.index_cast %parallel_loop3A_985 : i32 to index
          %parallel_loop3A_990 = tpu.vector_load %arg7[%parallel_loop3A_987, %parallel_loop3A_988, %parallel_loop3A_989] {strides = array<i32>} : memref<2x128x128xf32, #tpu.memory_space<vmem>>, vector<1x1x16xf32>,
          %parallel_loop3A_991 = vector.shape_cast %parallel_loop3A_990 : vector<1x1x16xf32> to vector<16xf32>
          %parallel_loop3A_992 = arith.constant 8.000000e+00 : f32
          %parallel_loop3A_993 = vector.broadcast %parallel_loop3A_992 : f32 to vector<16xf32>
          %parallel_loop3A_994 = arith.mulf %parallel_loop3A_991, %parallel_loop3A_993 : vector<16xf32>
          %parallel_loop3A_995 = arith.constant 1 : i32
          %parallel_loop3A_996 = arith.index_cast %parallel_loop3A_995 : i32 to index
          %parallel_loop3A_997 = arith.index_cast %parallel_loop3A_965 : i32 to index
          %parallel_loop3A_998 = arith.constant 16 : index
          %parallel_loop3A_999 = tpu.vector_load %arg8[%parallel_loop3A_996, %parallel_loop3A_997, %parallel_loop3A_998] {strides = array<i32>} : memref<2x128x64xf32, #tpu.memory_space<vmem>>, vector<1x1x16xf32>,
          %parallel_loop3A_1000 = vector.shape_cast %parallel_loop3A_999 : vector<1x1x16xf32> to vector<16xf32>
          %parallel_loop3A_1001 = vector.shape_cast %parallel_loop3A_994 : vector<16xf32> to vector<1x1x16xf32>
          tpu.vector_store %arg8[%parallel_loop3A_996, %parallel_loop3A_997, %parallel_loop3A_998], %parallel_loop3A_1001 {strides = array<i32>} : memref<2x128x64xf32, #tpu.memory_space<vmem>>, vector<1x1x16xf32>,
          %parallel_loop3A_1002 = arith.constant 32 : i32
          %parallel_loop3A_1003 = arith.addi %parallel_loop3A_961, %parallel_loop3A_1002 : i32
          %parallel_loop3A_1004 = arith.constant 1 : i32
          %parallel_loop3A_1005 = arith.index_cast %parallel_loop3A_1004 : i32 to index
          %parallel_loop3A_1006 = arith.index_cast %parallel_loop3A_965 : i32 to index
          %parallel_loop3A_1007 = arith.index_cast %parallel_loop3A_1003 : i32 to index
          %parallel_loop3A_1008 = tpu.vector_load %arg7[%parallel_loop3A_1005, %parallel_loop3A_1006, %parallel_loop3A_1007] {strides = array<i32>} : memref<2x128x128xf32, #tpu.memory_space<vmem>>, vector<1x1x16xf32>,
          %parallel_loop3A_1009 = vector.shape_cast %parallel_loop3A_1008 : vector<1x1x16xf32> to vector<16xf32>
          %parallel_loop3A_1010 = arith.constant 8.000000e+00 : f32
          %parallel_loop3A_1011 = vector.broadcast %parallel_loop3A_1010 : f32 to vector<16xf32>
          %parallel_loop3A_1012 = arith.mulf %parallel_loop3A_1009, %parallel_loop3A_1011 : vector<16xf32>
          %parallel_loop3A_1013 = arith.constant 1 : i32
          %parallel_loop3A_1014 = arith.index_cast %parallel_loop3A_1013 : i32 to index
          %parallel_loop3A_1015 = arith.index_cast %parallel_loop3A_965 : i32 to index
          %parallel_loop3A_1016 = arith.constant 32 : index
          %parallel_loop3A_1017 = tpu.vector_load %arg8[%parallel_loop3A_1014, %parallel_loop3A_1015, %parallel_loop3A_1016] {strides = array<i32>} : memref<2x128x64xf32, #tpu.memory_space<vmem>>, vector<1x1x16xf32>,
          %parallel_loop3A_1018 = vector.shape_cast %parallel_loop3A_1017 : vector<1x1x16xf32> to vector<16xf32>
          %parallel_loop3A_1019 = vector.shape_cast %parallel_loop3A_1012 : vector<16xf32> to vector<1x1x16xf32>
          tpu.vector_store %arg8[%parallel_loop3A_1014, %parallel_loop3A_1015, %parallel_loop3A_1016], %parallel_loop3A_1019 {strides = array<i32>} : memref<2x128x64xf32, #tpu.memory_space<vmem>>, vector<1x1x16xf32>,
          %parallel_loop3A_1020 = arith.constant 48 : i32
          %parallel_loop3A_1021 = arith.addi %parallel_loop3A_961, %parallel_loop3A_1020 : i32
          %parallel_loop3A_1022 = arith.constant 1 : i32
          %parallel_loop3A_1023 = arith.index_cast %parallel_loop3A_1022 : i32 to index
          %parallel_loop3A_1024 = arith.index_cast %parallel_loop3A_965 : i32 to index
          %parallel_loop3A_1025 = arith.index_cast %parallel_loop3A_1021 : i32 to index
          %parallel_loop3A_1026 = tpu.vector_load %arg7[%parallel_loop3A_1023, %parallel_loop3A_1024, %parallel_loop3A_1025] {strides = array<i32>} : memref<2x128x128xf32, #tpu.memory_space<vmem>>, vector<1x1x16xf32>,
          %parallel_loop3A_1027 = vector.shape_cast %parallel_loop3A_1026 : vector<1x1x16xf32> to vector<16xf32>
          %parallel_loop3A_1028 = arith.constant 8.000000e+00 : f32
          %parallel_loop3A_1029 = vector.broadcast %parallel_loop3A_1028 : f32 to vector<16xf32>
          %parallel_loop3A_1030 = arith.mulf %parallel_loop3A_1027, %parallel_loop3A_1029 : vector<16xf32>
          %parallel_loop3A_1031 = arith.constant 1 : i32
          %parallel_loop3A_1032 = arith.index_cast %parallel_loop3A_1031 : i32 to index
          %parallel_loop3A_1033 = arith.index_cast %parallel_loop3A_965 : i32 to index
          %parallel_loop3A_1034 = arith.constant 48 : index
          %parallel_loop3A_1035 = tpu.vector_load %arg8[%parallel_loop3A_1032, %parallel_loop3A_1033, %parallel_loop3A_1034] {strides = array<i32>} : memref<2x128x64xf32, #tpu.memory_space<vmem>>, vector<1x1x16xf32>,
          %parallel_loop3A_1036 = vector.shape_cast %parallel_loop3A_1035 : vector<1x1x16xf32> to vector<16xf32>
          %parallel_loop3A_1037 = vector.shape_cast %parallel_loop3A_1030 : vector<16xf32> to vector<1x1x16xf32>
          tpu.vector_store %arg8[%parallel_loop3A_1032, %parallel_loop3A_1033, %parallel_loop3A_1034], %parallel_loop3A_1037 {strides = array<i32>} : memref<2x128x64xf32, #tpu.memory_space<vmem>>, vector<1x1x16xf32>,
          %parallel_loop3A_1038 = vector.extract_strided_slice %parallel_loop3A_237 {offsets = [10], sizes = [1], strides = [1]} : vector<16xi32> to vector<1xi32>
          %parallel_loop3A_1039 = vector.extract %parallel_loop3A_1038[0] : i32 from vector<1xi32>
          %parallel_loop3A_1040 = arith.constant 64 : i32
          %parallel_loop3A_1041 = arith.muli %parallel_loop3A_1039, %parallel_loop3A_1040 : i32
          %parallel_loop3A_1042 = arith.constant 16 : i32
          %parallel_loop3A_1043 = arith.muli %parallel_loop3A_228, %parallel_loop3A_1042 : i32
          %parallel_loop3A_1044 = arith.constant 10 : i32
          %parallel_loop3A_1045 = arith.addi %parallel_loop3A_1043, %parallel_loop3A_1044 : i32
          %parallel_loop3A_1046 = arith.constant 0 : i32
          %parallel_loop3A_1047 = arith.addi %parallel_loop3A_1041, %parallel_loop3A_1046 : i32
          %parallel_loop3A_1048 = arith.constant 1 : i32
          %parallel_loop3A_1049 = arith.index_cast %parallel_loop3A_1048 : i32 to index
          %parallel_loop3A_1050 = arith.index_cast %parallel_loop3A_1045 : i32 to index
          %parallel_loop3A_1051 = arith.index_cast %parallel_loop3A_1047 : i32 to index
          %parallel_loop3A_1052 = tpu.vector_load %arg7[%parallel_loop3A_1049, %parallel_loop3A_1050, %parallel_loop3A_1051] {strides = array<i32>} : memref<2x128x128xf32, #tpu.memory_space<vmem>>, vector<1x1x16xf32>,
          %parallel_loop3A_1053 = vector.shape_cast %parallel_loop3A_1052 : vector<1x1x16xf32> to vector<16xf32>
          %parallel_loop3A_1054 = arith.constant 8.000000e+00 : f32
          %parallel_loop3A_1055 = vector.broadcast %parallel_loop3A_1054 : f32 to vector<16xf32>
          %parallel_loop3A_1056 = arith.mulf %parallel_loop3A_1053, %parallel_loop3A_1055 : vector<16xf32>
          %parallel_loop3A_1057 = arith.constant 1 : i32
          %parallel_loop3A_1058 = arith.index_cast %parallel_loop3A_1057 : i32 to index
          %parallel_loop3A_1059 = arith.index_cast %parallel_loop3A_1045 : i32 to index
          %parallel_loop3A_1060 = arith.constant 0 : index
          %parallel_loop3A_1061 = tpu.vector_load %arg8[%parallel_loop3A_1058, %parallel_loop3A_1059, %parallel_loop3A_1060] {strides = array<i32>} : memref<2x128x64xf32, #tpu.memory_space<vmem>>, vector<1x1x16xf32>,
          %parallel_loop3A_1062 = vector.shape_cast %parallel_loop3A_1061 : vector<1x1x16xf32> to vector<16xf32>
          %parallel_loop3A_1063 = vector.shape_cast %parallel_loop3A_1056 : vector<16xf32> to vector<1x1x16xf32>
          tpu.vector_store %arg8[%parallel_loop3A_1058, %parallel_loop3A_1059, %parallel_loop3A_1060], %parallel_loop3A_1063 {strides = array<i32>} : memref<2x128x64xf32, #tpu.memory_space<vmem>>, vector<1x1x16xf32>,
          %parallel_loop3A_1064 = arith.constant 16 : i32
          %parallel_loop3A_1065 = arith.addi %parallel_loop3A_1041, %parallel_loop3A_1064 : i32
          %parallel_loop3A_1066 = arith.constant 1 : i32
          %parallel_loop3A_1067 = arith.index_cast %parallel_loop3A_1066 : i32 to index
          %parallel_loop3A_1068 = arith.index_cast %parallel_loop3A_1045 : i32 to index
          %parallel_loop3A_1069 = arith.index_cast %parallel_loop3A_1065 : i32 to index
          %parallel_loop3A_1070 = tpu.vector_load %arg7[%parallel_loop3A_1067, %parallel_loop3A_1068, %parallel_loop3A_1069] {strides = array<i32>} : memref<2x128x128xf32, #tpu.memory_space<vmem>>, vector<1x1x16xf32>,
          %parallel_loop3A_1071 = vector.shape_cast %parallel_loop3A_1070 : vector<1x1x16xf32> to vector<16xf32>
          %parallel_loop3A_1072 = arith.constant 8.000000e+00 : f32
          %parallel_loop3A_1073 = vector.broadcast %parallel_loop3A_1072 : f32 to vector<16xf32>
          %parallel_loop3A_1074 = arith.mulf %parallel_loop3A_1071, %parallel_loop3A_1073 : vector<16xf32>
          %parallel_loop3A_1075 = arith.constant 1 : i32
          %parallel_loop3A_1076 = arith.index_cast %parallel_loop3A_1075 : i32 to index
          %parallel_loop3A_1077 = arith.index_cast %parallel_loop3A_1045 : i32 to index
          %parallel_loop3A_1078 = arith.constant 16 : index
          %parallel_loop3A_1079 = tpu.vector_load %arg8[%parallel_loop3A_1076, %parallel_loop3A_1077, %parallel_loop3A_1078] {strides = array<i32>} : memref<2x128x64xf32, #tpu.memory_space<vmem>>, vector<1x1x16xf32>,
          %parallel_loop3A_1080 = vector.shape_cast %parallel_loop3A_1079 : vector<1x1x16xf32> to vector<16xf32>
          %parallel_loop3A_1081 = vector.shape_cast %parallel_loop3A_1074 : vector<16xf32> to vector<1x1x16xf32>
          tpu.vector_store %arg8[%parallel_loop3A_1076, %parallel_loop3A_1077, %parallel_loop3A_1078], %parallel_loop3A_1081 {strides = array<i32>} : memref<2x128x64xf32, #tpu.memory_space<vmem>>, vector<1x1x16xf32>,
          %parallel_loop3A_1082 = arith.constant 32 : i32
          %parallel_loop3A_1083 = arith.addi %parallel_loop3A_1041, %parallel_loop3A_1082 : i32
          %parallel_loop3A_1084 = arith.constant 1 : i32
          %parallel_loop3A_1085 = arith.index_cast %parallel_loop3A_1084 : i32 to index
          %parallel_loop3A_1086 = arith.index_cast %parallel_loop3A_1045 : i32 to index
          %parallel_loop3A_1087 = arith.index_cast %parallel_loop3A_1083 : i32 to index
          %parallel_loop3A_1088 = tpu.vector_load %arg7[%parallel_loop3A_1085, %parallel_loop3A_1086, %parallel_loop3A_1087] {strides = array<i32>} : memref<2x128x128xf32, #tpu.memory_space<vmem>>, vector<1x1x16xf32>,
          %parallel_loop3A_1089 = vector.shape_cast %parallel_loop3A_1088 : vector<1x1x16xf32> to vector<16xf32>
          %parallel_loop3A_1090 = arith.constant 8.000000e+00 : f32
          %parallel_loop3A_1091 = vector.broadcast %parallel_loop3A_1090 : f32 to vector<16xf32>
          %parallel_loop3A_1092 = arith.mulf %parallel_loop3A_1089, %parallel_loop3A_1091 : vector<16xf32>
          %parallel_loop3A_1093 = arith.constant 1 : i32
          %parallel_loop3A_1094 = arith.index_cast %parallel_loop3A_1093 : i32 to index
          %parallel_loop3A_1095 = arith.index_cast %parallel_loop3A_1045 : i32 to index
          %parallel_loop3A_1096 = arith.constant 32 : index
          %parallel_loop3A_1097 = tpu.vector_load %arg8[%parallel_loop3A_1094, %parallel_loop3A_1095, %parallel_loop3A_1096] {strides = array<i32>} : memref<2x128x64xf32, #tpu.memory_space<vmem>>, vector<1x1x16xf32>,
          %parallel_loop3A_1098 = vector.shape_cast %parallel_loop3A_1097 : vector<1x1x16xf32> to vector<16xf32>
          %parallel_loop3A_1099 = vector.shape_cast %parallel_loop3A_1092 : vector<16xf32> to vector<1x1x16xf32>
          tpu.vector_store %arg8[%parallel_loop3A_1094, %parallel_loop3A_1095, %parallel_loop3A_1096], %parallel_loop3A_1099 {strides = array<i32>} : memref<2x128x64xf32, #tpu.memory_space<vmem>>, vector<1x1x16xf32>,
          %parallel_loop3A_1100 = arith.constant 48 : i32
          %parallel_loop3A_1101 = arith.addi %parallel_loop3A_1041, %parallel_loop3A_1100 : i32
          %parallel_loop3A_1102 = arith.constant 1 : i32
          %parallel_loop3A_1103 = arith.index_cast %parallel_loop3A_1102 : i32 to index
          %parallel_loop3A_1104 = arith.index_cast %parallel_loop3A_1045 : i32 to index
          %parallel_loop3A_1105 = arith.index_cast %parallel_loop3A_1101 : i32 to index
          %parallel_loop3A_1106 = tpu.vector_load %arg7[%parallel_loop3A_1103, %parallel_loop3A_1104, %parallel_loop3A_1105] {strides = array<i32>} : memref<2x128x128xf32, #tpu.memory_space<vmem>>, vector<1x1x16xf32>,
          %parallel_loop3A_1107 = vector.shape_cast %parallel_loop3A_1106 : vector<1x1x16xf32> to vector<16xf32>
          %parallel_loop3A_1108 = arith.constant 8.000000e+00 : f32
          %parallel_loop3A_1109 = vector.broadcast %parallel_loop3A_1108 : f32 to vector<16xf32>
          %parallel_loop3A_1110 = arith.mulf %parallel_loop3A_1107, %parallel_loop3A_1109 : vector<16xf32>
          %parallel_loop3A_1111 = arith.constant 1 : i32
          %parallel_loop3A_1112 = arith.index_cast %parallel_loop3A_1111 : i32 to index
          %parallel_loop3A_1113 = arith.index_cast %parallel_loop3A_1045 : i32 to index
          %parallel_loop3A_1114 = arith.constant 48 : index
          %parallel_loop3A_1115 = tpu.vector_load %arg8[%parallel_loop3A_1112, %parallel_loop3A_1113, %parallel_loop3A_1114] {strides = array<i32>} : memref<2x128x64xf32, #tpu.memory_space<vmem>>, vector<1x1x16xf32>,
          %parallel_loop3A_1116 = vector.shape_cast %parallel_loop3A_1115 : vector<1x1x16xf32> to vector<16xf32>
          %parallel_loop3A_1117 = vector.shape_cast %parallel_loop3A_1110 : vector<16xf32> to vector<1x1x16xf32>
          tpu.vector_store %arg8[%parallel_loop3A_1112, %parallel_loop3A_1113, %parallel_loop3A_1114], %parallel_loop3A_1117 {strides = array<i32>} : memref<2x128x64xf32, #tpu.memory_space<vmem>>, vector<1x1x16xf32>,
          %parallel_loop3A_1118 = vector.extract_strided_slice %parallel_loop3A_237 {offsets = [11], sizes = [1], strides = [1]} : vector<16xi32> to vector<1xi32>
          %parallel_loop3A_1119 = vector.extract %parallel_loop3A_1118[0] : i32 from vector<1xi32>
          %parallel_loop3A_1120 = arith.constant 64 : i32
          %parallel_loop3A_1121 = arith.muli %parallel_loop3A_1119, %parallel_loop3A_1120 : i32
          %parallel_loop3A_1122 = arith.constant 16 : i32
          %parallel_loop3A_1123 = arith.muli %parallel_loop3A_228, %parallel_loop3A_1122 : i32
          %parallel_loop3A_1124 = arith.constant 11 : i32
          %parallel_loop3A_1125 = arith.addi %parallel_loop3A_1123, %parallel_loop3A_1124 : i32
          %parallel_loop3A_1126 = arith.constant 0 : i32
          %parallel_loop3A_1127 = arith.addi %parallel_loop3A_1121, %parallel_loop3A_1126 : i32
          %parallel_loop3A_1128 = arith.constant 1 : i32
          %parallel_loop3A_1129 = arith.index_cast %parallel_loop3A_1128 : i32 to index
          %parallel_loop3A_1130 = arith.index_cast %parallel_loop3A_1125 : i32 to index
          %parallel_loop3A_1131 = arith.index_cast %parallel_loop3A_1127 : i32 to index
          %parallel_loop3A_1132 = tpu.vector_load %arg7[%parallel_loop3A_1129, %parallel_loop3A_1130, %parallel_loop3A_1131] {strides = array<i32>} : memref<2x128x128xf32, #tpu.memory_space<vmem>>, vector<1x1x16xf32>,
          %parallel_loop3A_1133 = vector.shape_cast %parallel_loop3A_1132 : vector<1x1x16xf32> to vector<16xf32>
          %parallel_loop3A_1134 = arith.constant 8.000000e+00 : f32
          %parallel_loop3A_1135 = vector.broadcast %parallel_loop3A_1134 : f32 to vector<16xf32>
          %parallel_loop3A_1136 = arith.mulf %parallel_loop3A_1133, %parallel_loop3A_1135 : vector<16xf32>
          %parallel_loop3A_1137 = arith.constant 1 : i32
          %parallel_loop3A_1138 = arith.index_cast %parallel_loop3A_1137 : i32 to index
          %parallel_loop3A_1139 = arith.index_cast %parallel_loop3A_1125 : i32 to index
          %parallel_loop3A_1140 = arith.constant 0 : index
          %parallel_loop3A_1141 = tpu.vector_load %arg8[%parallel_loop3A_1138, %parallel_loop3A_1139, %parallel_loop3A_1140] {strides = array<i32>} : memref<2x128x64xf32, #tpu.memory_space<vmem>>, vector<1x1x16xf32>,
          %parallel_loop3A_1142 = vector.shape_cast %parallel_loop3A_1141 : vector<1x1x16xf32> to vector<16xf32>
          %parallel_loop3A_1143 = vector.shape_cast %parallel_loop3A_1136 : vector<16xf32> to vector<1x1x16xf32>
          tpu.vector_store %arg8[%parallel_loop3A_1138, %parallel_loop3A_1139, %parallel_loop3A_1140], %parallel_loop3A_1143 {strides = array<i32>} : memref<2x128x64xf32, #tpu.memory_space<vmem>>, vector<1x1x16xf32>,
          %parallel_loop3A_1144 = arith.constant 16 : i32
          %parallel_loop3A_1145 = arith.addi %parallel_loop3A_1121, %parallel_loop3A_1144 : i32
          %parallel_loop3A_1146 = arith.constant 1 : i32
          %parallel_loop3A_1147 = arith.index_cast %parallel_loop3A_1146 : i32 to index
          %parallel_loop3A_1148 = arith.index_cast %parallel_loop3A_1125 : i32 to index
          %parallel_loop3A_1149 = arith.index_cast %parallel_loop3A_1145 : i32 to index
          %parallel_loop3A_1150 = tpu.vector_load %arg7[%parallel_loop3A_1147, %parallel_loop3A_1148, %parallel_loop3A_1149] {strides = array<i32>} : memref<2x128x128xf32, #tpu.memory_space<vmem>>, vector<1x1x16xf32>,
          %parallel_loop3A_1151 = vector.shape_cast %parallel_loop3A_1150 : vector<1x1x16xf32> to vector<16xf32>
          %parallel_loop3A_1152 = arith.constant 8.000000e+00 : f32
          %parallel_loop3A_1153 = vector.broadcast %parallel_loop3A_1152 : f32 to vector<16xf32>
          %parallel_loop3A_1154 = arith.mulf %parallel_loop3A_1151, %parallel_loop3A_1153 : vector<16xf32>
          %parallel_loop3A_1155 = arith.constant 1 : i32
          %parallel_loop3A_1156 = arith.index_cast %parallel_loop3A_1155 : i32 to index
          %parallel_loop3A_1157 = arith.index_cast %parallel_loop3A_1125 : i32 to index
          %parallel_loop3A_1158 = arith.constant 16 : index
          %parallel_loop3A_1159 = tpu.vector_load %arg8[%parallel_loop3A_1156, %parallel_loop3A_1157, %parallel_loop3A_1158] {strides = array<i32>} : memref<2x128x64xf32, #tpu.memory_space<vmem>>, vector<1x1x16xf32>,
          %parallel_loop3A_1160 = vector.shape_cast %parallel_loop3A_1159 : vector<1x1x16xf32> to vector<16xf32>
          %parallel_loop3A_1161 = vector.shape_cast %parallel_loop3A_1154 : vector<16xf32> to vector<1x1x16xf32>
          tpu.vector_store %arg8[%parallel_loop3A_1156, %parallel_loop3A_1157, %parallel_loop3A_1158], %parallel_loop3A_1161 {strides = array<i32>} : memref<2x128x64xf32, #tpu.memory_space<vmem>>, vector<1x1x16xf32>,
          %parallel_loop3A_1162 = arith.constant 32 : i32
          %parallel_loop3A_1163 = arith.addi %parallel_loop3A_1121, %parallel_loop3A_1162 : i32
          %parallel_loop3A_1164 = arith.constant 1 : i32
          %parallel_loop3A_1165 = arith.index_cast %parallel_loop3A_1164 : i32 to index
          %parallel_loop3A_1166 = arith.index_cast %parallel_loop3A_1125 : i32 to index
          %parallel_loop3A_1167 = arith.index_cast %parallel_loop3A_1163 : i32 to index
          %parallel_loop3A_1168 = tpu.vector_load %arg7[%parallel_loop3A_1165, %parallel_loop3A_1166, %parallel_loop3A_1167] {strides = array<i32>} : memref<2x128x128xf32, #tpu.memory_space<vmem>>, vector<1x1x16xf32>,
          %parallel_loop3A_1169 = vector.shape_cast %parallel_loop3A_1168 : vector<1x1x16xf32> to vector<16xf32>
          %parallel_loop3A_1170 = arith.constant 8.000000e+00 : f32
          %parallel_loop3A_1171 = vector.broadcast %parallel_loop3A_1170 : f32 to vector<16xf32>
          %parallel_loop3A_1172 = arith.mulf %parallel_loop3A_1169, %parallel_loop3A_1171 : vector<16xf32>
          %parallel_loop3A_1173 = arith.constant 1 : i32
          %parallel_loop3A_1174 = arith.index_cast %parallel_loop3A_1173 : i32 to index
          %parallel_loop3A_1175 = arith.index_cast %parallel_loop3A_1125 : i32 to index
          %parallel_loop3A_1176 = arith.constant 32 : index
          %parallel_loop3A_1177 = tpu.vector_load %arg8[%parallel_loop3A_1174, %parallel_loop3A_1175, %parallel_loop3A_1176] {strides = array<i32>} : memref<2x128x64xf32, #tpu.memory_space<vmem>>, vector<1x1x16xf32>,
          %parallel_loop3A_1178 = vector.shape_cast %parallel_loop3A_1177 : vector<1x1x16xf32> to vector<16xf32>
          %parallel_loop3A_1179 = vector.shape_cast %parallel_loop3A_1172 : vector<16xf32> to vector<1x1x16xf32>
          tpu.vector_store %arg8[%parallel_loop3A_1174, %parallel_loop3A_1175, %parallel_loop3A_1176], %parallel_loop3A_1179 {strides = array<i32>} : memref<2x128x64xf32, #tpu.memory_space<vmem>>, vector<1x1x16xf32>,
          %parallel_loop3A_1180 = arith.constant 48 : i32
          %parallel_loop3A_1181 = arith.addi %parallel_loop3A_1121, %parallel_loop3A_1180 : i32
          %parallel_loop3A_1182 = arith.constant 1 : i32
          %parallel_loop3A_1183 = arith.index_cast %parallel_loop3A_1182 : i32 to index
          %parallel_loop3A_1184 = arith.index_cast %parallel_loop3A_1125 : i32 to index
          %parallel_loop3A_1185 = arith.index_cast %parallel_loop3A_1181 : i32 to index
          %parallel_loop3A_1186 = tpu.vector_load %arg7[%parallel_loop3A_1183, %parallel_loop3A_1184, %parallel_loop3A_1185] {strides = array<i32>} : memref<2x128x128xf32, #tpu.memory_space<vmem>>, vector<1x1x16xf32>,
          %parallel_loop3A_1187 = vector.shape_cast %parallel_loop3A_1186 : vector<1x1x16xf32> to vector<16xf32>
          %parallel_loop3A_1188 = arith.constant 8.000000e+00 : f32
          %parallel_loop3A_1189 = vector.broadcast %parallel_loop3A_1188 : f32 to vector<16xf32>
          %parallel_loop3A_1190 = arith.mulf %parallel_loop3A_1187, %parallel_loop3A_1189 : vector<16xf32>
          %parallel_loop3A_1191 = arith.constant 1 : i32
          %parallel_loop3A_1192 = arith.index_cast %parallel_loop3A_1191 : i32 to index
          %parallel_loop3A_1193 = arith.index_cast %parallel_loop3A_1125 : i32 to index
          %parallel_loop3A_1194 = arith.constant 48 : index
          %parallel_loop3A_1195 = tpu.vector_load %arg8[%parallel_loop3A_1192, %parallel_loop3A_1193, %parallel_loop3A_1194] {strides = array<i32>} : memref<2x128x64xf32, #tpu.memory_space<vmem>>, vector<1x1x16xf32>,
          %parallel_loop3A_1196 = vector.shape_cast %parallel_loop3A_1195 : vector<1x1x16xf32> to vector<16xf32>
          %parallel_loop3A_1197 = vector.shape_cast %parallel_loop3A_1190 : vector<16xf32> to vector<1x1x16xf32>
          tpu.vector_store %arg8[%parallel_loop3A_1192, %parallel_loop3A_1193, %parallel_loop3A_1194], %parallel_loop3A_1197 {strides = array<i32>} : memref<2x128x64xf32, #tpu.memory_space<vmem>>, vector<1x1x16xf32>,
          %parallel_loop3A_1198 = vector.extract_strided_slice %parallel_loop3A_237 {offsets = [12], sizes = [1], strides = [1]} : vector<16xi32> to vector<1xi32>
          %parallel_loop3A_1199 = vector.extract %parallel_loop3A_1198[0] : i32 from vector<1xi32>
          %parallel_loop3A_1200 = arith.constant 64 : i32
          %parallel_loop3A_1201 = arith.muli %parallel_loop3A_1199, %parallel_loop3A_1200 : i32
          %parallel_loop3A_1202 = arith.constant 16 : i32
          %parallel_loop3A_1203 = arith.muli %parallel_loop3A_228, %parallel_loop3A_1202 : i32
          %parallel_loop3A_1204 = arith.constant 12 : i32
          %parallel_loop3A_1205 = arith.addi %parallel_loop3A_1203, %parallel_loop3A_1204 : i32
          %parallel_loop3A_1206 = arith.constant 0 : i32
          %parallel_loop3A_1207 = arith.addi %parallel_loop3A_1201, %parallel_loop3A_1206 : i32
          %parallel_loop3A_1208 = arith.constant 1 : i32
          %parallel_loop3A_1209 = arith.index_cast %parallel_loop3A_1208 : i32 to index
          %parallel_loop3A_1210 = arith.index_cast %parallel_loop3A_1205 : i32 to index
          %parallel_loop3A_1211 = arith.index_cast %parallel_loop3A_1207 : i32 to index
          %parallel_loop3A_1212 = tpu.vector_load %arg7[%parallel_loop3A_1209, %parallel_loop3A_1210, %parallel_loop3A_1211] {strides = array<i32>} : memref<2x128x128xf32, #tpu.memory_space<vmem>>, vector<1x1x16xf32>,
          %parallel_loop3A_1213 = vector.shape_cast %parallel_loop3A_1212 : vector<1x1x16xf32> to vector<16xf32>
          %parallel_loop3A_1214 = arith.constant 8.000000e+00 : f32
          %parallel_loop3A_1215 = vector.broadcast %parallel_loop3A_1214 : f32 to vector<16xf32>
          %parallel_loop3A_1216 = arith.mulf %parallel_loop3A_1213, %parallel_loop3A_1215 : vector<16xf32>
          %parallel_loop3A_1217 = arith.constant 1 : i32
          %parallel_loop3A_1218 = arith.index_cast %parallel_loop3A_1217 : i32 to index
          %parallel_loop3A_1219 = arith.index_cast %parallel_loop3A_1205 : i32 to index
          %parallel_loop3A_1220 = arith.constant 0 : index
          %parallel_loop3A_1221 = tpu.vector_load %arg8[%parallel_loop3A_1218, %parallel_loop3A_1219, %parallel_loop3A_1220] {strides = array<i32>} : memref<2x128x64xf32, #tpu.memory_space<vmem>>, vector<1x1x16xf32>,
          %parallel_loop3A_1222 = vector.shape_cast %parallel_loop3A_1221 : vector<1x1x16xf32> to vector<16xf32>
          %parallel_loop3A_1223 = vector.shape_cast %parallel_loop3A_1216 : vector<16xf32> to vector<1x1x16xf32>
          tpu.vector_store %arg8[%parallel_loop3A_1218, %parallel_loop3A_1219, %parallel_loop3A_1220], %parallel_loop3A_1223 {strides = array<i32>} : memref<2x128x64xf32, #tpu.memory_space<vmem>>, vector<1x1x16xf32>,
          %parallel_loop3A_1224 = arith.constant 16 : i32
          %parallel_loop3A_1225 = arith.addi %parallel_loop3A_1201, %parallel_loop3A_1224 : i32
          %parallel_loop3A_1226 = arith.constant 1 : i32
          %parallel_loop3A_1227 = arith.index_cast %parallel_loop3A_1226 : i32 to index
          %parallel_loop3A_1228 = arith.index_cast %parallel_loop3A_1205 : i32 to index
          %parallel_loop3A_1229 = arith.index_cast %parallel_loop3A_1225 : i32 to index
          %parallel_loop3A_1230 = tpu.vector_load %arg7[%parallel_loop3A_1227, %parallel_loop3A_1228, %parallel_loop3A_1229] {strides = array<i32>} : memref<2x128x128xf32, #tpu.memory_space<vmem>>, vector<1x1x16xf32>,
          %parallel_loop3A_1231 = vector.shape_cast %parallel_loop3A_1230 : vector<1x1x16xf32> to vector<16xf32>
          %parallel_loop3A_1232 = arith.constant 8.000000e+00 : f32
          %parallel_loop3A_1233 = vector.broadcast %parallel_loop3A_1232 : f32 to vector<16xf32>
          %parallel_loop3A_1234 = arith.mulf %parallel_loop3A_1231, %parallel_loop3A_1233 : vector<16xf32>
          %parallel_loop3A_1235 = arith.constant 1 : i32
          %parallel_loop3A_1236 = arith.index_cast %parallel_loop3A_1235 : i32 to index
          %parallel_loop3A_1237 = arith.index_cast %parallel_loop3A_1205 : i32 to index
          %parallel_loop3A_1238 = arith.constant 16 : index
          %parallel_loop3A_1239 = tpu.vector_load %arg8[%parallel_loop3A_1236, %parallel_loop3A_1237, %parallel_loop3A_1238] {strides = array<i32>} : memref<2x128x64xf32, #tpu.memory_space<vmem>>, vector<1x1x16xf32>,
          %parallel_loop3A_1240 = vector.shape_cast %parallel_loop3A_1239 : vector<1x1x16xf32> to vector<16xf32>
          %parallel_loop3A_1241 = vector.shape_cast %parallel_loop3A_1234 : vector<16xf32> to vector<1x1x16xf32>
          tpu.vector_store %arg8[%parallel_loop3A_1236, %parallel_loop3A_1237, %parallel_loop3A_1238], %parallel_loop3A_1241 {strides = array<i32>} : memref<2x128x64xf32, #tpu.memory_space<vmem>>, vector<1x1x16xf32>,
          %parallel_loop3A_1242 = arith.constant 32 : i32
          %parallel_loop3A_1243 = arith.addi %parallel_loop3A_1201, %parallel_loop3A_1242 : i32
          %parallel_loop3A_1244 = arith.constant 1 : i32
          %parallel_loop3A_1245 = arith.index_cast %parallel_loop3A_1244 : i32 to index
          %parallel_loop3A_1246 = arith.index_cast %parallel_loop3A_1205 : i32 to index
          %parallel_loop3A_1247 = arith.index_cast %parallel_loop3A_1243 : i32 to index
          %parallel_loop3A_1248 = tpu.vector_load %arg7[%parallel_loop3A_1245, %parallel_loop3A_1246, %parallel_loop3A_1247] {strides = array<i32>} : memref<2x128x128xf32, #tpu.memory_space<vmem>>, vector<1x1x16xf32>,
          %parallel_loop3A_1249 = vector.shape_cast %parallel_loop3A_1248 : vector<1x1x16xf32> to vector<16xf32>
          %parallel_loop3A_1250 = arith.constant 8.000000e+00 : f32
          %parallel_loop3A_1251 = vector.broadcast %parallel_loop3A_1250 : f32 to vector<16xf32>
          %parallel_loop3A_1252 = arith.mulf %parallel_loop3A_1249, %parallel_loop3A_1251 : vector<16xf32>
          %parallel_loop3A_1253 = arith.constant 1 : i32
          %parallel_loop3A_1254 = arith.index_cast %parallel_loop3A_1253 : i32 to index
          %parallel_loop3A_1255 = arith.index_cast %parallel_loop3A_1205 : i32 to index
          %parallel_loop3A_1256 = arith.constant 32 : index
          %parallel_loop3A_1257 = tpu.vector_load %arg8[%parallel_loop3A_1254, %parallel_loop3A_1255, %parallel_loop3A_1256] {strides = array<i32>} : memref<2x128x64xf32, #tpu.memory_space<vmem>>, vector<1x1x16xf32>,
          %parallel_loop3A_1258 = vector.shape_cast %parallel_loop3A_1257 : vector<1x1x16xf32> to vector<16xf32>
          %parallel_loop3A_1259 = vector.shape_cast %parallel_loop3A_1252 : vector<16xf32> to vector<1x1x16xf32>
          tpu.vector_store %arg8[%parallel_loop3A_1254, %parallel_loop3A_1255, %parallel_loop3A_1256], %parallel_loop3A_1259 {strides = array<i32>} : memref<2x128x64xf32, #tpu.memory_space<vmem>>, vector<1x1x16xf32>,
          %parallel_loop3A_1260 = arith.constant 48 : i32
          %parallel_loop3A_1261 = arith.addi %parallel_loop3A_1201, %parallel_loop3A_1260 : i32
          %parallel_loop3A_1262 = arith.constant 1 : i32
          %parallel_loop3A_1263 = arith.index_cast %parallel_loop3A_1262 : i32 to index
          %parallel_loop3A_1264 = arith.index_cast %parallel_loop3A_1205 : i32 to index
          %parallel_loop3A_1265 = arith.index_cast %parallel_loop3A_1261 : i32 to index
          %parallel_loop3A_1266 = tpu.vector_load %arg7[%parallel_loop3A_1263, %parallel_loop3A_1264, %parallel_loop3A_1265] {strides = array<i32>} : memref<2x128x128xf32, #tpu.memory_space<vmem>>, vector<1x1x16xf32>,
          %parallel_loop3A_1267 = vector.shape_cast %parallel_loop3A_1266 : vector<1x1x16xf32> to vector<16xf32>
          %parallel_loop3A_1268 = arith.constant 8.000000e+00 : f32
          %parallel_loop3A_1269 = vector.broadcast %parallel_loop3A_1268 : f32 to vector<16xf32>
          %parallel_loop3A_1270 = arith.mulf %parallel_loop3A_1267, %parallel_loop3A_1269 : vector<16xf32>
          %parallel_loop3A_1271 = arith.constant 1 : i32
          %parallel_loop3A_1272 = arith.index_cast %parallel_loop3A_1271 : i32 to index
          %parallel_loop3A_1273 = arith.index_cast %parallel_loop3A_1205 : i32 to index
          %parallel_loop3A_1274 = arith.constant 48 : index
          %parallel_loop3A_1275 = tpu.vector_load %arg8[%parallel_loop3A_1272, %parallel_loop3A_1273, %parallel_loop3A_1274] {strides = array<i32>} : memref<2x128x64xf32, #tpu.memory_space<vmem>>, vector<1x1x16xf32>,
          %parallel_loop3A_1276 = vector.shape_cast %parallel_loop3A_1275 : vector<1x1x16xf32> to vector<16xf32>
          %parallel_loop3A_1277 = vector.shape_cast %parallel_loop3A_1270 : vector<16xf32> to vector<1x1x16xf32>
          tpu.vector_store %arg8[%parallel_loop3A_1272, %parallel_loop3A_1273, %parallel_loop3A_1274], %parallel_loop3A_1277 {strides = array<i32>} : memref<2x128x64xf32, #tpu.memory_space<vmem>>, vector<1x1x16xf32>,
          %parallel_loop3A_1278 = vector.extract_strided_slice %parallel_loop3A_237 {offsets = [13], sizes = [1], strides = [1]} : vector<16xi32> to vector<1xi32>
          %parallel_loop3A_1279 = vector.extract %parallel_loop3A_1278[0] : i32 from vector<1xi32>
          %parallel_loop3A_1280 = arith.constant 64 : i32
          %parallel_loop3A_1281 = arith.muli %parallel_loop3A_1279, %parallel_loop3A_1280 : i32
          %parallel_loop3A_1282 = arith.constant 16 : i32
          %parallel_loop3A_1283 = arith.muli %parallel_loop3A_228, %parallel_loop3A_1282 : i32
          %parallel_loop3A_1284 = arith.constant 13 : i32
          %parallel_loop3A_1285 = arith.addi %parallel_loop3A_1283, %parallel_loop3A_1284 : i32
          %parallel_loop3A_1286 = arith.constant 0 : i32
          %parallel_loop3A_1287 = arith.addi %parallel_loop3A_1281, %parallel_loop3A_1286 : i32
          %parallel_loop3A_1288 = arith.constant 1 : i32
          %parallel_loop3A_1289 = arith.index_cast %parallel_loop3A_1288 : i32 to index
          %parallel_loop3A_1290 = arith.index_cast %parallel_loop3A_1285 : i32 to index
          %parallel_loop3A_1291 = arith.index_cast %parallel_loop3A_1287 : i32 to index
          %parallel_loop3A_1292 = tpu.vector_load %arg7[%parallel_loop3A_1289, %parallel_loop3A_1290, %parallel_loop3A_1291] {strides = array<i32>} : memref<2x128x128xf32, #tpu.memory_space<vmem>>, vector<1x1x16xf32>,
          %parallel_loop3A_1293 = vector.shape_cast %parallel_loop3A_1292 : vector<1x1x16xf32> to vector<16xf32>
          %parallel_loop3A_1294 = arith.constant 8.000000e+00 : f32
          %parallel_loop3A_1295 = vector.broadcast %parallel_loop3A_1294 : f32 to vector<16xf32>
          %parallel_loop3A_1296 = arith.mulf %parallel_loop3A_1293, %parallel_loop3A_1295 : vector<16xf32>
          %parallel_loop3A_1297 = arith.constant 1 : i32
          %parallel_loop3A_1298 = arith.index_cast %parallel_loop3A_1297 : i32 to index
          %parallel_loop3A_1299 = arith.index_cast %parallel_loop3A_1285 : i32 to index
          %parallel_loop3A_1300 = arith.constant 0 : index
          %parallel_loop3A_1301 = tpu.vector_load %arg8[%parallel_loop3A_1298, %parallel_loop3A_1299, %parallel_loop3A_1300] {strides = array<i32>} : memref<2x128x64xf32, #tpu.memory_space<vmem>>, vector<1x1x16xf32>,
          %parallel_loop3A_1302 = vector.shape_cast %parallel_loop3A_1301 : vector<1x1x16xf32> to vector<16xf32>
          %parallel_loop3A_1303 = vector.shape_cast %parallel_loop3A_1296 : vector<16xf32> to vector<1x1x16xf32>
          tpu.vector_store %arg8[%parallel_loop3A_1298, %parallel_loop3A_1299, %parallel_loop3A_1300], %parallel_loop3A_1303 {strides = array<i32>} : memref<2x128x64xf32, #tpu.memory_space<vmem>>, vector<1x1x16xf32>,
          %parallel_loop3A_1304 = arith.constant 16 : i32
          %parallel_loop3A_1305 = arith.addi %parallel_loop3A_1281, %parallel_loop3A_1304 : i32
          %parallel_loop3A_1306 = arith.constant 1 : i32
          %parallel_loop3A_1307 = arith.index_cast %parallel_loop3A_1306 : i32 to index
          %parallel_loop3A_1308 = arith.index_cast %parallel_loop3A_1285 : i32 to index
          %parallel_loop3A_1309 = arith.index_cast %parallel_loop3A_1305 : i32 to index
          %parallel_loop3A_1310 = tpu.vector_load %arg7[%parallel_loop3A_1307, %parallel_loop3A_1308, %parallel_loop3A_1309] {strides = array<i32>} : memref<2x128x128xf32, #tpu.memory_space<vmem>>, vector<1x1x16xf32>,
          %parallel_loop3A_1311 = vector.shape_cast %parallel_loop3A_1310 : vector<1x1x16xf32> to vector<16xf32>
          %parallel_loop3A_1312 = arith.constant 8.000000e+00 : f32
          %parallel_loop3A_1313 = vector.broadcast %parallel_loop3A_1312 : f32 to vector<16xf32>
          %parallel_loop3A_1314 = arith.mulf %parallel_loop3A_1311, %parallel_loop3A_1313 : vector<16xf32>
          %parallel_loop3A_1315 = arith.constant 1 : i32
          %parallel_loop3A_1316 = arith.index_cast %parallel_loop3A_1315 : i32 to index
          %parallel_loop3A_1317 = arith.index_cast %parallel_loop3A_1285 : i32 to index
          %parallel_loop3A_1318 = arith.constant 16 : index
          %parallel_loop3A_1319 = tpu.vector_load %arg8[%parallel_loop3A_1316, %parallel_loop3A_1317, %parallel_loop3A_1318] {strides = array<i32>} : memref<2x128x64xf32, #tpu.memory_space<vmem>>, vector<1x1x16xf32>,
          %parallel_loop3A_1320 = vector.shape_cast %parallel_loop3A_1319 : vector<1x1x16xf32> to vector<16xf32>
          %parallel_loop3A_1321 = vector.shape_cast %parallel_loop3A_1314 : vector<16xf32> to vector<1x1x16xf32>
          tpu.vector_store %arg8[%parallel_loop3A_1316, %parallel_loop3A_1317, %parallel_loop3A_1318], %parallel_loop3A_1321 {strides = array<i32>} : memref<2x128x64xf32, #tpu.memory_space<vmem>>, vector<1x1x16xf32>,
          %parallel_loop3A_1322 = arith.constant 32 : i32
          %parallel_loop3A_1323 = arith.addi %parallel_loop3A_1281, %parallel_loop3A_1322 : i32
          %parallel_loop3A_1324 = arith.constant 1 : i32
          %parallel_loop3A_1325 = arith.index_cast %parallel_loop3A_1324 : i32 to index
          %parallel_loop3A_1326 = arith.index_cast %parallel_loop3A_1285 : i32 to index
          %parallel_loop3A_1327 = arith.index_cast %parallel_loop3A_1323 : i32 to index
          %parallel_loop3A_1328 = tpu.vector_load %arg7[%parallel_loop3A_1325, %parallel_loop3A_1326, %parallel_loop3A_1327] {strides = array<i32>} : memref<2x128x128xf32, #tpu.memory_space<vmem>>, vector<1x1x16xf32>,
          %parallel_loop3A_1329 = vector.shape_cast %parallel_loop3A_1328 : vector<1x1x16xf32> to vector<16xf32>
          %parallel_loop3A_1330 = arith.constant 8.000000e+00 : f32
          %parallel_loop3A_1331 = vector.broadcast %parallel_loop3A_1330 : f32 to vector<16xf32>
          %parallel_loop3A_1332 = arith.mulf %parallel_loop3A_1329, %parallel_loop3A_1331 : vector<16xf32>
          %parallel_loop3A_1333 = arith.constant 1 : i32
          %parallel_loop3A_1334 = arith.index_cast %parallel_loop3A_1333 : i32 to index
          %parallel_loop3A_1335 = arith.index_cast %parallel_loop3A_1285 : i32 to index
          %parallel_loop3A_1336 = arith.constant 32 : index
          %parallel_loop3A_1337 = tpu.vector_load %arg8[%parallel_loop3A_1334, %parallel_loop3A_1335, %parallel_loop3A_1336] {strides = array<i32>} : memref<2x128x64xf32, #tpu.memory_space<vmem>>, vector<1x1x16xf32>,
          %parallel_loop3A_1338 = vector.shape_cast %parallel_loop3A_1337 : vector<1x1x16xf32> to vector<16xf32>
          %parallel_loop3A_1339 = vector.shape_cast %parallel_loop3A_1332 : vector<16xf32> to vector<1x1x16xf32>
          tpu.vector_store %arg8[%parallel_loop3A_1334, %parallel_loop3A_1335, %parallel_loop3A_1336], %parallel_loop3A_1339 {strides = array<i32>} : memref<2x128x64xf32, #tpu.memory_space<vmem>>, vector<1x1x16xf32>,
          %parallel_loop3A_1340 = arith.constant 48 : i32
          %parallel_loop3A_1341 = arith.addi %parallel_loop3A_1281, %parallel_loop3A_1340 : i32
          %parallel_loop3A_1342 = arith.constant 1 : i32
          %parallel_loop3A_1343 = arith.index_cast %parallel_loop3A_1342 : i32 to index
          %parallel_loop3A_1344 = arith.index_cast %parallel_loop3A_1285 : i32 to index
          %parallel_loop3A_1345 = arith.index_cast %parallel_loop3A_1341 : i32 to index
          %parallel_loop3A_1346 = tpu.vector_load %arg7[%parallel_loop3A_1343, %parallel_loop3A_1344, %parallel_loop3A_1345] {strides = array<i32>} : memref<2x128x128xf32, #tpu.memory_space<vmem>>, vector<1x1x16xf32>,
          %parallel_loop3A_1347 = vector.shape_cast %parallel_loop3A_1346 : vector<1x1x16xf32> to vector<16xf32>
          %parallel_loop3A_1348 = arith.constant 8.000000e+00 : f32
          %parallel_loop3A_1349 = vector.broadcast %parallel_loop3A_1348 : f32 to vector<16xf32>
          %parallel_loop3A_1350 = arith.mulf %parallel_loop3A_1347, %parallel_loop3A_1349 : vector<16xf32>
          %parallel_loop3A_1351 = arith.constant 1 : i32
          %parallel_loop3A_1352 = arith.index_cast %parallel_loop3A_1351 : i32 to index
          %parallel_loop3A_1353 = arith.index_cast %parallel_loop3A_1285 : i32 to index
          %parallel_loop3A_1354 = arith.constant 48 : index
          %parallel_loop3A_1355 = tpu.vector_load %arg8[%parallel_loop3A_1352, %parallel_loop3A_1353, %parallel_loop3A_1354] {strides = array<i32>} : memref<2x128x64xf32, #tpu.memory_space<vmem>>, vector<1x1x16xf32>,
          %parallel_loop3A_1356 = vector.shape_cast %parallel_loop3A_1355 : vector<1x1x16xf32> to vector<16xf32>
          %parallel_loop3A_1357 = vector.shape_cast %parallel_loop3A_1350 : vector<16xf32> to vector<1x1x16xf32>
          tpu.vector_store %arg8[%parallel_loop3A_1352, %parallel_loop3A_1353, %parallel_loop3A_1354], %parallel_loop3A_1357 {strides = array<i32>} : memref<2x128x64xf32, #tpu.memory_space<vmem>>, vector<1x1x16xf32>,
          %parallel_loop3A_1358 = vector.extract_strided_slice %parallel_loop3A_237 {offsets = [14], sizes = [1], strides = [1]} : vector<16xi32> to vector<1xi32>
          %parallel_loop3A_1359 = vector.extract %parallel_loop3A_1358[0] : i32 from vector<1xi32>
          %parallel_loop3A_1360 = arith.constant 64 : i32
          %parallel_loop3A_1361 = arith.muli %parallel_loop3A_1359, %parallel_loop3A_1360 : i32
          %parallel_loop3A_1362 = arith.constant 16 : i32
          %parallel_loop3A_1363 = arith.muli %parallel_loop3A_228, %parallel_loop3A_1362 : i32
          %parallel_loop3A_1364 = arith.constant 14 : i32
          %parallel_loop3A_1365 = arith.addi %parallel_loop3A_1363, %parallel_loop3A_1364 : i32
          %parallel_loop3A_1366 = arith.constant 0 : i32
          %parallel_loop3A_1367 = arith.addi %parallel_loop3A_1361, %parallel_loop3A_1366 : i32
          %parallel_loop3A_1368 = arith.constant 1 : i32
          %parallel_loop3A_1369 = arith.index_cast %parallel_loop3A_1368 : i32 to index
          %parallel_loop3A_1370 = arith.index_cast %parallel_loop3A_1365 : i32 to index
          %parallel_loop3A_1371 = arith.index_cast %parallel_loop3A_1367 : i32 to index
          %parallel_loop3A_1372 = tpu.vector_load %arg7[%parallel_loop3A_1369, %parallel_loop3A_1370, %parallel_loop3A_1371] {strides = array<i32>} : memref<2x128x128xf32, #tpu.memory_space<vmem>>, vector<1x1x16xf32>,
          %parallel_loop3A_1373 = vector.shape_cast %parallel_loop3A_1372 : vector<1x1x16xf32> to vector<16xf32>
          %parallel_loop3A_1374 = arith.constant 8.000000e+00 : f32
          %parallel_loop3A_1375 = vector.broadcast %parallel_loop3A_1374 : f32 to vector<16xf32>
          %parallel_loop3A_1376 = arith.mulf %parallel_loop3A_1373, %parallel_loop3A_1375 : vector<16xf32>
          %parallel_loop3A_1377 = arith.constant 1 : i32
          %parallel_loop3A_1378 = arith.index_cast %parallel_loop3A_1377 : i32 to index
          %parallel_loop3A_1379 = arith.index_cast %parallel_loop3A_1365 : i32 to index
          %parallel_loop3A_1380 = arith.constant 0 : index
          %parallel_loop3A_1381 = tpu.vector_load %arg8[%parallel_loop3A_1378, %parallel_loop3A_1379, %parallel_loop3A_1380] {strides = array<i32>} : memref<2x128x64xf32, #tpu.memory_space<vmem>>, vector<1x1x16xf32>,
          %parallel_loop3A_1382 = vector.shape_cast %parallel_loop3A_1381 : vector<1x1x16xf32> to vector<16xf32>
          %parallel_loop3A_1383 = vector.shape_cast %parallel_loop3A_1376 : vector<16xf32> to vector<1x1x16xf32>
          tpu.vector_store %arg8[%parallel_loop3A_1378, %parallel_loop3A_1379, %parallel_loop3A_1380], %parallel_loop3A_1383 {strides = array<i32>} : memref<2x128x64xf32, #tpu.memory_space<vmem>>, vector<1x1x16xf32>,
          %parallel_loop3A_1384 = arith.constant 16 : i32
          %parallel_loop3A_1385 = arith.addi %parallel_loop3A_1361, %parallel_loop3A_1384 : i32
          %parallel_loop3A_1386 = arith.constant 1 : i32
          %parallel_loop3A_1387 = arith.index_cast %parallel_loop3A_1386 : i32 to index
          %parallel_loop3A_1388 = arith.index_cast %parallel_loop3A_1365 : i32 to index
          %parallel_loop3A_1389 = arith.index_cast %parallel_loop3A_1385 : i32 to index
          %parallel_loop3A_1390 = tpu.vector_load %arg7[%parallel_loop3A_1387, %parallel_loop3A_1388, %parallel_loop3A_1389] {strides = array<i32>} : memref<2x128x128xf32, #tpu.memory_space<vmem>>, vector<1x1x16xf32>,
          %parallel_loop3A_1391 = vector.shape_cast %parallel_loop3A_1390 : vector<1x1x16xf32> to vector<16xf32>
          %parallel_loop3A_1392 = arith.constant 8.000000e+00 : f32
          %parallel_loop3A_1393 = vector.broadcast %parallel_loop3A_1392 : f32 to vector<16xf32>
          %parallel_loop3A_1394 = arith.mulf %parallel_loop3A_1391, %parallel_loop3A_1393 : vector<16xf32>
          %parallel_loop3A_1395 = arith.constant 1 : i32
          %parallel_loop3A_1396 = arith.index_cast %parallel_loop3A_1395 : i32 to index
          %parallel_loop3A_1397 = arith.index_cast %parallel_loop3A_1365 : i32 to index
          %parallel_loop3A_1398 = arith.constant 16 : index
          %parallel_loop3A_1399 = tpu.vector_load %arg8[%parallel_loop3A_1396, %parallel_loop3A_1397, %parallel_loop3A_1398] {strides = array<i32>} : memref<2x128x64xf32, #tpu.memory_space<vmem>>, vector<1x1x16xf32>,
          %parallel_loop3A_1400 = vector.shape_cast %parallel_loop3A_1399 : vector<1x1x16xf32> to vector<16xf32>
          %parallel_loop3A_1401 = vector.shape_cast %parallel_loop3A_1394 : vector<16xf32> to vector<1x1x16xf32>
          tpu.vector_store %arg8[%parallel_loop3A_1396, %parallel_loop3A_1397, %parallel_loop3A_1398], %parallel_loop3A_1401 {strides = array<i32>} : memref<2x128x64xf32, #tpu.memory_space<vmem>>, vector<1x1x16xf32>,
          %parallel_loop3A_1402 = arith.constant 32 : i32
          %parallel_loop3A_1403 = arith.addi %parallel_loop3A_1361, %parallel_loop3A_1402 : i32
          %parallel_loop3A_1404 = arith.constant 1 : i32
          %parallel_loop3A_1405 = arith.index_cast %parallel_loop3A_1404 : i32 to index
          %parallel_loop3A_1406 = arith.index_cast %parallel_loop3A_1365 : i32 to index
          %parallel_loop3A_1407 = arith.index_cast %parallel_loop3A_1403 : i32 to index
          %parallel_loop3A_1408 = tpu.vector_load %arg7[%parallel_loop3A_1405, %parallel_loop3A_1406, %parallel_loop3A_1407] {strides = array<i32>} : memref<2x128x128xf32, #tpu.memory_space<vmem>>, vector<1x1x16xf32>,
          %parallel_loop3A_1409 = vector.shape_cast %parallel_loop3A_1408 : vector<1x1x16xf32> to vector<16xf32>
          %parallel_loop3A_1410 = arith.constant 8.000000e+00 : f32
          %parallel_loop3A_1411 = vector.broadcast %parallel_loop3A_1410 : f32 to vector<16xf32>
          %parallel_loop3A_1412 = arith.mulf %parallel_loop3A_1409, %parallel_loop3A_1411 : vector<16xf32>
          %parallel_loop3A_1413 = arith.constant 1 : i32
          %parallel_loop3A_1414 = arith.index_cast %parallel_loop3A_1413 : i32 to index
          %parallel_loop3A_1415 = arith.index_cast %parallel_loop3A_1365 : i32 to index
          %parallel_loop3A_1416 = arith.constant 32 : index
          %parallel_loop3A_1417 = tpu.vector_load %arg8[%parallel_loop3A_1414, %parallel_loop3A_1415, %parallel_loop3A_1416] {strides = array<i32>} : memref<2x128x64xf32, #tpu.memory_space<vmem>>, vector<1x1x16xf32>,
          %parallel_loop3A_1418 = vector.shape_cast %parallel_loop3A_1417 : vector<1x1x16xf32> to vector<16xf32>
          %parallel_loop3A_1419 = vector.shape_cast %parallel_loop3A_1412 : vector<16xf32> to vector<1x1x16xf32>
          tpu.vector_store %arg8[%parallel_loop3A_1414, %parallel_loop3A_1415, %parallel_loop3A_1416], %parallel_loop3A_1419 {strides = array<i32>} : memref<2x128x64xf32, #tpu.memory_space<vmem>>, vector<1x1x16xf32>,
          %parallel_loop3A_1420 = arith.constant 48 : i32
          %parallel_loop3A_1421 = arith.addi %parallel_loop3A_1361, %parallel_loop3A_1420 : i32
          %parallel_loop3A_1422 = arith.constant 1 : i32
          %parallel_loop3A_1423 = arith.index_cast %parallel_loop3A_1422 : i32 to index
          %parallel_loop3A_1424 = arith.index_cast %parallel_loop3A_1365 : i32 to index
          %parallel_loop3A_1425 = arith.index_cast %parallel_loop3A_1421 : i32 to index
          %parallel_loop3A_1426 = tpu.vector_load %arg7[%parallel_loop3A_1423, %parallel_loop3A_1424, %parallel_loop3A_1425] {strides = array<i32>} : memref<2x128x128xf32, #tpu.memory_space<vmem>>, vector<1x1x16xf32>,
          %parallel_loop3A_1427 = vector.shape_cast %parallel_loop3A_1426 : vector<1x1x16xf32> to vector<16xf32>
          %parallel_loop3A_1428 = arith.constant 8.000000e+00 : f32
          %parallel_loop3A_1429 = vector.broadcast %parallel_loop3A_1428 : f32 to vector<16xf32>
          %parallel_loop3A_1430 = arith.mulf %parallel_loop3A_1427, %parallel_loop3A_1429 : vector<16xf32>
          %parallel_loop3A_1431 = arith.constant 1 : i32
          %parallel_loop3A_1432 = arith.index_cast %parallel_loop3A_1431 : i32 to index
          %parallel_loop3A_1433 = arith.index_cast %parallel_loop3A_1365 : i32 to index
          %parallel_loop3A_1434 = arith.constant 48 : index
          %parallel_loop3A_1435 = tpu.vector_load %arg8[%parallel_loop3A_1432, %parallel_loop3A_1433, %parallel_loop3A_1434] {strides = array<i32>} : memref<2x128x64xf32, #tpu.memory_space<vmem>>, vector<1x1x16xf32>,
          %parallel_loop3A_1436 = vector.shape_cast %parallel_loop3A_1435 : vector<1x1x16xf32> to vector<16xf32>
          %parallel_loop3A_1437 = vector.shape_cast %parallel_loop3A_1430 : vector<16xf32> to vector<1x1x16xf32>
          tpu.vector_store %arg8[%parallel_loop3A_1432, %parallel_loop3A_1433, %parallel_loop3A_1434], %parallel_loop3A_1437 {strides = array<i32>} : memref<2x128x64xf32, #tpu.memory_space<vmem>>, vector<1x1x16xf32>,
          %parallel_loop3A_1438 = vector.extract_strided_slice %parallel_loop3A_237 {offsets = [15], sizes = [1], strides = [1]} : vector<16xi32> to vector<1xi32>
          %parallel_loop3A_1439 = vector.extract %parallel_loop3A_1438[0] : i32 from vector<1xi32>
          %parallel_loop3A_1440 = arith.constant 64 : i32
          %parallel_loop3A_1441 = arith.muli %parallel_loop3A_1439, %parallel_loop3A_1440 : i32
          %parallel_loop3A_1442 = arith.constant 16 : i32
          %parallel_loop3A_1443 = arith.muli %parallel_loop3A_228, %parallel_loop3A_1442 : i32
          %parallel_loop3A_1444 = arith.constant 15 : i32
          %parallel_loop3A_1445 = arith.addi %parallel_loop3A_1443, %parallel_loop3A_1444 : i32
          %parallel_loop3A_1446 = arith.constant 0 : i32
          %parallel_loop3A_1447 = arith.addi %parallel_loop3A_1441, %parallel_loop3A_1446 : i32
          %parallel_loop3A_1448 = arith.constant 1 : i32
          %parallel_loop3A_1449 = arith.index_cast %parallel_loop3A_1448 : i32 to index
          %parallel_loop3A_1450 = arith.index_cast %parallel_loop3A_1445 : i32 to index
          %parallel_loop3A_1451 = arith.index_cast %parallel_loop3A_1447 : i32 to index
          %parallel_loop3A_1452 = tpu.vector_load %arg7[%parallel_loop3A_1449, %parallel_loop3A_1450, %parallel_loop3A_1451] {strides = array<i32>} : memref<2x128x128xf32, #tpu.memory_space<vmem>>, vector<1x1x16xf32>,
          %parallel_loop3A_1453 = vector.shape_cast %parallel_loop3A_1452 : vector<1x1x16xf32> to vector<16xf32>
          %parallel_loop3A_1454 = arith.constant 8.000000e+00 : f32
          %parallel_loop3A_1455 = vector.broadcast %parallel_loop3A_1454 : f32 to vector<16xf32>
          %parallel_loop3A_1456 = arith.mulf %parallel_loop3A_1453, %parallel_loop3A_1455 : vector<16xf32>
          %parallel_loop3A_1457 = arith.constant 1 : i32
          %parallel_loop3A_1458 = arith.index_cast %parallel_loop3A_1457 : i32 to index
          %parallel_loop3A_1459 = arith.index_cast %parallel_loop3A_1445 : i32 to index
          %parallel_loop3A_1460 = arith.constant 0 : index
          %parallel_loop3A_1461 = tpu.vector_load %arg8[%parallel_loop3A_1458, %parallel_loop3A_1459, %parallel_loop3A_1460] {strides = array<i32>} : memref<2x128x64xf32, #tpu.memory_space<vmem>>, vector<1x1x16xf32>,
          %parallel_loop3A_1462 = vector.shape_cast %parallel_loop3A_1461 : vector<1x1x16xf32> to vector<16xf32>
          %parallel_loop3A_1463 = vector.shape_cast %parallel_loop3A_1456 : vector<16xf32> to vector<1x1x16xf32>
          tpu.vector_store %arg8[%parallel_loop3A_1458, %parallel_loop3A_1459, %parallel_loop3A_1460], %parallel_loop3A_1463 {strides = array<i32>} : memref<2x128x64xf32, #tpu.memory_space<vmem>>, vector<1x1x16xf32>,
          %parallel_loop3A_1464 = arith.constant 16 : i32
          %parallel_loop3A_1465 = arith.addi %parallel_loop3A_1441, %parallel_loop3A_1464 : i32
          %parallel_loop3A_1466 = arith.constant 1 : i32
          %parallel_loop3A_1467 = arith.index_cast %parallel_loop3A_1466 : i32 to index
          %parallel_loop3A_1468 = arith.index_cast %parallel_loop3A_1445 : i32 to index
          %parallel_loop3A_1469 = arith.index_cast %parallel_loop3A_1465 : i32 to index
          %parallel_loop3A_1470 = tpu.vector_load %arg7[%parallel_loop3A_1467, %parallel_loop3A_1468, %parallel_loop3A_1469] {strides = array<i32>} : memref<2x128x128xf32, #tpu.memory_space<vmem>>, vector<1x1x16xf32>,
          %parallel_loop3A_1471 = vector.shape_cast %parallel_loop3A_1470 : vector<1x1x16xf32> to vector<16xf32>
          %parallel_loop3A_1472 = arith.constant 8.000000e+00 : f32
          %parallel_loop3A_1473 = vector.broadcast %parallel_loop3A_1472 : f32 to vector<16xf32>
          %parallel_loop3A_1474 = arith.mulf %parallel_loop3A_1471, %parallel_loop3A_1473 : vector<16xf32>
          %parallel_loop3A_1475 = arith.constant 1 : i32
          %parallel_loop3A_1476 = arith.index_cast %parallel_loop3A_1475 : i32 to index
          %parallel_loop3A_1477 = arith.index_cast %parallel_loop3A_1445 : i32 to index
          %parallel_loop3A_1478 = arith.constant 16 : index
          %parallel_loop3A_1479 = tpu.vector_load %arg8[%parallel_loop3A_1476, %parallel_loop3A_1477, %parallel_loop3A_1478] {strides = array<i32>} : memref<2x128x64xf32, #tpu.memory_space<vmem>>, vector<1x1x16xf32>,
          %parallel_loop3A_1480 = vector.shape_cast %parallel_loop3A_1479 : vector<1x1x16xf32> to vector<16xf32>
          %parallel_loop3A_1481 = vector.shape_cast %parallel_loop3A_1474 : vector<16xf32> to vector<1x1x16xf32>
          tpu.vector_store %arg8[%parallel_loop3A_1476, %parallel_loop3A_1477, %parallel_loop3A_1478], %parallel_loop3A_1481 {strides = array<i32>} : memref<2x128x64xf32, #tpu.memory_space<vmem>>, vector<1x1x16xf32>,
          %parallel_loop3A_1482 = arith.constant 32 : i32
          %parallel_loop3A_1483 = arith.addi %parallel_loop3A_1441, %parallel_loop3A_1482 : i32
          %parallel_loop3A_1484 = arith.constant 1 : i32
          %parallel_loop3A_1485 = arith.index_cast %parallel_loop3A_1484 : i32 to index
          %parallel_loop3A_1486 = arith.index_cast %parallel_loop3A_1445 : i32 to index
          %parallel_loop3A_1487 = arith.index_cast %parallel_loop3A_1483 : i32 to index
          %parallel_loop3A_1488 = tpu.vector_load %arg7[%parallel_loop3A_1485, %parallel_loop3A_1486, %parallel_loop3A_1487] {strides = array<i32>} : memref<2x128x128xf32, #tpu.memory_space<vmem>>, vector<1x1x16xf32>,
          %parallel_loop3A_1489 = vector.shape_cast %parallel_loop3A_1488 : vector<1x1x16xf32> to vector<16xf32>
          %parallel_loop3A_1490 = arith.constant 8.000000e+00 : f32
          %parallel_loop3A_1491 = vector.broadcast %parallel_loop3A_1490 : f32 to vector<16xf32>
          %parallel_loop3A_1492 = arith.mulf %parallel_loop3A_1489, %parallel_loop3A_1491 : vector<16xf32>
          %parallel_loop3A_1493 = arith.constant 1 : i32
          %parallel_loop3A_1494 = arith.index_cast %parallel_loop3A_1493 : i32 to index
          %parallel_loop3A_1495 = arith.index_cast %parallel_loop3A_1445 : i32 to index
          %parallel_loop3A_1496 = arith.constant 32 : index
          %parallel_loop3A_1497 = tpu.vector_load %arg8[%parallel_loop3A_1494, %parallel_loop3A_1495, %parallel_loop3A_1496] {strides = array<i32>} : memref<2x128x64xf32, #tpu.memory_space<vmem>>, vector<1x1x16xf32>,
          %parallel_loop3A_1498 = vector.shape_cast %parallel_loop3A_1497 : vector<1x1x16xf32> to vector<16xf32>
          %parallel_loop3A_1499 = vector.shape_cast %parallel_loop3A_1492 : vector<16xf32> to vector<1x1x16xf32>
          tpu.vector_store %arg8[%parallel_loop3A_1494, %parallel_loop3A_1495, %parallel_loop3A_1496], %parallel_loop3A_1499 {strides = array<i32>} : memref<2x128x64xf32, #tpu.memory_space<vmem>>, vector<1x1x16xf32>,
          %parallel_loop3A_1500 = arith.constant 48 : i32
          %parallel_loop3A_1501 = arith.addi %parallel_loop3A_1441, %parallel_loop3A_1500 : i32
          %parallel_loop3A_1502 = arith.constant 1 : i32
          %parallel_loop3A_1503 = arith.index_cast %parallel_loop3A_1502 : i32 to index
          %parallel_loop3A_1504 = arith.index_cast %parallel_loop3A_1445 : i32 to index
          %parallel_loop3A_1505 = arith.index_cast %parallel_loop3A_1501 : i32 to index
          %parallel_loop3A_1506 = tpu.vector_load %arg7[%parallel_loop3A_1503, %parallel_loop3A_1504, %parallel_loop3A_1505] {strides = array<i32>} : memref<2x128x128xf32, #tpu.memory_space<vmem>>, vector<1x1x16xf32>,
          %parallel_loop3A_1507 = vector.shape_cast %parallel_loop3A_1506 : vector<1x1x16xf32> to vector<16xf32>
          %parallel_loop3A_1508 = arith.constant 8.000000e+00 : f32
          %parallel_loop3A_1509 = vector.broadcast %parallel_loop3A_1508 : f32 to vector<16xf32>
          %parallel_loop3A_1510 = arith.mulf %parallel_loop3A_1507, %parallel_loop3A_1509 : vector<16xf32>
          %parallel_loop3A_1511 = arith.constant 1 : i32
          %parallel_loop3A_1512 = arith.index_cast %parallel_loop3A_1511 : i32 to index
          %parallel_loop3A_1513 = arith.index_cast %parallel_loop3A_1445 : i32 to index
          %parallel_loop3A_1514 = arith.constant 48 : index
          %parallel_loop3A_1515 = tpu.vector_load %arg8[%parallel_loop3A_1512, %parallel_loop3A_1513, %parallel_loop3A_1514] {strides = array<i32>} : memref<2x128x64xf32, #tpu.memory_space<vmem>>, vector<1x1x16xf32>,
          %parallel_loop3A_1516 = vector.shape_cast %parallel_loop3A_1515 : vector<1x1x16xf32> to vector<16xf32>
          %parallel_loop3A_1517 = vector.shape_cast %parallel_loop3A_1510 : vector<16xf32> to vector<1x1x16xf32>
          tpu.vector_store %arg8[%parallel_loop3A_1512, %parallel_loop3A_1513, %parallel_loop3A_1514], %parallel_loop3A_1517 {strides = array<i32>} : memref<2x128x64xf32, #tpu.memory_space<vmem>>, vector<1x1x16xf32>,
        } {sc.loop_unroll_factor = 1 : i64, sc.parallel_access}
        %mul3A_209 = arith.constant 128 : i32
        %mul3A_210 = arith.muli %scan3A_171, %mul3A_209 : i32
        %add3A_211 = arith.addi %mul3A_6, %mul3A_210 : i32
        %multiple_of3A = tpu.assume_multiple %add3A_211, 8 : i32
        %dma_start3A_212 = arith.constant 1 : i32
        %dma_start3A_213 = arith.constant 1 : i32
        %dma_start3A_214 = arith.constant 0 : i32
        %dma_start3A_215 = arith.constant 0 : i32
        %dma_start3A_216 = tpu.memref_slice %arg8[%dma_start3A_212, %dma_start3A_214, %dma_start3A_215] : memref<2x128x64xf32, #tpu.memory_space<vmem>> -> memref<1x128x64xf32, #tpu.memory_space<vmem>>
        %dma_start3A_217 = tpu.memref_squeeze %dma_start3A_216 : memref<1x128x64xf32, #tpu.memory_space<vmem>> -> memref<128x64xf32, #tpu.memory_space<vmem>>
        %dma_start3A_218 = arith.constant 0 : i32
        %dma_start3A_219 = tpu.memref_slice %arg4[%multiple_of3A, %dma_start3A_218] : memref<819200x64xf32, #tpu.memory_space<hbm>> -> memref<128x64xf32, #tpu.memory_space<hbm>>
        %dma_start3A_220 = tpu.memref_slice %arg10[%dma_start3A_213] : memref<2x!tpu.dma_semaphore, #tpu.memory_space<semaphore_mem>> -> memref<1x!tpu.dma_semaphore, #tpu.memory_space<semaphore_mem>>
        %dma_start3A_221 = tpu.memref_squeeze %dma_start3A_220 : memref<1x!tpu.dma_semaphore, #tpu.memory_space<semaphore_mem>> -> memref<!tpu.dma_semaphore, #tpu.memory_space<semaphore_mem>>
        %dma_start3A_222 = arith.constant 0 : i32
        %dma_start3A_223 = tpu.memref_slice %arg4[%multiple_of3A, %dma_start3A_222] : memref<819200x64xf32, #tpu.memory_space<hbm>> -> memref<128x64xf32, #tpu.memory_space<hbm>>
        %dma_start3A_224 = arith.constant 0 : i32
        %dma_start3A_225 = arith.constant 0 : i32
        %dma_start3A_226 = tpu.memref_slice %arg8[%dma_start3A_212, %dma_start3A_224, %dma_start3A_225] : memref<2x128x64xf32, #tpu.memory_space<vmem>> -> memref<1x128x64xf32, #tpu.memory_space<vmem>>
        %dma_start3A_227 = tpu.memref_squeeze %dma_start3A_226 : memref<1x128x64xf32, #tpu.memory_space<vmem>> -> memref<128x64xf32, #tpu.memory_space<vmem>>
        tpu.enqueue_dma source(%dma_start3A_227 : memref<128x64xf32, #tpu.memory_space<vmem>>) target(%dma_start3A_223 : memref<128x64xf32, #tpu.memory_space<hbm>>) target_semaphore(%dma_start3A_221 : memref<!tpu.dma_semaphore, #tpu.memory_space<semaphore_mem>>)
      } else {
      }
      %scan3A_181 = arith.constant 0 : i32
      scf.yield %scan3A_181 : i32
    }
    %scan3A_135 = arith.constant 200 : i32
    %add3A_136 = arith.constant 25344 : i32
    %add3A_137 = arith.addi %mul3A_6, %add3A_136 : i32
    %dma_wait3A = arith.constant 0 : i32
    %dma_wait3A_138 = arith.constant 0 : i32
    %dma_wait3A_139 = arith.constant 0 : i32
    %dma_wait3A_140 = arith.constant 0 : i32
    %dma_wait3A_141 = tpu.memref_slice %arg8[%dma_wait3A, %dma_wait3A_139, %dma_wait3A_140] : memref<2x128x64xf32, #tpu.memory_space<vmem>> -> memref<1x128x64xf32, #tpu.memory_space<vmem>>
    %dma_wait3A_142 = tpu.memref_squeeze %dma_wait3A_141 : memref<1x128x64xf32, #tpu.memory_space<vmem>> -> memref<128x64xf32, #tpu.memory_space<vmem>>
    %dma_wait3A_143 = arith.constant 0 : i32
    %dma_wait3A_144 = tpu.memref_slice %arg4[%add3A_137, %dma_wait3A_143] : memref<819200x64xf32, #tpu.memory_space<hbm>> -> memref<128x64xf32, #tpu.memory_space<hbm>>
    %dma_wait3A_145 = tpu.memref_slice %arg10[%dma_wait3A_138] : memref<2x!tpu.dma_semaphore, #tpu.memory_space<semaphore_mem>> -> memref<1x!tpu.dma_semaphore, #tpu.memory_space<semaphore_mem>>
    %dma_wait3A_146 = tpu.memref_squeeze %dma_wait3A_145 : memref<1x!tpu.dma_semaphore, #tpu.memory_space<semaphore_mem>> -> memref<!tpu.dma_semaphore, #tpu.memory_space<semaphore_mem>>
    %dma_wait3A_147 = arith.constant 0 : i32
    %dma_wait3A_148 = tpu.memref_slice %arg4[%add3A_137, %dma_wait3A_147] : memref<819200x64xf32, #tpu.memory_space<hbm>> -> memref<128x64xf32, #tpu.memory_space<hbm>>
    %dma_wait3A_149 = arith.constant 0 : i32
    %dma_wait3A_150 = arith.constant 0 : i32
    %dma_wait3A_151 = tpu.memref_slice %arg8[%dma_wait3A, %dma_wait3A_149, %dma_wait3A_150] : memref<2x128x64xf32, #tpu.memory_space<vmem>> -> memref<1x128x64xf32, #tpu.memory_space<vmem>>
    %dma_wait3A_152 = tpu.memref_squeeze %dma_wait3A_151 : memref<1x128x64xf32, #tpu.memory_space<vmem>> -> memref<128x64xf32, #tpu.memory_space<vmem>>
    tpu.wait_dma2 semaphore(%dma_wait3A_146 : memref<!tpu.dma_semaphore, #tpu.memory_space<semaphore_mem>>) src(%dma_wait3A_152 : memref<128x64xf32, #tpu.memory_space<vmem>>) dst(%dma_wait3A_148 : memref<128x64xf32, #tpu.memory_space<hbm>>)
    %add3A_153 = arith.constant 25472 : i32
    %add3A_154 = arith.addi %mul3A_6, %add3A_153 : i32
    %dma_wait3A_155 = arith.constant 1 : i32
    %dma_wait3A_156 = arith.constant 1 : i32
    %dma_wait3A_157 = arith.constant 0 : i32
    %dma_wait3A_158 = arith.constant 0 : i32
    %dma_wait3A_159 = tpu.memref_slice %arg8[%dma_wait3A_155, %dma_wait3A_157, %dma_wait3A_158] : memref<2x128x64xf32, #tpu.memory_space<vmem>> -> memref<1x128x64xf32, #tpu.memory_space<vmem>>
    %dma_wait3A_160 = tpu.memref_squeeze %dma_wait3A_159 : memref<1x128x64xf32, #tpu.memory_space<vmem>> -> memref<128x64xf32, #tpu.memory_space<vmem>>
    %dma_wait3A_161 = arith.constant 0 : i32
    %dma_wait3A_162 = tpu.memref_slice %arg4[%add3A_154, %dma_wait3A_161] : memref<819200x64xf32, #tpu.memory_space<hbm>> -> memref<128x64xf32, #tpu.memory_space<hbm>>
    %dma_wait3A_163 = tpu.memref_slice %arg10[%dma_wait3A_156] : memref<2x!tpu.dma_semaphore, #tpu.memory_space<semaphore_mem>> -> memref<1x!tpu.dma_semaphore, #tpu.memory_space<semaphore_mem>>
    %dma_wait3A_164 = tpu.memref_squeeze %dma_wait3A_163 : memref<1x!tpu.dma_semaphore, #tpu.memory_space<semaphore_mem>> -> memref<!tpu.dma_semaphore, #tpu.memory_space<semaphore_mem>>
    %dma_wait3A_165 = arith.constant 0 : i32
    %dma_wait3A_166 = tpu.memref_slice %arg4[%add3A_154, %dma_wait3A_165] : memref<819200x64xf32, #tpu.memory_space<hbm>> -> memref<128x64xf32, #tpu.memory_space<hbm>>
    %dma_wait3A_167 = arith.constant 0 : i32
    %dma_wait3A_168 = arith.constant 0 : i32
    %dma_wait3A_169 = tpu.memref_slice %arg8[%dma_wait3A_155, %dma_wait3A_167, %dma_wait3A_168] : memref<2x128x64xf32, #tpu.memory_space<vmem>> -> memref<1x128x64xf32, #tpu.memory_space<vmem>>
    %dma_wait3A_170 = tpu.memref_squeeze %dma_wait3A_169 : memref<1x128x64xf32, #tpu.memory_space<vmem>> -> memref<128x64xf32, #tpu.memory_space<vmem>>
    tpu.wait_dma2 semaphore(%dma_wait3A_164 : memref<!tpu.dma_semaphore, #tpu.memory_space<semaphore_mem>>) src(%dma_wait3A_170 : memref<128x64xf32, #tpu.memory_space<vmem>>) dst(%dma_wait3A_166 : memref<128x64xf32, #tpu.memory_space<hbm>>)
    return
  }
}

</mosaic_0001>

<sc_bundles>
// kernel: kernel.3.cloned.1.call-start
scs
__scs_entry_jumppad:
0x0: {  	(pc) =	sbr.rel $0x88, $3  }
0x1: {  	(tag) =	ssettag $0x0;
	lr =	simm.s32 $0x1  }
0x2: {  	[smem:$0x3F9F] =	sst lr;
	_ =	strace $0xD0000000  }
0x3: {  	_ = 	snop  }
0x4: {  	_ = 	snop  }
0x5: {  	_ = 	snop  }
0x6: {  	_ = 	snop  }
0x7: {  	_ = 	snop  }
__scs_overlays_trampoline_lowered:
0x8: {  	[smem:$0x3FAE] =	sst s0  }
0x9: {  	[smem:$0x3FAF] =	sst s1  }
0xa: {  	[smem:$0x3FB0] =	sst s2  }
0xb: {  	[smem:$0x3FB1] =	sst s3  }
0xc: {  	[smem:$0x3FB2] =	sst s4  }
0xd: {  	[smem:$0x3FB3] =	sst s5  }
0xe: {  	[smem:$0x3FB4] =	sst s6  }
0xf: {  	[smem:$0x3FB5] =	sst s7  }
0x10: {  	[smem:$0x3FB6] =	sst s8  }
0x11: {  	[smem:$0x3FB7] =	sst s9;
	s0 =	simm.s32 @!p0 $0x0  }
0x12: {  	s1 =	sld [smem:$0x3F9D];
	s0 =	simm.s32 @p0 $0x1  }
0x13: {  	[smem:$0x3FB8] =	sst s0;
	s0 =	simm.s32 @!p1 $0x0  }
0x14: {  	s2 =	sld [smem:$0x3F9C];
	s0 =	simm.s32 @p1 $0x1  }
0x15: {  	[smem:$0x3FB9] =	sst s0;
	s0 =	simm.s32 @!p2 $0x0  }
0x16: {  	s3 =	sld [smem:$0x3FDB];
	s0 =	simm.s32 @p2 $0x1  }
0x17: {  	s4 =	simm.s32 $0x1BF5;
	[smem:$0x3FBB] =	sst s0  }
0x18: {  	s0 =	sld [smem:$0x3F9E];
	_ =	swait.ge [sflag:s4], $0x0  }
0x19: {  	s7 =	sld [smem:$0x3F9F]  }
0x1a: {  	s8 =	sadd.s32 $0xFFFFE003, lr  }
0x1b: {  	s9 =	sadd.s32 $0xFFFFFEF7, lr;
	s5 =	simm.s32 $0xFFFFFFFF;
	p2 =	slt.u32 s8, $0xFFFFF086  }
0x1c: {  	p1 =	slt.u32 s9, $0xF7A;
	s5 =	simm.s32 @!p2 $0x0  }
0x1d: {  	s5 =	simm.s32 @p1 $0x1;
	p0 =	seq.s32 s7, s2  }
0x1e: {  	s7 =	smul.u32 @!p0 $0xF7A, s2;
	p2 =	seq.s32 @!p0 s5, $0x0  }
0x1f: {  	s9 =	smul.u32 $0xF7A, s1;
	s8 =	simm.s32 @!p0 $0x1BF5;
	p2 =	por !p2, p0  }
0x20: {  	[sflag:s8] =	ssyncset.s32 @!p0 $0xFFFFF086;
	s6 =	sadd.s32 @!p0 s3, s7;
	s7 =	simm.s32 @!p0 $0x108  }
0x21: {  	s3 =	sadd.s32 s3, s9;
	s6 =	sadd.s32 @!p0 $0x88, s6;
	s7 =	simm.s32 @p2 $0x1082  }
0x22: {  	[simem:s7], [sflag:s8] =	dma.local @!p0 [hbm:s6], $0xF7A  }
0x23: {  	s9 =	sor.u32 $0xD0000000, s2;
	s6 =	simm.s32 $0x108;
	_ =	swait.ge @!p0 [sflag:s8], $0x0  }
0x24: {  	s3 =	sadd.s32 $0x88, s3;
	s6 =	simm.s32 @!p1 $0x1082;
	[sflag:s4] =	ssyncset.s32 $0xFFFFF086  }
0x25: {  	[simem:s6], [sflag:s4] =	dma.local [hbm:s3], $0xF7A  }
0x26: {  	[smem:$0x3F9F] =	sst s1;
	(tag) =	ssettag s2;
	_ =	strace s9  }
0x27: {  	s1 =	sld [smem:$0x3FAF]  }
0x28: {  	s2 =	sld [smem:$0x3FB0]  }
0x29: {  	s4 =	sld [smem:$0x3FB2]  }
0x2a: {  	p0 =	seq.s32 s5, $0x0;
	s5 =	sld [smem:$0x3FB3]  }
0x2b: {  	s6 =	sld [smem:$0x3FB4]  }
0x2c: {  	s7 =	sld [smem:$0x3FB5]  }
0x2d: {  	s3 =	simm.s32 $0x108;
	s8 =	sld [smem:$0x3FB6]  }
0x2e: {  	s3 =	simm.s32 @!p0 $0x1082;
	s9 =	sld [smem:$0x3FB7]  }
0x2f: {  	lr =	sadd.s32 s0, s3;
	s0 =	sld [smem:$0x3FAE]  }
0x30: {  	s3 =	sld [smem:$0x3FB1]  }
0x31: {  	[smem:$0x3FBA] =	sst s10  }
0x32: {  	s10 =	sld [smem:$0x3FB8];
	_ =	sdelay $0x3  }
0x33: {  	p0 =	seq.s32 s10, $0x1;
	s10 =	sld [smem:$0x3FBA];
	_ =	sdelay $0x3  }
0x34: {  	[smem:$0x3FBA] =	sst s10  }
0x35: {  	s10 =	sld [smem:$0x3FB9];
	_ =	sdelay $0x3  }
0x36: {  	p1 =	seq.s32 s10, $0x1;
	s10 =	sld [smem:$0x3FBA];
	_ =	sdelay $0x3  }
0x37: {  	[smem:$0x3FBA] =	sst s10  }
0x38: {  	s10 =	sld [smem:$0x3FBB]  }
0x39: {  	_ = 	snop;
	(pc) =	sbr.ind lr, $3  }
0x3a: {  	_ = 	snop  }
0x3b: {  	_ = 	snop  }
0x3c: {  	p2 =	seq.s32 s10, $0x1;
	s10 =	sld [smem:$0x3FBA]  }
0x3d: {  	_ =	shalt  }
0x3e: {  	_ =	shalt  }
0x3f: {  	_ =	shalt  }
0x40: {  	_ =	shalt  }
0x41: {  	_ =	shalt  }
0x42: {  	_ =	shalt  }
0x43: {  	_ =	shalt  }
0x44: {  	_ =	shalt  }
0x45: {  	_ =	shalt  }
0x46: {  	_ =	shalt  }
0x47: {  	_ =	shalt  }
0x48: {  	_ =	shalt  }
0x49: {  	_ =	shalt  }
0x4a: {  	_ =	shalt  }
0x4b: {  	_ =	shalt  }
0x4c: {  	_ =	shalt  }
0x4d: {  	_ =	shalt  }
0x4e: {  	_ =	shalt  }
0x4f: {  	_ =	shalt  }
0x50: {  	_ =	shalt  }
0x51: {  	_ =	shalt  }
0x52: {  	_ =	shalt  }
0x53: {  	_ =	shalt  }
0x54: {  	_ =	shalt  }
0x55: {  	_ =	shalt  }
0x56: {  	_ =	shalt  }
0x57: {  	_ =	shalt  }
0x58: {  	_ =	shalt  }
0x59: {  	_ =	shalt  }
0x5a: {  	_ =	shalt  }
0x5b: {  	_ =	shalt  }
0x5c: {  	_ =	shalt  }
0x5d: {  	_ =	shalt  }
0x5e: {  	_ =	shalt  }
0x5f: {  	_ =	shalt  }
0x60: {  	_ =	shalt  }
0x61: {  	_ =	shalt  }
0x62: {  	_ =	shalt  }
0x63: {  	_ =	shalt  }
0x64: {  	_ =	shalt  }
0x65: {  	_ =	shalt  }
0x66: {  	_ =	shalt  }
0x67: {  	_ =	shalt  }
0x68: {  	_ =	shalt  }
0x69: {  	_ =	shalt  }
0x6a: {  	_ =	shalt  }
0x6b: {  	_ =	shalt  }
0x6c: {  	_ =	shalt  }
0x6d: {  	_ =	shalt  }
0x6e: {  	_ =	shalt  }
0x6f: {  	_ =	shalt  }
0x70: {  	_ =	shalt  }
0x71: {  	_ =	shalt  }
0x72: {  	_ =	shalt  }
0x73: {  	_ =	shalt  }
0x74: {  	_ =	shalt  }
0x75: {  	_ =	shalt  }
0x76: {  	_ =	shalt  }
0x77: {  	_ =	shalt  }
0x78: {  	_ =	shalt  }
0x79: {  	_ =	shalt  }
0x7a: {  	_ =	shalt  }
0x7b: {  	_ =	shalt  }
0x7c: {  	_ =	shalt  }
0x7d: {  	_ =	shalt  }
0x7e: {  	_ =	shalt  }
0x7f: {  	_ =	shalt  }
0x80: {  	_ =	shalt  }
0x81: {  	_ =	shalt  }
0x82: {  	_ =	shalt  }
0x83: {  	_ =	shalt  }
0x84: {  	_ =	shalt  }
0x85: {  	_ =	shalt  }
0x86: {  	_ =	shalt  }
0x87: {  	_ =	shalt  }
.Lfunc_end0:
.L_simem_size_0:
called_computation.1_lowered:
.L_overlay_start_0:
0x88: {  	s2 =	sld [smem:$0x3FD9]  }
0x89: {  	s3 =	sld [smem:$0x3FFE];
	_ =	sdelay $0x1  }
0x8a: {  	s1 =	srdreg.scid  }
0x8b: {  	s0 =	sand.u32 $0x1, s1  }
0x8c: {  	s17 =	sshll.u32 s0, $0xA;
	s2 =	sadd.s32 s3, s2  }
0x8d: {  	s2 =	sadd.s32 s2, s17  }
0x8e: {  	[smem:$0x3FC6] =	sst s2  }
0x8f: {  	_ = 	snop  }
0x90: {  	s2 =	sld [smem:$0x3FD0];
	(tm) =	ssettm $0x1  }
0x91: {  	s18 =	sld [smem:$0x3FFB];
	_ =	sdelay $0x3  }
0x92: {  	_ =	strace s18  }
0x93: {  	s3 =	sld [smem:$0x3FFC];
	_ =	sdelay $0x3  }
0x94: {  	_ =	strace s3  }
0x95: {  	s3 =	sld [smem:$0x3FFD];
	_ =	sdelay $0x3  }
0x96: {  	_ =	strace s3  }
0x97: {  	_ =	strace $0x8FFFFFFF  }
0x98: {  	s19 =	sld [smem:$0x3FDB];
	_ =	sdelay $0x1  }
0x99: {  	s4 =	simm.s32 $_scs_section_size  }
0x9a: {  	s5 =	simm.s32 $_size__tile_overlayer_lowered;
	s6 =	simm.s32 $_tile_overlayer_lowered  }
0x9b: {  	s22 =	simm.s32 $0x1BFF;
	s21 =	sshll.u32 s6, $0x1;
	s3 =	sadd.s32 s4, s19  }
0x9c: {  	s7 =	simm.s32 $0x0;
	s20 =	sshll.u32 s5, $0x1;
	s5 =	sadd.s32 s21, s3  }
0x9d: {  	[timem:s7], [sflag:s22] =	dma.local [hbm:s5], s20  }
0x9e: {  	_ =	swait.ge [sflag:s22], s20  }
0x9f: {  	s4 =	ssub.s32 $0x0, s20;
	[sflag:s22] =	ssyncset.done $0x0  }
0xa0: {  	[sflag:s22] =	ssyncadd.s32 s4;
	_ =	sdelay $0x1  }
0xa1: {  	s23 =	simm.s32 $0x1B8B  }
0xa2: {  	_ =	swait.ge [sflag:s23], $0x1  }
0xa3: {  	[sflag:s23] =	ssyncset.done $0x0  }
0xa4: {  	s25 =	simm.s32 $0x1B8E;
	s24 =	sld [smem:$0x3FFE];
	[sflag:s23] =	ssyncadd.s32 $0xFFFFFFFF  }
0xa5: {  	s26 =	simm.s32 $execute0_lowered;
	[smem:$0x3FD2] =	sst s25  }
0xa6: {  	s5 =	sshll.u32 s26, $0x1;
	_ =	strace $0x80000046;
	[dreg:$0x1] =	wrdreg $0xFFFFFFFF  }
0xa7: {  	s28 =	simm.s32 $_size_execute0_lowered;
	s3 =	sadd.s32 s3, s5;
	[dreg:$0x0] =	wrdreg $0x0  }
0xa8: {  	s5 =	sshll.u32 s28, $0x1;
	[dreg:$0x2] =	wrdreg s3  }
0xa9: {  	[dreg:$0x3] =	wrdreg s5  }
0xaa: {  	[dreg:$0x4] =	wrdreg $0xC0  }
0xab: {  	_ =	task [dreg:s7], $0x5FFFF  }
0xac: {  	[dreg:$0x1] =	wrdreg $0xFFFFFFFF  }
0xad: {  	[dreg:$0x0] =	wrdreg $0x60  }
0xae: {  	[dreg:$0x2] =	wrdreg s2  }
0xaf: {  	[dreg:$0x3] =	wrdreg s24  }
0xb0: {  	[dreg:$0x4] =	wrdreg $0x9  }
0xb1: {  	_ =	task.clear_ibuf [dreg:s7], $0x5FFFF;
	_ =	strace $0x90000046  }
0xb2: {  	s29 =	simm.s32 $0x9;
	_ =	strace $0x80000048  }
0xb3: {  	_ =	swait.ge [sflag:s29], $0x1  }
0xb4: {  	[sflag:s29] =	ssyncadd.s32 $0xFFFFFFFF  }
0xb5: {  	_ =	strace $0x90000048  }
0xb6: {  	_ =	sfence  }
0xb7: {  	s30 =	sld [smem:$0x0];
	_ =	sdelay $0x2  }
0xb8: {  	s31 =	sshll.u32 s1, $0xD;
	s1 =	sshrl.u32 s1, $0x2  }
0xb9: {  	s3 =	sand.u32 $0x4000, s31;
	s1 =	sadd.s32 s1, s30  }
0xba: {  	s0 =	sor.u32 s3, s0;
	s1 =	sshll.u32 s1, $0x11  }
0xbb: {  	s0 =	sor.u32 s1, s0  }
0xbc: {  	s0 =	sadd.s32 $0x8F2B, s0  }
0xbd: {  	[sflag:s0] =	ssyncadd.remote.s32 $0x1  }
0xbe: {  	_ =	sfence.sel $0xFFFF  }
0xbf: {  	[dreg:$0x0] =	wrdreg $0xFFFFFFFF;
	(pc) =	sbr.abs _section_cstart, $3  }
0xc0: {  	[dreg:$0x1] =	wrdreg $0xFFFFFFFF  }
0xc1: {  	_ =	task.clear_ibuf [dreg:s7], $0x2FFFF;
	_ =	strace $0x9FFFFFFF  }
0xc2: {  	(tm) =	ssettm $0x7FFFFFFF  }
0xc3: {  	_ =	shalt  }
tec
execute0_lowered:
.L_overlay_start_1:
0x0: {  	(tag) =	ssettag $0x1  }
0x1: {  	s1 =	srdreg.scid;
	s3 =	stileid.u32  }
0x2: {  	s0 =	rddreg [dreg:$0x0];
	s1 =	sand.u32 $0x1, s1;
	s3 =	sshll.u32 s3, $0x1  }
0x3: {  	s2 =	rddreg [dreg:$0x1];
	s4 =	simm.s32 $0x0;
	s3 =	sor.u32 s1, s3  }
0x4: {  	[smem:$0x7FF] =	sst s4;
	s5 =	sadd.s32 $0xF42E00, s2;
	s28 =	smul.u32 $0xC80, s3  }
0x5: {  	s2 =	sadd.s32 $0xA00, s2;
	s1 =	ssub.s32 $0x2, s1;
	s30 =	smul.u32 $0x320000, s3  }
.Ltmp0:
0x6: {  	_ =	strace $0x80000047;
	[dreg:$0x3] =	wrdreg s5;
	(pc) =	sbr.rel .LBB2_1-.Ltmp0, $4  }
0x7: {  	[dreg:$0x4] =	wrdreg s2;
	s29 =	sshrl.u32 s1, $0x1  }
0x8: {  	s1 =	ssub.s32 s1, s29;
	s0 =	sadd.s32 s0, s28;
	[dreg:$0x6] =	wrdreg s30  }
0x9: {  	s31 =	smax.u32 s1, $0x1;
	[dreg:$0x5] =	wrdreg s0  }
0xa: {  	s2 =	simm.s32 $0x0;
	[dreg:$0x7] =	wrdreg s31  }
.LBB2_10:
0xb: {  	s0 =	simm.s32 $0x3  }
0xc: {  	_ =	swait.ge [sflag:s0], $0x4000  }
0xd: {  	[sflag:s0] =	ssyncset.done $0x0  }
0xe: {  	s1 =	simm.s32 $0x4;
	[sflag:s0] =	ssyncadd.s32 $0xFFFFC000  }
0xf: {  	_ =	swait.ge [sflag:s1], $0x4000  }
0x10: {  	s2 =	rddreg [dreg:$0x8]  }
0x11: {  	s31 =	rddreg [dreg:$0x7];
	s2 =	sadd.s32 $0x1, s2  }
0x12: {  	p0 =	sne.s32 s2, s31  }
.Ltmp1:
0x13: {  	_ = 	snop;
	(pc) =	sbr.rel @!p0 .LBB2_11-.Ltmp1, $3  }
0x14: {  	_ =	sdelay $0x1  }
0x15: {  	[sflag:s1] =	ssyncset.done $0x0  }
0x16: {  	[sflag:s1] =	ssyncadd.s32 $0xFFFFC000  }
.LBB2_1:
0x17: {  	[dreg:$0x8] =	wrdreg s2  }
0x18: {  	s0 =	simm.s32 $0x0;
	s1 =	rddreg [dreg:$0x5];
	s28 =	simm.s32 $0x5  }
0x19: {  	[tilespmem:s0], [sflag:$0x5] =	stream.linear.gather [hbm4b:s1+s0], $0x6400, $0x38;
	[tilespmem:$0x16500] =	vst v63  }
0x1a: {  	_ =	swait.ge [sflag:s28], $0x6400  }
0x1b: {  	[sflag:s28] =	ssyncset.done $0x0  }
0x1c: {  	[sflag:s28] =	ssyncadd.s32 $0xFFFF9C00  }
0x1d: {  	v0 =	vld [tilespmem:$0x0]  }
0x1e: {  	v1 =	vld [tilespmem:$0x10]  }
0x1f: {  	v2 =	vld [tilespmem:$0x20]  }
0x20: {  	v3 =	vld [tilespmem:$0x30]  }
0x21: {  	v4 =	vld [tilespmem:$0x40]  }
0x22: {  	v5 =	vld [tilespmem:$0x50];
	v0 =	vshra.s32 v0, $0x1  }
0x23: {  	v56 =	vld [tilespmem:$0x60];
	v55 =	vshra.s32 v1, $0x1;
	[tilespmem:$0x6400] =	vst v0  }
0x24: {  	v58 =	vld [tilespmem:$0x70];
	v57 =	vshra.s32 v2, $0x1;
	[tilespmem:$0x6410] =	vst v55  }
0x25: {  	v59 =	vshra.s32 v3, $0x1;
	[tilespmem:$0x6420] =	vst v57  }
0x26: {  	v60 =	vshra.s32 v4, $0x1;
	[tilespmem:$0x6430] =	vst v59  }
.Ltmp2:
0x27: {  	v61 =	vshra.s32 v5, $0x1;
	[tilespmem:$0x6440] =	vst v60;
	(pc) =	sbr.rel .LBB2_2-.Ltmp2, $4  }
0x28: {  	v62 =	vshra.s32 v56, $0x1;
	[tilespmem:$0x6450] =	vst v61  }
0x29: {  	s30 =	simm.s32 $0x80;
	s31 =	simm.s32 $0x6400;
	s3 =	simm.s32 $0x6500;
	v63 =	vshra.s32 v58, $0x1;
	[tilespmem:$0x6460] =	vst v62  }
0x2a: {  	s4 =	simm.s32 $0x0;
	s22 =	simm.s32 $0x0;
	s29 =	rddreg [dreg:$0x3];
	[tilespmem:$0x6470] =	vst v63  }
0x2b: {  	[tilespmem:s3], [sflag:$0x1] =	stream.indirect.gather [hbm4b:s29+s30], $0x80, s31, s30, $0xb8;
	[tilespmem:$0x16500] =	vst v63  }
.LBB2_5:
0x2c: {  	v5 =	vmul.f32 $8.000000000e+00, v5;
	v16 =	vand.u32 $0x1, v9  }
0x2d: {  	s29 =	sshra.s32 s0, $0x2;
	v18 =	vshll.u32 v16, $0x6  }
0x2e: {  	s3 =	spop (v2sf);
	(v2sf) =	vpush v4, $0xE;
	[tilespmem:s28+$0xE600] =	vst v5;
	v5 =	vadd.s32 s29, v18  }
0x2f: {  	(v2sf) =	vpush v5, $0x0;
	_ =	sdelay $0x1  }
0x30: {  	v7 =	vmul.f32 $8.000000000e+00, v7  }
0x31: {  	[tilespmem:s25+$0xE8A0] =	vst v10  }
0x32: {  	v15 =	vmul.f32 $8.000000000e+00, v8;
	v10 =	vld [tilespmem:s10+$0x68B0];
	[tilespmem:s26+$0xE730] =	vst v7  }
0x33: {  	v17 =	vld [tilespmem:s3+$0x6780]  }
0x34: {  	[tilespmem:s23+$0xEB90] =	vst v15;
	v19 =	vld [tilespmem:s9+$0x6610]  }
0x35: {  	v7 =	vld [tilespmem:s8+$0x6BA0]  }
0x36: {  	v6 =	vmul.f32 $8.000000000e+00, v6  }
0x37: {  	v10 =	vmul.f32 $8.000000000e+00, v10  }
0x38: {  	[tilespmem:s24+$0xEA20] =	vst v6;
	v20 =	vmul.f32 $8.000000000e+00, v17  }
0x39: {  	v21 =	vld [tilespmem:s2+$0x6A30];
	s13 =	spop (v2sf);
	[tilespmem:s25+$0xE8B0] =	vst v10;
	v8 =	vmul.f32 $8.000000000e+00, v19  }
0x3a: {  	v22 =	vmul.f32 $8.000000000e+00, v7;
	v10 =	vld [tilespmem:s13+$0x6900];
	[tilespmem:s26+$0xE780] =	vst v20  }
0x3b: {  	s7 =	spop (v2sf);
	[tilespmem:s28+$0xE610] =	vst v8;
	v23 =	vld [tilespmem:s3+$0x6790]  }
0x3c: {  	(v2sf) =	vpush v0, $0x3;
	[tilespmem:s23+$0xEBA0] =	vst v22;
	v8 =	vld [tilespmem:s9+$0x6620];
	s31 =	spop (v2sf)  }
0x3d: {  	v6 =	vld [tilespmem:s8+$0x6BB0];
	s14 =	spop (v2sf)  }
0x3e: {  	v9 =	vmul.f32 $8.000000000e+00, v21;
	v11 =	vld [tilespmem:s14+$0x6500]  }
0x3f: {  	(v2sf) =	vpush v1, $0x6;
	v10 =	vmul.f32 $8.000000000e+00, v10  }
0x40: {  	[tilespmem:s24+$0xEA30] =	vst v9;
	v7 =	vmul.f32 $8.000000000e+00, v23  }
0x41: {  	v9 =	vld [tilespmem:s7+$0x6A80];
	[tilespmem:s25+$0xE900] =	vst v10;
	v8 =	vmul.f32 $8.000000000e+00, v8  }
0x42: {  	v6 =	vmul.f32 $8.000000000e+00, v6;
	v10 =	vld [tilespmem:s13+$0x6910];
	[tilespmem:s26+$0xE790] =	vst v7  }
0x43: {  	[tilespmem:s28+$0xE620] =	vst v8;
	v7 =	vld [tilespmem:s3+$0x67A0];
	v24 =	vmul.f32 $8.000000000e+00, v11  }
0x44: {  	[tilespmem:s23+$0xEBB0] =	vst v6;
	v8 =	vld [tilespmem:s9+$0x6630]  }
0x45: {  	v6 =	vld [tilespmem:s31+$0x6C00];
	[tilespmem:s29+$0xE500] =	vst v24  }
0x46: {  	v9 =	vmul.f32 $8.000000000e+00, v9;
	v28 =	vld [tilespmem:s14+$0x6510]  }
0x47: {  	v10 =	vmul.f32 $8.000000000e+00, v10  }
0x48: {  	[tilespmem:s24+$0xEA80] =	vst v9;
	v7 =	vmul.f32 $8.000000000e+00, v7  }
0x49: {  	v9 =	vld [tilespmem:s7+$0x6A90];
	[tilespmem:s25+$0xE910] =	vst v10;
	v8 =	vmul.f32 $8.000000000e+00, v8  }
0x4a: {  	v6 =	vmul.f32 $8.000000000e+00, v6;
	v10 =	vld [tilespmem:s13+$0x6920];
	[tilespmem:s26+$0xE7A0] =	vst v7  }
0x4b: {  	(v2sf) =	vpush v2, $0x9;
	s1 =	spop (v2sf);
	[tilespmem:s28+$0xE630] =	vst v8;
	v25 =	vld [tilespmem:s3+$0x67B0];
	v31 =	vmul.f32 $8.000000000e+00, v28  }
0x4c: {  	(v2sf) =	vpush v3, $0xC;
	[tilespmem:s23+$0xEC00] =	vst v6;
	v26 =	vld [tilespmem:s1+$0x6680]  }
0x4d: {  	(v2sf) =	vpush v4, $0xF;
	v6 =	vld [tilespmem:s31+$0x6C10];
	[tilespmem:s29+$0xE510] =	vst v31  }
0x4e: {  	s9 =	spop (v2sf);
	(v2sf) =	vpush v5, $0x1;
	v27 =	vmul.f32 $8.000000000e+00, v9;
	v33 =	vld [tilespmem:s14+$0x6520]  }
0x4f: {  	v10 =	vmul.f32 $8.000000000e+00, v10  }
0x50: {  	[tilespmem:s24+$0xEA90] =	vst v27;
	v12 =	vmul.f32 $8.000000000e+00, v25  }
0x51: {  	v7 =	vld [tilespmem:s7+$0x6AA0];
	[tilespmem:s25+$0xE920] =	vst v10;
	v29 =	vmul.f32 $8.000000000e+00, v26  }
0x52: {  	v6 =	vmul.f32 $8.000000000e+00, v6;
	v30 =	vld [tilespmem:s13+$0x6930];
	[tilespmem:s26+$0xE7B0] =	vst v12  }
0x53: {  	[tilespmem:s28+$0xE680] =	vst v29;
	v32 =	vld [tilespmem:s9+$0x6800];
	v4 =	vmul.f32 $8.000000000e+00, v33  }
0x54: {  	[tilespmem:s23+$0xEC10] =	vst v6;
	v10 =	vld [tilespmem:s1+$0x6690]  }
0x55: {  	v6 =	vld [tilespmem:s31+$0x6C20];
	[tilespmem:s29+$0xE520] =	vst v4  }
0x56: {  	v4 =	vld [tilespmem:s14+$0x6530];
	_ =	sdelay $0x3  }
0x57: {  	s13 =	spop (v2sf)  }
0x58: {  	s5 =	spop (v2sf);
	v4 =	vmul.f32 $8.000000000e+00, v4  }
0x59: {  	s30 =	spop (v2sf)  }
0x5a: {  	s15 =	spop (v2sf);
	[tilespmem:s29+$0xE530] =	vst v4  }
0x5b: {  	v4 =	vld [tilespmem:s15+$0x6580];
	_ =	sdelay $0x4  }
0x5c: {  	v4 =	vmul.f32 $8.000000000e+00, v4;
	_ =	sdelay $0x1  }
0x5d: {  	[tilespmem:s29+$0xE580] =	vst v4  }
0x5e: {  	v4 =	vld [tilespmem:s15+$0x6590];
	_ =	sdelay $0x3  }
0x5f: {  	(v2sf) =	vpush v0, $0x4  }
0x60: {  	(v2sf) =	vpush v1, $0x7;
	v4 =	vmul.f32 $8.000000000e+00, v4  }
0x61: {  	(v2sf) =	vpush v2, $0xA  }
0x62: {  	(v2sf) =	vpush v3, $0xD;
	[tilespmem:s29+$0xE590] =	vst v4  }
0x63: {  	(v2sf) =	vpush v5, $0x2;
	v4 =	vld [tilespmem:s15+$0x65A0];
	_ =	sdelay $0x4  }
0x64: {  	v4 =	vmul.f32 $8.000000000e+00, v4;
	_ =	sdelay $0x1  }
0x65: {  	[tilespmem:s29+$0xE5A0] =	vst v4  }
0x66: {  	v4 =	vld [tilespmem:s15+$0x65B0];
	_ =	sdelay $0x2  }
0x67: {  	s4 =	spop (v2sf)  }
0x68: {  	s19 =	spop (v2sf)  }
0x69: {  	s17 =	spop (v2sf);
	v4 =	vmul.f32 $8.000000000e+00, v4  }
0x6a: {  	s10 =	spop (v2sf)  }
0x6b: {  	s16 =	spop (v2sf);
	[tilespmem:s29+$0xE5B0] =	vst v4  }
0x6c: {  	v4 =	vld [tilespmem:s16+$0x6600];
	_ =	sdelay $0x4  }
0x6d: {  	v4 =	vmul.f32 $8.000000000e+00, v4;
	_ =	sdelay $0x1  }
0x6e: {  	[tilespmem:s29+$0xE600] =	vst v4  }
0x6f: {  	v4 =	vld [tilespmem:s16+$0x6610];
	_ =	sdelay $0x3  }
0x70: {  	(v2sf) =	vpush v0, $0x5  }
0x71: {  	(v2sf) =	vpush v1, $0x8;
	v4 =	vmul.f32 $8.000000000e+00, v4  }
0x72: {  	(v2sf) =	vpush v2, $0xB  }
0x73: {  	(v2sf) =	vpush v3, $0xE;
	[tilespmem:s29+$0xE610] =	vst v4  }
0x74: {  	(v2sf) =	vpush v5, $0x3;
	v4 =	vld [tilespmem:s16+$0x6620];
	_ =	sdelay $0x4  }
0x75: {  	v4 =	vmul.f32 $8.000000000e+00, v4;
	_ =	sdelay $0x1  }
0x76: {  	[tilespmem:s29+$0xE620] =	vst v4  }
0x77: {  	v4 =	vld [tilespmem:s16+$0x6630];
	_ =	sdelay $0x2  }
0x78: {  	s2 =	spop (v2sf)  }
0x79: {  	s16 =	spop (v2sf)  }
0x7a: {  	s20 =	spop (v2sf);
	v4 =	vmul.f32 $8.000000000e+00, v4  }
0x7b: {  	s0 =	spop (v2sf)  }
0x7c: {  	s18 =	spop (v2sf);
	[tilespmem:s29+$0xE630] =	vst v4  }
0x7d: {  	v4 =	vld [tilespmem:s18+$0x6680];
	_ =	sdelay $0x4  }
0x7e: {  	v4 =	vmul.f32 $8.000000000e+00, v4;
	_ =	sdelay $0x1  }
0x7f: {  	[tilespmem:s29+$0xE680] =	vst v4  }
0x80: {  	v4 =	vld [tilespmem:s18+$0x6690];
	_ =	sdelay $0x3  }
0x81: {  	v10 =	vmul.f32 $8.000000000e+00, v10;
	(v2sf) =	vpush v0, $0x6  }
0x82: {  	(v2sf) =	vpush v1, $0x9;
	v4 =	vmul.f32 $8.000000000e+00, v4  }
0x83: {  	[tilespmem:s28+$0xE690] =	vst v10;
	(v2sf) =	vpush v2, $0xC  }
0x84: {  	v10 =	vld [tilespmem:s1+$0x66A0];
	(v2sf) =	vpush v3, $0xF;
	[tilespmem:s29+$0xE690] =	vst v4  }
0x85: {  	(v2sf) =	vpush v5, $0x4;
	v34 =	vld [tilespmem:s18+$0x66A0];
	_ =	sdelay $0x3  }
0x86: {  	v35 =	vmul.f32 $8.000000000e+00, v10  }
0x87: {  	v3 =	vmul.f32 $8.000000000e+00, v34  }
0x88: {  	[tilespmem:s28+$0xE6A0] =	vst v35  }
0x89: {  	v4 =	vld [tilespmem:s1+$0x66B0];
	[tilespmem:s29+$0xE6A0] =	vst v3  }
0x8a: {  	v3 =	vld [tilespmem:s18+$0x66B0];
	_ =	sdelay $0x2  }
0x8b: {  	s21 =	spop (v2sf)  }
0x8c: {  	v4 =	vmul.f32 $8.000000000e+00, v4;
	s18 =	spop (v2sf)  }
0x8d: {  	s15 =	spop (v2sf);
	v3 =	vmul.f32 $8.000000000e+00, v3  }
0x8e: {  	[tilespmem:s28+$0xE6B0] =	vst v4;
	s1 =	spop (v2sf)  }
0x8f: {  	v4 =	vld [tilespmem:s4+$0x6700];
	s6 =	spop (v2sf);
	[tilespmem:s29+$0xE6B0] =	vst v3  }
0x90: {  	v3 =	vld [tilespmem:s6+$0x6700];
	_ =	sdelay $0x3  }
0x91: {  	v4 =	vmul.f32 $8.000000000e+00, v4  }
0x92: {  	v3 =	vmul.f32 $8.000000000e+00, v3  }
0x93: {  	[tilespmem:s28+$0xE700] =	vst v4  }
0x94: {  	v4 =	vld [tilespmem:s4+$0x6710];
	[tilespmem:s29+$0xE700] =	vst v3  }
0x95: {  	v3 =	vld [tilespmem:s6+$0x6710];
	_ =	sdelay $0x3  }
0x96: {  	v4 =	vmul.f32 $8.000000000e+00, v4  }
0x97: {  	(v2sf) =	vpush v0, $0x7;
	v3 =	vmul.f32 $8.000000000e+00, v3  }
0x98: {  	(v2sf) =	vpush v1, $0xA;
	[tilespmem:s28+$0xE710] =	vst v4  }
0x99: {  	(v2sf) =	vpush v2, $0xD;
	v4 =	vld [tilespmem:s4+$0x6720];
	[tilespmem:s29+$0xE710] =	vst v3  }
0x9a: {  	(v2sf) =	vpush v5, $0x5;
	v3 =	vld [tilespmem:s6+$0x6720];
	_ =	sdelay $0x3  }
0x9b: {  	v4 =	vmul.f32 $8.000000000e+00, v4  }
0x9c: {  	v3 =	vmul.f32 $8.000000000e+00, v3  }
0x9d: {  	[tilespmem:s28+$0xE720] =	vst v4  }
0x9e: {  	v4 =	vld [tilespmem:s4+$0x6730];
	[tilespmem:s29+$0xE720] =	vst v3  }
0x9f: {  	v3 =	vld [tilespmem:s6+$0x6730];
	_ =	sdelay $0x3  }
0xa0: {  	v4 =	vmul.f32 $8.000000000e+00, v4;
	s6 =	spop (v2sf)  }
0xa1: {  	s12 =	spop (v2sf);
	v3 =	vmul.f32 $8.000000000e+00, v3  }
0xa2: {  	[tilespmem:s28+$0xE730] =	vst v4;
	s14 =	spop (v2sf)  }
0xa3: {  	v4 =	vld [tilespmem:s2+$0x6780];
	s11 =	spop (v2sf);
	[tilespmem:s29+$0xE730] =	vst v3  }
0xa4: {  	v3 =	vld [tilespmem:s11+$0x6780];
	_ =	sdelay $0x3  }
0xa5: {  	v4 =	vmul.f32 $8.000000000e+00, v4  }
0xa6: {  	v3 =	vmul.f32 $8.000000000e+00, v3  }
0xa7: {  	[tilespmem:s28+$0xE780] =	vst v4  }
0xa8: {  	v4 =	vld [tilespmem:s2+$0x6790];
	[tilespmem:s29+$0xE780] =	vst v3  }
0xa9: {  	v3 =	vld [tilespmem:s11+$0x6790];
	_ =	sdelay $0x3  }
0xaa: {  	v4 =	vmul.f32 $8.000000000e+00, v4  }
0xab: {  	(v2sf) =	vpush v0, $0x8;
	v3 =	vmul.f32 $8.000000000e+00, v3  }
0xac: {  	(v2sf) =	vpush v1, $0xB;
	[tilespmem:s28+$0xE790] =	vst v4  }
0xad: {  	(v2sf) =	vpush v2, $0xE;
	v4 =	vld [tilespmem:s2+$0x67A0];
	[tilespmem:s29+$0xE790] =	vst v3  }
0xae: {  	(v2sf) =	vpush v5, $0x6;
	v3 =	vld [tilespmem:s11+$0x67A0];
	_ =	sdelay $0x3  }
0xaf: {  	v4 =	vmul.f32 $8.000000000e+00, v4  }
0xb0: {  	v3 =	vmul.f32 $8.000000000e+00, v3  }
0xb1: {  	[tilespmem:s28+$0xE7A0] =	vst v4  }
0xb2: {  	v4 =	vld [tilespmem:s2+$0x67B0];
	[tilespmem:s29+$0xE7A0] =	vst v3  }
0xb3: {  	v3 =	vld [tilespmem:s11+$0x67B0];
	_ =	sdelay $0x3  }
0xb4: {  	s4 =	spop (v2sf);
	v4 =	vmul.f32 $8.000000000e+00, v4  }
0xb5: {  	s2 =	spop (v2sf);
	v3 =	vmul.f32 $8.000000000e+00, v3  }
0xb6: {  	s8 =	spop (v2sf);
	[tilespmem:s28+$0xE7B0] =	vst v4  }
0xb7: {  	v4 =	vld [tilespmem:s21+$0x6800];
	s11 =	spop (v2sf);
	[tilespmem:s29+$0xE7B0] =	vst v3  }
0xb8: {  	v3 =	vld [tilespmem:s11+$0x6800];
	_ =	sdelay $0x2  }
0xb9: {  	v9 =	vmul.f32 $8.000000000e+00, v32  }
0xba: {  	v4 =	vmul.f32 $8.000000000e+00, v4  }
0xbb: {  	[tilespmem:s26+$0xE800] =	vst v9;
	v3 =	vmul.f32 $8.000000000e+00, v3  }
0xbc: {  	v9 =	vld [tilespmem:s9+$0x6810];
	[tilespmem:s28+$0xE800] =	vst v4  }
0xbd: {  	v4 =	vld [tilespmem:s21+$0x6810];
	[tilespmem:s29+$0xE800] =	vst v3  }
0xbe: {  	v3 =	vld [tilespmem:s11+$0x6810];
	_ =	sdelay $0x2  }
0xbf: {  	v9 =	vmul.f32 $8.000000000e+00, v9  }
0xc0: {  	v4 =	vmul.f32 $8.000000000e+00, v4  }
0xc1: {  	[tilespmem:s26+$0xE810] =	vst v9;
	(v2sf) =	vpush v0, $0x9;
	v3 =	vmul.f32 $8.000000000e+00, v3  }
0xc2: {  	v9 =	vld [tilespmem:s9+$0x6820];
	(v2sf) =	vpush v1, $0xC;
	[tilespmem:s28+$0xE810] =	vst v4  }
0xc3: {  	(v2sf) =	vpush v2, $0xF;
	v4 =	vld [tilespmem:s21+$0x6820];
	[tilespmem:s29+$0xE810] =	vst v3  }
0xc4: {  	(v2sf) =	vpush v5, $0x7;
	v36 =	vld [tilespmem:s11+$0x6820];
	_ =	sdelay $0x2  }
0xc5: {  	v37 =	vmul.f32 $8.000000000e+00, v9  }
0xc6: {  	v4 =	vmul.f32 $8.000000000e+00, v4  }
0xc7: {  	[tilespmem:s26+$0xE820] =	vst v37;
	v2 =	vmul.f32 $8.000000000e+00, v36  }
0xc8: {  	[tilespmem:s28+$0xE820] =	vst v4;
	v3 =	vld [tilespmem:s9+$0x6830]  }
0xc9: {  	v4 =	vld [tilespmem:s21+$0x6830];
	[tilespmem:s29+$0xE820] =	vst v2  }
0xca: {  	v2 =	vld [tilespmem:s11+$0x6830];
	_ =	sdelay $0x2  }
0xcb: {  	v3 =	vmul.f32 $8.000000000e+00, v3  }
0xcc: {  	s3 =	spop (v2sf);
	v4 =	vmul.f32 $8.000000000e+00, v4  }
0xcd: {  	s9 =	spop (v2sf);
	[tilespmem:s26+$0xE830] =	vst v3;
	v2 =	vmul.f32 $8.000000000e+00, v2  }
0xce: {  	[tilespmem:s28+$0xE830] =	vst v4;
	v3 =	vld [tilespmem:s19+$0x6880];
	s11 =	spop (v2sf)  }
0xcf: {  	v4 =	vld [tilespmem:s6+$0x6880];
	s21 =	spop (v2sf);
	[tilespmem:s29+$0xE830] =	vst v2  }
0xd0: {  	v2 =	vld [tilespmem:s21+$0x6880];
	_ =	sdelay $0x2  }
0xd1: {  	v3 =	vmul.f32 $8.000000000e+00, v3  }
0xd2: {  	v4 =	vmul.f32 $8.000000000e+00, v4  }
0xd3: {  	[tilespmem:s26+$0xE880] =	vst v3;
	v2 =	vmul.f32 $8.000000000e+00, v2  }
0xd4: {  	[tilespmem:s28+$0xE880] =	vst v4;
	v3 =	vld [tilespmem:s19+$0x6890]  }
0xd5: {  	v4 =	vld [tilespmem:s6+$0x6890];
	[tilespmem:s29+$0xE880] =	vst v2  }
0xd6: {  	v2 =	vld [tilespmem:s21+$0x6890];
	_ =	sdelay $0x2  }
0xd7: {  	v3 =	vmul.f32 $8.000000000e+00, v3  }
0xd8: {  	v4 =	vmul.f32 $8.000000000e+00, v4  }
0xd9: {  	[tilespmem:s26+$0xE890] =	vst v3;
	v2 =	vmul.f32 $8.000000000e+00, v2  }
0xda: {  	(v2sf) =	vpush v0, $0xA;
	[tilespmem:s28+$0xE890] =	vst v4;
	v3 =	vld [tilespmem:s19+$0x68A0]  }
0xdb: {  	(v2sf) =	vpush v1, $0xD;
	v4 =	vld [tilespmem:s6+$0x68A0];
	[tilespmem:s29+$0xE890] =	vst v2  }
0xdc: {  	(v2sf) =	vpush v5, $0x8;
	v2 =	vld [tilespmem:s21+$0x68A0];
	_ =	sdelay $0x2  }
0xdd: {  	v3 =	vmul.f32 $8.000000000e+00, v3  }
0xde: {  	v4 =	vmul.f32 $8.000000000e+00, v4  }
0xdf: {  	[tilespmem:s26+$0xE8A0] =	vst v3;
	v2 =	vmul.f32 $8.000000000e+00, v2  }
0xe0: {  	[tilespmem:s28+$0xE8A0] =	vst v4;
	v3 =	vld [tilespmem:s19+$0x68B0]  }
0xe1: {  	v4 =	vld [tilespmem:s6+$0x68B0];
	[tilespmem:s29+$0xE8A0] =	vst v2  }
0xe2: {  	v2 =	vld [tilespmem:s21+$0x68B0];
	_ =	sdelay $0x2  }
0xe3: {  	v3 =	vmul.f32 $8.000000000e+00, v3  }
0xe4: {  	v4 =	vmul.f32 $8.000000000e+00, v4  }
0xe5: {  	s6 =	spop (v2sf);
	[tilespmem:s26+$0xE8B0] =	vst v3;
	v2 =	vmul.f32 $8.000000000e+00, v2  }
0xe6: {  	s19 =	spop (v2sf);
	[tilespmem:s28+$0xE8B0] =	vst v4;
	v3 =	vld [tilespmem:s16+$0x6900]  }
0xe7: {  	v4 =	vld [tilespmem:s4+$0x6900];
	s21 =	spop (v2sf);
	[tilespmem:s29+$0xE8B0] =	vst v2  }
0xe8: {  	v2 =	vld [tilespmem:s21+$0x6900];
	_ =	sdelay $0x2  }
0xe9: {  	v3 =	vmul.f32 $8.000000000e+00, v3  }
0xea: {  	v4 =	vmul.f32 $8.000000000e+00, v4  }
0xeb: {  	[tilespmem:s26+$0xE900] =	vst v3;
	v2 =	vmul.f32 $8.000000000e+00, v2  }
0xec: {  	[tilespmem:s28+$0xE900] =	vst v4;
	v3 =	vld [tilespmem:s16+$0x6910]  }
0xed: {  	v4 =	vld [tilespmem:s4+$0x6910];
	[tilespmem:s29+$0xE900] =	vst v2  }
0xee: {  	v2 =	vld [tilespmem:s21+$0x6910];
	_ =	sdelay $0x2  }
0xef: {  	v3 =	vmul.f32 $8.000000000e+00, v3  }
0xf0: {  	v4 =	vmul.f32 $8.000000000e+00, v4  }
0xf1: {  	[tilespmem:s26+$0xE910] =	vst v3;
	v2 =	vmul.f32 $8.000000000e+00, v2  }
0xf2: {  	(v2sf) =	vpush v0, $0xB;
	[tilespmem:s28+$0xE910] =	vst v4;
	v3 =	vld [tilespmem:s16+$0x6920]  }
0xf3: {  	(v2sf) =	vpush v1, $0xE;
	v4 =	vld [tilespmem:s4+$0x6920];
	[tilespmem:s29+$0xE910] =	vst v2  }
0xf4: {  	(v2sf) =	vpush v5, $0x9;
	v2 =	vld [tilespmem:s21+$0x6920];
	_ =	sdelay $0x2  }
0xf5: {  	v3 =	vmul.f32 $8.000000000e+00, v3  }
0xf6: {  	v4 =	vmul.f32 $8.000000000e+00, v4  }
0xf7: {  	[tilespmem:s26+$0xE920] =	vst v3;
	v2 =	vmul.f32 $8.000000000e+00, v2  }
0xf8: {  	[tilespmem:s28+$0xE920] =	vst v4;
	v3 =	vld [tilespmem:s16+$0x6930]  }
0xf9: {  	v4 =	vld [tilespmem:s4+$0x6930];
	[tilespmem:s29+$0xE920] =	vst v2  }
0xfa: {  	v2 =	vld [tilespmem:s21+$0x6930];
	_ =	sdelay $0x1  }
0xfb: {  	v8 =	vmul.f32 $8.000000000e+00, v30  }
0xfc: {  	v3 =	vmul.f32 $8.000000000e+00, v3  }
0xfd: {  	[tilespmem:s25+$0xE930] =	vst v8;
	v4 =	vmul.f32 $8.000000000e+00, v4  }
0xfe: {  	v8 =	vld [tilespmem:s13+$0x6980];
	s4 =	spop (v2sf);
	[tilespmem:s26+$0xE930] =	vst v3;
	v2 =	vmul.f32 $8.000000000e+00, v2  }
0xff: {  	s16 =	spop (v2sf);
	[tilespmem:s28+$0xE930] =	vst v4;
	v3 =	vld [tilespmem:s18+$0x6980]  }
0x100: {  	v4 =	vld [tilespmem:s3+$0x6980];
	s21 =	spop (v2sf);
	[tilespmem:s29+$0xE930] =	vst v2  }
0x101: {  	v2 =	vld [tilespmem:s21+$0x6980];
	_ =	sdelay $0x1  }
0x102: {  	v8 =	vmul.f32 $8.000000000e+00, v8  }
0x103: {  	v3 =	vmul.f32 $8.000000000e+00, v3  }
0x104: {  	[tilespmem:s25+$0xE980] =	vst v8;
	v4 =	vmul.f32 $8.000000000e+00, v4  }
0x105: {  	v8 =	vld [tilespmem:s13+$0x6990];
	[tilespmem:s26+$0xE980] =	vst v3;
	v2 =	vmul.f32 $8.000000000e+00, v2  }
0x106: {  	[tilespmem:s28+$0xE980] =	vst v4;
	v3 =	vld [tilespmem:s18+$0x6990]  }
0x107: {  	v4 =	vld [tilespmem:s3+$0x6990];
	[tilespmem:s29+$0xE980] =	vst v2  }
0x108: {  	v2 =	vld [tilespmem:s21+$0x6990];
	_ =	sdelay $0x1  }
0x109: {  	v8 =	vmul.f32 $8.000000000e+00, v8  }
0x10a: {  	v3 =	vmul.f32 $8.000000000e+00, v3  }
0x10b: {  	[tilespmem:s25+$0xE990] =	vst v8;
	v4 =	vmul.f32 $8.000000000e+00, v4  }
0x10c: {  	v8 =	vld [tilespmem:s13+$0x69A0];
	[tilespmem:s26+$0xE990] =	vst v3;
	v2 =	vmul.f32 $8.000000000e+00, v2  }
0x10d: {  	(v2sf) =	vpush v0, $0xC;
	[tilespmem:s28+$0xE990] =	vst v4;
	v3 =	vld [tilespmem:s18+$0x69A0]  }
0x10e: {  	(v2sf) =	vpush v1, $0xF;
	v4 =	vld [tilespmem:s3+$0x69A0];
	[tilespmem:s29+$0xE990] =	vst v2  }
0x10f: {  	(v2sf) =	vpush v5, $0xA;
	v38 =	vld [tilespmem:s21+$0x69A0];
	_ =	sdelay $0x1  }
0x110: {  	v39 =	vmul.f32 $8.000000000e+00, v8  }
0x111: {  	v3 =	vmul.f32 $8.000000000e+00, v3  }
0x112: {  	[tilespmem:s25+$0xE9A0] =	vst v39;
	v40 =	vmul.f32 $8.000000000e+00, v4  }
0x113: {  	v41 =	vld [tilespmem:s13+$0x69B0];
	[tilespmem:s26+$0xE9A0] =	vst v3;
	v1 =	vmul.f32 $8.000000000e+00, v38  }
0x114: {  	[tilespmem:s28+$0xE9A0] =	vst v40;
	v3 =	vld [tilespmem:s18+$0x69B0]  }
0x115: {  	v2 =	vld [tilespmem:s3+$0x69B0];
	[tilespmem:s29+$0xE9A0] =	vst v1  }
0x116: {  	v1 =	vld [tilespmem:s21+$0x69B0];
	_ =	sdelay $0x1  }
0x117: {  	v4 =	vmul.f32 $8.000000000e+00, v41  }
0x118: {  	v3 =	vmul.f32 $8.000000000e+00, v3  }
0x119: {  	[tilespmem:s25+$0xE9B0] =	vst v4;
	v2 =	vmul.f32 $8.000000000e+00, v2  }
0x11a: {  	v4 =	vld [tilespmem:s17+$0x6A00];
	s18 =	spop (v2sf);
	[tilespmem:s26+$0xE9B0] =	vst v3;
	v1 =	vmul.f32 $8.000000000e+00, v1  }
0x11b: {  	s13 =	spop (v2sf);
	[tilespmem:s28+$0xE9B0] =	vst v2;
	v3 =	vld [tilespmem:s12+$0x6A00]  }
0x11c: {  	v2 =	vld [tilespmem:s6+$0x6A00];
	s21 =	spop (v2sf);
	[tilespmem:s29+$0xE9B0] =	vst v1  }
0x11d: {  	v1 =	vld [tilespmem:s21+$0x6A00];
	_ =	sdelay $0x1  }
0x11e: {  	v4 =	vmul.f32 $8.000000000e+00, v4  }
0x11f: {  	v3 =	vmul.f32 $8.000000000e+00, v3  }
0x120: {  	[tilespmem:s25+$0xEA00] =	vst v4;
	v2 =	vmul.f32 $8.000000000e+00, v2  }
0x121: {  	v4 =	vld [tilespmem:s17+$0x6A10];
	[tilespmem:s26+$0xEA00] =	vst v3;
	v1 =	vmul.f32 $8.000000000e+00, v1  }
0x122: {  	[tilespmem:s28+$0xEA00] =	vst v2;
	v3 =	vld [tilespmem:s12+$0x6A10]  }
0x123: {  	v2 =	vld [tilespmem:s6+$0x6A10];
	[tilespmem:s29+$0xEA00] =	vst v1  }
0x124: {  	v1 =	vld [tilespmem:s21+$0x6A10];
	_ =	sdelay $0x1  }
0x125: {  	v4 =	vmul.f32 $8.000000000e+00, v4  }
0x126: {  	v3 =	vmul.f32 $8.000000000e+00, v3  }
0x127: {  	[tilespmem:s25+$0xEA10] =	vst v4;
	v2 =	vmul.f32 $8.000000000e+00, v2  }
0x128: {  	v4 =	vld [tilespmem:s17+$0x6A20];
	[tilespmem:s26+$0xEA10] =	vst v3;
	v1 =	vmul.f32 $8.000000000e+00, v1  }
0x129: {  	[tilespmem:s28+$0xEA10] =	vst v2;
	v3 =	vld [tilespmem:s12+$0x6A20]  }
0x12a: {  	(v2sf) =	vpush v0, $0xD;
	v2 =	vld [tilespmem:s6+$0x6A20];
	[tilespmem:s29+$0xEA10] =	vst v1  }
0x12b: {  	(v2sf) =	vpush v5, $0xB;
	v1 =	vld [tilespmem:s21+$0x6A20];
	_ =	sdelay $0x1  }
0x12c: {  	v4 =	vmul.f32 $8.000000000e+00, v4  }
0x12d: {  	v3 =	vmul.f32 $8.000000000e+00, v3  }
0x12e: {  	[tilespmem:s25+$0xEA20] =	vst v4;
	v2 =	vmul.f32 $8.000000000e+00, v2  }
0x12f: {  	v4 =	vld [tilespmem:s17+$0x6A30];
	[tilespmem:s26+$0xEA20] =	vst v3;
	v1 =	vmul.f32 $8.000000000e+00, v1  }
0x130: {  	[tilespmem:s28+$0xEA20] =	vst v2;
	v3 =	vld [tilespmem:s12+$0x6A30]  }
0x131: {  	v2 =	vld [tilespmem:s6+$0x6A30];
	[tilespmem:s29+$0xEA20] =	vst v1  }
0x132: {  	v1 =	vld [tilespmem:s21+$0x6A30];
	_ =	sdelay $0x1  }
0x133: {  	v4 =	vmul.f32 $8.000000000e+00, v4  }
0x134: {  	v3 =	vmul.f32 $8.000000000e+00, v3  }
0x135: {  	[tilespmem:s25+$0xEA30] =	vst v4;
	v2 =	vmul.f32 $8.000000000e+00, v2  }
0x136: {  	v4 =	vld [tilespmem:s20+$0x6A80];
	[tilespmem:s26+$0xEA30] =	vst v3;
	v1 =	vmul.f32 $8.000000000e+00, v1  }
0x137: {  	s12 =	spop (v2sf);
	[tilespmem:s28+$0xEA30] =	vst v2;
	v3 =	vld [tilespmem:s2+$0x6A80]  }
0x138: {  	v2 =	vld [tilespmem:s4+$0x6A80];
	s21 =	spop (v2sf);
	[tilespmem:s29+$0xEA30] =	vst v1  }
0x139: {  	v1 =	vld [tilespmem:s21+$0x6A80];
	_ =	sdelay $0x1  }
0x13a: {  	v4 =	vmul.f32 $8.000000000e+00, v4  }
0x13b: {  	v3 =	vmul.f32 $8.000000000e+00, v3  }
0x13c: {  	[tilespmem:s25+$0xEA80] =	vst v4;
	v2 =	vmul.f32 $8.000000000e+00, v2  }
0x13d: {  	v4 =	vld [tilespmem:s20+$0x6A90];
	[tilespmem:s26+$0xEA80] =	vst v3;
	v1 =	vmul.f32 $8.000000000e+00, v1  }
0x13e: {  	[tilespmem:s28+$0xEA80] =	vst v2;
	v3 =	vld [tilespmem:s2+$0x6A90]  }
0x13f: {  	v2 =	vld [tilespmem:s4+$0x6A90];
	[tilespmem:s29+$0xEA80] =	vst v1  }
0x140: {  	v1 =	vld [tilespmem:s21+$0x6A90];
	_ =	sdelay $0x1  }
0x141: {  	v4 =	vmul.f32 $8.000000000e+00, v4  }
0x142: {  	v3 =	vmul.f32 $8.000000000e+00, v3  }
0x143: {  	[tilespmem:s25+$0xEA90] =	vst v4;
	v2 =	vmul.f32 $8.000000000e+00, v2  }
0x144: {  	v4 =	vld [tilespmem:s20+$0x6AA0];
	[tilespmem:s26+$0xEA90] =	vst v3;
	v1 =	vmul.f32 $8.000000000e+00, v1  }
0x145: {  	[tilespmem:s28+$0xEA90] =	vst v2;
	v3 =	vld [tilespmem:s2+$0x6AA0]  }
0x146: {  	(v2sf) =	vpush v0, $0xE;
	v2 =	vld [tilespmem:s4+$0x6AA0];
	[tilespmem:s29+$0xEA90] =	vst v1  }
0x147: {  	(v2sf) =	vpush v5, $0xC;
	v1 =	vld [tilespmem:s21+$0x6AA0]  }
0x148: {  	v7 =	vmul.f32 $8.000000000e+00, v7  }
0x149: {  	v4 =	vmul.f32 $8.000000000e+00, v4  }
0x14a: {  	[tilespmem:s24+$0xEAA0] =	vst v7;
	v3 =	vmul.f32 $8.000000000e+00, v3  }
0x14b: {  	v7 =	vld [tilespmem:s7+$0x6AB0];
	[tilespmem:s25+$0xEAA0] =	vst v4;
	v2 =	vmul.f32 $8.000000000e+00, v2  }
0x14c: {  	v4 =	vld [tilespmem:s20+$0x6AB0];
	[tilespmem:s26+$0xEAA0] =	vst v3;
	v1 =	vmul.f32 $8.000000000e+00, v1  }
0x14d: {  	[tilespmem:s28+$0xEAA0] =	vst v2;
	v3 =	vld [tilespmem:s2+$0x6AB0]  }
0x14e: {  	v2 =	vld [tilespmem:s4+$0x6AB0];
	[tilespmem:s29+$0xEAA0] =	vst v1  }
0x14f: {  	v1 =	vld [tilespmem:s21+$0x6AB0]  }
0x150: {  	v7 =	vmul.f32 $8.000000000e+00, v7  }
0x151: {  	v4 =	vmul.f32 $8.000000000e+00, v4  }
0x152: {  	[tilespmem:s24+$0xEAB0] =	vst v7;
	v3 =	vmul.f32 $8.000000000e+00, v3  }
0x153: {  	v7 =	vld [tilespmem:s5+$0x6B00];
	[tilespmem:s25+$0xEAB0] =	vst v4;
	v2 =	vmul.f32 $8.000000000e+00, v2  }
0x154: {  	v4 =	vld [tilespmem:s15+$0x6B00];
	[tilespmem:s26+$0xEAB0] =	vst v3;
	v1 =	vmul.f32 $8.000000000e+00, v1  }
0x155: {  	s4 =	spop (v2sf);
	[tilespmem:s28+$0xEAB0] =	vst v2;
	v3 =	vld [tilespmem:s9+$0x6B00]  }
0x156: {  	s6 =	spop (v2sf);
	v2 =	vld [tilespmem:s18+$0x6B00];
	[tilespmem:s29+$0xEAB0] =	vst v1  }
0x157: {  	v1 =	vld [tilespmem:s6+$0x6B00]  }
0x158: {  	v7 =	vmul.f32 $8.000000000e+00, v7  }
0x159: {  	v4 =	vmul.f32 $8.000000000e+00, v4  }
0x15a: {  	[tilespmem:s24+$0xEB00] =	vst v7;
	v3 =	vmul.f32 $8.000000000e+00, v3  }
0x15b: {  	v7 =	vld [tilespmem:s5+$0x6B10];
	[tilespmem:s25+$0xEB00] =	vst v4;
	v2 =	vmul.f32 $8.000000000e+00, v2  }
0x15c: {  	v4 =	vld [tilespmem:s15+$0x6B10];
	[tilespmem:s26+$0xEB00] =	vst v3;
	v1 =	vmul.f32 $8.000000000e+00, v1  }
0x15d: {  	[tilespmem:s28+$0xEB00] =	vst v2;
	v3 =	vld [tilespmem:s9+$0x6B10]  }
0x15e: {  	v2 =	vld [tilespmem:s18+$0x6B10];
	[tilespmem:s29+$0xEB00] =	vst v1  }
0x15f: {  	v1 =	vld [tilespmem:s6+$0x6B10]  }
0x160: {  	v7 =	vmul.f32 $8.000000000e+00, v7  }
0x161: {  	v4 =	vmul.f32 $8.000000000e+00, v4  }
0x162: {  	[tilespmem:s24+$0xEB10] =	vst v7;
	v3 =	vmul.f32 $8.000000000e+00, v3  }
0x163: {  	v7 =	vld [tilespmem:s5+$0x6B20];
	[tilespmem:s25+$0xEB10] =	vst v4;
	v2 =	vmul.f32 $8.000000000e+00, v2  }
0x164: {  	v4 =	vld [tilespmem:s15+$0x6B20];
	[tilespmem:s26+$0xEB10] =	vst v3;
	v1 =	vmul.f32 $8.000000000e+00, v1  }
0x165: {  	[tilespmem:s28+$0xEB10] =	vst v2;
	v3 =	vld [tilespmem:s9+$0x6B20]  }
0x166: {  	(v2sf) =	vpush v0, $0xF;
	v2 =	vld [tilespmem:s18+$0x6B20];
	[tilespmem:s29+$0xEB10] =	vst v1  }
0x167: {  	(v2sf) =	vpush v5, $0xD;
	v42 =	vld [tilespmem:s6+$0x6B20]  }
0x168: {  	v43 =	vmul.f32 $8.000000000e+00, v7  }
0x169: {  	v4 =	vmul.f32 $8.000000000e+00, v4  }
0x16a: {  	[tilespmem:s24+$0xEB20] =	vst v43;
	v44 =	vmul.f32 $8.000000000e+00, v3  }
0x16b: {  	v45 =	vld [tilespmem:s5+$0x6B30];
	[tilespmem:s25+$0xEB20] =	vst v4;
	v2 =	vmul.f32 $8.000000000e+00, v2  }
0x16c: {  	v4 =	vld [tilespmem:s15+$0x6B30];
	[tilespmem:s26+$0xEB20] =	vst v44;
	v0 =	vmul.f32 $8.000000000e+00, v42  }
0x16d: {  	[tilespmem:s28+$0xEB20] =	vst v2;
	v1 =	vld [tilespmem:s9+$0x6B30]  }
0x16e: {  	v2 =	vld [tilespmem:s18+$0x6B30];
	[tilespmem:s29+$0xEB20] =	vst v0  }
0x16f: {  	v0 =	vld [tilespmem:s6+$0x6B30]  }
0x170: {  	v3 =	vmul.f32 $8.000000000e+00, v45  }
0x171: {  	v4 =	vmul.f32 $8.000000000e+00, v4  }
0x172: {  	[tilespmem:s24+$0xEB30] =	vst v3;
	v1 =	vmul.f32 $8.000000000e+00, v1  }
0x173: {  	[tilespmem:s25+$0xEB30] =	vst v4;
	v3 =	vld [tilespmem:s10+$0x6B80];
	v2 =	vmul.f32 $8.000000000e+00, v2  }
0x174: {  	v4 =	vld [tilespmem:s14+$0x6B80];
	[tilespmem:s26+$0xEB30] =	vst v1;
	v0 =	vmul.f32 $8.000000000e+00, v0  }
0x175: {  	s17 =	spop (v2sf);
	[tilespmem:s28+$0xEB30] =	vst v2;
	v1 =	vld [tilespmem:s19+$0x6B80]  }
0x176: {  	s18 =	spop (v2sf);
	v2 =	vld [tilespmem:s12+$0x6B80];
	[tilespmem:s29+$0xEB30] =	vst v0  }
0x177: {  	v0 =	vld [tilespmem:s18+$0x6B80]  }
0x178: {  	v3 =	vmul.f32 $8.000000000e+00, v3  }
0x179: {  	v4 =	vmul.f32 $8.000000000e+00, v4  }
0x17a: {  	[tilespmem:s24+$0xEB80] =	vst v3;
	v1 =	vmul.f32 $8.000000000e+00, v1  }
0x17b: {  	[tilespmem:s25+$0xEB80] =	vst v4;
	v3 =	vld [tilespmem:s10+$0x6B90];
	v2 =	vmul.f32 $8.000000000e+00, v2  }
0x17c: {  	v4 =	vld [tilespmem:s14+$0x6B90];
	[tilespmem:s26+$0xEB80] =	vst v1;
	v0 =	vmul.f32 $8.000000000e+00, v0  }
0x17d: {  	[tilespmem:s28+$0xEB80] =	vst v2;
	v1 =	vld [tilespmem:s19+$0x6B90]  }
0x17e: {  	v2 =	vld [tilespmem:s12+$0x6B90];
	[tilespmem:s29+$0xEB80] =	vst v0  }
0x17f: {  	v0 =	vld [tilespmem:s18+$0x6B90]  }
0x180: {  	v3 =	vmul.f32 $8.000000000e+00, v3  }
0x181: {  	v4 =	vmul.f32 $8.000000000e+00, v4  }
0x182: {  	[tilespmem:s24+$0xEB90] =	vst v3;
	v1 =	vmul.f32 $8.000000000e+00, v1  }
0x183: {  	[tilespmem:s25+$0xEB90] =	vst v4;
	v3 =	vld [tilespmem:s10+$0x6BA0];
	v2 =	vmul.f32 $8.000000000e+00, v2  }
0x184: {  	v4 =	vld [tilespmem:s14+$0x6BA0];
	[tilespmem:s26+$0xEB90] =	vst v1;
	v0 =	vmul.f32 $8.000000000e+00, v0  }
0x185: {  	[tilespmem:s28+$0xEB90] =	vst v2;
	v1 =	vld [tilespmem:s19+$0x6BA0]  }
0x186: {  	v2 =	vld [tilespmem:s12+$0x6BA0];
	[tilespmem:s29+$0xEB90] =	vst v0  }
0x187: {  	(v2sf) =	vpush v5, $0xE;
	v0 =	vld [tilespmem:s18+$0x6BA0]  }
0x188: {  	v3 =	vmul.f32 $8.000000000e+00, v3  }
0x189: {  	v4 =	vmul.f32 $8.000000000e+00, v4  }
0x18a: {  	[tilespmem:s24+$0xEBA0] =	vst v3;
	v1 =	vmul.f32 $8.000000000e+00, v1  }
0x18b: {  	[tilespmem:s25+$0xEBA0] =	vst v4;
	v3 =	vld [tilespmem:s10+$0x6BB0];
	v2 =	vmul.f32 $8.000000000e+00, v2  }
0x18c: {  	v4 =	vld [tilespmem:s14+$0x6BB0];
	[tilespmem:s26+$0xEBA0] =	vst v1;
	v0 =	vmul.f32 $8.000000000e+00, v0  }
0x18d: {  	[tilespmem:s28+$0xEBA0] =	vst v2;
	v1 =	vld [tilespmem:s19+$0x6BB0]  }
0x18e: {  	v2 =	vld [tilespmem:s12+$0x6BB0];
	[tilespmem:s29+$0xEBA0] =	vst v0  }
0x18f: {  	v0 =	vld [tilespmem:s18+$0x6BB0]  }
0x190: {  	v3 =	vmul.f32 $8.000000000e+00, v3  }
0x191: {  	v4 =	vmul.f32 $8.000000000e+00, v4  }
0x192: {  	[tilespmem:s24+$0xEBB0] =	vst v3;
	v1 =	vmul.f32 $8.000000000e+00, v1  }
0x193: {  	[tilespmem:s25+$0xEBB0] =	vst v4;
	v3 =	vld [tilespmem:s0+$0x6C00];
	v2 =	vmul.f32 $8.000000000e+00, v2  }
0x194: {  	v4 =	vld [tilespmem:s8+$0x6C00];
	[tilespmem:s26+$0xEBB0] =	vst v1;
	v0 =	vmul.f32 $8.000000000e+00, v0  }
0x195: {  	[tilespmem:s28+$0xEBB0] =	vst v2;
	v1 =	vld [tilespmem:s16+$0x6C00]  }
0x196: {  	s20 =	spop (v2sf);
	v2 =	vld [tilespmem:s4+$0x6C00];
	[tilespmem:s29+$0xEBB0] =	vst v0  }
0x197: {  	v0 =	vld [tilespmem:s20+$0x6C00]  }
0x198: {  	v3 =	vmul.f32 $8.000000000e+00, v3  }
0x199: {  	v4 =	vmul.f32 $8.000000000e+00, v4  }
0x19a: {  	[tilespmem:s24+$0xEC00] =	vst v3;
	v1 =	vmul.f32 $8.000000000e+00, v1  }
0x19b: {  	[tilespmem:s25+$0xEC00] =	vst v4;
	v3 =	vld [tilespmem:s0+$0x6C10];
	v2 =	vmul.f32 $8.000000000e+00, v2  }
0x19c: {  	v4 =	vld [tilespmem:s8+$0x6C10];
	[tilespmem:s26+$0xEC00] =	vst v1;
	v0 =	vmul.f32 $8.000000000e+00, v0  }
0x19d: {  	[tilespmem:s28+$0xEC00] =	vst v2;
	v1 =	vld [tilespmem:s16+$0x6C10]  }
0x19e: {  	v2 =	vld [tilespmem:s4+$0x6C10];
	[tilespmem:s29+$0xEC00] =	vst v0  }
0x19f: {  	v0 =	vld [tilespmem:s20+$0x6C10]  }
0x1a0: {  	v3 =	vmul.f32 $8.000000000e+00, v3  }
0x1a1: {  	v4 =	vmul.f32 $8.000000000e+00, v4  }
0x1a2: {  	[tilespmem:s24+$0xEC10] =	vst v3;
	v1 =	vmul.f32 $8.000000000e+00, v1  }
0x1a3: {  	[tilespmem:s25+$0xEC10] =	vst v4;
	v3 =	vld [tilespmem:s0+$0x6C20];
	v2 =	vmul.f32 $8.000000000e+00, v2  }
0x1a4: {  	v4 =	vld [tilespmem:s8+$0x6C20];
	[tilespmem:s26+$0xEC10] =	vst v1;
	v0 =	vmul.f32 $8.000000000e+00, v0  }
0x1a5: {  	[tilespmem:s28+$0xEC10] =	vst v2;
	v1 =	vld [tilespmem:s16+$0x6C20]  }
0x1a6: {  	v2 =	vld [tilespmem:s4+$0x6C20];
	[tilespmem:s29+$0xEC10] =	vst v0  }
0x1a7: {  	v46 =	vmul.f32 $8.000000000e+00, v6;
	(v2sf) =	vpush v5, $0xF;
	v47 =	vld [tilespmem:s20+$0x6C20]  }
0x1a8: {  	v3 =	vmul.f32 $8.000000000e+00, v3  }
0x1a9: {  	[tilespmem:s23+$0xEC20] =	vst v46;
	v48 =	vmul.f32 $8.000000000e+00, v4  }
0x1aa: {  	v49 =	vld [tilespmem:s31+$0x6C30];
	[tilespmem:s24+$0xEC20] =	vst v3;
	v1 =	vmul.f32 $8.000000000e+00, v1  }
0x1ab: {  	[tilespmem:s25+$0xEC20] =	vst v48;
	v3 =	vld [tilespmem:s0+$0x6C30];
	v50 =	vmul.f32 $8.000000000e+00, v2  }
0x1ac: {  	v51 =	vld [tilespmem:s8+$0x6C30];
	[tilespmem:s26+$0xEC20] =	vst v1;
	v52 =	vmul.f32 $8.000000000e+00, v47  }
0x1ad: {  	[tilespmem:s28+$0xEC20] =	vst v50;
	v53 =	vld [tilespmem:s16+$0x6C30]  }
0x1ae: {  	v0 =	vld [tilespmem:s4+$0x6C30];
	[tilespmem:s29+$0xEC20] =	vst v52  }
0x1af: {  	v54 =	vmul.f32 $8.000000000e+00, v49;
	v55 =	vld [tilespmem:s20+$0x6C30]  }
0x1b0: {  	v3 =	vmul.f32 $8.000000000e+00, v3  }
0x1b1: {  	[tilespmem:s23+$0xEC30] =	vst v54;
	v56 =	vmul.f32 $8.000000000e+00, v51  }
0x1b2: {  	v57 =	vld [tilespmem:s30+$0x6C80];
	[tilespmem:s24+$0xEC30] =	vst v3;
	v58 =	vmul.f32 $8.000000000e+00, v53  }
0x1b3: {  	[tilespmem:s25+$0xEC30] =	vst v56;
	v59 =	vld [tilespmem:s1+$0x6C80];
	v0 =	vmul.f32 $8.000000000e+00, v0  }
0x1b4: {  	v1 =	vld [tilespmem:s11+$0x6C80];
	[tilespmem:s26+$0xEC30] =	vst v58;
	v60 =	vmul.f32 $8.000000000e+00, v55  }
0x1b5: {  	[tilespmem:s28+$0xEC30] =	vst v0;
	v61 =	vld [tilespmem:s13+$0x6C80]  }
0x1b6: {  	s21 =	spop (v2sf);
	v0 =	vld [tilespmem:s17+$0x6C80];
	[tilespmem:s29+$0xEC30] =	vst v60  }
0x1b7: {  	v2 =	vmul.f32 $8.000000000e+00, v57;
	v3 =	vld [tilespmem:s21+$0x6C80]  }
0x1b8: {  	v5 =	vmul.f32 $8.000000000e+00, v59  }
0x1b9: {  	[tilespmem:s23+$0xEC80] =	vst v2;
	v1 =	vmul.f32 $8.000000000e+00, v1  }
0x1ba: {  	v2 =	vld [tilespmem:s30+$0x6C90];
	[tilespmem:s24+$0xEC80] =	vst v5;
	v4 =	vmul.f32 $8.000000000e+00, v61  }
0x1bb: {  	[tilespmem:s25+$0xEC80] =	vst v1;
	v5 =	vld [tilespmem:s1+$0x6C90];
	v0 =	vmul.f32 $8.000000000e+00, v0  }
0x1bc: {  	v1 =	vld [tilespmem:s11+$0x6C90];
	[tilespmem:s26+$0xEC80] =	vst v4;
	v3 =	vmul.f32 $8.000000000e+00, v3  }
0x1bd: {  	[tilespmem:s28+$0xEC80] =	vst v0;
	v4 =	vld [tilespmem:s13+$0x6C90]  }
0x1be: {  	v0 =	vld [tilespmem:s17+$0x6C90];
	[tilespmem:s29+$0xEC80] =	vst v3  }
0x1bf: {  	v2 =	vmul.f32 $8.000000000e+00, v2;
	v3 =	vld [tilespmem:s21+$0x6C90]  }
0x1c0: {  	v5 =	vmul.f32 $8.000000000e+00, v5  }
0x1c1: {  	[tilespmem:s23+$0xEC90] =	vst v2;
	v1 =	vmul.f32 $8.000000000e+00, v1  }
0x1c2: {  	v2 =	vld [tilespmem:s30+$0x6CA0];
	[tilespmem:s24+$0xEC90] =	vst v5;
	v4 =	vmul.f32 $8.000000000e+00, v4  }
0x1c3: {  	[tilespmem:s25+$0xEC90] =	vst v1;
	v5 =	vld [tilespmem:s1+$0x6CA0];
	v0 =	vmul.f32 $8.000000000e+00, v0  }
0x1c4: {  	v1 =	vld [tilespmem:s11+$0x6CA0];
	[tilespmem:s26+$0xEC90] =	vst v4;
	v3 =	vmul.f32 $8.000000000e+00, v3  }
0x1c5: {  	[tilespmem:s28+$0xEC90] =	vst v0;
	v4 =	vld [tilespmem:s13+$0x6CA0]  }
0x1c6: {  	v0 =	vld [tilespmem:s17+$0x6CA0];
	[tilespmem:s29+$0xEC90] =	vst v3  }
0x1c7: {  	v2 =	vmul.f32 $8.000000000e+00, v2;
	v3 =	vld [tilespmem:s21+$0x6CA0]  }
0x1c8: {  	v5 =	vmul.f32 $8.000000000e+00, v5  }
0x1c9: {  	[tilespmem:s23+$0xECA0] =	vst v2;
	v1 =	vmul.f32 $8.000000000e+00, v1  }
0x1ca: {  	v2 =	vld [tilespmem:s30+$0x6CB0];
	[tilespmem:s24+$0xECA0] =	vst v5;
	v4 =	vmul.f32 $8.000000000e+00, v4  }
0x1cb: {  	[tilespmem:s25+$0xECA0] =	vst v1;
	v5 =	vld [tilespmem:s1+$0x6CB0];
	v0 =	vmul.f32 $8.000000000e+00, v0  }
0x1cc: {  	v1 =	vld [tilespmem:s11+$0x6CB0];
	[tilespmem:s26+$0xECA0] =	vst v4;
	v3 =	vmul.f32 $8.000000000e+00, v3  }
0x1cd: {  	[tilespmem:s28+$0xECA0] =	vst v0;
	v4 =	vld [tilespmem:s13+$0x6CB0]  }
0x1ce: {  	v0 =	vld [tilespmem:s17+$0x6CB0];
	[tilespmem:s29+$0xECA0] =	vst v3  }
0x1cf: {  	v2 =	vmul.f32 $8.000000000e+00, v2;
	v3 =	vld [tilespmem:s21+$0x6CB0]  }
0x1d0: {  	v5 =	vmul.f32 $8.000000000e+00, v5  }
0x1d1: {  	[tilespmem:s23+$0xECB0] =	vst v2;
	v1 =	vmul.f32 $8.000000000e+00, v1  }
0x1d2: {  	[tilespmem:s24+$0xECB0] =	vst v5;
	v62 =	vmul.f32 $8.000000000e+00, v4  }
0x1d3: {  	[tilespmem:s25+$0xECB0] =	vst v1;
	v0 =	vmul.f32 $8.000000000e+00, v0  }
0x1d4: {  	[tilespmem:s26+$0xECB0] =	vst v62;
	v63 =	vmul.f32 $8.000000000e+00, v3  }
0x1d5: {  	s25 =	sshll.u32 s22, $0xE;
	s26 =	rddreg [dreg:$0x6];
	[tilespmem:s28+$0xECB0] =	vst v0  }
0x1d6: {  	s0 =	sadd.s32 s26, s25;
	[tilespmem:s29+$0xECB0] =	vst v63  }
0x1d7: {  	s0 =	sshrl.u32 s0, $0x3;
	s29 =	rddreg [dreg:$0x4]  }
0x1d8: {  	s31 =	simm.s32 $0xE500;
	s30 =	simm.s32 $0x0;
	s0 =	sadd.s32 s29, s0  }
0x1d9: {  	[hbm4b:s0+s30] =	stream.linear.scatter [tilespmem:s31], [sflag:$0x3], $0x4000, $0x38;
	[tilespmem:$0x16500] =	vst v63  }
.LBB2_9:
0x1da: {  	s22 =	sadd.s32 $0x1, s22  }
0x1db: {  	p0 =	sne.s32 s22, $0xC8  }
.Ltmp3:
0x1dc: {  	_ = 	snop;
	(pc) =	sbr.rel @!p0 .LBB2_10-.Ltmp3, $3  }
0x1dd: {  	_ =	sdelay $0x1  }
0x1de: {  	s4 =	rddreg [dreg:$0x9]  }
0x1df: {  	s4 =	sadd.s32 $0x80, s4  }
.LBB2_2:
0x1e0: {  	s0 =	sand.u32 $0x1, s22  }
0x1e1: {  	p0 =	seq.s32 s0, $0x1  }
.Ltmp4:
0x1e2: {  	_ = 	snop;
	(pc) =	sbr.rel @!p0 .LBB2_3-.Ltmp4, $2  }
0x1e3: {  	_ =	sdelay $0x2  }
0x1e4: {  	[dreg:$0x9] =	wrdreg s4  }
0x1e5: {  	p0 =	seq.s32 s22, $0xC7  }
0x1e6: {  	s0 =	sshll.u32 @!p0 s22, $0x7  }
0x1e7: {  	s0 =	sand.u32 @!p0 $0x3FFFFF80, s0  }
0x1e8: {  	v0 =	vld @!p0 [tilespmem:s0+$0x80];
	_ =	sdelay $0x4  }
0x1e9: {  	v0 =	vshra.s32 @!p0 v0, $0x1  }
0x1ea: {  	[tilespmem:$0x6400] =	vst @!p0 v0  }
0x1eb: {  	v0 =	vld @!p0 [tilespmem:s0+$0x90];
	_ =	sdelay $0x4  }
0x1ec: {  	v0 =	vshra.s32 @!p0 v0, $0x1  }
0x1ed: {  	[tilespmem:$0x6410] =	vst @!p0 v0  }
0x1ee: {  	v0 =	vld @!p0 [tilespmem:s0+$0xA0];
	_ =	sdelay $0x4  }
0x1ef: {  	v0 =	vshra.s32 @!p0 v0, $0x1  }
0x1f0: {  	[tilespmem:$0x6420] =	vst @!p0 v0  }
0x1f1: {  	v0 =	vld @!p0 [tilespmem:s0+$0xB0];
	_ =	sdelay $0x4  }
0x1f2: {  	v0 =	vshra.s32 @!p0 v0, $0x1  }
0x1f3: {  	[tilespmem:$0x6430] =	vst @!p0 v0  }
0x1f4: {  	v0 =	vld @!p0 [tilespmem:s0+$0xC0];
	_ =	sdelay $0x4  }
0x1f5: {  	v0 =	vshra.s32 @!p0 v0, $0x1  }
0x1f6: {  	[tilespmem:$0x6440] =	vst @!p0 v0  }
0x1f7: {  	v0 =	vld @!p0 [tilespmem:s0+$0xD0];
	_ =	sdelay $0x4  }
0x1f8: {  	v0 =	vshra.s32 @!p0 v0, $0x1  }
0x1f9: {  	[tilespmem:$0x6450] =	vst @!p0 v0  }
0x1fa: {  	v0 =	vld @!p0 [tilespmem:s0+$0xE0];
	_ =	sdelay $0x4  }
0x1fb: {  	v0 =	vshra.s32 @!p0 v0, $0x1  }
0x1fc: {  	[tilespmem:$0x6460] =	vst @!p0 v0  }
0x1fd: {  	v0 =	vld @!p0 [tilespmem:s0+$0xF0];
	_ =	sdelay $0x4  }
0x1fe: {  	s3 =	rddreg [dreg:$0x3];
	s9 =	simm.s32 $0x2;
	v0 =	vshra.s32 @!p0 v0, $0x1  }
0x1ff: {  	s1 =	simm.s32 @!p0 $0x6400;
	s2 =	simm.s32 @!p0 $0x6500;
	s0 =	simm.s32 @!p0 $0x80;
	[tilespmem:$0x6470] =	vst @!p0 v0  }
0x200: {  	[tilespmem:s2], [sflag:$0x1] =	stream.indirect.gather @!p0 [hbm4b:s3+s0], $0x80, s1, s0, $0xb8;
	[tilespmem:$0x16500] =	vst v63  }
0x201: {  	_ =	swait.ge [sflag:s9], $0x4000  }
0x202: {  	p0 =	slt.u32 s22, $0x2;
	[sflag:s9] =	ssyncset.done $0x0  }
0x203: {  	s0 =	simm.s32 @!p0 $0x4;
	[sflag:s9] =	ssyncadd.s32 $0xFFFFC000  }
0x204: {  	_ =	swait.ge @!p0 [sflag:s0], $0x4000  }
0x205: {  	[sflag:s0] =	ssyncset.done @!p0 $0x0  }
0x206: {  	[sflag:s0] =	ssyncadd.s32 @!p0 $0xFFFFC000  }
0x207: {  	v0 =	vld [tilespmem:s4+$0x0];
	_ =	sdelay $0x4  }
0x208: {  	v0 =	vand.u32 $0x1, v0  }
0x209: {  	s23 =	simm.s32 $0x0;
	v0 =	vshll.u32 v0, $0x6  }
0x20a: {  	v4 =	vadd.s32 s23, v0  }
0x20b: {  	(v2sf) =	vpush v4, $0x0;
	_ =	sdelay $0xe  }
0x20c: {  	s10 =	spop (v2sf)  }
0x20d: {  	v0 =	vld [tilespmem:s10+$0xA500];
	_ =	sdelay $0x4  }
0x20e: {  	v0 =	vmul.f32 $8.000000000e+00, v0;
	_ =	sdelay $0x1  }
0x20f: {  	[tilespmem:s23+$0x12500] =	vst v0  }
0x210: {  	v0 =	vld [tilespmem:s10+$0xA510];
	_ =	sdelay $0x4  }
0x211: {  	v0 =	vmul.f32 $8.000000000e+00, v0;
	_ =	sdelay $0x1  }
0x212: {  	[tilespmem:s23+$0x12510] =	vst v0  }
0x213: {  	(v2sf) =	vpush v4, $0x1;
	v0 =	vld [tilespmem:s10+$0xA520];
	_ =	sdelay $0x4  }
0x214: {  	v0 =	vmul.f32 $8.000000000e+00, v0;
	_ =	sdelay $0x1  }
0x215: {  	[tilespmem:s23+$0x12520] =	vst v0  }
0x216: {  	v0 =	vld [tilespmem:s10+$0xA530];
	_ =	sdelay $0x4  }
0x217: {  	v0 =	vmul.f32 $8.000000000e+00, v0;
	_ =	sdelay $0x1  }
0x218: {  	s11 =	spop (v2sf);
	[tilespmem:s23+$0x12530] =	vst v0  }
0x219: {  	v0 =	vld [tilespmem:s11+$0xA580];
	_ =	sdelay $0x4  }
0x21a: {  	v0 =	vmul.f32 $8.000000000e+00, v0;
	_ =	sdelay $0x1  }
0x21b: {  	[tilespmem:s23+$0x12580] =	vst v0  }
0x21c: {  	v0 =	vld [tilespmem:s11+$0xA590];
	_ =	sdelay $0x4  }
0x21d: {  	v0 =	vmul.f32 $8.000000000e+00, v0;
	_ =	sdelay $0x1  }
0x21e: {  	[tilespmem:s23+$0x12590] =	vst v0  }
0x21f: {  	(v2sf) =	vpush v4, $0x2;
	v0 =	vld [tilespmem:s11+$0xA5A0];
	_ =	sdelay $0x4  }
0x220: {  	v0 =	vmul.f32 $8.000000000e+00, v0;
	_ =	sdelay $0x1  }
0x221: {  	[tilespmem:s23+$0x125A0] =	vst v0  }
0x222: {  	v0 =	vld [tilespmem:s11+$0xA5B0];
	_ =	sdelay $0x4  }
0x223: {  	v0 =	vmul.f32 $8.000000000e+00, v0;
	_ =	sdelay $0x1  }
0x224: {  	s12 =	spop (v2sf);
	[tilespmem:s23+$0x125B0] =	vst v0  }
0x225: {  	v0 =	vld [tilespmem:s12+$0xA600]  }
0x226: {  	s13 =	sadd.s32 $0x10, s4  }
0x227: {  	v1 =	vld [tilespmem:s13+$0x0];
	_ =	sdelay $0x2  }
0x228: {  	v0 =	vmul.f32 $8.000000000e+00, v0;
	_ =	sdelay $0x1  }
0x229: {  	v1 =	vand.u32 $0x1, v1;
	[tilespmem:s23+$0x12600] =	vst v0  }
0x22a: {  	s24 =	simm.s32 $0x800;
	v0 =	vshll.u32 v1, $0x6;
	v1 =	vld [tilespmem:s12+$0xA610]  }
0x22b: {  	v3 =	vadd.s32 s24, v0  }
0x22c: {  	(v2sf) =	vpush v3, $0x0;
	_ =	sdelay $0x2  }
0x22d: {  	v0 =	vmul.f32 $8.000000000e+00, v1;
	_ =	sdelay $0x1  }
0x22e: {  	[tilespmem:s23+$0x12610] =	vst v0  }
0x22f: {  	(v2sf) =	vpush v4, $0x3;
	v0 =	vld [tilespmem:s12+$0xA620];
	_ =	sdelay $0x4  }
0x230: {  	v0 =	vmul.f32 $8.000000000e+00, v0;
	_ =	sdelay $0x1  }
0x231: {  	[tilespmem:s23+$0x12620] =	vst v0  }
0x232: {  	v0 =	vld [tilespmem:s12+$0xA630]  }
0x233: {  	s14 =	spop (v2sf)  }
0x234: {  	v1 =	vld [tilespmem:s14+$0xA500];
	_ =	sdelay $0x2  }
0x235: {  	v0 =	vmul.f32 $8.000000000e+00, v0;
	_ =	sdelay $0x1  }
0x236: {  	s15 =	spop (v2sf);
	v1 =	vmul.f32 $8.000000000e+00, v1;
	[tilespmem:s23+$0x12630] =	vst v0  }
0x237: {  	v0 =	vld [tilespmem:s15+$0xA680]  }
0x238: {  	[tilespmem:s24+$0x12500] =	vst v1  }
0x239: {  	v1 =	vld [tilespmem:s14+$0xA510];
	_ =	sdelay $0x2  }
0x23a: {  	v0 =	vmul.f32 $8.000000000e+00, v0;
	_ =	sdelay $0x1  }
0x23b: {  	v1 =	vmul.f32 $8.000000000e+00, v1;
	[tilespmem:s23+$0x12680] =	vst v0  }
0x23c: {  	v0 =	vld [tilespmem:s15+$0xA690]  }
0x23d: {  	[tilespmem:s24+$0x12510] =	vst v1  }
0x23e: {  	(v2sf) =	vpush v3, $0x1;
	v1 =	vld [tilespmem:s14+$0xA520];
	_ =	sdelay $0x2  }
0x23f: {  	v0 =	vmul.f32 $8.000000000e+00, v0;
	_ =	sdelay $0x1  }
0x240: {  	v1 =	vmul.f32 $8.000000000e+00, v1;
	[tilespmem:s23+$0x12690] =	vst v0  }
0x241: {  	(v2sf) =	vpush v4, $0x4;
	v0 =	vld [tilespmem:s15+$0xA6A0]  }
0x242: {  	[tilespmem:s24+$0x12520] =	vst v1  }
0x243: {  	v1 =	vld [tilespmem:s14+$0xA530];
	_ =	sdelay $0x2  }
0x244: {  	v0 =	vmul.f32 $8.000000000e+00, v0;
	_ =	sdelay $0x1  }
0x245: {  	v1 =	vmul.f32 $8.000000000e+00, v1;
	[tilespmem:s23+$0x126A0] =	vst v0  }
0x246: {  	v0 =	vld [tilespmem:s15+$0xA6B0]  }
0x247: {  	s16 =	spop (v2sf);
	[tilespmem:s24+$0x12530] =	vst v1  }
0x248: {  	v1 =	vld [tilespmem:s16+$0xA580];
	_ =	sdelay $0x2  }
0x249: {  	v0 =	vmul.f32 $8.000000000e+00, v0;
	_ =	sdelay $0x1  }
0x24a: {  	s17 =	spop (v2sf);
	v1 =	vmul.f32 $8.000000000e+00, v1;
	[tilespmem:s23+$0x126B0] =	vst v0  }
0x24b: {  	v0 =	vld [tilespmem:s17+$0xA700]  }
0x24c: {  	[tilespmem:s24+$0x12580] =	vst v1  }
0x24d: {  	v1 =	vld [tilespmem:s16+$0xA590];
	_ =	sdelay $0x2  }
0x24e: {  	v0 =	vmul.f32 $8.000000000e+00, v0;
	_ =	sdelay $0x1  }
0x24f: {  	v1 =	vmul.f32 $8.000000000e+00, v1;
	[tilespmem:s23+$0x12700] =	vst v0  }
0x250: {  	v0 =	vld [tilespmem:s17+$0xA710]  }
0x251: {  	[tilespmem:s24+$0x12590] =	vst v1  }
0x252: {  	(v2sf) =	vpush v3, $0x2;
	v1 =	vld [tilespmem:s16+$0xA5A0];
	_ =	sdelay $0x2  }
0x253: {  	v0 =	vmul.f32 $8.000000000e+00, v0;
	_ =	sdelay $0x1  }
0x254: {  	v1 =	vmul.f32 $8.000000000e+00, v1;
	[tilespmem:s23+$0x12710] =	vst v0  }
0x255: {  	(v2sf) =	vpush v4, $0x5;
	v0 =	vld [tilespmem:s17+$0xA720]  }
0x256: {  	[tilespmem:s24+$0x125A0] =	vst v1  }
0x257: {  	v1 =	vld [tilespmem:s16+$0xA5B0];
	_ =	sdelay $0x2  }
0x258: {  	v0 =	vmul.f32 $8.000000000e+00, v0;
	_ =	sdelay $0x1  }
0x259: {  	v1 =	vmul.f32 $8.000000000e+00, v1;
	[tilespmem:s23+$0x12720] =	vst v0  }
0x25a: {  	v0 =	vld [tilespmem:s17+$0xA730]  }
0x25b: {  	s18 =	spop (v2sf);
	[tilespmem:s24+$0x125B0] =	vst v1  }
0x25c: {  	v1 =	vld [tilespmem:s18+$0xA600]  }
0x25d: {  	s0 =	sadd.s32 $0x10, s13  }
0x25e: {  	v2 =	vld [tilespmem:s0+$0x0]  }
0x25f: {  	v0 =	vmul.f32 $8.000000000e+00, v0;
	_ =	sdelay $0x1  }
0x260: {  	s19 =	spop (v2sf);
	v1 =	vmul.f32 $8.000000000e+00, v1;
	[tilespmem:s23+$0x12730] =	vst v0  }
0x261: {  	v0 =	vld [tilespmem:s19+$0xA780]  }
0x262: {  	[tilespmem:s24+$0x12600] =	vst v1;
	v1 =	vand.u32 $0x1, v2  }
0x263: {  	s25 =	simm.s32 $0x1000;
	v5 =	vld [tilespmem:s18+$0xA610];
	v1 =	vshll.u32 v1, $0x6  }
0x264: {  	v2 =	vadd.s32 s25, v1  }
0x265: {  	(v2sf) =	vpush v2, $0x0  }
0x266: {  	v0 =	vmul.f32 $8.000000000e+00, v0;
	_ =	sdelay $0x1  }
0x267: {  	v1 =	vmul.f32 $8.000000000e+00, v5;
	[tilespmem:s23+$0x12780] =	vst v0  }
0x268: {  	v0 =	vld [tilespmem:s19+$0xA790]  }
0x269: {  	[tilespmem:s24+$0x12610] =	vst v1  }
0x26a: {  	(v2sf) =	vpush v3, $0x3;
	v1 =	vld [tilespmem:s18+$0xA620];
	_ =	sdelay $0x2  }
0x26b: {  	v0 =	vmul.f32 $8.000000000e+00, v0;
	_ =	sdelay $0x1  }
0x26c: {  	v1 =	vmul.f32 $8.000000000e+00, v1;
	[tilespmem:s23+$0x12790] =	vst v0  }
0x26d: {  	(v2sf) =	vpush v4, $0x6;
	v0 =	vld [tilespmem:s19+$0xA7A0]  }
0x26e: {  	[tilespmem:s24+$0x12620] =	vst v1  }
0x26f: {  	v1 =	vld [tilespmem:s18+$0xA630]  }
0x270: {  	s20 =	spop (v2sf)  }
0x271: {  	v5 =	vld [tilespmem:s20+$0xA500]  }
0x272: {  	v0 =	vmul.f32 $8.000000000e+00, v0;
	_ =	sdelay $0x1  }
0x273: {  	v1 =	vmul.f32 $8.000000000e+00, v1;
	[tilespmem:s23+$0x127A0] =	vst v0  }
0x274: {  	v0 =	vld [tilespmem:s19+$0xA7B0]  }
0x275: {  	s21 =	spop (v2sf);
	[tilespmem:s24+$0x12630] =	vst v1;
	v1 =	vmul.f32 $8.000000000e+00, v5  }
0x276: {  	v5 =	vld [tilespmem:s21+$0xA680]  }
0x277: {  	[tilespmem:s25+$0x12500] =	vst v1  }
0x278: {  	v1 =	vld [tilespmem:s20+$0xA510]  }
0x279: {  	v0 =	vmul.f32 $8.000000000e+00, v0;
	_ =	sdelay $0x1  }
0x27a: {  	s26 =	spop (v2sf);
	v5 =	vmul.f32 $8.000000000e+00, v5;
	[tilespmem:s23+$0x127B0] =	vst v0  }
0x27b: {  	v0 =	vld [tilespmem:s26+$0xA800]  }
0x27c: {  	[tilespmem:s24+$0x12680] =	vst v5;
	v1 =	vmul.f32 $8.000000000e+00, v1  }
0x27d: {  	v5 =	vld [tilespmem:s21+$0xA690]  }
0x27e: {  	[tilespmem:s25+$0x12510] =	vst v1  }
0x27f: {  	(v2sf) =	vpush v2, $0x1;
	v1 =	vld [tilespmem:s20+$0xA520]  }
0x280: {  	v0 =	vmul.f32 $8.000000000e+00, v0;
	_ =	sdelay $0x1  }
0x281: {  	v5 =	vmul.f32 $8.000000000e+00, v5;
	[tilespmem:s23+$0x12800] =	vst v0  }
0x282: {  	v0 =	vld [tilespmem:s26+$0xA810]  }
0x283: {  	[tilespmem:s24+$0x12690] =	vst v5;
	v1 =	vmul.f32 $8.000000000e+00, v1  }
0x284: {  	(v2sf) =	vpush v3, $0x4;
	v5 =	vld [tilespmem:s21+$0xA6A0]  }
0x285: {  	[tilespmem:s25+$0x12520] =	vst v1  }
0x286: {  	v1 =	vld [tilespmem:s20+$0xA530]  }
0x287: {  	v0 =	vmul.f32 $8.000000000e+00, v0;
	_ =	sdelay $0x1  }
0x288: {  	v5 =	vmul.f32 $8.000000000e+00, v5;
	[tilespmem:s23+$0x12810] =	vst v0  }
0x289: {  	(v2sf) =	vpush v4, $0x7;
	v0 =	vld [tilespmem:s26+$0xA820]  }
0x28a: {  	[tilespmem:s24+$0x126A0] =	vst v5;
	v1 =	vmul.f32 $8.000000000e+00, v1  }
0x28b: {  	v5 =	vld [tilespmem:s21+$0xA6B0]  }
0x28c: {  	s29 =	spop (v2sf);
	[tilespmem:s25+$0x12530] =	vst v1  }
0x28d: {  	v1 =	vld [tilespmem:s29+$0xA580]  }
0x28e: {  	v0 =	vmul.f32 $8.000000000e+00, v0;
	_ =	sdelay $0x1  }
0x28f: {  	v5 =	vmul.f32 $8.000000000e+00, v5;
	[tilespmem:s23+$0x12820] =	vst v0  }
0x290: {  	v0 =	vld [tilespmem:s26+$0xA830]  }
0x291: {  	s30 =	spop (v2sf);
	[tilespmem:s24+$0x126B0] =	vst v5;
	v1 =	vmul.f32 $8.000000000e+00, v1  }
0x292: {  	v5 =	vld [tilespmem:s30+$0xA700]  }
0x293: {  	[tilespmem:s25+$0x12580] =	vst v1  }
0x294: {  	v1 =	vld [tilespmem:s29+$0xA590]  }
0x295: {  	v0 =	vmul.f32 $8.000000000e+00, v0;
	_ =	sdelay $0x1  }
0x296: {  	s31 =	spop (v2sf);
	v5 =	vmul.f32 $8.000000000e+00, v5;
	[tilespmem:s23+$0x12830] =	vst v0  }
0x297: {  	v0 =	vld [tilespmem:s31+$0xA880]  }
0x298: {  	[tilespmem:s24+$0x12700] =	vst v5;
	v1 =	vmul.f32 $8.000000000e+00, v1  }
0x299: {  	v5 =	vld [tilespmem:s30+$0xA710]  }
0x29a: {  	[tilespmem:s25+$0x12590] =	vst v1  }
0x29b: {  	(v2sf) =	vpush v2, $0x2;
	v1 =	vld [tilespmem:s29+$0xA5A0]  }
0x29c: {  	v0 =	vmul.f32 $8.000000000e+00, v0;
	_ =	sdelay $0x1  }
0x29d: {  	v5 =	vmul.f32 $8.000000000e+00, v5;
	[tilespmem:s23+$0x12880] =	vst v0  }
0x29e: {  	v0 =	vld [tilespmem:s31+$0xA890]  }
0x29f: {  	[tilespmem:s24+$0x12710] =	vst v5;
	v1 =	vmul.f32 $8.000000000e+00, v1  }
0x2a0: {  	(v2sf) =	vpush v3, $0x5;
	v5 =	vld [tilespmem:s30+$0xA720]  }
0x2a1: {  	[tilespmem:s25+$0x125A0] =	vst v1  }
0x2a2: {  	v1 =	vld [tilespmem:s29+$0xA5B0]  }
0x2a3: {  	v0 =	vmul.f32 $8.000000000e+00, v0;
	_ =	sdelay $0x1  }
0x2a4: {  	v5 =	vmul.f32 $8.000000000e+00, v5;
	[tilespmem:s23+$0x12890] =	vst v0  }
0x2a5: {  	(v2sf) =	vpush v4, $0x8;
	v0 =	vld [tilespmem:s31+$0xA8A0]  }
0x2a6: {  	[tilespmem:s24+$0x12720] =	vst v5;
	v1 =	vmul.f32 $8.000000000e+00, v1  }
0x2a7: {  	v5 =	vld [tilespmem:s30+$0xA730]  }
0x2a8: {  	s4 =	spop (v2sf);
	[tilespmem:s25+$0x125B0] =	vst v1  }
0x2a9: {  	s0 =	sadd.s32 $0x10, s0;
	v1 =	vld [tilespmem:s4+$0xA600]  }
0x2aa: {  	v6 =	vld [tilespmem:s0+$0x0];
	v0 =	vmul.f32 $8.000000000e+00, v0;
	_ =	sdelay $0x1  }
0x2ab: {  	v5 =	vmul.f32 $8.000000000e+00, v5;
	[tilespmem:s23+$0x128A0] =	vst v0  }
0x2ac: {  	v0 =	vld [tilespmem:s31+$0xA8B0]  }
0x2ad: {  	s5 =	spop (v2sf);
	[tilespmem:s24+$0x12730] =	vst v5;
	v1 =	vmul.f32 $8.000000000e+00, v1  }
0x2ae: {  	v6 =	vand.u32 $0x1, v6;
	v5 =	vld [tilespmem:s5+$0xA780]  }
0x2af: {  	s26 =	simm.s32 $0x1800;
	[tilespmem:s25+$0x12600] =	vst v1;
	v1 =	vshll.u32 v6, $0x6  }
0x2b0: {  	v6 =	vld [tilespmem:s4+$0xA610];
	v1 =	vadd.s32 s26, v1  }
0x2b1: {  	(v2sf) =	vpush v1, $0x0;
	v0 =	vmul.f32 $8.000000000e+00, v0;
	_ =	sdelay $0x1  }
0x2b2: {  	s6 =	spop (v2sf);
	v5 =	vmul.f32 $8.000000000e+00, v5;
	[tilespmem:s23+$0x128B0] =	vst v0  }
0x2b3: {  	v0 =	vld [tilespmem:s6+$0xA900]  }
0x2b4: {  	[tilespmem:s24+$0x12780] =	vst v5;
	v5 =	vmul.f32 $8.000000000e+00, v6  }
0x2b5: {  	v6 =	vld [tilespmem:s5+$0xA790]  }
0x2b6: {  	[tilespmem:s25+$0x12610] =	vst v5  }
0x2b7: {  	(v2sf) =	vpush v2, $0x3;
	v5 =	vld [tilespmem:s4+$0xA620]  }
0x2b8: {  	v0 =	vmul.f32 $8.000000000e+00, v0;
	_ =	sdelay $0x1  }
0x2b9: {  	v6 =	vmul.f32 $8.000000000e+00, v6;
	[tilespmem:s23+$0x12900] =	vst v0  }
0x2ba: {  	v0 =	vld [tilespmem:s6+$0xA910]  }
0x2bb: {  	[tilespmem:s24+$0x12790] =	vst v6;
	v5 =	vmul.f32 $8.000000000e+00, v5  }
0x2bc: {  	(v2sf) =	vpush v3, $0x6;
	v6 =	vld [tilespmem:s5+$0xA7A0]  }
0x2bd: {  	[tilespmem:s25+$0x12620] =	vst v5  }
0x2be: {  	v5 =	vld [tilespmem:s4+$0xA630];
	s7 =	spop (v2sf)  }
0x2bf: {  	v7 =	vld [tilespmem:s7+$0xA500];
	v0 =	vmul.f32 $8.000000000e+00, v0;
	_ =	sdelay $0x1  }
0x2c0: {  	v6 =	vmul.f32 $8.000000000e+00, v6;
	[tilespmem:s23+$0x12910] =	vst v0  }
0x2c1: {  	(v2sf) =	vpush v4, $0x9;
	v0 =	vld [tilespmem:s6+$0xA920]  }
0x2c2: {  	[tilespmem:s24+$0x127A0] =	vst v6;
	v5 =	vmul.f32 $8.000000000e+00, v5  }
0x2c3: {  	v6 =	vld [tilespmem:s5+$0xA7B0];
	v7 =	vmul.f32 $8.000000000e+00, v7  }
0x2c4: {  	s8 =	spop (v2sf);
	[tilespmem:s25+$0x12630] =	vst v5  }
0x2c5: {  	v5 =	vld [tilespmem:s8+$0xA680];
	[tilespmem:s26+$0x12500] =	vst v7  }
0x2c6: {  	v7 =	vld [tilespmem:s7+$0xA510];
	v0 =	vmul.f32 $8.000000000e+00, v0;
	_ =	sdelay $0x1  }
0x2c7: {  	v6 =	vmul.f32 $8.000000000e+00, v6;
	[tilespmem:s23+$0x12920] =	vst v0  }
0x2c8: {  	v0 =	vld [tilespmem:s6+$0xA930]  }
0x2c9: {  	s9 =	spop (v2sf);
	[tilespmem:s24+$0x127B0] =	vst v6;
	v5 =	vmul.f32 $8.000000000e+00, v5  }
0x2ca: {  	v6 =	vld [tilespmem:s9+$0xA800];
	v7 =	vmul.f32 $8.000000000e+00, v7  }
0x2cb: {  	[tilespmem:s25+$0x12680] =	vst v5  }
0x2cc: {  	v5 =	vld [tilespmem:s8+$0xA690];
	[tilespmem:s26+$0x12510] =	vst v7  }
0x2cd: {  	(v2sf) =	vpush v1, $0x1;
	v7 =	vld [tilespmem:s7+$0xA520];
	v0 =	vmul.f32 $8.000000000e+00, v0;
	_ =	sdelay $0x1  }
0x2ce: {  	s10 =	spop (v2sf);
	v6 =	vmul.f32 $8.000000000e+00, v6;
	[tilespmem:s23+$0x12930] =	vst v0  }
0x2cf: {  	v0 =	vld [tilespmem:s10+$0xA980]  }
0x2d0: {  	[tilespmem:s24+$0x12800] =	vst v6;
	v5 =	vmul.f32 $8.000000000e+00, v5  }
0x2d1: {  	v6 =	vld [tilespmem:s9+$0xA810];
	v7 =	vmul.f32 $8.000000000e+00, v7  }
0x2d2: {  	[tilespmem:s25+$0x12690] =	vst v5  }
0x2d3: {  	(v2sf) =	vpush v2, $0x4;
	v5 =	vld [tilespmem:s8+$0xA6A0];
	[tilespmem:s26+$0x12520] =	vst v7  }
0x2d4: {  	v7 =	vld [tilespmem:s7+$0xA530];
	v0 =	vmul.f32 $8.000000000e+00, v0;
	_ =	sdelay $0x1  }
0x2d5: {  	v6 =	vmul.f32 $8.000000000e+00, v6;
	[tilespmem:s23+$0x12980] =	vst v0  }
0x2d6: {  	v0 =	vld [tilespmem:s10+$0xA990]  }
0x2d7: {  	[tilespmem:s24+$0x12810] =	vst v6;
	v5 =	vmul.f32 $8.000000000e+00, v5  }
0x2d8: {  	(v2sf) =	vpush v3, $0x7;
	v6 =	vld [tilespmem:s9+$0xA820];
	v7 =	vmul.f32 $8.000000000e+00, v7  }
0x2d9: {  	[tilespmem:s25+$0x126A0] =	vst v5  }
0x2da: {  	s11 =	spop (v2sf);
	v5 =	vld [tilespmem:s8+$0xA6B0];
	[tilespmem:s26+$0x12530] =	vst v7  }
0x2db: {  	v7 =	vld [tilespmem:s11+$0xA580];
	v0 =	vmul.f32 $8.000000000e+00, v0;
	_ =	sdelay $0x1  }
0x2dc: {  	v6 =	vmul.f32 $8.000000000e+00, v6;
	[tilespmem:s23+$0x12990] =	vst v0  }
0x2dd: {  	(v2sf) =	vpush v4, $0xA;
	v0 =	vld [tilespmem:s10+$0xA9A0]  }
0x2de: {  	[tilespmem:s24+$0x12820] =	vst v6;
	v5 =	vmul.f32 $8.000000000e+00, v5  }
0x2df: {  	v6 =	vld [tilespmem:s9+$0xA830];
	v7 =	vmul.f32 $8.000000000e+00, v7  }
0x2e0: {  	s12 =	spop (v2sf);
	[tilespmem:s25+$0x126B0] =	vst v5  }
0x2e1: {  	v5 =	vld [tilespmem:s12+$0xA700];
	[tilespmem:s26+$0x12580] =	vst v7  }
0x2e2: {  	v7 =	vld [tilespmem:s11+$0xA590];
	v0 =	vmul.f32 $8.000000000e+00, v0;
	_ =	sdelay $0x1  }
0x2e3: {  	v6 =	vmul.f32 $8.000000000e+00, v6;
	[tilespmem:s23+$0x129A0] =	vst v0  }
0x2e4: {  	v0 =	vld [tilespmem:s10+$0xA9B0]  }
0x2e5: {  	s13 =	spop (v2sf);
	[tilespmem:s24+$0x12830] =	vst v6;
	v5 =	vmul.f32 $8.000000000e+00, v5  }
0x2e6: {  	v6 =	vld [tilespmem:s13+$0xA880];
	v7 =	vmul.f32 $8.000000000e+00, v7  }
0x2e7: {  	[tilespmem:s25+$0x12700] =	vst v5  }
0x2e8: {  	v5 =	vld [tilespmem:s12+$0xA710];
	[tilespmem:s26+$0x12590] =	vst v7  }
0x2e9: {  	(v2sf) =	vpush v1, $0x2;
	v7 =	vld [tilespmem:s11+$0xA5A0];
	v0 =	vmul.f32 $8.000000000e+00, v0;
	_ =	sdelay $0x1  }
0x2ea: {  	s14 =	spop (v2sf);
	v6 =	vmul.f32 $8.000000000e+00, v6;
	[tilespmem:s23+$0x129B0] =	vst v0  }
0x2eb: {  	v0 =	vld [tilespmem:s14+$0xAA00]  }
0x2ec: {  	[tilespmem:s24+$0x12880] =	vst v6;
	v5 =	vmul.f32 $8.000000000e+00, v5  }
0x2ed: {  	v6 =	vld [tilespmem:s13+$0xA890];
	v7 =	vmul.f32 $8.000000000e+00, v7  }
0x2ee: {  	[tilespmem:s25+$0x12710] =	vst v5  }
0x2ef: {  	(v2sf) =	vpush v2, $0x5;
	v5 =	vld [tilespmem:s12+$0xA720];
	[tilespmem:s26+$0x125A0] =	vst v7  }
0x2f0: {  	v7 =	vld [tilespmem:s11+$0xA5B0];
	v0 =	vmul.f32 $8.000000000e+00, v0;
	_ =	sdelay $0x1  }
0x2f1: {  	v6 =	vmul.f32 $8.000000000e+00, v6;
	[tilespmem:s23+$0x12A00] =	vst v0  }
0x2f2: {  	v0 =	vld [tilespmem:s14+$0xAA10]  }
0x2f3: {  	[tilespmem:s24+$0x12890] =	vst v6;
	v5 =	vmul.f32 $8.000000000e+00, v5  }
0x2f4: {  	(v2sf) =	vpush v3, $0x8;
	v6 =	vld [tilespmem:s13+$0xA8A0];
	v7 =	vmul.f32 $8.000000000e+00, v7  }
0x2f5: {  	[tilespmem:s25+$0x12720] =	vst v5  }
0x2f6: {  	s15 =	spop (v2sf);
	[tilespmem:s26+$0x125B0] =	vst v7;
	v5 =	vld [tilespmem:s12+$0xA730]  }
0x2f7: {  	v7 =	vld [tilespmem:s15+$0xA600];
	v0 =	vmul.f32 $8.000000000e+00, v0  }
0x2f8: {  	s0 =	sadd.s32 $0x10, s0  }
0x2f9: {  	v8 =	vld [tilespmem:s0+$0x0];
	v6 =	vmul.f32 $8.000000000e+00, v6;
	[tilespmem:s23+$0x12A10] =	vst v0  }
0x2fa: {  	(v2sf) =	vpush v4, $0xB;
	v0 =	vld [tilespmem:s14+$0xAA20]  }
0x2fb: {  	[tilespmem:s24+$0x128A0] =	vst v6;
	v5 =	vmul.f32 $8.000000000e+00, v5  }
0x2fc: {  	v6 =	vld [tilespmem:s13+$0xA8B0];
	v7 =	vmul.f32 $8.000000000e+00, v7  }
0x2fd: {  	s16 =	spop (v2sf);
	[tilespmem:s25+$0x12730] =	vst v5  }
0x2fe: {  	v5 =	vand.u32 $0x1, v8;
	[tilespmem:s26+$0x12600] =	vst v7;
	v7 =	vld [tilespmem:s16+$0xA780]  }
0x2ff: {  	s28 =	simm.s32 $0x2000;
	v5 =	vshll.u32 v5, $0x6;
	v9 =	vld [tilespmem:s15+$0xA610];
	v8 =	vmul.f32 $8.000000000e+00, v0  }
0x300: {  	v0 =	vadd.s32 s28, v5  }
0x301: {  	(v2sf) =	vpush v0, $0x0;
	v5 =	vmul.f32 $8.000000000e+00, v6;
	[tilespmem:s23+$0x12A20] =	vst v8  }
0x302: {  	v6 =	vld [tilespmem:s14+$0xAA30]  }
0x303: {  	s17 =	spop (v2sf);
	[tilespmem:s24+$0x128B0] =	vst v5;
	v5 =	vmul.f32 $8.000000000e+00, v7  }
0x304: {  	v7 =	vld [tilespmem:s17+$0xA900];
	v8 =	vmul.f32 $8.000000000e+00, v9  }
0x305: {  	[tilespmem:s25+$0x12780] =	vst v5  }
0x306: {  	[tilespmem:s26+$0x12610] =	vst v8;
	v5 =	vld [tilespmem:s16+$0xA790]  }
0x307: {  	v8 =	vld [tilespmem:s15+$0xA620];
	v6 =	vmul.f32 $8.000000000e+00, v6  }
0x308: {  	(v2sf) =	vpush v1, $0x3  }
0x309: {  	s18 =	spop (v2sf);
	v7 =	vmul.f32 $8.000000000e+00, v7;
	[tilespmem:s23+$0x12A30] =	vst v6  }
0x30a: {  	v6 =	vld [tilespmem:s18+$0xAA80]  }
0x30b: {  	[tilespmem:s24+$0x12900] =	vst v7;
	v5 =	vmul.f32 $8.000000000e+00, v5  }
0x30c: {  	v7 =	vld [tilespmem:s17+$0xA910];
	v8 =	vmul.f32 $8.000000000e+00, v8  }
0x30d: {  	[tilespmem:s25+$0x12790] =	vst v5  }
0x30e: {  	(v2sf) =	vpush v2, $0x6;
	[tilespmem:s26+$0x12620] =	vst v8;
	v5 =	vld [tilespmem:s16+$0xA7A0]  }
0x30f: {  	v8 =	vld [tilespmem:s15+$0xA630];
	v6 =	vmul.f32 $8.000000000e+00, v6  }
0x310: {  	s19 =	spop (v2sf)  }
0x311: {  	v9 =	vld [tilespmem:s19+$0xA500];
	v7 =	vmul.f32 $8.000000000e+00, v7;
	[tilespmem:s23+$0x12A80] =	vst v6  }
0x312: {  	v6 =	vld [tilespmem:s18+$0xAA90]  }
0x313: {  	[tilespmem:s24+$0x12910] =	vst v7;
	v5 =	vmul.f32 $8.000000000e+00, v5  }
0x314: {  	(v2sf) =	vpush v3, $0x9;
	v7 =	vld [tilespmem:s17+$0xA920];
	v8 =	vmul.f32 $8.000000000e+00, v8  }
0x315: {  	[tilespmem:s25+$0x127A0] =	vst v5  }
0x316: {  	v5 =	vmul.f32 $8.000000000e+00, v9;
	[tilespmem:s26+$0x12630] =	vst v8;
	v8 =	vld [tilespmem:s16+$0xA7B0]  }
0x317: {  	s5 =	spop (v2sf);
	v6 =	vmul.f32 $8.000000000e+00, v6  }
0x318: {  	v9 =	vld [tilespmem:s5+$0xA680];
	[tilespmem:s28+$0x12500] =	vst v5  }
0x319: {  	v5 =	vld [tilespmem:s19+$0xA510];
	v7 =	vmul.f32 $8.000000000e+00, v7;
	[tilespmem:s23+$0x12A90] =	vst v6  }
0x31a: {  	(v2sf) =	vpush v4, $0xC;
	v6 =	vld [tilespmem:s18+$0xAAA0]  }
0x31b: {  	[tilespmem:s24+$0x12920] =	vst v7;
	v7 =	vmul.f32 $8.000000000e+00, v8  }
0x31c: {  	v8 =	vld [tilespmem:s17+$0xA930]  }
0x31d: {  	s20 =	spop (v2sf);
	v9 =	vmul.f32 $8.000000000e+00, v9;
	[tilespmem:s25+$0x127B0] =	vst v7  }
0x31e: {  	v5 =	vmul.f32 $8.000000000e+00, v5;
	v7 =	vld [tilespmem:s20+$0xA800]  }
0x31f: {  	[tilespmem:s26+$0x12680] =	vst v9;
	v6 =	vmul.f32 $8.000000000e+00, v6  }
0x320: {  	v9 =	vld [tilespmem:s5+$0xA690];
	[tilespmem:s28+$0x12510] =	vst v5  }
0x321: {  	(v2sf) =	vpush v0, $0x1;
	v5 =	vld [tilespmem:s19+$0xA520];
	v8 =	vmul.f32 $8.000000000e+00, v8;
	[tilespmem:s23+$0x12AA0] =	vst v6  }
0x322: {  	v6 =	vld [tilespmem:s18+$0xAAB0]  }
0x323: {  	s21 =	spop (v2sf);
	[tilespmem:s24+$0x12930] =	vst v8;
	v7 =	vmul.f32 $8.000000000e+00, v7  }
0x324: {  	v8 =	vld [tilespmem:s21+$0xA980]  }
0x325: {  	v9 =	vmul.f32 $8.000000000e+00, v9;
	[tilespmem:s25+$0x12800] =	vst v7  }
0x326: {  	v5 =	vmul.f32 $8.000000000e+00, v5;
	v7 =	vld [tilespmem:s20+$0xA810]  }
0x327: {  	[tilespmem:s26+$0x12690] =	vst v9;
	v6 =	vmul.f32 $8.000000000e+00, v6  }
0x328: {  	(v2sf) =	vpush v1, $0x4;
	v9 =	vld [tilespmem:s5+$0xA6A0];
	[tilespmem:s28+$0x12520] =	vst v5  }
0x329: {  	s29 =	spop (v2sf);
	v5 =	vld [tilespmem:s19+$0xA530];
	v8 =	vmul.f32 $8.000000000e+00, v8;
	[tilespmem:s23+$0x12AB0] =	vst v6  }
0x32a: {  	(v2sf) =	vpush v2, $0x7;
	v6 =	vld [tilespmem:s29+$0xAB00]  }
0x32b: {  	[tilespmem:s24+$0x12980] =	vst v8;
	v7 =	vmul.f32 $8.000000000e+00, v7  }
0x32c: {  	v8 =	vld [tilespmem:s21+$0xA990]  }
0x32d: {  	v9 =	vmul.f32 $8.000000000e+00, v9;
	[tilespmem:s25+$0x12810] =	vst v7  }
0x32e: {  	v5 =	vmul.f32 $8.000000000e+00, v5;
	v7 =	vld [tilespmem:s20+$0xA820]  }
0x32f: {  	[tilespmem:s26+$0x126A0] =	vst v9;
	v6 =	vmul.f32 $8.000000000e+00, v6  }
0x330: {  	s30 =	spop (v2sf);
	v9 =	vld [tilespmem:s5+$0xA6B0];
	[tilespmem:s28+$0x12530] =	vst v5  }
0x331: {  	v5 =	vld [tilespmem:s30+$0xA580];
	v8 =	vmul.f32 $8.000000000e+00, v8;
	[tilespmem:s23+$0x12B00] =	vst v6  }
0x332: {  	v6 =	vld [tilespmem:s29+$0xAB10]  }
0x333: {  	[tilespmem:s24+$0x12990] =	vst v8;
	v7 =	vmul.f32 $8.000000000e+00, v7  }
0x334: {  	(v2sf) =	vpush v3, $0xA;
	v8 =	vld [tilespmem:s21+$0xA9A0]  }
0x335: {  	v9 =	vmul.f32 $8.000000000e+00, v9;
	[tilespmem:s25+$0x12820] =	vst v7  }
0x336: {  	v5 =	vmul.f32 $8.000000000e+00, v5;
	v7 =	vld [tilespmem:s20+$0xA830]  }
0x337: {  	s31 =	spop (v2sf);
	[tilespmem:s26+$0x126B0] =	vst v9;
	v6 =	vmul.f32 $8.000000000e+00, v6  }
0x338: {  	(v2sf) =	vpush v4, $0xD;
	v9 =	vld [tilespmem:s31+$0xA700];
	[tilespmem:s28+$0x12580] =	vst v5  }
0x339: {  	s10 =	spop (v2sf);
	(v2sf) =	vpush v0, $0x2;
	v5 =	vld [tilespmem:s30+$0xA590];
	v8 =	vmul.f32 $8.000000000e+00, v8;
	[tilespmem:s23+$0x12B10] =	vst v6  }
0x33a: {  	v6 =	vld [tilespmem:s29+$0xAB20]  }
0x33b: {  	[tilespmem:s24+$0x129A0] =	vst v8;
	v7 =	vmul.f32 $8.000000000e+00, v7  }
0x33c: {  	v8 =	vld [tilespmem:s21+$0xA9B0]  }
0x33d: {  	v9 =	vmul.f32 $8.000000000e+00, v9;
	[tilespmem:s25+$0x12830] =	vst v7  }
0x33e: {  	v5 =	vmul.f32 $8.000000000e+00, v5;
	v7 =	vld [tilespmem:s10+$0xA880]  }
0x33f: {  	[tilespmem:s26+$0x12700] =	vst v9;
	v6 =	vmul.f32 $8.000000000e+00, v6  }
0x340: {  	v9 =	vld [tilespmem:s31+$0xA710];
	[tilespmem:s28+$0x12590] =	vst v5  }
0x341: {  	v5 =	vld [tilespmem:s30+$0xA5A0];
	v8 =	vmul.f32 $8.000000000e+00, v8;
	[tilespmem:s23+$0x12B20] =	vst v6  }
0x342: {  	v6 =	vld [tilespmem:s29+$0xAB30]  }
0x343: {  	s2 =	spop (v2sf);
	[tilespmem:s24+$0x129B0] =	vst v8;
	v7 =	vmul.f32 $8.000000000e+00, v7  }
0x344: {  	v8 =	vld [tilespmem:s2+$0xAA00]  }
0x345: {  	v9 =	vmul.f32 $8.000000000e+00, v9;
	[tilespmem:s25+$0x12880] =	vst v7  }
0x346: {  	v5 =	vmul.f32 $8.000000000e+00, v5;
	v7 =	vld [tilespmem:s10+$0xA890]  }
0x347: {  	s8 =	spop (v2sf);
	[tilespmem:s26+$0x12710] =	vst v9;
	v6 =	vmul.f32 $8.000000000e+00, v6  }
0x348: {  	s9 =	spop (v2sf);
	(v2sf) =	vpush v1, $0x5;
	v9 =	vld [tilespmem:s31+$0xA720];
	[tilespmem:s28+$0x125A0] =	vst v5  }
0x349: {  	v5 =	vld [tilespmem:s30+$0xA5B0];
	v8 =	vmul.f32 $8.000000000e+00, v8;
	[tilespmem:s23+$0x12B30] =	vst v6  }
0x34a: {  	v6 =	vld [tilespmem:s8+$0xAB80]  }
0x34b: {  	[tilespmem:s24+$0x12A00] =	vst v8;
	v7 =	vmul.f32 $8.000000000e+00, v7  }
0x34c: {  	v8 =	vld [tilespmem:s2+$0xAA10]  }
0x34d: {  	v9 =	vmul.f32 $8.000000000e+00, v9;
	[tilespmem:s25+$0x12890] =	vst v7  }
0x34e: {  	(v2sf) =	vpush v2, $0x8;
	v5 =	vmul.f32 $8.000000000e+00, v5;
	v10 =	vld [tilespmem:s10+$0xA8A0]  }
0x34f: {  	[tilespmem:s26+$0x12720] =	vst v9;
	v6 =	vmul.f32 $8.000000000e+00, v6  }
0x350: {  	v7 =	vld [tilespmem:s31+$0xA730];
	[tilespmem:s28+$0x125B0] =	vst v5  }
0x351: {  	v5 =	vld [tilespmem:s9+$0xA600];
	v11 =	vmul.f32 $8.000000000e+00, v8;
	[tilespmem:s23+$0x12B80] =	vst v6  }
0x352: {  	s1 =	sadd.s32 $0x10, s0;
	v8 =	vld [tilespmem:s8+$0xAB90]  }
0x353: {  	v9 =	vld [tilespmem:s1+$0x0];
	[tilespmem:s24+$0x12A10] =	vst v11;
	v10 =	vmul.f32 $8.000000000e+00, v10  }
0x354: {  	s0 =	simm.s32 $0xA000;
	s5 =	simm.s32 $0xC000;
	(v2sf) =	vpush v3, $0xB;
	v6 =	vld [tilespmem:s2+$0xAA20]  }
.LBB2_7:
0x355: {  	p0 =	sne.s32 s5, $0xE000;
	v7 =	vmul.f32 $8.000000000e+00, v7;
	[tilespmem:s25+$0x128A0] =	vst v10  }
0x356: {  	v5 =	vmul.f32 $8.000000000e+00, v5;
	v10 =	vld [tilespmem:s10+$0xA8B0]  }
0x357: {  	[tilespmem:s26+$0x12730] =	vst v7;
	s10 =	spop (v2sf);
	v7 =	vmul.f32 $8.000000000e+00, v8  }
0x358: {  	v8 =	vand.u32 $0x1, v9;
	[tilespmem:s28+$0x12600] =	vst v5;
	v5 =	vld [tilespmem:s10+$0xA780]  }
0x359: {  	s7 =	sshra.s32 s0, $0x2;
	s0 =	smov.u32 s5;
	v8 =	vshll.u32 v8, $0x6;
	v9 =	vld [tilespmem:s9+$0xA610];
	v6 =	vmul.f32 $8.000000000e+00, v6;
	[tilespmem:s23+$0x12B90] =	vst v7  }
0x35a: {  	v7 =	vadd.s32 s7, v8;
	v8 =	vld [tilespmem:s8+$0xABA0];
	(v2sf) =	vpush v4, $0xE  }
0x35b: {  	(v2sf) =	vpush v7, $0x0;
	v10 =	vmul.f32 $8.000000000e+00, v10;
	[tilespmem:s24+$0x12A20] =	vst v6  }
0x35c: {  	v6 =	vld [tilespmem:s2+$0xAA30]  }
0x35d: {  	v5 =	vmul.f32 $8.000000000e+00, v5;
	[tilespmem:s25+$0x128B0] =	vst v10;
	s2 =	spop (v2sf)  }
0x35e: {  	v9 =	vmul.f32 $8.000000000e+00, v9;
	v10 =	vld [tilespmem:s2+$0xA900]  }
0x35f: {  	[tilespmem:s26+$0x12780] =	vst v5;
	v5 =	vmul.f32 $8.000000000e+00, v8  }
0x360: {  	[tilespmem:s28+$0x12610] =	vst v9;
	v8 =	vld [tilespmem:s10+$0xA790]  }
0x361: {  	v9 =	vld [tilespmem:s9+$0xA620];
	(v2sf) =	vpush v0, $0x3;
	v6 =	vmul.f32 $8.000000000e+00, v6;
	[tilespmem:s23+$0x12BA0] =	vst v5  }
0x362: {  	v5 =	vld [tilespmem:s8+$0xABB0]  }
0x363: {  	v10 =	vmul.f32 $8.000000000e+00, v10;
	[tilespmem:s24+$0x12A30] =	vst v6;
	s8 =	spop (v2sf)  }
0x364: {  	v6 =	vld [tilespmem:s8+$0xAA80]  }
0x365: {  	v8 =	vmul.f32 $8.000000000e+00, v8;
	[tilespmem:s25+$0x12900] =	vst v10  }
0x366: {  	v9 =	vmul.f32 $8.000000000e+00, v9;
	v10 =	vld [tilespmem:s2+$0xA910]  }
0x367: {  	[tilespmem:s26+$0x12790] =	vst v8;
	v5 =	vmul.f32 $8.000000000e+00, v5  }
0x368: {  	[tilespmem:s28+$0x12620] =	vst v9;
	v8 =	vld [tilespmem:s10+$0xA7A0];
	(v2sf) =	vpush v1, $0x6  }
0x369: {  	v9 =	vld [tilespmem:s9+$0xA630];
	v6 =	vmul.f32 $8.000000000e+00, v6;
	[tilespmem:s23+$0x12BB0] =	vst v5;
	s6 =	spop (v2sf)  }
0x36a: {  	s3 =	spop (v2sf);
	v5 =	vld [tilespmem:s6+$0xAC00]  }
0x36b: {  	v11 =	vld [tilespmem:s3+$0xA500];
	v10 =	vmul.f32 $8.000000000e+00, v10;
	[tilespmem:s24+$0x12A80] =	vst v6  }
0x36c: {  	v6 =	vld [tilespmem:s8+$0xAA90]  }
0x36d: {  	v8 =	vmul.f32 $8.000000000e+00, v8;
	[tilespmem:s25+$0x12910] =	vst v10  }
0x36e: {  	v9 =	vmul.f32 $8.000000000e+00, v9;
	v10 =	vld [tilespmem:s2+$0xA920];
	(v2sf) =	vpush v2, $0x9  }
0x36f: {  	[tilespmem:s26+$0x127A0] =	vst v8;
	v5 =	vmul.f32 $8.000000000e+00, v5  }
0x370: {  	v8 =	vmul.f32 $8.000000000e+00, v11;
	[tilespmem:s28+$0x12630] =	vst v9;
	s4 =	spop (v2sf);
	v9 =	vld [tilespmem:s10+$0xA7B0]  }
0x371: {  	v11 =	vld [tilespmem:s4+$0xA680];
	v6 =	vmul.f32 $8.000000000e+00, v6;
	[tilespmem:s23+$0x12C00] =	vst v5  }
0x372: {  	[tilespmem:s7+$0x12500] =	vst v8;
	v5 =	vld [tilespmem:s6+$0xAC10]  }
0x373: {  	v8 =	vld [tilespmem:s3+$0xA510];
	v10 =	vmul.f32 $8.000000000e+00, v10;
	[tilespmem:s24+$0x12A90] =	vst v6  }
0x374: {  	v6 =	vld [tilespmem:s8+$0xAAA0];
	(v2sf) =	vpush v3, $0xC  }
0x375: {  	v9 =	vmul.f32 $8.000000000e+00, v9;
	[tilespmem:s25+$0x12920] =	vst v10  }
0x376: {  	v10 =	vmul.f32 $8.000000000e+00, v11;
	v11 =	vld [tilespmem:s2+$0xA930]  }
0x377: {  	[tilespmem:s26+$0x127B0] =	vst v9;
	s2 =	spop (v2sf);
	v5 =	vmul.f32 $8.000000000e+00, v5  }
0x378: {  	v8 =	vmul.f32 $8.000000000e+00, v8;
	[tilespmem:s28+$0x12680] =	vst v10;
	v9 =	vld [tilespmem:s2+$0xA800]  }
0x379: {  	v10 =	vld [tilespmem:s4+$0xA690];
	v6 =	vmul.f32 $8.000000000e+00, v6;
	[tilespmem:s23+$0x12C10] =	vst v5  }
0x37a: {  	[tilespmem:s7+$0x12510] =	vst v8;
	v5 =	vld [tilespmem:s6+$0xAC20];
	(v2sf) =	vpush v4, $0xF;
	v4 =	vmovc v3;
	v3 =	vmovc v2;
	v2 =	vmov v1;
	v1 =	vmov v0  }
0x37b: {  	v0 =	vmov v7;
	v8 =	vld [tilespmem:s3+$0xA520];
	(v2sf) =	vpush v7, $0x1;
	v11 =	vmul.f32 $8.000000000e+00, v11;
	[tilespmem:s24+$0x12AA0] =	vst v6  }
0x37c: {  	v6 =	vld [tilespmem:s8+$0xAAB0]  }
0x37d: {  	v7 =	vmul.f32 $8.000000000e+00, v9;
	[tilespmem:s25+$0x12930] =	vst v11;
	s8 =	spop (v2sf)  }
0x37e: {  	v9 =	vmul.f32 $8.000000000e+00, v10;
	v10 =	vld [tilespmem:s8+$0xA980]  }
0x37f: {  	[tilespmem:s26+$0x12800] =	vst v7;
	v5 =	vmul.f32 $8.000000000e+00, v5  }
0x380: {  	v7 =	vmul.f32 $8.000000000e+00, v8;
	[tilespmem:s28+$0x12690] =	vst v9;
	v8 =	vld [tilespmem:s2+$0xA810]  }
0x381: {  	v9 =	vld [tilespmem:s4+$0xA6A0];
	(v2sf) =	vpush v1, $0x4;
	v6 =	vmul.f32 $8.000000000e+00, v6;
	[tilespmem:s23+$0x12C20] =	vst v5  }
0x382: {  	[tilespmem:s7+$0x12520] =	vst v7;
	v5 =	vld [tilespmem:s6+$0xAC30]  }
0x383: {  	v7 =	vld [tilespmem:s3+$0xA530];
	v10 =	vmul.f32 $8.000000000e+00, v10;
	[tilespmem:s24+$0x12AB0] =	vst v6;
	s9 =	spop (v2sf)  }
0x384: {  	v6 =	vld [tilespmem:s9+$0xAB00]  }
0x385: {  	v8 =	vmul.f32 $8.000000000e+00, v8;
	[tilespmem:s25+$0x12980] =	vst v10  }
0x386: {  	v9 =	vmul.f32 $8.000000000e+00, v9;
	v10 =	vld [tilespmem:s8+$0xA990]  }
0x387: {  	[tilespmem:s26+$0x12810] =	vst v8;
	v5 =	vmul.f32 $8.000000000e+00, v5  }
0x388: {  	v7 =	vmul.f32 $8.000000000e+00, v7;
	[tilespmem:s28+$0x126A0] =	vst v9;
	v8 =	vld [tilespmem:s2+$0xA820];
	(v2sf) =	vpush v2, $0x7  }
0x389: {  	v9 =	vld [tilespmem:s4+$0xA6B0];
	v6 =	vmul.f32 $8.000000000e+00, v6;
	[tilespmem:s23+$0x12C30] =	vst v5;
	s4 =	spop (v2sf)  }
0x38a: {  	[tilespmem:s7+$0x12530] =	vst v7;
	s6 =	spop (v2sf);
	v5 =	vld [tilespmem:s4+$0xAC80]  }
0x38b: {  	v7 =	vld [tilespmem:s6+$0xA580];
	v10 =	vmul.f32 $8.000000000e+00, v10;
	[tilespmem:s24+$0x12B00] =	vst v6  }
0x38c: {  	v6 =	vld [tilespmem:s9+$0xAB10]  }
0x38d: {  	v8 =	vmul.f32 $8.000000000e+00, v8;
	[tilespmem:s25+$0x12990] =	vst v10  }
0x38e: {  	v9 =	vmul.f32 $8.000000000e+00, v9;
	v10 =	vld [tilespmem:s8+$0xA9A0];
	(v2sf) =	vpush v3, $0xA  }
0x38f: {  	[tilespmem:s26+$0x12820] =	vst v8;
	v5 =	vmul.f32 $8.000000000e+00, v5  }
0x390: {  	v7 =	vmul.f32 $8.000000000e+00, v7;
	[tilespmem:s28+$0x126B0] =	vst v9;
	s3 =	spop (v2sf);
	v8 =	vld [tilespmem:s2+$0xA830]  }
0x391: {  	v9 =	vld [tilespmem:s3+$0xA700];
	v6 =	vmul.f32 $8.000000000e+00, v6;
	[tilespmem:s23+$0x12C80] =	vst v5  }
0x392: {  	[tilespmem:s7+$0x12580] =	vst v7;
	v5 =	vld [tilespmem:s4+$0xAC90]  }
0x393: {  	v7 =	vld [tilespmem:s6+$0xA590];
	v10 =	vmul.f32 $8.000000000e+00, v10;
	[tilespmem:s24+$0x12B10] =	vst v6  }
0x394: {  	v6 =	vld [tilespmem:s9+$0xAB20];
	(v2sf) =	vpush v4, $0xD  }
0x395: {  	v8 =	vmul.f32 $8.000000000e+00, v8;
	[tilespmem:s25+$0x129A0] =	vst v10  }
0x396: {  	v9 =	vmul.f32 $8.000000000e+00, v9;
	v10 =	vld [tilespmem:s8+$0xA9B0]  }
0x397: {  	[tilespmem:s26+$0x12830] =	vst v8;
	s10 =	spop (v2sf);
	v5 =	vmul.f32 $8.000000000e+00, v5  }
0x398: {  	v7 =	vmul.f32 $8.000000000e+00, v7;
	[tilespmem:s28+$0x12700] =	vst v9;
	v8 =	vld [tilespmem:s10+$0xA880]  }
0x399: {  	v9 =	vld [tilespmem:s3+$0xA710];
	v6 =	vmul.f32 $8.000000000e+00, v6;
	[tilespmem:s23+$0x12C90] =	vst v5  }
0x39a: {  	[tilespmem:s7+$0x12590] =	vst v7;
	v5 =	vld [tilespmem:s4+$0xACA0]  }
0x39b: {  	v7 =	vld [tilespmem:s6+$0xA5A0];
	(v2sf) =	vpush v0, $0x2;
	v10 =	vmul.f32 $8.000000000e+00, v10;
	[tilespmem:s24+$0x12B20] =	vst v6  }
0x39c: {  	v6 =	vld [tilespmem:s9+$0xAB30]  }
0x39d: {  	v8 =	vmul.f32 $8.000000000e+00, v8;
	[tilespmem:s25+$0x129B0] =	vst v10;
	s2 =	spop (v2sf)  }
0x39e: {  	v9 =	vmul.f32 $8.000000000e+00, v9;
	v10 =	vld [tilespmem:s2+$0xAA00]  }
0x39f: {  	[tilespmem:s26+$0x12880] =	vst v8;
	v5 =	vmul.f32 $8.000000000e+00, v5  }
0x3a0: {  	v7 =	vmul.f32 $8.000000000e+00, v7;
	[tilespmem:s28+$0x12710] =	vst v9;
	v8 =	vld [tilespmem:s10+$0xA890]  }
0x3a1: {  	v9 =	vld [tilespmem:s3+$0xA720];
	v6 =	vmul.f32 $8.000000000e+00, v6;
	[tilespmem:s23+$0x12CA0] =	vst v5  }
0x3a2: {  	[tilespmem:s7+$0x125A0] =	vst v7;
	(v2sf) =	vpush v1, $0x5;
	v5 =	vld [tilespmem:s4+$0xACB0]  }
0x3a3: {  	v7 =	vld [tilespmem:s6+$0xA5B0];
	v10 =	vmul.f32 $8.000000000e+00, v10;
	[tilespmem:s24+$0x12B30] =	vst v6;
	s8 =	spop (v2sf)  }
0x3a4: {  	v6 =	vld [tilespmem:s8+$0xAB80]  }
0x3a5: {  	v8 =	vmul.f32 $8.000000000e+00, v8;
	[tilespmem:s25+$0x12A00] =	vst v10  }
0x3a6: {  	v9 =	vmul.f32 $8.000000000e+00, v9;
	v10 =	vld [tilespmem:s2+$0xAA10]  }
0x3a7: {  	[tilespmem:s26+$0x12890] =	vst v8;
	v5 =	vmul.f32 $8.000000000e+00, v5  }
0x3a8: {  	v7 =	vmul.f32 $8.000000000e+00, v7;
	[tilespmem:s28+$0x12720] =	vst v9;
	v11 =	vld [tilespmem:s10+$0xA8A0];
	(v2sf) =	vpush v2, $0x8  }
0x3a9: {  	v6 =	vmul.f32 $8.000000000e+00, v6;
	[tilespmem:s23+$0x12CB0] =	vst v5;
	s23 =	smov.u32 s24;
	s24 =	smov.u32 s25;
	s25 =	smov.u32 s26  }
.Ltmp5:
0x3aa: {  	s26 =	smov.u32 s28;
	[tilespmem:s7+$0x125B0] =	vst v7;
	s9 =	spop (v2sf);
	v7 =	vld [tilespmem:s3+$0xA730];
	(pc) =	sbr.rel @p0 .LBB2_7-.Ltmp5, $4  }
0x3ab: {  	s28 =	smov.u32 s7;
	v5 =	vld [tilespmem:s9+$0xA600];
	v12 =	vmul.f32 $8.000000000e+00, v10;
	[tilespmem:s23+$0x12B80] =	vst v6  }
0x3ac: {  	s1 =	sadd.s32 $0x10, s1;
	v8 =	vld [tilespmem:s8+$0xAB90]  }
0x3ad: {  	v9 =	vld [tilespmem:s1+$0x0];
	v10 =	vmul.f32 $8.000000000e+00, v11;
	[tilespmem:s24+$0x12A10] =	vst v12  }
0x3ae: {  	s5 =	sadd.s32 $0x2000, s5;
	v6 =	vld [tilespmem:s2+$0xAA20];
	(v2sf) =	vpush v3, $0xB  }
0x3af: {  	_ =	sdelay $0x2  }
0x3b0: {  	v5 =	vmul.f32 $8.000000000e+00, v5;
	v16 =	vand.u32 $0x1, v9  }
0x3b1: {  	s29 =	sshra.s32 s0, $0x2;
	v18 =	vshll.u32 v16, $0x6  }
0x3b2: {  	s3 =	spop (v2sf);
	(v2sf) =	vpush v4, $0xE;
	[tilespmem:s28+$0x12600] =	vst v5;
	v5 =	vadd.s32 s29, v18  }
0x3b3: {  	(v2sf) =	vpush v5, $0x0;
	_ =	sdelay $0x1  }
0x3b4: {  	v7 =	vmul.f32 $8.000000000e+00, v7  }
0x3b5: {  	[tilespmem:s25+$0x128A0] =	vst v10  }
0x3b6: {  	v10 =	vld [tilespmem:s10+$0xA8B0];
	[tilespmem:s26+$0x12730] =	vst v7;
	v15 =	vmul.f32 $8.000000000e+00, v8  }
0x3b7: {  	v17 =	vld [tilespmem:s3+$0xA780]  }
0x3b8: {  	v19 =	vld [tilespmem:s9+$0xA610];
	[tilespmem:s23+$0x12B90] =	vst v15  }
0x3b9: {  	v7 =	vld [tilespmem:s8+$0xABA0]  }
0x3ba: {  	v6 =	vmul.f32 $8.000000000e+00, v6  }
0x3bb: {  	v10 =	vmul.f32 $8.000000000e+00, v10  }
0x3bc: {  	[tilespmem:s24+$0x12A20] =	vst v6;
	v20 =	vmul.f32 $8.000000000e+00, v17  }
0x3bd: {  	v21 =	vld [tilespmem:s2+$0xAA30];
	[tilespmem:s25+$0x128B0] =	vst v10;
	s13 =	spop (v2sf);
	v8 =	vmul.f32 $8.000000000e+00, v19  }
0x3be: {  	v10 =	vld [tilespmem:s13+$0xA900];
	[tilespmem:s26+$0x12780] =	vst v20;
	v22 =	vmul.f32 $8.000000000e+00, v7  }
0x3bf: {  	[tilespmem:s28+$0x12610] =	vst v8;
	v23 =	vld [tilespmem:s3+$0xA790];
	s7 =	spop (v2sf)  }
0x3c0: {  	(v2sf) =	vpush v0, $0x3;
	v8 =	vld [tilespmem:s9+$0xA620];
	[tilespmem:s23+$0x12BA0] =	vst v22;
	s31 =	spop (v2sf)  }
0x3c1: {  	v6 =	vld [tilespmem:s8+$0xABB0];
	s14 =	spop (v2sf)  }
0x3c2: {  	v9 =	vmul.f32 $8.000000000e+00, v21;
	v11 =	vld [tilespmem:s14+$0xA500]  }
0x3c3: {  	(v2sf) =	vpush v1, $0x6;
	v10 =	vmul.f32 $8.000000000e+00, v10  }
0x3c4: {  	[tilespmem:s24+$0x12A30] =	vst v9;
	v7 =	vmul.f32 $8.000000000e+00, v23  }
0x3c5: {  	v9 =	vld [tilespmem:s7+$0xAA80];
	[tilespmem:s25+$0x12900] =	vst v10;
	v8 =	vmul.f32 $8.000000000e+00, v8  }
0x3c6: {  	v10 =	vld [tilespmem:s13+$0xA910];
	[tilespmem:s26+$0x12790] =	vst v7;
	v6 =	vmul.f32 $8.000000000e+00, v6  }
0x3c7: {  	[tilespmem:s28+$0x12620] =	vst v8;
	v7 =	vld [tilespmem:s3+$0xA7A0];
	v24 =	vmul.f32 $8.000000000e+00, v11  }
0x3c8: {  	v8 =	vld [tilespmem:s9+$0xA630];
	[tilespmem:s23+$0x12BB0] =	vst v6  }
0x3c9: {  	v6 =	vld [tilespmem:s31+$0xAC00];
	[tilespmem:s29+$0x12500] =	vst v24  }
0x3ca: {  	v9 =	vmul.f32 $8.000000000e+00, v9;
	v28 =	vld [tilespmem:s14+$0xA510]  }
0x3cb: {  	v10 =	vmul.f32 $8.000000000e+00, v10  }
0x3cc: {  	[tilespmem:s24+$0x12A80] =	vst v9;
	v7 =	vmul.f32 $8.000000000e+00, v7  }
0x3cd: {  	v9 =	vld [tilespmem:s7+$0xAA90];
	[tilespmem:s25+$0x12910] =	vst v10;
	v8 =	vmul.f32 $8.000000000e+00, v8  }
0x3ce: {  	v10 =	vld [tilespmem:s13+$0xA920];
	[tilespmem:s26+$0x127A0] =	vst v7;
	v6 =	vmul.f32 $8.000000000e+00, v6  }
0x3cf: {  	(v2sf) =	vpush v2, $0x9;
	s1 =	spop (v2sf);
	[tilespmem:s28+$0x12630] =	vst v8;
	v25 =	vld [tilespmem:s3+$0xA7B0];
	v31 =	vmul.f32 $8.000000000e+00, v28  }
0x3d0: {  	(v2sf) =	vpush v3, $0xC;
	v26 =	vld [tilespmem:s1+$0xA680];
	[tilespmem:s23+$0x12C00] =	vst v6  }
0x3d1: {  	(v2sf) =	vpush v4, $0xF;
	v6 =	vld [tilespmem:s31+$0xAC10];
	[tilespmem:s29+$0x12510] =	vst v31  }
0x3d2: {  	s9 =	spop (v2sf);
	(v2sf) =	vpush v5, $0x1;
	v27 =	vmul.f32 $8.000000000e+00, v9;
	v33 =	vld [tilespmem:s14+$0xA520]  }
0x3d3: {  	v10 =	vmul.f32 $8.000000000e+00, v10  }
0x3d4: {  	[tilespmem:s24+$0x12A90] =	vst v27;
	v12 =	vmul.f32 $8.000000000e+00, v25  }
0x3d5: {  	v7 =	vld [tilespmem:s7+$0xAAA0];
	[tilespmem:s25+$0x12920] =	vst v10;
	v29 =	vmul.f32 $8.000000000e+00, v26  }
0x3d6: {  	v30 =	vld [tilespmem:s13+$0xA930];
	[tilespmem:s26+$0x127B0] =	vst v12;
	v6 =	vmul.f32 $8.000000000e+00, v6  }
0x3d7: {  	[tilespmem:s28+$0x12680] =	vst v29;
	v32 =	vld [tilespmem:s9+$0xA800];
	v4 =	vmul.f32 $8.000000000e+00, v33  }
0x3d8: {  	v10 =	vld [tilespmem:s1+$0xA690];
	[tilespmem:s23+$0x12C10] =	vst v6  }
0x3d9: {  	v6 =	vld [tilespmem:s31+$0xAC20];
	[tilespmem:s29+$0x12520] =	vst v4  }
0x3da: {  	v4 =	vld [tilespmem:s14+$0xA530];
	_ =	sdelay $0x3  }
0x3db: {  	s13 =	spop (v2sf)  }
0x3dc: {  	s5 =	spop (v2sf);
	v4 =	vmul.f32 $8.000000000e+00, v4  }
0x3dd: {  	s30 =	spop (v2sf)  }
0x3de: {  	s15 =	spop (v2sf);
	[tilespmem:s29+$0x12530] =	vst v4  }
0x3df: {  	v4 =	vld [tilespmem:s15+$0xA580];
	_ =	sdelay $0x4  }
0x3e0: {  	v4 =	vmul.f32 $8.000000000e+00, v4;
	_ =	sdelay $0x1  }
0x3e1: {  	[tilespmem:s29+$0x12580] =	vst v4  }
0x3e2: {  	v4 =	vld [tilespmem:s15+$0xA590];
	_ =	sdelay $0x3  }
0x3e3: {  	(v2sf) =	vpush v0, $0x4  }
0x3e4: {  	(v2sf) =	vpush v1, $0x7;
	v4 =	vmul.f32 $8.000000000e+00, v4  }
0x3e5: {  	(v2sf) =	vpush v2, $0xA  }
0x3e6: {  	(v2sf) =	vpush v3, $0xD;
	[tilespmem:s29+$0x12590] =	vst v4  }
0x3e7: {  	(v2sf) =	vpush v5, $0x2;
	v4 =	vld [tilespmem:s15+$0xA5A0];
	_ =	sdelay $0x4  }
0x3e8: {  	v4 =	vmul.f32 $8.000000000e+00, v4;
	_ =	sdelay $0x1  }
0x3e9: {  	[tilespmem:s29+$0x125A0] =	vst v4  }
0x3ea: {  	v4 =	vld [tilespmem:s15+$0xA5B0];
	_ =	sdelay $0x2  }
0x3eb: {  	s4 =	spop (v2sf)  }
0x3ec: {  	s19 =	spop (v2sf)  }
0x3ed: {  	s17 =	spop (v2sf);
	v4 =	vmul.f32 $8.000000000e+00, v4  }
0x3ee: {  	s10 =	spop (v2sf)  }
0x3ef: {  	s16 =	spop (v2sf);
	[tilespmem:s29+$0x125B0] =	vst v4  }
0x3f0: {  	v4 =	vld [tilespmem:s16+$0xA600];
	_ =	sdelay $0x4  }
0x3f1: {  	v4 =	vmul.f32 $8.000000000e+00, v4;
	_ =	sdelay $0x1  }
0x3f2: {  	[tilespmem:s29+$0x12600] =	vst v4  }
0x3f3: {  	v4 =	vld [tilespmem:s16+$0xA610];
	_ =	sdelay $0x3  }
0x3f4: {  	(v2sf) =	vpush v0, $0x5  }
0x3f5: {  	(v2sf) =	vpush v1, $0x8;
	v4 =	vmul.f32 $8.000000000e+00, v4  }
0x3f6: {  	(v2sf) =	vpush v2, $0xB  }
0x3f7: {  	(v2sf) =	vpush v3, $0xE;
	[tilespmem:s29+$0x12610] =	vst v4  }
0x3f8: {  	(v2sf) =	vpush v5, $0x3;
	v4 =	vld [tilespmem:s16+$0xA620];
	_ =	sdelay $0x4  }
0x3f9: {  	v4 =	vmul.f32 $8.000000000e+00, v4;
	_ =	sdelay $0x1  }
0x3fa: {  	[tilespmem:s29+$0x12620] =	vst v4  }
0x3fb: {  	v4 =	vld [tilespmem:s16+$0xA630];
	_ =	sdelay $0x2  }
0x3fc: {  	s2 =	spop (v2sf)  }
0x3fd: {  	s16 =	spop (v2sf)  }
0x3fe: {  	s20 =	spop (v2sf);
	v4 =	vmul.f32 $8.000000000e+00, v4  }
0x3ff: {  	s0 =	spop (v2sf)  }
0x400: {  	s18 =	spop (v2sf);
	[tilespmem:s29+$0x12630] =	vst v4  }
0x401: {  	v4 =	vld [tilespmem:s18+$0xA680];
	_ =	sdelay $0x4  }
0x402: {  	v4 =	vmul.f32 $8.000000000e+00, v4;
	_ =	sdelay $0x1  }
0x403: {  	[tilespmem:s29+$0x12680] =	vst v4  }
0x404: {  	v4 =	vld [tilespmem:s18+$0xA690];
	_ =	sdelay $0x3  }
0x405: {  	v10 =	vmul.f32 $8.000000000e+00, v10;
	(v2sf) =	vpush v0, $0x6  }
0x406: {  	(v2sf) =	vpush v1, $0x9;
	v4 =	vmul.f32 $8.000000000e+00, v4  }
0x407: {  	[tilespmem:s28+$0x12690] =	vst v10;
	(v2sf) =	vpush v2, $0xC  }
0x408: {  	v10 =	vld [tilespmem:s1+$0xA6A0];
	(v2sf) =	vpush v3, $0xF;
	[tilespmem:s29+$0x12690] =	vst v4  }
0x409: {  	(v2sf) =	vpush v5, $0x4;
	v34 =	vld [tilespmem:s18+$0xA6A0];
	_ =	sdelay $0x3  }
0x40a: {  	v35 =	vmul.f32 $8.000000000e+00, v10  }
0x40b: {  	v3 =	vmul.f32 $8.000000000e+00, v34  }
0x40c: {  	[tilespmem:s28+$0x126A0] =	vst v35  }
0x40d: {  	v4 =	vld [tilespmem:s1+$0xA6B0];
	[tilespmem:s29+$0x126A0] =	vst v3  }
0x40e: {  	v3 =	vld [tilespmem:s18+$0xA6B0];
	_ =	sdelay $0x2  }
0x40f: {  	s21 =	spop (v2sf)  }
0x410: {  	v4 =	vmul.f32 $8.000000000e+00, v4;
	s18 =	spop (v2sf)  }
0x411: {  	s15 =	spop (v2sf);
	v3 =	vmul.f32 $8.000000000e+00, v3  }
0x412: {  	[tilespmem:s28+$0x126B0] =	vst v4;
	s1 =	spop (v2sf)  }
0x413: {  	v4 =	vld [tilespmem:s4+$0xA700];
	s6 =	spop (v2sf);
	[tilespmem:s29+$0x126B0] =	vst v3  }
0x414: {  	v3 =	vld [tilespmem:s6+$0xA700];
	_ =	sdelay $0x3  }
0x415: {  	v4 =	vmul.f32 $8.000000000e+00, v4  }
0x416: {  	v3 =	vmul.f32 $8.000000000e+00, v3  }
0x417: {  	[tilespmem:s28+$0x12700] =	vst v4  }
0x418: {  	v4 =	vld [tilespmem:s4+$0xA710];
	[tilespmem:s29+$0x12700] =	vst v3  }
0x419: {  	v3 =	vld [tilespmem:s6+$0xA710];
	_ =	sdelay $0x3  }
0x41a: {  	v4 =	vmul.f32 $8.000000000e+00, v4  }
0x41b: {  	(v2sf) =	vpush v0, $0x7;
	v3 =	vmul.f32 $8.000000000e+00, v3  }
0x41c: {  	(v2sf) =	vpush v1, $0xA;
	[tilespmem:s28+$0x12710] =	vst v4  }
0x41d: {  	(v2sf) =	vpush v2, $0xD;
	v4 =	vld [tilespmem:s4+$0xA720];
	[tilespmem:s29+$0x12710] =	vst v3  }
0x41e: {  	(v2sf) =	vpush v5, $0x5;
	v3 =	vld [tilespmem:s6+$0xA720];
	_ =	sdelay $0x3  }
0x41f: {  	v4 =	vmul.f32 $8.000000000e+00, v4  }
0x420: {  	v3 =	vmul.f32 $8.000000000e+00, v3  }
0x421: {  	[tilespmem:s28+$0x12720] =	vst v4  }
0x422: {  	v4 =	vld [tilespmem:s4+$0xA730];
	[tilespmem:s29+$0x12720] =	vst v3  }
0x423: {  	v3 =	vld [tilespmem:s6+$0xA730];
	_ =	sdelay $0x3  }
0x424: {  	v4 =	vmul.f32 $8.000000000e+00, v4;
	s6 =	spop (v2sf)  }
0x425: {  	s12 =	spop (v2sf);
	v3 =	vmul.f32 $8.000000000e+00, v3  }
0x426: {  	[tilespmem:s28+$0x12730] =	vst v4;
	s14 =	spop (v2sf)  }
0x427: {  	v4 =	vld [tilespmem:s2+$0xA780];
	s11 =	spop (v2sf);
	[tilespmem:s29+$0x12730] =	vst v3  }
0x428: {  	v3 =	vld [tilespmem:s11+$0xA780];
	_ =	sdelay $0x3  }
0x429: {  	v4 =	vmul.f32 $8.000000000e+00, v4  }
0x42a: {  	v3 =	vmul.f32 $8.000000000e+00, v3  }
0x42b: {  	[tilespmem:s28+$0x12780] =	vst v4  }
0x42c: {  	v4 =	vld [tilespmem:s2+$0xA790];
	[tilespmem:s29+$0x12780] =	vst v3  }
0x42d: {  	v3 =	vld [tilespmem:s11+$0xA790];
	_ =	sdelay $0x3  }
0x42e: {  	v4 =	vmul.f32 $8.000000000e+00, v4  }
0x42f: {  	(v2sf) =	vpush v0, $0x8;
	v3 =	vmul.f32 $8.000000000e+00, v3  }
0x430: {  	(v2sf) =	vpush v1, $0xB;
	[tilespmem:s28+$0x12790] =	vst v4  }
0x431: {  	(v2sf) =	vpush v2, $0xE;
	v4 =	vld [tilespmem:s2+$0xA7A0];
	[tilespmem:s29+$0x12790] =	vst v3  }
0x432: {  	(v2sf) =	vpush v5, $0x6;
	v3 =	vld [tilespmem:s11+$0xA7A0];
	_ =	sdelay $0x3  }
0x433: {  	v4 =	vmul.f32 $8.000000000e+00, v4  }
0x434: {  	v3 =	vmul.f32 $8.000000000e+00, v3  }
0x435: {  	[tilespmem:s28+$0x127A0] =	vst v4  }
0x436: {  	v4 =	vld [tilespmem:s2+$0xA7B0];
	[tilespmem:s29+$0x127A0] =	vst v3  }
0x437: {  	v3 =	vld [tilespmem:s11+$0xA7B0];
	_ =	sdelay $0x3  }
0x438: {  	s4 =	spop (v2sf);
	v4 =	vmul.f32 $8.000000000e+00, v4  }
0x439: {  	s2 =	spop (v2sf);
	v3 =	vmul.f32 $8.000000000e+00, v3  }
0x43a: {  	s8 =	spop (v2sf);
	[tilespmem:s28+$0x127B0] =	vst v4  }
0x43b: {  	v4 =	vld [tilespmem:s21+$0xA800];
	s11 =	spop (v2sf);
	[tilespmem:s29+$0x127B0] =	vst v3  }
0x43c: {  	v3 =	vld [tilespmem:s11+$0xA800];
	_ =	sdelay $0x2  }
0x43d: {  	v9 =	vmul.f32 $8.000000000e+00, v32  }
0x43e: {  	v4 =	vmul.f32 $8.000000000e+00, v4  }
0x43f: {  	[tilespmem:s26+$0x12800] =	vst v9;
	v3 =	vmul.f32 $8.000000000e+00, v3  }
0x440: {  	v9 =	vld [tilespmem:s9+$0xA810];
	[tilespmem:s28+$0x12800] =	vst v4  }
0x441: {  	v4 =	vld [tilespmem:s21+$0xA810];
	[tilespmem:s29+$0x12800] =	vst v3  }
0x442: {  	v3 =	vld [tilespmem:s11+$0xA810];
	_ =	sdelay $0x2  }
0x443: {  	v9 =	vmul.f32 $8.000000000e+00, v9  }
0x444: {  	v4 =	vmul.f32 $8.000000000e+00, v4  }
0x445: {  	[tilespmem:s26+$0x12810] =	vst v9;
	(v2sf) =	vpush v0, $0x9;
	v3 =	vmul.f32 $8.000000000e+00, v3  }
0x446: {  	v9 =	vld [tilespmem:s9+$0xA820];
	(v2sf) =	vpush v1, $0xC;
	[tilespmem:s28+$0x12810] =	vst v4  }
0x447: {  	(v2sf) =	vpush v2, $0xF;
	v4 =	vld [tilespmem:s21+$0xA820];
	[tilespmem:s29+$0x12810] =	vst v3  }
0x448: {  	(v2sf) =	vpush v5, $0x7;
	v36 =	vld [tilespmem:s11+$0xA820];
	_ =	sdelay $0x2  }
0x449: {  	v37 =	vmul.f32 $8.000000000e+00, v9  }
0x44a: {  	v4 =	vmul.f32 $8.000000000e+00, v4  }
0x44b: {  	[tilespmem:s26+$0x12820] =	vst v37;
	v2 =	vmul.f32 $8.000000000e+00, v36  }
0x44c: {  	[tilespmem:s28+$0x12820] =	vst v4;
	v3 =	vld [tilespmem:s9+$0xA830]  }
0x44d: {  	v4 =	vld [tilespmem:s21+$0xA830];
	[tilespmem:s29+$0x12820] =	vst v2  }
0x44e: {  	v2 =	vld [tilespmem:s11+$0xA830];
	_ =	sdelay $0x2  }
0x44f: {  	v3 =	vmul.f32 $8.000000000e+00, v3  }
0x450: {  	s3 =	spop (v2sf);
	v4 =	vmul.f32 $8.000000000e+00, v4  }
0x451: {  	s9 =	spop (v2sf);
	[tilespmem:s26+$0x12830] =	vst v3;
	v2 =	vmul.f32 $8.000000000e+00, v2  }
0x452: {  	[tilespmem:s28+$0x12830] =	vst v4;
	v3 =	vld [tilespmem:s19+$0xA880];
	s11 =	spop (v2sf)  }
0x453: {  	v4 =	vld [tilespmem:s6+$0xA880];
	s21 =	spop (v2sf);
	[tilespmem:s29+$0x12830] =	vst v2  }
0x454: {  	v2 =	vld [tilespmem:s21+$0xA880];
	_ =	sdelay $0x2  }
0x455: {  	v3 =	vmul.f32 $8.000000000e+00, v3  }
0x456: {  	v4 =	vmul.f32 $8.000000000e+00, v4  }
0x457: {  	[tilespmem:s26+$0x12880] =	vst v3;
	v2 =	vmul.f32 $8.000000000e+00, v2  }
0x458: {  	[tilespmem:s28+$0x12880] =	vst v4;
	v3 =	vld [tilespmem:s19+$0xA890]  }
0x459: {  	v4 =	vld [tilespmem:s6+$0xA890];
	[tilespmem:s29+$0x12880] =	vst v2  }
0x45a: {  	v2 =	vld [tilespmem:s21+$0xA890];
	_ =	sdelay $0x2  }
0x45b: {  	v3 =	vmul.f32 $8.000000000e+00, v3  }
0x45c: {  	v4 =	vmul.f32 $8.000000000e+00, v4  }
0x45d: {  	[tilespmem:s26+$0x12890] =	vst v3;
	v2 =	vmul.f32 $8.000000000e+00, v2  }
0x45e: {  	(v2sf) =	vpush v0, $0xA;
	[tilespmem:s28+$0x12890] =	vst v4;
	v3 =	vld [tilespmem:s19+$0xA8A0]  }
0x45f: {  	(v2sf) =	vpush v1, $0xD;
	v4 =	vld [tilespmem:s6+$0xA8A0];
	[tilespmem:s29+$0x12890] =	vst v2  }
0x460: {  	(v2sf) =	vpush v5, $0x8;
	v2 =	vld [tilespmem:s21+$0xA8A0];
	_ =	sdelay $0x2  }
0x461: {  	v3 =	vmul.f32 $8.000000000e+00, v3  }
0x462: {  	v4 =	vmul.f32 $8.000000000e+00, v4  }
0x463: {  	[tilespmem:s26+$0x128A0] =	vst v3;
	v2 =	vmul.f32 $8.000000000e+00, v2  }
0x464: {  	[tilespmem:s28+$0x128A0] =	vst v4;
	v3 =	vld [tilespmem:s19+$0xA8B0]  }
0x465: {  	v4 =	vld [tilespmem:s6+$0xA8B0];
	[tilespmem:s29+$0x128A0] =	vst v2  }
0x466: {  	v2 =	vld [tilespmem:s21+$0xA8B0];
	_ =	sdelay $0x2  }
0x467: {  	v3 =	vmul.f32 $8.000000000e+00, v3  }
0x468: {  	v4 =	vmul.f32 $8.000000000e+00, v4  }
0x469: {  	s6 =	spop (v2sf);
	[tilespmem:s26+$0x128B0] =	vst v3;
	v2 =	vmul.f32 $8.000000000e+00, v2  }
0x46a: {  	s19 =	spop (v2sf);
	[tilespmem:s28+$0x128B0] =	vst v4;
	v3 =	vld [tilespmem:s16+$0xA900]  }
0x46b: {  	v4 =	vld [tilespmem:s4+$0xA900];
	s21 =	spop (v2sf);
	[tilespmem:s29+$0x128B0] =	vst v2  }
0x46c: {  	v2 =	vld [tilespmem:s21+$0xA900];
	_ =	sdelay $0x2  }
0x46d: {  	v3 =	vmul.f32 $8.000000000e+00, v3  }
0x46e: {  	v4 =	vmul.f32 $8.000000000e+00, v4  }
0x46f: {  	[tilespmem:s26+$0x12900] =	vst v3;
	v2 =	vmul.f32 $8.000000000e+00, v2  }
0x470: {  	[tilespmem:s28+$0x12900] =	vst v4;
	v3 =	vld [tilespmem:s16+$0xA910]  }
0x471: {  	v4 =	vld [tilespmem:s4+$0xA910];
	[tilespmem:s29+$0x12900] =	vst v2  }
0x472: {  	v2 =	vld [tilespmem:s21+$0xA910];
	_ =	sdelay $0x2  }
0x473: {  	v3 =	vmul.f32 $8.000000000e+00, v3  }
0x474: {  	v4 =	vmul.f32 $8.000000000e+00, v4  }
0x475: {  	[tilespmem:s26+$0x12910] =	vst v3;
	v2 =	vmul.f32 $8.000000000e+00, v2  }
0x476: {  	(v2sf) =	vpush v0, $0xB;
	[tilespmem:s28+$0x12910] =	vst v4;
	v3 =	vld [tilespmem:s16+$0xA920]  }
0x477: {  	(v2sf) =	vpush v1, $0xE;
	v4 =	vld [tilespmem:s4+$0xA920];
	[tilespmem:s29+$0x12910] =	vst v2  }
0x478: {  	(v2sf) =	vpush v5, $0x9;
	v2 =	vld [tilespmem:s21+$0xA920];
	_ =	sdelay $0x2  }
0x479: {  	v3 =	vmul.f32 $8.000000000e+00, v3  }
0x47a: {  	v4 =	vmul.f32 $8.000000000e+00, v4  }
0x47b: {  	[tilespmem:s26+$0x12920] =	vst v3;
	v2 =	vmul.f32 $8.000000000e+00, v2  }
0x47c: {  	[tilespmem:s28+$0x12920] =	vst v4;
	v3 =	vld [tilespmem:s16+$0xA930]  }
0x47d: {  	v4 =	vld [tilespmem:s4+$0xA930];
	[tilespmem:s29+$0x12920] =	vst v2  }
0x47e: {  	v2 =	vld [tilespmem:s21+$0xA930];
	_ =	sdelay $0x1  }
0x47f: {  	v8 =	vmul.f32 $8.000000000e+00, v30  }
0x480: {  	v3 =	vmul.f32 $8.000000000e+00, v3  }
0x481: {  	[tilespmem:s25+$0x12930] =	vst v8;
	v4 =	vmul.f32 $8.000000000e+00, v4  }
0x482: {  	v8 =	vld [tilespmem:s13+$0xA980];
	s4 =	spop (v2sf);
	[tilespmem:s26+$0x12930] =	vst v3;
	v2 =	vmul.f32 $8.000000000e+00, v2  }
0x483: {  	s16 =	spop (v2sf);
	[tilespmem:s28+$0x12930] =	vst v4;
	v3 =	vld [tilespmem:s18+$0xA980]  }
0x484: {  	v4 =	vld [tilespmem:s3+$0xA980];
	s21 =	spop (v2sf);
	[tilespmem:s29+$0x12930] =	vst v2  }
0x485: {  	v2 =	vld [tilespmem:s21+$0xA980];
	_ =	sdelay $0x1  }
0x486: {  	v8 =	vmul.f32 $8.000000000e+00, v8  }
0x487: {  	v3 =	vmul.f32 $8.000000000e+00, v3  }
0x488: {  	[tilespmem:s25+$0x12980] =	vst v8;
	v4 =	vmul.f32 $8.000000000e+00, v4  }
0x489: {  	v8 =	vld [tilespmem:s13+$0xA990];
	[tilespmem:s26+$0x12980] =	vst v3;
	v2 =	vmul.f32 $8.000000000e+00, v2  }
0x48a: {  	[tilespmem:s28+$0x12980] =	vst v4;
	v3 =	vld [tilespmem:s18+$0xA990]  }
0x48b: {  	v4 =	vld [tilespmem:s3+$0xA990];
	[tilespmem:s29+$0x12980] =	vst v2  }
0x48c: {  	v2 =	vld [tilespmem:s21+$0xA990];
	_ =	sdelay $0x1  }
0x48d: {  	v8 =	vmul.f32 $8.000000000e+00, v8  }
0x48e: {  	v3 =	vmul.f32 $8.000000000e+00, v3  }
0x48f: {  	[tilespmem:s25+$0x12990] =	vst v8;
	v4 =	vmul.f32 $8.000000000e+00, v4  }
0x490: {  	v8 =	vld [tilespmem:s13+$0xA9A0];
	[tilespmem:s26+$0x12990] =	vst v3;
	v2 =	vmul.f32 $8.000000000e+00, v2  }
0x491: {  	(v2sf) =	vpush v0, $0xC;
	[tilespmem:s28+$0x12990] =	vst v4;
	v3 =	vld [tilespmem:s18+$0xA9A0]  }
0x492: {  	(v2sf) =	vpush v1, $0xF;
	v4 =	vld [tilespmem:s3+$0xA9A0];
	[tilespmem:s29+$0x12990] =	vst v2  }
0x493: {  	(v2sf) =	vpush v5, $0xA;
	v38 =	vld [tilespmem:s21+$0xA9A0];
	_ =	sdelay $0x1  }
0x494: {  	v39 =	vmul.f32 $8.000000000e+00, v8  }
0x495: {  	v3 =	vmul.f32 $8.000000000e+00, v3  }
0x496: {  	[tilespmem:s25+$0x129A0] =	vst v39;
	v40 =	vmul.f32 $8.000000000e+00, v4  }
0x497: {  	v41 =	vld [tilespmem:s13+$0xA9B0];
	[tilespmem:s26+$0x129A0] =	vst v3;
	v1 =	vmul.f32 $8.000000000e+00, v38  }
0x498: {  	[tilespmem:s28+$0x129A0] =	vst v40;
	v3 =	vld [tilespmem:s18+$0xA9B0]  }
0x499: {  	v2 =	vld [tilespmem:s3+$0xA9B0];
	[tilespmem:s29+$0x129A0] =	vst v1  }
0x49a: {  	v1 =	vld [tilespmem:s21+$0xA9B0];
	_ =	sdelay $0x1  }
0x49b: {  	v4 =	vmul.f32 $8.000000000e+00, v41  }
0x49c: {  	v3 =	vmul.f32 $8.000000000e+00, v3  }
0x49d: {  	[tilespmem:s25+$0x129B0] =	vst v4;
	v2 =	vmul.f32 $8.000000000e+00, v2  }
0x49e: {  	v4 =	vld [tilespmem:s17+$0xAA00];
	s18 =	spop (v2sf);
	[tilespmem:s26+$0x129B0] =	vst v3;
	v1 =	vmul.f32 $8.000000000e+00, v1  }
0x49f: {  	s13 =	spop (v2sf);
	[tilespmem:s28+$0x129B0] =	vst v2;
	v3 =	vld [tilespmem:s12+$0xAA00]  }
0x4a0: {  	v2 =	vld [tilespmem:s6+$0xAA00];
	s21 =	spop (v2sf);
	[tilespmem:s29+$0x129B0] =	vst v1  }
0x4a1: {  	v1 =	vld [tilespmem:s21+$0xAA00];
	_ =	sdelay $0x1  }
0x4a2: {  	v4 =	vmul.f32 $8.000000000e+00, v4  }
0x4a3: {  	v3 =	vmul.f32 $8.000000000e+00, v3  }
0x4a4: {  	[tilespmem:s25+$0x12A00] =	vst v4;
	v2 =	vmul.f32 $8.000000000e+00, v2  }
0x4a5: {  	v4 =	vld [tilespmem:s17+$0xAA10];
	[tilespmem:s26+$0x12A00] =	vst v3;
	v1 =	vmul.f32 $8.000000000e+00, v1  }
0x4a6: {  	[tilespmem:s28+$0x12A00] =	vst v2;
	v3 =	vld [tilespmem:s12+$0xAA10]  }
0x4a7: {  	v2 =	vld [tilespmem:s6+$0xAA10];
	[tilespmem:s29+$0x12A00] =	vst v1  }
0x4a8: {  	v1 =	vld [tilespmem:s21+$0xAA10];
	_ =	sdelay $0x1  }
0x4a9: {  	v4 =	vmul.f32 $8.000000000e+00, v4  }
0x4aa: {  	v3 =	vmul.f32 $8.000000000e+00, v3  }
0x4ab: {  	[tilespmem:s25+$0x12A10] =	vst v4;
	v2 =	vmul.f32 $8.000000000e+00, v2  }
0x4ac: {  	v4 =	vld [tilespmem:s17+$0xAA20];
	[tilespmem:s26+$0x12A10] =	vst v3;
	v1 =	vmul.f32 $8.000000000e+00, v1  }
0x4ad: {  	[tilespmem:s28+$0x12A10] =	vst v2;
	v3 =	vld [tilespmem:s12+$0xAA20]  }
0x4ae: {  	(v2sf) =	vpush v0, $0xD;
	v2 =	vld [tilespmem:s6+$0xAA20];
	[tilespmem:s29+$0x12A10] =	vst v1  }
0x4af: {  	(v2sf) =	vpush v5, $0xB;
	v1 =	vld [tilespmem:s21+$0xAA20];
	_ =	sdelay $0x1  }
0x4b0: {  	v4 =	vmul.f32 $8.000000000e+00, v4  }
0x4b1: {  	v3 =	vmul.f32 $8.000000000e+00, v3  }
0x4b2: {  	[tilespmem:s25+$0x12A20] =	vst v4;
	v2 =	vmul.f32 $8.000000000e+00, v2  }
0x4b3: {  	v4 =	vld [tilespmem:s17+$0xAA30];
	[tilespmem:s26+$0x12A20] =	vst v3;
	v1 =	vmul.f32 $8.000000000e+00, v1  }
0x4b4: {  	[tilespmem:s28+$0x12A20] =	vst v2;
	v3 =	vld [tilespmem:s12+$0xAA30]  }
0x4b5: {  	v2 =	vld [tilespmem:s6+$0xAA30];
	[tilespmem:s29+$0x12A20] =	vst v1  }
0x4b6: {  	v1 =	vld [tilespmem:s21+$0xAA30];
	_ =	sdelay $0x1  }
0x4b7: {  	v4 =	vmul.f32 $8.000000000e+00, v4  }
0x4b8: {  	v3 =	vmul.f32 $8.000000000e+00, v3  }
0x4b9: {  	[tilespmem:s25+$0x12A30] =	vst v4;
	v2 =	vmul.f32 $8.000000000e+00, v2  }
0x4ba: {  	v4 =	vld [tilespmem:s20+$0xAA80];
	[tilespmem:s26+$0x12A30] =	vst v3;
	v1 =	vmul.f32 $8.000000000e+00, v1  }
0x4bb: {  	s12 =	spop (v2sf);
	[tilespmem:s28+$0x12A30] =	vst v2;
	v3 =	vld [tilespmem:s2+$0xAA80]  }
0x4bc: {  	v2 =	vld [tilespmem:s4+$0xAA80];
	s21 =	spop (v2sf);
	[tilespmem:s29+$0x12A30] =	vst v1  }
0x4bd: {  	v1 =	vld [tilespmem:s21+$0xAA80];
	_ =	sdelay $0x1  }
0x4be: {  	v4 =	vmul.f32 $8.000000000e+00, v4  }
0x4bf: {  	v3 =	vmul.f32 $8.000000000e+00, v3  }
0x4c0: {  	[tilespmem:s25+$0x12A80] =	vst v4;
	v2 =	vmul.f32 $8.000000000e+00, v2  }
0x4c1: {  	v4 =	vld [tilespmem:s20+$0xAA90];
	[tilespmem:s26+$0x12A80] =	vst v3;
	v1 =	vmul.f32 $8.000000000e+00, v1  }
0x4c2: {  	[tilespmem:s28+$0x12A80] =	vst v2;
	v3 =	vld [tilespmem:s2+$0xAA90]  }
0x4c3: {  	v2 =	vld [tilespmem:s4+$0xAA90];
	[tilespmem:s29+$0x12A80] =	vst v1  }
0x4c4: {  	v1 =	vld [tilespmem:s21+$0xAA90];
	_ =	sdelay $0x1  }
0x4c5: {  	v4 =	vmul.f32 $8.000000000e+00, v4  }
0x4c6: {  	v3 =	vmul.f32 $8.000000000e+00, v3  }
0x4c7: {  	[tilespmem:s25+$0x12A90] =	vst v4;
	v2 =	vmul.f32 $8.000000000e+00, v2  }
0x4c8: {  	v4 =	vld [tilespmem:s20+$0xAAA0];
	[tilespmem:s26+$0x12A90] =	vst v3;
	v1 =	vmul.f32 $8.000000000e+00, v1  }
0x4c9: {  	[tilespmem:s28+$0x12A90] =	vst v2;
	v3 =	vld [tilespmem:s2+$0xAAA0]  }
0x4ca: {  	(v2sf) =	vpush v0, $0xE;
	v2 =	vld [tilespmem:s4+$0xAAA0];
	[tilespmem:s29+$0x12A90] =	vst v1  }
0x4cb: {  	(v2sf) =	vpush v5, $0xC;
	v1 =	vld [tilespmem:s21+$0xAAA0]  }
0x4cc: {  	v7 =	vmul.f32 $8.000000000e+00, v7  }
0x4cd: {  	v4 =	vmul.f32 $8.000000000e+00, v4  }
0x4ce: {  	[tilespmem:s24+$0x12AA0] =	vst v7;
	v3 =	vmul.f32 $8.000000000e+00, v3  }
0x4cf: {  	v7 =	vld [tilespmem:s7+$0xAAB0];
	[tilespmem:s25+$0x12AA0] =	vst v4;
	v2 =	vmul.f32 $8.000000000e+00, v2  }
0x4d0: {  	v4 =	vld [tilespmem:s20+$0xAAB0];
	[tilespmem:s26+$0x12AA0] =	vst v3;
	v1 =	vmul.f32 $8.000000000e+00, v1  }
0x4d1: {  	[tilespmem:s28+$0x12AA0] =	vst v2;
	v3 =	vld [tilespmem:s2+$0xAAB0]  }
0x4d2: {  	v2 =	vld [tilespmem:s4+$0xAAB0];
	[tilespmem:s29+$0x12AA0] =	vst v1  }
0x4d3: {  	v1 =	vld [tilespmem:s21+$0xAAB0]  }
0x4d4: {  	v7 =	vmul.f32 $8.000000000e+00, v7  }
0x4d5: {  	v4 =	vmul.f32 $8.000000000e+00, v4  }
0x4d6: {  	[tilespmem:s24+$0x12AB0] =	vst v7;
	v3 =	vmul.f32 $8.000000000e+00, v3  }
0x4d7: {  	v7 =	vld [tilespmem:s5+$0xAB00];
	[tilespmem:s25+$0x12AB0] =	vst v4;
	v2 =	vmul.f32 $8.000000000e+00, v2  }
0x4d8: {  	v4 =	vld [tilespmem:s15+$0xAB00];
	[tilespmem:s26+$0x12AB0] =	vst v3;
	v1 =	vmul.f32 $8.000000000e+00, v1  }
0x4d9: {  	s4 =	spop (v2sf);
	[tilespmem:s28+$0x12AB0] =	vst v2;
	v3 =	vld [tilespmem:s9+$0xAB00]  }
0x4da: {  	s6 =	spop (v2sf);
	v2 =	vld [tilespmem:s18+$0xAB00];
	[tilespmem:s29+$0x12AB0] =	vst v1  }
0x4db: {  	v1 =	vld [tilespmem:s6+$0xAB00]  }
0x4dc: {  	v7 =	vmul.f32 $8.000000000e+00, v7  }
0x4dd: {  	v4 =	vmul.f32 $8.000000000e+00, v4  }
0x4de: {  	[tilespmem:s24+$0x12B00] =	vst v7;
	v3 =	vmul.f32 $8.000000000e+00, v3  }
0x4df: {  	v7 =	vld [tilespmem:s5+$0xAB10];
	[tilespmem:s25+$0x12B00] =	vst v4;
	v2 =	vmul.f32 $8.000000000e+00, v2  }
0x4e0: {  	v4 =	vld [tilespmem:s15+$0xAB10];
	[tilespmem:s26+$0x12B00] =	vst v3;
	v1 =	vmul.f32 $8.000000000e+00, v1  }
0x4e1: {  	[tilespmem:s28+$0x12B00] =	vst v2;
	v3 =	vld [tilespmem:s9+$0xAB10]  }
0x4e2: {  	v2 =	vld [tilespmem:s18+$0xAB10];
	[tilespmem:s29+$0x12B00] =	vst v1  }
0x4e3: {  	v1 =	vld [tilespmem:s6+$0xAB10]  }
0x4e4: {  	v7 =	vmul.f32 $8.000000000e+00, v7  }
0x4e5: {  	v4 =	vmul.f32 $8.000000000e+00, v4  }
0x4e6: {  	[tilespmem:s24+$0x12B10] =	vst v7;
	v3 =	vmul.f32 $8.000000000e+00, v3  }
0x4e7: {  	v7 =	vld [tilespmem:s5+$0xAB20];
	[tilespmem:s25+$0x12B10] =	vst v4;
	v2 =	vmul.f32 $8.000000000e+00, v2  }
0x4e8: {  	v4 =	vld [tilespmem:s15+$0xAB20];
	[tilespmem:s26+$0x12B10] =	vst v3;
	v1 =	vmul.f32 $8.000000000e+00, v1  }
0x4e9: {  	[tilespmem:s28+$0x12B10] =	vst v2;
	v3 =	vld [tilespmem:s9+$0xAB20]  }
0x4ea: {  	(v2sf) =	vpush v0, $0xF;
	v2 =	vld [tilespmem:s18+$0xAB20];
	[tilespmem:s29+$0x12B10] =	vst v1  }
0x4eb: {  	(v2sf) =	vpush v5, $0xD;
	v42 =	vld [tilespmem:s6+$0xAB20]  }
0x4ec: {  	v43 =	vmul.f32 $8.000000000e+00, v7  }
0x4ed: {  	v4 =	vmul.f32 $8.000000000e+00, v4  }
0x4ee: {  	[tilespmem:s24+$0x12B20] =	vst v43;
	v44 =	vmul.f32 $8.000000000e+00, v3  }
0x4ef: {  	v45 =	vld [tilespmem:s5+$0xAB30];
	[tilespmem:s25+$0x12B20] =	vst v4;
	v2 =	vmul.f32 $8.000000000e+00, v2  }
0x4f0: {  	v4 =	vld [tilespmem:s15+$0xAB30];
	[tilespmem:s26+$0x12B20] =	vst v44;
	v0 =	vmul.f32 $8.000000000e+00, v42  }
0x4f1: {  	[tilespmem:s28+$0x12B20] =	vst v2;
	v1 =	vld [tilespmem:s9+$0xAB30]  }
0x4f2: {  	v2 =	vld [tilespmem:s18+$0xAB30];
	[tilespmem:s29+$0x12B20] =	vst v0  }
0x4f3: {  	v0 =	vld [tilespmem:s6+$0xAB30]  }
0x4f4: {  	v3 =	vmul.f32 $8.000000000e+00, v45  }
0x4f5: {  	v4 =	vmul.f32 $8.000000000e+00, v4  }
0x4f6: {  	[tilespmem:s24+$0x12B30] =	vst v3;
	v1 =	vmul.f32 $8.000000000e+00, v1  }
0x4f7: {  	[tilespmem:s25+$0x12B30] =	vst v4;
	v3 =	vld [tilespmem:s10+$0xAB80];
	v2 =	vmul.f32 $8.000000000e+00, v2  }
0x4f8: {  	v4 =	vld [tilespmem:s14+$0xAB80];
	[tilespmem:s26+$0x12B30] =	vst v1;
	v0 =	vmul.f32 $8.000000000e+00, v0  }
0x4f9: {  	s17 =	spop (v2sf);
	[tilespmem:s28+$0x12B30] =	vst v2;
	v1 =	vld [tilespmem:s19+$0xAB80]  }
0x4fa: {  	s18 =	spop (v2sf);
	v2 =	vld [tilespmem:s12+$0xAB80];
	[tilespmem:s29+$0x12B30] =	vst v0  }
0x4fb: {  	v0 =	vld [tilespmem:s18+$0xAB80]  }
0x4fc: {  	v3 =	vmul.f32 $8.000000000e+00, v3  }
0x4fd: {  	v4 =	vmul.f32 $8.000000000e+00, v4  }
0x4fe: {  	[tilespmem:s24+$0x12B80] =	vst v3;
	v1 =	vmul.f32 $8.000000000e+00, v1  }
0x4ff: {  	[tilespmem:s25+$0x12B80] =	vst v4;
	v3 =	vld [tilespmem:s10+$0xAB90];
	v2 =	vmul.f32 $8.000000000e+00, v2  }
0x500: {  	v4 =	vld [tilespmem:s14+$0xAB90];
	[tilespmem:s26+$0x12B80] =	vst v1;
	v0 =	vmul.f32 $8.000000000e+00, v0  }
0x501: {  	[tilespmem:s28+$0x12B80] =	vst v2;
	v1 =	vld [tilespmem:s19+$0xAB90]  }
0x502: {  	v2 =	vld [tilespmem:s12+$0xAB90];
	[tilespmem:s29+$0x12B80] =	vst v0  }
0x503: {  	v0 =	vld [tilespmem:s18+$0xAB90]  }
0x504: {  	v3 =	vmul.f32 $8.000000000e+00, v3  }
0x505: {  	v4 =	vmul.f32 $8.000000000e+00, v4  }
0x506: {  	[tilespmem:s24+$0x12B90] =	vst v3;
	v1 =	vmul.f32 $8.000000000e+00, v1  }
0x507: {  	[tilespmem:s25+$0x12B90] =	vst v4;
	v3 =	vld [tilespmem:s10+$0xABA0];
	v2 =	vmul.f32 $8.000000000e+00, v2  }
0x508: {  	v4 =	vld [tilespmem:s14+$0xABA0];
	[tilespmem:s26+$0x12B90] =	vst v1;
	v0 =	vmul.f32 $8.000000000e+00, v0  }
0x509: {  	[tilespmem:s28+$0x12B90] =	vst v2;
	v1 =	vld [tilespmem:s19+$0xABA0]  }
0x50a: {  	v2 =	vld [tilespmem:s12+$0xABA0];
	[tilespmem:s29+$0x12B90] =	vst v0  }
0x50b: {  	(v2sf) =	vpush v5, $0xE;
	v0 =	vld [tilespmem:s18+$0xABA0]  }
0x50c: {  	v3 =	vmul.f32 $8.000000000e+00, v3  }
0x50d: {  	v4 =	vmul.f32 $8.000000000e+00, v4  }
0x50e: {  	[tilespmem:s24+$0x12BA0] =	vst v3;
	v1 =	vmul.f32 $8.000000000e+00, v1  }
0x50f: {  	[tilespmem:s25+$0x12BA0] =	vst v4;
	v3 =	vld [tilespmem:s10+$0xABB0];
	v2 =	vmul.f32 $8.000000000e+00, v2  }
0x510: {  	v4 =	vld [tilespmem:s14+$0xABB0];
	[tilespmem:s26+$0x12BA0] =	vst v1;
	v0 =	vmul.f32 $8.000000000e+00, v0  }
0x511: {  	[tilespmem:s28+$0x12BA0] =	vst v2;
	v1 =	vld [tilespmem:s19+$0xABB0]  }
0x512: {  	v2 =	vld [tilespmem:s12+$0xABB0];
	[tilespmem:s29+$0x12BA0] =	vst v0  }
0x513: {  	v0 =	vld [tilespmem:s18+$0xABB0]  }
0x514: {  	v3 =	vmul.f32 $8.000000000e+00, v3  }
0x515: {  	v4 =	vmul.f32 $8.000000000e+00, v4  }
0x516: {  	[tilespmem:s24+$0x12BB0] =	vst v3;
	v1 =	vmul.f32 $8.000000000e+00, v1  }
0x517: {  	[tilespmem:s25+$0x12BB0] =	vst v4;
	v3 =	vld [tilespmem:s0+$0xAC00];
	v2 =	vmul.f32 $8.000000000e+00, v2  }
0x518: {  	v4 =	vld [tilespmem:s8+$0xAC00];
	[tilespmem:s26+$0x12BB0] =	vst v1;
	v0 =	vmul.f32 $8.000000000e+00, v0  }
0x519: {  	[tilespmem:s28+$0x12BB0] =	vst v2;
	v1 =	vld [tilespmem:s16+$0xAC00]  }
0x51a: {  	s20 =	spop (v2sf);
	v2 =	vld [tilespmem:s4+$0xAC00];
	[tilespmem:s29+$0x12BB0] =	vst v0  }
0x51b: {  	v0 =	vld [tilespmem:s20+$0xAC00]  }
0x51c: {  	v3 =	vmul.f32 $8.000000000e+00, v3  }
0x51d: {  	v4 =	vmul.f32 $8.000000000e+00, v4  }
0x51e: {  	[tilespmem:s24+$0x12C00] =	vst v3;
	v1 =	vmul.f32 $8.000000000e+00, v1  }
0x51f: {  	[tilespmem:s25+$0x12C00] =	vst v4;
	v3 =	vld [tilespmem:s0+$0xAC10];
	v2 =	vmul.f32 $8.000000000e+00, v2  }
0x520: {  	v4 =	vld [tilespmem:s8+$0xAC10];
	[tilespmem:s26+$0x12C00] =	vst v1;
	v0 =	vmul.f32 $8.000000000e+00, v0  }
0x521: {  	[tilespmem:s28+$0x12C00] =	vst v2;
	v1 =	vld [tilespmem:s16+$0xAC10]  }
0x522: {  	v2 =	vld [tilespmem:s4+$0xAC10];
	[tilespmem:s29+$0x12C00] =	vst v0  }
0x523: {  	v0 =	vld [tilespmem:s20+$0xAC10]  }
0x524: {  	v3 =	vmul.f32 $8.000000000e+00, v3  }
0x525: {  	v4 =	vmul.f32 $8.000000000e+00, v4  }
0x526: {  	[tilespmem:s24+$0x12C10] =	vst v3;
	v1 =	vmul.f32 $8.000000000e+00, v1  }
0x527: {  	[tilespmem:s25+$0x12C10] =	vst v4;
	v3 =	vld [tilespmem:s0+$0xAC20];
	v2 =	vmul.f32 $8.000000000e+00, v2  }
0x528: {  	v4 =	vld [tilespmem:s8+$0xAC20];
	[tilespmem:s26+$0x12C10] =	vst v1;
	v0 =	vmul.f32 $8.000000000e+00, v0  }
0x529: {  	[tilespmem:s28+$0x12C10] =	vst v2;
	v1 =	vld [tilespmem:s16+$0xAC20]  }
0x52a: {  	v2 =	vld [tilespmem:s4+$0xAC20];
	[tilespmem:s29+$0x12C10] =	vst v0  }
0x52b: {  	v46 =	vmul.f32 $8.000000000e+00, v6;
	(v2sf) =	vpush v5, $0xF;
	v47 =	vld [tilespmem:s20+$0xAC20]  }
0x52c: {  	v3 =	vmul.f32 $8.000000000e+00, v3  }
0x52d: {  	[tilespmem:s23+$0x12C20] =	vst v46;
	v48 =	vmul.f32 $8.000000000e+00, v4  }
0x52e: {  	v49 =	vld [tilespmem:s31+$0xAC30];
	[tilespmem:s24+$0x12C20] =	vst v3;
	v1 =	vmul.f32 $8.000000000e+00, v1  }
0x52f: {  	[tilespmem:s25+$0x12C20] =	vst v48;
	v3 =	vld [tilespmem:s0+$0xAC30];
	v50 =	vmul.f32 $8.000000000e+00, v2  }
0x530: {  	v51 =	vld [tilespmem:s8+$0xAC30];
	[tilespmem:s26+$0x12C20] =	vst v1;
	v52 =	vmul.f32 $8.000000000e+00, v47  }
0x531: {  	[tilespmem:s28+$0x12C20] =	vst v50;
	v53 =	vld [tilespmem:s16+$0xAC30]  }
0x532: {  	v0 =	vld [tilespmem:s4+$0xAC30];
	[tilespmem:s29+$0x12C20] =	vst v52  }
0x533: {  	v54 =	vmul.f32 $8.000000000e+00, v49;
	v55 =	vld [tilespmem:s20+$0xAC30]  }
0x534: {  	v3 =	vmul.f32 $8.000000000e+00, v3  }
0x535: {  	[tilespmem:s23+$0x12C30] =	vst v54;
	v56 =	vmul.f32 $8.000000000e+00, v51  }
0x536: {  	v57 =	vld [tilespmem:s30+$0xAC80];
	[tilespmem:s24+$0x12C30] =	vst v3;
	v58 =	vmul.f32 $8.000000000e+00, v53  }
0x537: {  	[tilespmem:s25+$0x12C30] =	vst v56;
	v59 =	vld [tilespmem:s1+$0xAC80];
	v0 =	vmul.f32 $8.000000000e+00, v0  }
0x538: {  	v1 =	vld [tilespmem:s11+$0xAC80];
	[tilespmem:s26+$0x12C30] =	vst v58;
	v60 =	vmul.f32 $8.000000000e+00, v55  }
0x539: {  	[tilespmem:s28+$0x12C30] =	vst v0;
	v61 =	vld [tilespmem:s13+$0xAC80]  }
0x53a: {  	s21 =	spop (v2sf);
	v0 =	vld [tilespmem:s17+$0xAC80];
	[tilespmem:s29+$0x12C30] =	vst v60  }
0x53b: {  	v2 =	vmul.f32 $8.000000000e+00, v57;
	v3 =	vld [tilespmem:s21+$0xAC80]  }
0x53c: {  	v5 =	vmul.f32 $8.000000000e+00, v59  }
0x53d: {  	[tilespmem:s23+$0x12C80] =	vst v2;
	v1 =	vmul.f32 $8.000000000e+00, v1  }
0x53e: {  	v2 =	vld [tilespmem:s30+$0xAC90];
	[tilespmem:s24+$0x12C80] =	vst v5;
	v4 =	vmul.f32 $8.000000000e+00, v61  }
0x53f: {  	[tilespmem:s25+$0x12C80] =	vst v1;
	v5 =	vld [tilespmem:s1+$0xAC90];
	v0 =	vmul.f32 $8.000000000e+00, v0  }
0x540: {  	v1 =	vld [tilespmem:s11+$0xAC90];
	[tilespmem:s26+$0x12C80] =	vst v4;
	v3 =	vmul.f32 $8.000000000e+00, v3  }
0x541: {  	[tilespmem:s28+$0x12C80] =	vst v0;
	v4 =	vld [tilespmem:s13+$0xAC90]  }
0x542: {  	v0 =	vld [tilespmem:s17+$0xAC90];
	[tilespmem:s29+$0x12C80] =	vst v3  }
0x543: {  	v2 =	vmul.f32 $8.000000000e+00, v2;
	v3 =	vld [tilespmem:s21+$0xAC90]  }
0x544: {  	v5 =	vmul.f32 $8.000000000e+00, v5  }
0x545: {  	[tilespmem:s23+$0x12C90] =	vst v2;
	v1 =	vmul.f32 $8.000000000e+00, v1  }
0x546: {  	v2 =	vld [tilespmem:s30+$0xACA0];
	[tilespmem:s24+$0x12C90] =	vst v5;
	v4 =	vmul.f32 $8.000000000e+00, v4  }
0x547: {  	[tilespmem:s25+$0x12C90] =	vst v1;
	v5 =	vld [tilespmem:s1+$0xACA0];
	v0 =	vmul.f32 $8.000000000e+00, v0  }
0x548: {  	v1 =	vld [tilespmem:s11+$0xACA0];
	[tilespmem:s26+$0x12C90] =	vst v4;
	v3 =	vmul.f32 $8.000000000e+00, v3  }
0x549: {  	[tilespmem:s28+$0x12C90] =	vst v0;
	v4 =	vld [tilespmem:s13+$0xACA0]  }
0x54a: {  	v0 =	vld [tilespmem:s17+$0xACA0];
	[tilespmem:s29+$0x12C90] =	vst v3  }
0x54b: {  	v2 =	vmul.f32 $8.000000000e+00, v2;
	v3 =	vld [tilespmem:s21+$0xACA0]  }
0x54c: {  	v5 =	vmul.f32 $8.000000000e+00, v5  }
0x54d: {  	[tilespmem:s23+$0x12CA0] =	vst v2;
	v1 =	vmul.f32 $8.000000000e+00, v1  }
0x54e: {  	v2 =	vld [tilespmem:s30+$0xACB0];
	[tilespmem:s24+$0x12CA0] =	vst v5;
	v4 =	vmul.f32 $8.000000000e+00, v4  }
0x54f: {  	[tilespmem:s25+$0x12CA0] =	vst v1;
	v5 =	vld [tilespmem:s1+$0xACB0];
	v0 =	vmul.f32 $8.000000000e+00, v0  }
0x550: {  	v1 =	vld [tilespmem:s11+$0xACB0];
	[tilespmem:s26+$0x12CA0] =	vst v4;
	v3 =	vmul.f32 $8.000000000e+00, v3  }
0x551: {  	[tilespmem:s28+$0x12CA0] =	vst v0;
	v4 =	vld [tilespmem:s13+$0xACB0]  }
0x552: {  	v0 =	vld [tilespmem:s17+$0xACB0];
	[tilespmem:s29+$0x12CA0] =	vst v3  }
0x553: {  	v2 =	vmul.f32 $8.000000000e+00, v2;
	v3 =	vld [tilespmem:s21+$0xACB0]  }
0x554: {  	v5 =	vmul.f32 $8.000000000e+00, v5  }
0x555: {  	[tilespmem:s23+$0x12CB0] =	vst v2;
	v1 =	vmul.f32 $8.000000000e+00, v1  }
0x556: {  	[tilespmem:s24+$0x12CB0] =	vst v5;
	v62 =	vmul.f32 $8.000000000e+00, v4  }
0x557: {  	[tilespmem:s25+$0x12CB0] =	vst v1;
	v0 =	vmul.f32 $8.000000000e+00, v0  }
0x558: {  	[tilespmem:s26+$0x12CB0] =	vst v62;
	v63 =	vmul.f32 $8.000000000e+00, v3  }
.Ltmp6:
0x559: {  	s25 =	sshll.u32 s22, $0xE;
	s26 =	rddreg [dreg:$0x6];
	[tilespmem:s28+$0x12CB0] =	vst v0;
	(pc) =	sbr.rel .LBB2_9-.Ltmp6, $4  }
0x55a: {  	s0 =	sadd.s32 s26, s25;
	[tilespmem:s29+$0x12CB0] =	vst v63  }
0x55b: {  	s0 =	sshrl.u32 s0, $0x3;
	s29 =	rddreg [dreg:$0x4]  }
0x55c: {  	s31 =	simm.s32 $0x12500;
	s30 =	simm.s32 $0x0;
	s0 =	sadd.s32 s29, s0  }
0x55d: {  	[hbm4b:s0+s30] =	stream.linear.scatter [tilespmem:s31], [sflag:$0x4], $0x4000, $0x38;
	[tilespmem:$0x16500] =	vst v63  }
.LBB2_3:
0x55e: {  	s0 =	sshll.u32 s22, $0x7  }
0x55f: {  	s0 =	sand.u32 $0x3FFFFF80, s0  }
0x560: {  	v0 =	vld [tilespmem:s0+$0x80];
	_ =	sdelay $0x4  }
0x561: {  	v0 =	vshra.s32 v0, $0x1  }
0x562: {  	[tilespmem:$0x6480] =	vst v0  }
0x563: {  	v0 =	vld [tilespmem:s0+$0x90];
	_ =	sdelay $0x4  }
0x564: {  	v0 =	vshra.s32 v0, $0x1  }
0x565: {  	[tilespmem:$0x6490] =	vst v0  }
0x566: {  	v0 =	vld [tilespmem:s0+$0xA0];
	_ =	sdelay $0x4  }
0x567: {  	v0 =	vshra.s32 v0, $0x1  }
0x568: {  	[tilespmem:$0x64A0] =	vst v0  }
0x569: {  	v0 =	vld [tilespmem:s0+$0xB0];
	_ =	sdelay $0x4  }
0x56a: {  	v0 =	vshra.s32 v0, $0x1  }
0x56b: {  	[tilespmem:$0x64B0] =	vst v0  }
0x56c: {  	v0 =	vld [tilespmem:s0+$0xC0];
	_ =	sdelay $0x4  }
0x56d: {  	v0 =	vshra.s32 v0, $0x1  }
0x56e: {  	[tilespmem:$0x64C0] =	vst v0  }
0x56f: {  	v0 =	vld [tilespmem:s0+$0xD0];
	_ =	sdelay $0x4  }
0x570: {  	v0 =	vshra.s32 v0, $0x1  }
0x571: {  	[tilespmem:$0x64D0] =	vst v0  }
0x572: {  	v0 =	vld [tilespmem:s0+$0xE0];
	_ =	sdelay $0x4  }
0x573: {  	v0 =	vshra.s32 v0, $0x1  }
0x574: {  	[tilespmem:$0x64E0] =	vst v0  }
0x575: {  	v0 =	vld [tilespmem:s0+$0xF0];
	_ =	sdelay $0x4  }
0x576: {  	s8 =	rddreg [dreg:$0x3];
	s1 =	simm.s32 $0x80;
	v0 =	vshra.s32 v0, $0x1  }
0x577: {  	s2 =	simm.s32 $0x6480;
	s3 =	simm.s32 $0xA500;
	s9 =	simm.s32 $0x1;
	[tilespmem:$0x64F0] =	vst v0  }
0x578: {  	[tilespmem:s3], [sflag:$0x2] =	stream.indirect.gather [hbm4b:s8+s1], $0x80, s2, s1, $0xb8;
	[tilespmem:$0x16500] =	vst v63  }
0x579: {  	_ =	swait.ge [sflag:s9], $0x4000  }
0x57a: {  	p0 =	slt.u32 s22, $0x2;
	[sflag:s9] =	ssyncset.done $0x0  }
0x57b: {  	s0 =	simm.s32 @!p0 $0x3;
	[sflag:s9] =	ssyncadd.s32 $0xFFFFC000  }
0x57c: {  	_ =	swait.ge @!p0 [sflag:s0], $0x4000  }
0x57d: {  	[sflag:s0] =	ssyncset.done @!p0 $0x0  }
0x57e: {  	[sflag:s0] =	ssyncadd.s32 @!p0 $0xFFFFC000  }
0x57f: {  	v0 =	vld [tilespmem:s4+$0x0];
	_ =	sdelay $0x4  }
0x580: {  	v0 =	vand.u32 $0x1, v0  }
0x581: {  	s23 =	simm.s32 $0x0;
	v0 =	vshll.u32 v0, $0x6  }
0x582: {  	v4 =	vadd.s32 s23, v0  }
0x583: {  	(v2sf) =	vpush v4, $0x0;
	_ =	sdelay $0xe  }
0x584: {  	s10 =	spop (v2sf)  }
0x585: {  	v0 =	vld [tilespmem:s10+$0x6500];
	_ =	sdelay $0x4  }
0x586: {  	v0 =	vmul.f32 $8.000000000e+00, v0;
	_ =	sdelay $0x1  }
0x587: {  	[tilespmem:s23+$0xE500] =	vst v0  }
0x588: {  	v0 =	vld [tilespmem:s10+$0x6510];
	_ =	sdelay $0x4  }
0x589: {  	v0 =	vmul.f32 $8.000000000e+00, v0;
	_ =	sdelay $0x1  }
0x58a: {  	[tilespmem:s23+$0xE510] =	vst v0  }
0x58b: {  	(v2sf) =	vpush v4, $0x1;
	v0 =	vld [tilespmem:s10+$0x6520];
	_ =	sdelay $0x4  }
0x58c: {  	v0 =	vmul.f32 $8.000000000e+00, v0;
	_ =	sdelay $0x1  }
0x58d: {  	[tilespmem:s23+$0xE520] =	vst v0  }
0x58e: {  	v0 =	vld [tilespmem:s10+$0x6530];
	_ =	sdelay $0x4  }
0x58f: {  	v0 =	vmul.f32 $8.000000000e+00, v0;
	_ =	sdelay $0x1  }
0x590: {  	s11 =	spop (v2sf);
	[tilespmem:s23+$0xE530] =	vst v0  }
0x591: {  	v0 =	vld [tilespmem:s11+$0x6580];
	_ =	sdelay $0x4  }
0x592: {  	v0 =	vmul.f32 $8.000000000e+00, v0;
	_ =	sdelay $0x1  }
0x593: {  	[tilespmem:s23+$0xE580] =	vst v0  }
0x594: {  	v0 =	vld [tilespmem:s11+$0x6590];
	_ =	sdelay $0x4  }
0x595: {  	v0 =	vmul.f32 $8.000000000e+00, v0;
	_ =	sdelay $0x1  }
0x596: {  	[tilespmem:s23+$0xE590] =	vst v0  }
0x597: {  	(v2sf) =	vpush v4, $0x2;
	v0 =	vld [tilespmem:s11+$0x65A0];
	_ =	sdelay $0x4  }
0x598: {  	v0 =	vmul.f32 $8.000000000e+00, v0;
	_ =	sdelay $0x1  }
0x599: {  	[tilespmem:s23+$0xE5A0] =	vst v0  }
0x59a: {  	v0 =	vld [tilespmem:s11+$0x65B0];
	_ =	sdelay $0x4  }
0x59b: {  	v0 =	vmul.f32 $8.000000000e+00, v0;
	_ =	sdelay $0x1  }
0x59c: {  	s12 =	spop (v2sf);
	[tilespmem:s23+$0xE5B0] =	vst v0  }
0x59d: {  	v0 =	vld [tilespmem:s12+$0x6600]  }
0x59e: {  	s13 =	sadd.s32 $0x10, s4  }
0x59f: {  	v1 =	vld [tilespmem:s13+$0x0];
	_ =	sdelay $0x2  }
0x5a0: {  	v0 =	vmul.f32 $8.000000000e+00, v0;
	_ =	sdelay $0x1  }
0x5a1: {  	v1 =	vand.u32 $0x1, v1;
	[tilespmem:s23+$0xE600] =	vst v0  }
0x5a2: {  	s24 =	simm.s32 $0x800;
	v0 =	vshll.u32 v1, $0x6;
	v1 =	vld [tilespmem:s12+$0x6610]  }
0x5a3: {  	v3 =	vadd.s32 s24, v0  }
0x5a4: {  	(v2sf) =	vpush v3, $0x0;
	_ =	sdelay $0x2  }
0x5a5: {  	v0 =	vmul.f32 $8.000000000e+00, v1;
	_ =	sdelay $0x1  }
0x5a6: {  	[tilespmem:s23+$0xE610] =	vst v0  }
0x5a7: {  	(v2sf) =	vpush v4, $0x3;
	v0 =	vld [tilespmem:s12+$0x6620];
	_ =	sdelay $0x4  }
0x5a8: {  	v0 =	vmul.f32 $8.000000000e+00, v0;
	_ =	sdelay $0x1  }
0x5a9: {  	[tilespmem:s23+$0xE620] =	vst v0  }
0x5aa: {  	v0 =	vld [tilespmem:s12+$0x6630]  }
0x5ab: {  	s14 =	spop (v2sf)  }
0x5ac: {  	v1 =	vld [tilespmem:s14+$0x6500];
	_ =	sdelay $0x2  }
0x5ad: {  	v0 =	vmul.f32 $8.000000000e+00, v0;
	_ =	sdelay $0x1  }
0x5ae: {  	s15 =	spop (v2sf);
	v1 =	vmul.f32 $8.000000000e+00, v1;
	[tilespmem:s23+$0xE630] =	vst v0  }
0x5af: {  	v0 =	vld [tilespmem:s15+$0x6680]  }
0x5b0: {  	[tilespmem:s24+$0xE500] =	vst v1  }
0x5b1: {  	v1 =	vld [tilespmem:s14+$0x6510];
	_ =	sdelay $0x2  }
0x5b2: {  	v0 =	vmul.f32 $8.000000000e+00, v0;
	_ =	sdelay $0x1  }
0x5b3: {  	v1 =	vmul.f32 $8.000000000e+00, v1;
	[tilespmem:s23+$0xE680] =	vst v0  }
0x5b4: {  	v0 =	vld [tilespmem:s15+$0x6690]  }
0x5b5: {  	[tilespmem:s24+$0xE510] =	vst v1  }
0x5b6: {  	(v2sf) =	vpush v3, $0x1;
	v1 =	vld [tilespmem:s14+$0x6520];
	_ =	sdelay $0x2  }
0x5b7: {  	v0 =	vmul.f32 $8.000000000e+00, v0;
	_ =	sdelay $0x1  }
0x5b8: {  	v1 =	vmul.f32 $8.000000000e+00, v1;
	[tilespmem:s23+$0xE690] =	vst v0  }
0x5b9: {  	(v2sf) =	vpush v4, $0x4;
	v0 =	vld [tilespmem:s15+$0x66A0]  }
0x5ba: {  	[tilespmem:s24+$0xE520] =	vst v1  }
0x5bb: {  	v1 =	vld [tilespmem:s14+$0x6530];
	_ =	sdelay $0x2  }
0x5bc: {  	v0 =	vmul.f32 $8.000000000e+00, v0;
	_ =	sdelay $0x1  }
0x5bd: {  	v1 =	vmul.f32 $8.000000000e+00, v1;
	[tilespmem:s23+$0xE6A0] =	vst v0  }
0x5be: {  	v0 =	vld [tilespmem:s15+$0x66B0]  }
0x5bf: {  	s16 =	spop (v2sf);
	[tilespmem:s24+$0xE530] =	vst v1  }
0x5c0: {  	v1 =	vld [tilespmem:s16+$0x6580];
	_ =	sdelay $0x2  }
0x5c1: {  	v0 =	vmul.f32 $8.000000000e+00, v0;
	_ =	sdelay $0x1  }
0x5c2: {  	s17 =	spop (v2sf);
	v1 =	vmul.f32 $8.000000000e+00, v1;
	[tilespmem:s23+$0xE6B0] =	vst v0  }
0x5c3: {  	v0 =	vld [tilespmem:s17+$0x6700]  }
0x5c4: {  	[tilespmem:s24+$0xE580] =	vst v1  }
0x5c5: {  	v1 =	vld [tilespmem:s16+$0x6590];
	_ =	sdelay $0x2  }
0x5c6: {  	v0 =	vmul.f32 $8.000000000e+00, v0;
	_ =	sdelay $0x1  }
0x5c7: {  	v1 =	vmul.f32 $8.000000000e+00, v1;
	[tilespmem:s23+$0xE700] =	vst v0  }
0x5c8: {  	v0 =	vld [tilespmem:s17+$0x6710]  }
0x5c9: {  	[tilespmem:s24+$0xE590] =	vst v1  }
0x5ca: {  	(v2sf) =	vpush v3, $0x2;
	v1 =	vld [tilespmem:s16+$0x65A0];
	_ =	sdelay $0x2  }
0x5cb: {  	v0 =	vmul.f32 $8.000000000e+00, v0;
	_ =	sdelay $0x1  }
0x5cc: {  	v1 =	vmul.f32 $8.000000000e+00, v1;
	[tilespmem:s23+$0xE710] =	vst v0  }
0x5cd: {  	(v2sf) =	vpush v4, $0x5;
	v0 =	vld [tilespmem:s17+$0x6720]  }
0x5ce: {  	[tilespmem:s24+$0xE5A0] =	vst v1  }
0x5cf: {  	v1 =	vld [tilespmem:s16+$0x65B0];
	_ =	sdelay $0x2  }
0x5d0: {  	v0 =	vmul.f32 $8.000000000e+00, v0;
	_ =	sdelay $0x1  }
0x5d1: {  	v1 =	vmul.f32 $8.000000000e+00, v1;
	[tilespmem:s23+$0xE720] =	vst v0  }
0x5d2: {  	v0 =	vld [tilespmem:s17+$0x6730]  }
0x5d3: {  	s18 =	spop (v2sf);
	[tilespmem:s24+$0xE5B0] =	vst v1  }
0x5d4: {  	v1 =	vld [tilespmem:s18+$0x6600]  }
0x5d5: {  	s0 =	sadd.s32 $0x10, s13  }
0x5d6: {  	v2 =	vld [tilespmem:s0+$0x0]  }
0x5d7: {  	v0 =	vmul.f32 $8.000000000e+00, v0;
	_ =	sdelay $0x1  }
0x5d8: {  	s19 =	spop (v2sf);
	v1 =	vmul.f32 $8.000000000e+00, v1;
	[tilespmem:s23+$0xE730] =	vst v0  }
0x5d9: {  	v0 =	vld [tilespmem:s19+$0x6780]  }
0x5da: {  	[tilespmem:s24+$0xE600] =	vst v1;
	v1 =	vand.u32 $0x1, v2  }
0x5db: {  	s25 =	simm.s32 $0x1000;
	v5 =	vld [tilespmem:s18+$0x6610];
	v1 =	vshll.u32 v1, $0x6  }
0x5dc: {  	v2 =	vadd.s32 s25, v1  }
0x5dd: {  	(v2sf) =	vpush v2, $0x0  }
0x5de: {  	v0 =	vmul.f32 $8.000000000e+00, v0;
	_ =	sdelay $0x1  }
0x5df: {  	v1 =	vmul.f32 $8.000000000e+00, v5;
	[tilespmem:s23+$0xE780] =	vst v0  }
0x5e0: {  	v0 =	vld [tilespmem:s19+$0x6790]  }
0x5e1: {  	[tilespmem:s24+$0xE610] =	vst v1  }
0x5e2: {  	(v2sf) =	vpush v3, $0x3;
	v1 =	vld [tilespmem:s18+$0x6620];
	_ =	sdelay $0x2  }
0x5e3: {  	v0 =	vmul.f32 $8.000000000e+00, v0;
	_ =	sdelay $0x1  }
0x5e4: {  	v1 =	vmul.f32 $8.000000000e+00, v1;
	[tilespmem:s23+$0xE790] =	vst v0  }
0x5e5: {  	(v2sf) =	vpush v4, $0x6;
	v0 =	vld [tilespmem:s19+$0x67A0]  }
0x5e6: {  	[tilespmem:s24+$0xE620] =	vst v1  }
0x5e7: {  	v1 =	vld [tilespmem:s18+$0x6630]  }
0x5e8: {  	s20 =	spop (v2sf)  }
0x5e9: {  	v5 =	vld [tilespmem:s20+$0x6500]  }
0x5ea: {  	v0 =	vmul.f32 $8.000000000e+00, v0;
	_ =	sdelay $0x1  }
0x5eb: {  	v1 =	vmul.f32 $8.000000000e+00, v1;
	[tilespmem:s23+$0xE7A0] =	vst v0  }
0x5ec: {  	v0 =	vld [tilespmem:s19+$0x67B0]  }
0x5ed: {  	s21 =	spop (v2sf);
	[tilespmem:s24+$0xE630] =	vst v1;
	v1 =	vmul.f32 $8.000000000e+00, v5  }
0x5ee: {  	v5 =	vld [tilespmem:s21+$0x6680]  }
0x5ef: {  	[tilespmem:s25+$0xE500] =	vst v1  }
0x5f0: {  	v1 =	vld [tilespmem:s20+$0x6510]  }
0x5f1: {  	v0 =	vmul.f32 $8.000000000e+00, v0;
	_ =	sdelay $0x1  }
0x5f2: {  	s26 =	spop (v2sf);
	v5 =	vmul.f32 $8.000000000e+00, v5;
	[tilespmem:s23+$0xE7B0] =	vst v0  }
0x5f3: {  	v0 =	vld [tilespmem:s26+$0x6800]  }
0x5f4: {  	[tilespmem:s24+$0xE680] =	vst v5;
	v1 =	vmul.f32 $8.000000000e+00, v1  }
0x5f5: {  	v5 =	vld [tilespmem:s21+$0x6690]  }
0x5f6: {  	[tilespmem:s25+$0xE510] =	vst v1  }
0x5f7: {  	(v2sf) =	vpush v2, $0x1;
	v1 =	vld [tilespmem:s20+$0x6520]  }
0x5f8: {  	v0 =	vmul.f32 $8.000000000e+00, v0;
	_ =	sdelay $0x1  }
0x5f9: {  	v5 =	vmul.f32 $8.000000000e+00, v5;
	[tilespmem:s23+$0xE800] =	vst v0  }
0x5fa: {  	v0 =	vld [tilespmem:s26+$0x6810]  }
0x5fb: {  	[tilespmem:s24+$0xE690] =	vst v5;
	v1 =	vmul.f32 $8.000000000e+00, v1  }
0x5fc: {  	(v2sf) =	vpush v3, $0x4;
	v5 =	vld [tilespmem:s21+$0x66A0]  }
0x5fd: {  	[tilespmem:s25+$0xE520] =	vst v1  }
0x5fe: {  	v1 =	vld [tilespmem:s20+$0x6530]  }
0x5ff: {  	v0 =	vmul.f32 $8.000000000e+00, v0;
	_ =	sdelay $0x1  }
0x600: {  	v5 =	vmul.f32 $8.000000000e+00, v5;
	[tilespmem:s23+$0xE810] =	vst v0  }
0x601: {  	(v2sf) =	vpush v4, $0x7;
	v0 =	vld [tilespmem:s26+$0x6820]  }
0x602: {  	[tilespmem:s24+$0xE6A0] =	vst v5;
	v1 =	vmul.f32 $8.000000000e+00, v1  }
0x603: {  	v5 =	vld [tilespmem:s21+$0x66B0]  }
0x604: {  	s29 =	spop (v2sf);
	[tilespmem:s25+$0xE530] =	vst v1  }
0x605: {  	v1 =	vld [tilespmem:s29+$0x6580]  }
0x606: {  	v0 =	vmul.f32 $8.000000000e+00, v0;
	_ =	sdelay $0x1  }
0x607: {  	v5 =	vmul.f32 $8.000000000e+00, v5;
	[tilespmem:s23+$0xE820] =	vst v0  }
0x608: {  	v0 =	vld [tilespmem:s26+$0x6830]  }
0x609: {  	s30 =	spop (v2sf);
	[tilespmem:s24+$0xE6B0] =	vst v5;
	v1 =	vmul.f32 $8.000000000e+00, v1  }
0x60a: {  	v5 =	vld [tilespmem:s30+$0x6700]  }
0x60b: {  	[tilespmem:s25+$0xE580] =	vst v1  }
0x60c: {  	v1 =	vld [tilespmem:s29+$0x6590]  }
0x60d: {  	v0 =	vmul.f32 $8.000000000e+00, v0;
	_ =	sdelay $0x1  }
0x60e: {  	s31 =	spop (v2sf);
	v5 =	vmul.f32 $8.000000000e+00, v5;
	[tilespmem:s23+$0xE830] =	vst v0  }
0x60f: {  	v0 =	vld [tilespmem:s31+$0x6880]  }
0x610: {  	[tilespmem:s24+$0xE700] =	vst v5;
	v1 =	vmul.f32 $8.000000000e+00, v1  }
0x611: {  	v5 =	vld [tilespmem:s30+$0x6710]  }
0x612: {  	[tilespmem:s25+$0xE590] =	vst v1  }
0x613: {  	(v2sf) =	vpush v2, $0x2;
	v1 =	vld [tilespmem:s29+$0x65A0]  }
0x614: {  	v0 =	vmul.f32 $8.000000000e+00, v0;
	_ =	sdelay $0x1  }
0x615: {  	v5 =	vmul.f32 $8.000000000e+00, v5;
	[tilespmem:s23+$0xE880] =	vst v0  }
0x616: {  	v0 =	vld [tilespmem:s31+$0x6890]  }
0x617: {  	[tilespmem:s24+$0xE710] =	vst v5;
	v1 =	vmul.f32 $8.000000000e+00, v1  }
0x618: {  	(v2sf) =	vpush v3, $0x5;
	v5 =	vld [tilespmem:s30+$0x6720]  }
0x619: {  	[tilespmem:s25+$0xE5A0] =	vst v1  }
0x61a: {  	v1 =	vld [tilespmem:s29+$0x65B0]  }
0x61b: {  	v0 =	vmul.f32 $8.000000000e+00, v0;
	_ =	sdelay $0x1  }
0x61c: {  	v5 =	vmul.f32 $8.000000000e+00, v5;
	[tilespmem:s23+$0xE890] =	vst v0  }
0x61d: {  	(v2sf) =	vpush v4, $0x8;
	v0 =	vld [tilespmem:s31+$0x68A0]  }
0x61e: {  	[tilespmem:s24+$0xE720] =	vst v5;
	v1 =	vmul.f32 $8.000000000e+00, v1  }
0x61f: {  	v5 =	vld [tilespmem:s30+$0x6730]  }
0x620: {  	s4 =	spop (v2sf);
	[tilespmem:s25+$0xE5B0] =	vst v1  }
0x621: {  	s0 =	sadd.s32 $0x10, s0;
	v1 =	vld [tilespmem:s4+$0x6600]  }
0x622: {  	v6 =	vld [tilespmem:s0+$0x0];
	v0 =	vmul.f32 $8.000000000e+00, v0;
	_ =	sdelay $0x1  }
0x623: {  	v5 =	vmul.f32 $8.000000000e+00, v5;
	[tilespmem:s23+$0xE8A0] =	vst v0  }
0x624: {  	v0 =	vld [tilespmem:s31+$0x68B0]  }
0x625: {  	s5 =	spop (v2sf);
	[tilespmem:s24+$0xE730] =	vst v5;
	v1 =	vmul.f32 $8.000000000e+00, v1  }
0x626: {  	v6 =	vand.u32 $0x1, v6;
	v5 =	vld [tilespmem:s5+$0x6780]  }
0x627: {  	s26 =	simm.s32 $0x1800;
	[tilespmem:s25+$0xE600] =	vst v1;
	v1 =	vshll.u32 v6, $0x6  }
0x628: {  	v6 =	vld [tilespmem:s4+$0x6610];
	v1 =	vadd.s32 s26, v1  }
0x629: {  	(v2sf) =	vpush v1, $0x0;
	v0 =	vmul.f32 $8.000000000e+00, v0;
	_ =	sdelay $0x1  }
0x62a: {  	s6 =	spop (v2sf);
	v5 =	vmul.f32 $8.000000000e+00, v5;
	[tilespmem:s23+$0xE8B0] =	vst v0  }
0x62b: {  	v0 =	vld [tilespmem:s6+$0x6900]  }
0x62c: {  	[tilespmem:s24+$0xE780] =	vst v5;
	v5 =	vmul.f32 $8.000000000e+00, v6  }
0x62d: {  	v6 =	vld [tilespmem:s5+$0x6790]  }
0x62e: {  	[tilespmem:s25+$0xE610] =	vst v5  }
0x62f: {  	(v2sf) =	vpush v2, $0x3;
	v5 =	vld [tilespmem:s4+$0x6620]  }
0x630: {  	v0 =	vmul.f32 $8.000000000e+00, v0;
	_ =	sdelay $0x1  }
0x631: {  	v6 =	vmul.f32 $8.000000000e+00, v6;
	[tilespmem:s23+$0xE900] =	vst v0  }
0x632: {  	v0 =	vld [tilespmem:s6+$0x6910]  }
0x633: {  	[tilespmem:s24+$0xE790] =	vst v6;
	v5 =	vmul.f32 $8.000000000e+00, v5  }
0x634: {  	(v2sf) =	vpush v3, $0x6;
	v6 =	vld [tilespmem:s5+$0x67A0]  }
0x635: {  	[tilespmem:s25+$0xE620] =	vst v5  }
0x636: {  	v5 =	vld [tilespmem:s4+$0x6630];
	s7 =	spop (v2sf)  }
0x637: {  	v7 =	vld [tilespmem:s7+$0x6500];
	v0 =	vmul.f32 $8.000000000e+00, v0;
	_ =	sdelay $0x1  }
0x638: {  	v6 =	vmul.f32 $8.000000000e+00, v6;
	[tilespmem:s23+$0xE910] =	vst v0  }
0x639: {  	(v2sf) =	vpush v4, $0x9;
	v0 =	vld [tilespmem:s6+$0x6920]  }
0x63a: {  	[tilespmem:s24+$0xE7A0] =	vst v6;
	v5 =	vmul.f32 $8.000000000e+00, v5  }
0x63b: {  	v6 =	vld [tilespmem:s5+$0x67B0];
	v7 =	vmul.f32 $8.000000000e+00, v7  }
0x63c: {  	s8 =	spop (v2sf);
	[tilespmem:s25+$0xE630] =	vst v5  }
0x63d: {  	v5 =	vld [tilespmem:s8+$0x6680];
	[tilespmem:s26+$0xE500] =	vst v7  }
0x63e: {  	v7 =	vld [tilespmem:s7+$0x6510];
	v0 =	vmul.f32 $8.000000000e+00, v0;
	_ =	sdelay $0x1  }
0x63f: {  	v6 =	vmul.f32 $8.000000000e+00, v6;
	[tilespmem:s23+$0xE920] =	vst v0  }
0x640: {  	v0 =	vld [tilespmem:s6+$0x6930]  }
0x641: {  	s9 =	spop (v2sf);
	[tilespmem:s24+$0xE7B0] =	vst v6;
	v5 =	vmul.f32 $8.000000000e+00, v5  }
0x642: {  	v6 =	vld [tilespmem:s9+$0x6800];
	v7 =	vmul.f32 $8.000000000e+00, v7  }
0x643: {  	[tilespmem:s25+$0xE680] =	vst v5  }
0x644: {  	v5 =	vld [tilespmem:s8+$0x6690];
	[tilespmem:s26+$0xE510] =	vst v7  }
0x645: {  	(v2sf) =	vpush v1, $0x1;
	v7 =	vld [tilespmem:s7+$0x6520];
	v0 =	vmul.f32 $8.000000000e+00, v0;
	_ =	sdelay $0x1  }
0x646: {  	s10 =	spop (v2sf);
	v6 =	vmul.f32 $8.000000000e+00, v6;
	[tilespmem:s23+$0xE930] =	vst v0  }
0x647: {  	v0 =	vld [tilespmem:s10+$0x6980]  }
0x648: {  	[tilespmem:s24+$0xE800] =	vst v6;
	v5 =	vmul.f32 $8.000000000e+00, v5  }
0x649: {  	v6 =	vld [tilespmem:s9+$0x6810];
	v7 =	vmul.f32 $8.000000000e+00, v7  }
0x64a: {  	[tilespmem:s25+$0xE690] =	vst v5  }
0x64b: {  	(v2sf) =	vpush v2, $0x4;
	v5 =	vld [tilespmem:s8+$0x66A0];
	[tilespmem:s26+$0xE520] =	vst v7  }
0x64c: {  	v7 =	vld [tilespmem:s7+$0x6530];
	v0 =	vmul.f32 $8.000000000e+00, v0;
	_ =	sdelay $0x1  }
0x64d: {  	v6 =	vmul.f32 $8.000000000e+00, v6;
	[tilespmem:s23+$0xE980] =	vst v0  }
0x64e: {  	v0 =	vld [tilespmem:s10+$0x6990]  }
0x64f: {  	[tilespmem:s24+$0xE810] =	vst v6;
	v5 =	vmul.f32 $8.000000000e+00, v5  }
0x650: {  	(v2sf) =	vpush v3, $0x7;
	v6 =	vld [tilespmem:s9+$0x6820];
	v7 =	vmul.f32 $8.000000000e+00, v7  }
0x651: {  	[tilespmem:s25+$0xE6A0] =	vst v5  }
0x652: {  	s11 =	spop (v2sf);
	v5 =	vld [tilespmem:s8+$0x66B0];
	[tilespmem:s26+$0xE530] =	vst v7  }
0x653: {  	v7 =	vld [tilespmem:s11+$0x6580];
	v0 =	vmul.f32 $8.000000000e+00, v0;
	_ =	sdelay $0x1  }
0x654: {  	v6 =	vmul.f32 $8.000000000e+00, v6;
	[tilespmem:s23+$0xE990] =	vst v0  }
0x655: {  	(v2sf) =	vpush v4, $0xA;
	v0 =	vld [tilespmem:s10+$0x69A0]  }
0x656: {  	[tilespmem:s24+$0xE820] =	vst v6;
	v5 =	vmul.f32 $8.000000000e+00, v5  }
0x657: {  	v6 =	vld [tilespmem:s9+$0x6830];
	v7 =	vmul.f32 $8.000000000e+00, v7  }
0x658: {  	s12 =	spop (v2sf);
	[tilespmem:s25+$0xE6B0] =	vst v5  }
0x659: {  	v5 =	vld [tilespmem:s12+$0x6700];
	[tilespmem:s26+$0xE580] =	vst v7  }
0x65a: {  	v7 =	vld [tilespmem:s11+$0x6590];
	v0 =	vmul.f32 $8.000000000e+00, v0;
	_ =	sdelay $0x1  }
0x65b: {  	v6 =	vmul.f32 $8.000000000e+00, v6;
	[tilespmem:s23+$0xE9A0] =	vst v0  }
0x65c: {  	v0 =	vld [tilespmem:s10+$0x69B0]  }
0x65d: {  	s13 =	spop (v2sf);
	[tilespmem:s24+$0xE830] =	vst v6;
	v5 =	vmul.f32 $8.000000000e+00, v5  }
0x65e: {  	v6 =	vld [tilespmem:s13+$0x6880];
	v7 =	vmul.f32 $8.000000000e+00, v7  }
0x65f: {  	[tilespmem:s25+$0xE700] =	vst v5  }
0x660: {  	v5 =	vld [tilespmem:s12+$0x6710];
	[tilespmem:s26+$0xE590] =	vst v7  }
0x661: {  	(v2sf) =	vpush v1, $0x2;
	v7 =	vld [tilespmem:s11+$0x65A0];
	v0 =	vmul.f32 $8.000000000e+00, v0;
	_ =	sdelay $0x1  }
0x662: {  	s14 =	spop (v2sf);
	v6 =	vmul.f32 $8.000000000e+00, v6;
	[tilespmem:s23+$0xE9B0] =	vst v0  }
0x663: {  	v0 =	vld [tilespmem:s14+$0x6A00]  }
0x664: {  	[tilespmem:s24+$0xE880] =	vst v6;
	v5 =	vmul.f32 $8.000000000e+00, v5  }
0x665: {  	v6 =	vld [tilespmem:s13+$0x6890];
	v7 =	vmul.f32 $8.000000000e+00, v7  }
0x666: {  	[tilespmem:s25+$0xE710] =	vst v5  }
0x667: {  	(v2sf) =	vpush v2, $0x5;
	v5 =	vld [tilespmem:s12+$0x6720];
	[tilespmem:s26+$0xE5A0] =	vst v7  }
0x668: {  	v7 =	vld [tilespmem:s11+$0x65B0];
	v0 =	vmul.f32 $8.000000000e+00, v0;
	_ =	sdelay $0x1  }
0x669: {  	v6 =	vmul.f32 $8.000000000e+00, v6;
	[tilespmem:s23+$0xEA00] =	vst v0  }
0x66a: {  	v0 =	vld [tilespmem:s14+$0x6A10]  }
0x66b: {  	[tilespmem:s24+$0xE890] =	vst v6;
	v5 =	vmul.f32 $8.000000000e+00, v5  }
0x66c: {  	(v2sf) =	vpush v3, $0x8;
	v6 =	vld [tilespmem:s13+$0x68A0];
	v7 =	vmul.f32 $8.000000000e+00, v7  }
0x66d: {  	[tilespmem:s25+$0xE720] =	vst v5  }
0x66e: {  	s15 =	spop (v2sf);
	[tilespmem:s26+$0xE5B0] =	vst v7;
	v5 =	vld [tilespmem:s12+$0x6730]  }
0x66f: {  	v7 =	vld [tilespmem:s15+$0x6600];
	v0 =	vmul.f32 $8.000000000e+00, v0  }
0x670: {  	s0 =	sadd.s32 $0x10, s0  }
0x671: {  	v8 =	vld [tilespmem:s0+$0x0];
	v6 =	vmul.f32 $8.000000000e+00, v6;
	[tilespmem:s23+$0xEA10] =	vst v0  }
0x672: {  	(v2sf) =	vpush v4, $0xB;
	v0 =	vld [tilespmem:s14+$0x6A20]  }
0x673: {  	[tilespmem:s24+$0xE8A0] =	vst v6;
	v5 =	vmul.f32 $8.000000000e+00, v5  }
0x674: {  	v6 =	vld [tilespmem:s13+$0x68B0];
	v7 =	vmul.f32 $8.000000000e+00, v7  }
0x675: {  	s16 =	spop (v2sf);
	[tilespmem:s25+$0xE730] =	vst v5  }
0x676: {  	v5 =	vand.u32 $0x1, v8;
	[tilespmem:s26+$0xE600] =	vst v7;
	v7 =	vld [tilespmem:s16+$0x6780]  }
0x677: {  	s28 =	simm.s32 $0x2000;
	v5 =	vshll.u32 v5, $0x6;
	v9 =	vld [tilespmem:s15+$0x6610];
	v8 =	vmul.f32 $8.000000000e+00, v0  }
0x678: {  	v0 =	vadd.s32 s28, v5  }
0x679: {  	(v2sf) =	vpush v0, $0x0;
	v5 =	vmul.f32 $8.000000000e+00, v6;
	[tilespmem:s23+$0xEA20] =	vst v8  }
0x67a: {  	v6 =	vld [tilespmem:s14+$0x6A30]  }
0x67b: {  	s17 =	spop (v2sf);
	[tilespmem:s24+$0xE8B0] =	vst v5;
	v5 =	vmul.f32 $8.000000000e+00, v7  }
0x67c: {  	v7 =	vld [tilespmem:s17+$0x6900];
	v8 =	vmul.f32 $8.000000000e+00, v9  }
0x67d: {  	[tilespmem:s25+$0xE780] =	vst v5  }
0x67e: {  	[tilespmem:s26+$0xE610] =	vst v8;
	v5 =	vld [tilespmem:s16+$0x6790]  }
0x67f: {  	v8 =	vld [tilespmem:s15+$0x6620];
	v6 =	vmul.f32 $8.000000000e+00, v6  }
0x680: {  	(v2sf) =	vpush v1, $0x3  }
0x681: {  	s18 =	spop (v2sf);
	v7 =	vmul.f32 $8.000000000e+00, v7;
	[tilespmem:s23+$0xEA30] =	vst v6  }
0x682: {  	v6 =	vld [tilespmem:s18+$0x6A80]  }
0x683: {  	[tilespmem:s24+$0xE900] =	vst v7;
	v5 =	vmul.f32 $8.000000000e+00, v5  }
0x684: {  	v7 =	vld [tilespmem:s17+$0x6910];
	v8 =	vmul.f32 $8.000000000e+00, v8  }
0x685: {  	[tilespmem:s25+$0xE790] =	vst v5  }
0x686: {  	(v2sf) =	vpush v2, $0x6;
	[tilespmem:s26+$0xE620] =	vst v8;
	v5 =	vld [tilespmem:s16+$0x67A0]  }
0x687: {  	v8 =	vld [tilespmem:s15+$0x6630];
	v6 =	vmul.f32 $8.000000000e+00, v6  }
0x688: {  	s19 =	spop (v2sf)  }
0x689: {  	v9 =	vld [tilespmem:s19+$0x6500];
	v7 =	vmul.f32 $8.000000000e+00, v7;
	[tilespmem:s23+$0xEA80] =	vst v6  }
0x68a: {  	v6 =	vld [tilespmem:s18+$0x6A90]  }
0x68b: {  	[tilespmem:s24+$0xE910] =	vst v7;
	v5 =	vmul.f32 $8.000000000e+00, v5  }
0x68c: {  	(v2sf) =	vpush v3, $0x9;
	v7 =	vld [tilespmem:s17+$0x6920];
	v8 =	vmul.f32 $8.000000000e+00, v8  }
0x68d: {  	[tilespmem:s25+$0xE7A0] =	vst v5  }
0x68e: {  	v5 =	vmul.f32 $8.000000000e+00, v9;
	[tilespmem:s26+$0xE630] =	vst v8;
	v8 =	vld [tilespmem:s16+$0x67B0]  }
0x68f: {  	s5 =	spop (v2sf);
	v6 =	vmul.f32 $8.000000000e+00, v6  }
0x690: {  	v9 =	vld [tilespmem:s5+$0x6680];
	[tilespmem:s28+$0xE500] =	vst v5  }
0x691: {  	v5 =	vld [tilespmem:s19+$0x6510];
	v7 =	vmul.f32 $8.000000000e+00, v7;
	[tilespmem:s23+$0xEA90] =	vst v6  }
0x692: {  	(v2sf) =	vpush v4, $0xC;
	v6 =	vld [tilespmem:s18+$0x6AA0]  }
0x693: {  	[tilespmem:s24+$0xE920] =	vst v7;
	v7 =	vmul.f32 $8.000000000e+00, v8  }
0x694: {  	v8 =	vld [tilespmem:s17+$0x6930]  }
0x695: {  	s20 =	spop (v2sf);
	v9 =	vmul.f32 $8.000000000e+00, v9;
	[tilespmem:s25+$0xE7B0] =	vst v7  }
0x696: {  	v5 =	vmul.f32 $8.000000000e+00, v5;
	v7 =	vld [tilespmem:s20+$0x6800]  }
0x697: {  	[tilespmem:s26+$0xE680] =	vst v9;
	v6 =	vmul.f32 $8.000000000e+00, v6  }
0x698: {  	v9 =	vld [tilespmem:s5+$0x6690];
	[tilespmem:s28+$0xE510] =	vst v5  }
0x699: {  	(v2sf) =	vpush v0, $0x1;
	v5 =	vld [tilespmem:s19+$0x6520];
	v8 =	vmul.f32 $8.000000000e+00, v8;
	[tilespmem:s23+$0xEAA0] =	vst v6  }
0x69a: {  	v6 =	vld [tilespmem:s18+$0x6AB0]  }
0x69b: {  	s21 =	spop (v2sf);
	[tilespmem:s24+$0xE930] =	vst v8;
	v7 =	vmul.f32 $8.000000000e+00, v7  }
0x69c: {  	v8 =	vld [tilespmem:s21+$0x6980]  }
0x69d: {  	v9 =	vmul.f32 $8.000000000e+00, v9;
	[tilespmem:s25+$0xE800] =	vst v7  }
0x69e: {  	v5 =	vmul.f32 $8.000000000e+00, v5;
	v7 =	vld [tilespmem:s20+$0x6810]  }
0x69f: {  	[tilespmem:s26+$0xE690] =	vst v9;
	v6 =	vmul.f32 $8.000000000e+00, v6  }
0x6a0: {  	(v2sf) =	vpush v1, $0x4;
	v9 =	vld [tilespmem:s5+$0x66A0];
	[tilespmem:s28+$0xE520] =	vst v5  }
0x6a1: {  	s29 =	spop (v2sf);
	v5 =	vld [tilespmem:s19+$0x6530];
	v8 =	vmul.f32 $8.000000000e+00, v8;
	[tilespmem:s23+$0xEAB0] =	vst v6  }
0x6a2: {  	(v2sf) =	vpush v2, $0x7;
	v6 =	vld [tilespmem:s29+$0x6B00]  }
0x6a3: {  	[tilespmem:s24+$0xE980] =	vst v8;
	v7 =	vmul.f32 $8.000000000e+00, v7  }
0x6a4: {  	v8 =	vld [tilespmem:s21+$0x6990]  }
0x6a5: {  	v9 =	vmul.f32 $8.000000000e+00, v9;
	[tilespmem:s25+$0xE810] =	vst v7  }
0x6a6: {  	v5 =	vmul.f32 $8.000000000e+00, v5;
	v7 =	vld [tilespmem:s20+$0x6820]  }
0x6a7: {  	[tilespmem:s26+$0xE6A0] =	vst v9;
	v6 =	vmul.f32 $8.000000000e+00, v6  }
0x6a8: {  	s30 =	spop (v2sf);
	v9 =	vld [tilespmem:s5+$0x66B0];
	[tilespmem:s28+$0xE530] =	vst v5  }
0x6a9: {  	v5 =	vld [tilespmem:s30+$0x6580];
	v8 =	vmul.f32 $8.000000000e+00, v8;
	[tilespmem:s23+$0xEB00] =	vst v6  }
0x6aa: {  	v6 =	vld [tilespmem:s29+$0x6B10]  }
0x6ab: {  	[tilespmem:s24+$0xE990] =	vst v8;
	v7 =	vmul.f32 $8.000000000e+00, v7  }
0x6ac: {  	(v2sf) =	vpush v3, $0xA;
	v8 =	vld [tilespmem:s21+$0x69A0]  }
0x6ad: {  	v9 =	vmul.f32 $8.000000000e+00, v9;
	[tilespmem:s25+$0xE820] =	vst v7  }
0x6ae: {  	v5 =	vmul.f32 $8.000000000e+00, v5;
	v7 =	vld [tilespmem:s20+$0x6830]  }
0x6af: {  	s31 =	spop (v2sf);
	[tilespmem:s26+$0xE6B0] =	vst v9;
	v6 =	vmul.f32 $8.000000000e+00, v6  }
0x6b0: {  	(v2sf) =	vpush v4, $0xD;
	v9 =	vld [tilespmem:s31+$0x6700];
	[tilespmem:s28+$0xE580] =	vst v5  }
0x6b1: {  	s10 =	spop (v2sf);
	(v2sf) =	vpush v0, $0x2;
	v5 =	vld [tilespmem:s30+$0x6590];
	v8 =	vmul.f32 $8.000000000e+00, v8;
	[tilespmem:s23+$0xEB10] =	vst v6  }
0x6b2: {  	v6 =	vld [tilespmem:s29+$0x6B20]  }
0x6b3: {  	[tilespmem:s24+$0xE9A0] =	vst v8;
	v7 =	vmul.f32 $8.000000000e+00, v7  }
0x6b4: {  	v8 =	vld [tilespmem:s21+$0x69B0]  }
0x6b5: {  	v9 =	vmul.f32 $8.000000000e+00, v9;
	[tilespmem:s25+$0xE830] =	vst v7  }
0x6b6: {  	v5 =	vmul.f32 $8.000000000e+00, v5;
	v7 =	vld [tilespmem:s10+$0x6880]  }
0x6b7: {  	[tilespmem:s26+$0xE700] =	vst v9;
	v6 =	vmul.f32 $8.000000000e+00, v6  }
0x6b8: {  	v9 =	vld [tilespmem:s31+$0x6710];
	[tilespmem:s28+$0xE590] =	vst v5  }
0x6b9: {  	v5 =	vld [tilespmem:s30+$0x65A0];
	v8 =	vmul.f32 $8.000000000e+00, v8;
	[tilespmem:s23+$0xEB20] =	vst v6  }
0x6ba: {  	v6 =	vld [tilespmem:s29+$0x6B30]  }
0x6bb: {  	s2 =	spop (v2sf);
	[tilespmem:s24+$0xE9B0] =	vst v8;
	v7 =	vmul.f32 $8.000000000e+00, v7  }
0x6bc: {  	v8 =	vld [tilespmem:s2+$0x6A00]  }
0x6bd: {  	v9 =	vmul.f32 $8.000000000e+00, v9;
	[tilespmem:s25+$0xE880] =	vst v7  }
0x6be: {  	v5 =	vmul.f32 $8.000000000e+00, v5;
	v7 =	vld [tilespmem:s10+$0x6890]  }
0x6bf: {  	s8 =	spop (v2sf);
	[tilespmem:s26+$0xE710] =	vst v9;
	v6 =	vmul.f32 $8.000000000e+00, v6  }
0x6c0: {  	s9 =	spop (v2sf);
	(v2sf) =	vpush v1, $0x5;
	v9 =	vld [tilespmem:s31+$0x6720];
	[tilespmem:s28+$0xE5A0] =	vst v5  }
0x6c1: {  	v5 =	vld [tilespmem:s30+$0x65B0];
	v8 =	vmul.f32 $8.000000000e+00, v8;
	[tilespmem:s23+$0xEB30] =	vst v6  }
0x6c2: {  	v6 =	vld [tilespmem:s8+$0x6B80]  }
0x6c3: {  	[tilespmem:s24+$0xEA00] =	vst v8;
	v7 =	vmul.f32 $8.000000000e+00, v7  }
0x6c4: {  	v8 =	vld [tilespmem:s2+$0x6A10]  }
0x6c5: {  	v9 =	vmul.f32 $8.000000000e+00, v9;
	[tilespmem:s25+$0xE890] =	vst v7  }
0x6c6: {  	(v2sf) =	vpush v2, $0x8;
	v5 =	vmul.f32 $8.000000000e+00, v5;
	v10 =	vld [tilespmem:s10+$0x68A0]  }
0x6c7: {  	[tilespmem:s26+$0xE720] =	vst v9;
	v6 =	vmul.f32 $8.000000000e+00, v6  }
0x6c8: {  	v7 =	vld [tilespmem:s31+$0x6730];
	[tilespmem:s28+$0xE5B0] =	vst v5  }
0x6c9: {  	v5 =	vld [tilespmem:s9+$0x6600];
	v11 =	vmul.f32 $8.000000000e+00, v8;
	[tilespmem:s23+$0xEB80] =	vst v6  }
0x6ca: {  	s1 =	sadd.s32 $0x10, s0;
	v8 =	vld [tilespmem:s8+$0x6B90]  }
0x6cb: {  	v9 =	vld [tilespmem:s1+$0x0];
	[tilespmem:s24+$0xEA10] =	vst v11;
	v10 =	vmul.f32 $8.000000000e+00, v10  }
0x6cc: {  	s0 =	simm.s32 $0xA000;
	s5 =	simm.s32 $0xC000;
	(v2sf) =	vpush v3, $0xB;
	v6 =	vld [tilespmem:s2+$0x6A20]  }
.LBB2_4:
0x6cd: {  	p0 =	sne.s32 s5, $0xE000;
	v7 =	vmul.f32 $8.000000000e+00, v7;
	[tilespmem:s25+$0xE8A0] =	vst v10  }
0x6ce: {  	v5 =	vmul.f32 $8.000000000e+00, v5;
	v10 =	vld [tilespmem:s10+$0x68B0]  }
0x6cf: {  	[tilespmem:s26+$0xE730] =	vst v7;
	s10 =	spop (v2sf);
	v7 =	vmul.f32 $8.000000000e+00, v8  }
0x6d0: {  	v8 =	vand.u32 $0x1, v9;
	[tilespmem:s28+$0xE600] =	vst v5;
	v5 =	vld [tilespmem:s10+$0x6780]  }
0x6d1: {  	s7 =	sshra.s32 s0, $0x2;
	v6 =	vmul.f32 $8.000000000e+00, v6;
	s0 =	smov.u32 s5;
	v8 =	vshll.u32 v8, $0x6;
	v9 =	vld [tilespmem:s9+$0x6610];
	[tilespmem:s23+$0xEB90] =	vst v7  }
0x6d2: {  	v7 =	vadd.s32 s7, v8;
	v8 =	vld [tilespmem:s8+$0x6BA0];
	(v2sf) =	vpush v4, $0xE  }
0x6d3: {  	(v2sf) =	vpush v7, $0x0;
	v10 =	vmul.f32 $8.000000000e+00, v10;
	[tilespmem:s24+$0xEA20] =	vst v6  }
0x6d4: {  	v6 =	vld [tilespmem:s2+$0x6A30]  }
0x6d5: {  	v5 =	vmul.f32 $8.000000000e+00, v5;
	[tilespmem:s25+$0xE8B0] =	vst v10;
	s2 =	spop (v2sf)  }
0x6d6: {  	v9 =	vmul.f32 $8.000000000e+00, v9;
	v10 =	vld [tilespmem:s2+$0x6900]  }
0x6d7: {  	[tilespmem:s26+$0xE780] =	vst v5;
	v5 =	vmul.f32 $8.000000000e+00, v8  }
0x6d8: {  	[tilespmem:s28+$0xE610] =	vst v9;
	v8 =	vld [tilespmem:s10+$0x6790]  }
0x6d9: {  	v9 =	vld [tilespmem:s9+$0x6620];
	(v2sf) =	vpush v0, $0x3;
	v6 =	vmul.f32 $8.000000000e+00, v6;
	[tilespmem:s23+$0xEBA0] =	vst v5  }
0x6da: {  	v5 =	vld [tilespmem:s8+$0x6BB0]  }
0x6db: {  	v10 =	vmul.f32 $8.000000000e+00, v10;
	[tilespmem:s24+$0xEA30] =	vst v6;
	s8 =	spop (v2sf)  }
0x6dc: {  	v6 =	vld [tilespmem:s8+$0x6A80]  }
0x6dd: {  	v8 =	vmul.f32 $8.000000000e+00, v8;
	[tilespmem:s25+$0xE900] =	vst v10  }
0x6de: {  	v9 =	vmul.f32 $8.000000000e+00, v9;
	v10 =	vld [tilespmem:s2+$0x6910]  }
0x6df: {  	[tilespmem:s26+$0xE790] =	vst v8;
	v5 =	vmul.f32 $8.000000000e+00, v5  }
0x6e0: {  	[tilespmem:s28+$0xE620] =	vst v9;
	v8 =	vld [tilespmem:s10+$0x67A0];
	(v2sf) =	vpush v1, $0x6  }
0x6e1: {  	v9 =	vld [tilespmem:s9+$0x6630];
	v6 =	vmul.f32 $8.000000000e+00, v6;
	[tilespmem:s23+$0xEBB0] =	vst v5;
	s6 =	spop (v2sf)  }
0x6e2: {  	s3 =	spop (v2sf);
	v5 =	vld [tilespmem:s6+$0x6C00]  }
0x6e3: {  	v11 =	vld [tilespmem:s3+$0x6500];
	v10 =	vmul.f32 $8.000000000e+00, v10;
	[tilespmem:s24+$0xEA80] =	vst v6  }
0x6e4: {  	v6 =	vld [tilespmem:s8+$0x6A90]  }
0x6e5: {  	v8 =	vmul.f32 $8.000000000e+00, v8;
	[tilespmem:s25+$0xE910] =	vst v10  }
0x6e6: {  	v9 =	vmul.f32 $8.000000000e+00, v9;
	v10 =	vld [tilespmem:s2+$0x6920];
	(v2sf) =	vpush v2, $0x9  }
0x6e7: {  	[tilespmem:s26+$0xE7A0] =	vst v8;
	v5 =	vmul.f32 $8.000000000e+00, v5  }
0x6e8: {  	v8 =	vmul.f32 $8.000000000e+00, v11;
	[tilespmem:s28+$0xE630] =	vst v9;
	s4 =	spop (v2sf);
	v9 =	vld [tilespmem:s10+$0x67B0]  }
0x6e9: {  	v11 =	vld [tilespmem:s4+$0x6680];
	v6 =	vmul.f32 $8.000000000e+00, v6;
	[tilespmem:s23+$0xEC00] =	vst v5  }
0x6ea: {  	[tilespmem:s7+$0xE500] =	vst v8;
	v5 =	vld [tilespmem:s6+$0x6C10]  }
0x6eb: {  	v8 =	vld [tilespmem:s3+$0x6510];
	v10 =	vmul.f32 $8.000000000e+00, v10;
	[tilespmem:s24+$0xEA90] =	vst v6  }
0x6ec: {  	v6 =	vld [tilespmem:s8+$0x6AA0];
	(v2sf) =	vpush v3, $0xC  }
0x6ed: {  	v9 =	vmul.f32 $8.000000000e+00, v9;
	[tilespmem:s25+$0xE920] =	vst v10  }
0x6ee: {  	v10 =	vmul.f32 $8.000000000e+00, v11;
	v11 =	vld [tilespmem:s2+$0x6930]  }
0x6ef: {  	[tilespmem:s26+$0xE7B0] =	vst v9;
	s2 =	spop (v2sf);
	v5 =	vmul.f32 $8.000000000e+00, v5  }
0x6f0: {  	v8 =	vmul.f32 $8.000000000e+00, v8;
	[tilespmem:s28+$0xE680] =	vst v10;
	v9 =	vld [tilespmem:s2+$0x6800]  }
0x6f1: {  	v10 =	vld [tilespmem:s4+$0x6690];
	v6 =	vmul.f32 $8.000000000e+00, v6;
	[tilespmem:s23+$0xEC10] =	vst v5  }
0x6f2: {  	[tilespmem:s7+$0xE510] =	vst v8;
	v5 =	vld [tilespmem:s6+$0x6C20];
	(v2sf) =	vpush v4, $0xF;
	v4 =	vmovc v3;
	v3 =	vmovc v2;
	v2 =	vmov v1;
	v1 =	vmov v0  }
0x6f3: {  	v0 =	vmov v7;
	v8 =	vld [tilespmem:s3+$0x6520];
	(v2sf) =	vpush v7, $0x1;
	v11 =	vmul.f32 $8.000000000e+00, v11;
	[tilespmem:s24+$0xEAA0] =	vst v6  }
0x6f4: {  	v6 =	vld [tilespmem:s8+$0x6AB0]  }
0x6f5: {  	v7 =	vmul.f32 $8.000000000e+00, v9;
	[tilespmem:s25+$0xE930] =	vst v11;
	s8 =	spop (v2sf)  }
0x6f6: {  	v9 =	vmul.f32 $8.000000000e+00, v10;
	v10 =	vld [tilespmem:s8+$0x6980]  }
0x6f7: {  	[tilespmem:s26+$0xE800] =	vst v7;
	v5 =	vmul.f32 $8.000000000e+00, v5  }
0x6f8: {  	v7 =	vmul.f32 $8.000000000e+00, v8;
	[tilespmem:s28+$0xE690] =	vst v9;
	v8 =	vld [tilespmem:s2+$0x6810]  }
0x6f9: {  	v9 =	vld [tilespmem:s4+$0x66A0];
	(v2sf) =	vpush v1, $0x4;
	v6 =	vmul.f32 $8.000000000e+00, v6;
	[tilespmem:s23+$0xEC20] =	vst v5  }
0x6fa: {  	[tilespmem:s7+$0xE520] =	vst v7;
	v5 =	vld [tilespmem:s6+$0x6C30]  }
0x6fb: {  	v7 =	vld [tilespmem:s3+$0x6530];
	v10 =	vmul.f32 $8.000000000e+00, v10;
	[tilespmem:s24+$0xEAB0] =	vst v6;
	s9 =	spop (v2sf)  }
0x6fc: {  	v6 =	vld [tilespmem:s9+$0x6B00]  }
0x6fd: {  	v8 =	vmul.f32 $8.000000000e+00, v8;
	[tilespmem:s25+$0xE980] =	vst v10  }
0x6fe: {  	v9 =	vmul.f32 $8.000000000e+00, v9;
	v10 =	vld [tilespmem:s8+$0x6990]  }
0x6ff: {  	[tilespmem:s26+$0xE810] =	vst v8;
	v5 =	vmul.f32 $8.000000000e+00, v5  }
0x700: {  	v7 =	vmul.f32 $8.000000000e+00, v7;
	[tilespmem:s28+$0xE6A0] =	vst v9;
	v8 =	vld [tilespmem:s2+$0x6820];
	(v2sf) =	vpush v2, $0x7  }
0x701: {  	v9 =	vld [tilespmem:s4+$0x66B0];
	v6 =	vmul.f32 $8.000000000e+00, v6;
	[tilespmem:s23+$0xEC30] =	vst v5;
	s4 =	spop (v2sf)  }
0x702: {  	[tilespmem:s7+$0xE530] =	vst v7;
	s6 =	spop (v2sf);
	v5 =	vld [tilespmem:s4+$0x6C80]  }
0x703: {  	v7 =	vld [tilespmem:s6+$0x6580];
	v10 =	vmul.f32 $8.000000000e+00, v10;
	[tilespmem:s24+$0xEB00] =	vst v6  }
0x704: {  	v6 =	vld [tilespmem:s9+$0x6B10]  }
0x705: {  	v8 =	vmul.f32 $8.000000000e+00, v8;
	[tilespmem:s25+$0xE990] =	vst v10  }
0x706: {  	v9 =	vmul.f32 $8.000000000e+00, v9;
	v10 =	vld [tilespmem:s8+$0x69A0];
	(v2sf) =	vpush v3, $0xA  }
0x707: {  	[tilespmem:s26+$0xE820] =	vst v8;
	v5 =	vmul.f32 $8.000000000e+00, v5  }
0x708: {  	v7 =	vmul.f32 $8.000000000e+00, v7;
	[tilespmem:s28+$0xE6B0] =	vst v9;
	s3 =	spop (v2sf);
	v8 =	vld [tilespmem:s2+$0x6830]  }
0x709: {  	v9 =	vld [tilespmem:s3+$0x6700];
	v6 =	vmul.f32 $8.000000000e+00, v6;
	[tilespmem:s23+$0xEC80] =	vst v5  }
0x70a: {  	[tilespmem:s7+$0xE580] =	vst v7;
	v5 =	vld [tilespmem:s4+$0x6C90]  }
0x70b: {  	v7 =	vld [tilespmem:s6+$0x6590];
	v10 =	vmul.f32 $8.000000000e+00, v10;
	[tilespmem:s24+$0xEB10] =	vst v6  }
0x70c: {  	v6 =	vld [tilespmem:s9+$0x6B20];
	(v2sf) =	vpush v4, $0xD  }
0x70d: {  	v8 =	vmul.f32 $8.000000000e+00, v8;
	[tilespmem:s25+$0xE9A0] =	vst v10  }
0x70e: {  	v9 =	vmul.f32 $8.000000000e+00, v9;
	v10 =	vld [tilespmem:s8+$0x69B0]  }
0x70f: {  	[tilespmem:s26+$0xE830] =	vst v8;
	s10 =	spop (v2sf);
	v5 =	vmul.f32 $8.000000000e+00, v5  }
0x710: {  	v7 =	vmul.f32 $8.000000000e+00, v7;
	[tilespmem:s28+$0xE700] =	vst v9;
	v8 =	vld [tilespmem:s10+$0x6880]  }
0x711: {  	v9 =	vld [tilespmem:s3+$0x6710];
	v6 =	vmul.f32 $8.000000000e+00, v6;
	[tilespmem:s23+$0xEC90] =	vst v5  }
0x712: {  	[tilespmem:s7+$0xE590] =	vst v7;
	v5 =	vld [tilespmem:s4+$0x6CA0]  }
0x713: {  	v7 =	vld [tilespmem:s6+$0x65A0];
	(v2sf) =	vpush v0, $0x2;
	v10 =	vmul.f32 $8.000000000e+00, v10;
	[tilespmem:s24+$0xEB20] =	vst v6  }
0x714: {  	v6 =	vld [tilespmem:s9+$0x6B30]  }
0x715: {  	v8 =	vmul.f32 $8.000000000e+00, v8;
	[tilespmem:s25+$0xE9B0] =	vst v10;
	s2 =	spop (v2sf)  }
0x716: {  	v9 =	vmul.f32 $8.000000000e+00, v9;
	v10 =	vld [tilespmem:s2+$0x6A00]  }
0x717: {  	[tilespmem:s26+$0xE880] =	vst v8;
	v5 =	vmul.f32 $8.000000000e+00, v5  }
0x718: {  	v7 =	vmul.f32 $8.000000000e+00, v7;
	[tilespmem:s28+$0xE710] =	vst v9;
	v8 =	vld [tilespmem:s10+$0x6890]  }
0x719: {  	v9 =	vld [tilespmem:s3+$0x6720];
	v6 =	vmul.f32 $8.000000000e+00, v6;
	[tilespmem:s23+$0xECA0] =	vst v5  }
0x71a: {  	[tilespmem:s7+$0xE5A0] =	vst v7;
	(v2sf) =	vpush v1, $0x5;
	v5 =	vld [tilespmem:s4+$0x6CB0]  }
0x71b: {  	v7 =	vld [tilespmem:s6+$0x65B0];
	v10 =	vmul.f32 $8.000000000e+00, v10;
	[tilespmem:s24+$0xEB30] =	vst v6;
	s8 =	spop (v2sf)  }
0x71c: {  	v6 =	vld [tilespmem:s8+$0x6B80]  }
0x71d: {  	v8 =	vmul.f32 $8.000000000e+00, v8;
	[tilespmem:s25+$0xEA00] =	vst v10  }
0x71e: {  	v9 =	vmul.f32 $8.000000000e+00, v9;
	v10 =	vld [tilespmem:s2+$0x6A10]  }
0x71f: {  	[tilespmem:s26+$0xE890] =	vst v8;
	v5 =	vmul.f32 $8.000000000e+00, v5  }
0x720: {  	v7 =	vmul.f32 $8.000000000e+00, v7;
	[tilespmem:s28+$0xE720] =	vst v9;
	v11 =	vld [tilespmem:s10+$0x68A0];
	(v2sf) =	vpush v2, $0x8  }
0x721: {  	v6 =	vmul.f32 $8.000000000e+00, v6;
	[tilespmem:s23+$0xECB0] =	vst v5;
	s23 =	smov.u32 s24;
	s24 =	smov.u32 s25;
	s25 =	smov.u32 s26  }
.Ltmp7:
0x722: {  	s26 =	smov.u32 s28;
	[tilespmem:s7+$0xE5B0] =	vst v7;
	s9 =	spop (v2sf);
	v7 =	vld [tilespmem:s3+$0x6730];
	(pc) =	sbr.rel @p0 .LBB2_4-.Ltmp7, $4  }
0x723: {  	s28 =	smov.u32 s7;
	v5 =	vld [tilespmem:s9+$0x6600];
	v12 =	vmul.f32 $8.000000000e+00, v10;
	[tilespmem:s23+$0xEB80] =	vst v6  }
0x724: {  	s1 =	sadd.s32 $0x10, s1;
	v8 =	vld [tilespmem:s8+$0x6B90]  }
0x725: {  	v9 =	vld [tilespmem:s1+$0x0];
	v10 =	vmul.f32 $8.000000000e+00, v11;
	[tilespmem:s24+$0xEA10] =	vst v12  }
0x726: {  	s5 =	sadd.s32 $0x2000, s5;
	v6 =	vld [tilespmem:s2+$0x6A20];
	(v2sf) =	vpush v3, $0xB  }
.Ltmp8:
0x727: {  	_ = 	snop;
	(pc) =	sbr.rel .LBB2_5-.Ltmp8, $1  }
0x728: {  	_ =	sdelay $0x3  }
.LBB2_11:
0x729: {  	_ =	sfence.sel $0x180000  }
0x72a: {  	[bflag:$0x0] =	sbarrier.arrive $0xFFFF  }
0x72b: {  	_ =	strace $0x90000047  }
0x72c: {  	s0 =	stileid.u32;
	[bflag:$0x2] =	sbarrier.arrive $0xFFFF  }
0x72d: {  	p0 =	sne.s32 s0, $0x0;
	s0 =	rddreg [dreg:$0x2]  }
0x72e: {  	s0 =	sadd.s32 @!p0 $0x100000, s0  }
0x72f: {  	[sflag:s0] =	ssyncadd.tile.s32 @!p0 $0x1;
	_ =	shalt  }
.Lfunc_end2:
_tile_overlayer_lowered:
.L_overlay_start_2:
0x730: {  	(tag) =	ssettag $0x2  }
0x731: {  	s0 =	rddreg [dreg:$0x0];
	s2 =	stileid.u32  }
0x732: {  	s1 =	rddreg [dreg:$0x1];
	p0 =	sne.s32 s2, $0x0  }
0x733: {  	s3 =	rddreg [dreg:$0x2];
	[bflag:$0x3] =	sbarrier.arrive $0xFFFF;
	s2 =	simm.s32 @!p0 $0x1C05  }
0x734: {  	[timem:s3], [sflag:s2] =	dma.local @!p0 [hbm:s0], s1  }
0x735: {  	s0 =	simm.s32 @!p0 $0x5  }
0x736: {  	_ =	swait.ge @!p0 [sflag:s0], s1  }
0x737: {  	s1 =	ssub.s32 @!p0 $0x0, s1;
	[sflag:s0] =	ssyncset.done @!p0 $0x0  }
0x738: {  	[sflag:s0] =	ssyncadd.s32 @!p0 s1  }
0x739: {  	[bflag:$0x3] =	sbarrier.arrive $0xFFFF  }
0x73a: {  	_ =	shalt  }

// kernel: sparse-core-data-format-call.cloned.1.call-start
scs
called_computation_lowered:
.L_overlay_start_0:
0x0: {  	s2 =	sld [smem:$0x3FD9]  }
0x1: {  	s3 =	sld [smem:$0x3FFE];
	_ =	sdelay $0x1  }
0x2: {  	s1 =	srdreg.scid  }
0x3: {  	s0 =	sand.u32 $0x1, s1  }
0x4: {  	s18 =	sshll.u32 s0, $0xA;
	s2 =	sadd.s32 s3, s2  }
0x5: {  	s2 =	sadd.s32 s2, s18  }
0x6: {  	[smem:$0x3FC6] =	sst s2  }
0x7: {  	_ = 	snop  }
0x8: {  	s2 =	sld [smem:$0x3FD0];
	(tm) =	ssettm $0x1  }
0x9: {  	s19 =	sld [smem:$0x3FFB];
	_ =	sdelay $0x3  }
0xa: {  	_ =	strace s19  }
0xb: {  	s3 =	sld [smem:$0x3FFC];
	_ =	sdelay $0x3  }
0xc: {  	_ =	strace s3  }
0xd: {  	s3 =	sld [smem:$0x3FFD];
	_ =	sdelay $0x3  }
0xe: {  	_ =	strace s3  }
0xf: {  	_ =	strace $0x8FFFFFFF  }
0x10: {  	s20 =	sld [smem:$0x3FDB];
	_ =	sdelay $0x1  }
0x11: {  	s4 =	simm.s32 $_scs_section_size  }
0x12: {  	s5 =	simm.s32 $_size__tile_overlayer_lowered;
	s6 =	simm.s32 $_tile_overlayer_lowered  }
0x13: {  	s23 =	simm.s32 $0x1BFF;
	s22 =	sshll.u32 s6, $0x1;
	s3 =	sadd.s32 s4, s20  }
0x14: {  	s7 =	simm.s32 $0x0;
	s21 =	sshll.u32 s5, $0x1;
	s5 =	sadd.s32 s22, s3  }
0x15: {  	[timem:s7], [sflag:s23] =	dma.local [hbm:s5], s21  }
0x16: {  	_ =	swait.ge [sflag:s23], s21  }
0x17: {  	s4 =	ssub.s32 $0x0, s21;
	[sflag:s23] =	ssyncset.done $0x0  }
0x18: {  	[sflag:s23] =	ssyncadd.s32 s4;
	_ =	sdelay $0x1  }
0x19: {  	s24 =	simm.s32 $0x1B8B  }
0x1a: {  	_ =	swait.ge [sflag:s24], $0x1  }
0x1b: {  	[sflag:s24] =	ssyncset.done $0x0  }
0x1c: {  	s26 =	simm.s32 $0x1B8E;
	s25 =	sld [smem:$0x3FFE];
	[sflag:s24] =	ssyncadd.s32 $0xFFFFFFFF  }
0x1d: {  	s27 =	simm.s32 $execute0_lowered;
	[smem:$0x3FD2] =	sst s26  }
0x1e: {  	s5 =	sshll.u32 s27, $0x1;
	_ =	strace $0x80000049;
	[dreg:$0x1] =	wrdreg $0xFFFFFFFF  }
0x1f: {  	s28 =	simm.s32 $_size_execute0_lowered;
	s3 =	sadd.s32 s3, s5;
	[dreg:$0x0] =	wrdreg $0x0  }
0x20: {  	s5 =	sshll.u32 s28, $0x1;
	[dreg:$0x2] =	wrdreg s3  }
0x21: {  	[dreg:$0x3] =	wrdreg s5  }
0x22: {  	[dreg:$0x4] =	wrdreg $0xC0  }
0x23: {  	_ =	task [dreg:s7], $0x5FFFF  }
0x24: {  	[dreg:$0x1] =	wrdreg $0xFFFFFFFF  }
0x25: {  	[dreg:$0x0] =	wrdreg $0x60  }
0x26: {  	[dreg:$0x2] =	wrdreg s25  }
0x27: {  	[dreg:$0x3] =	wrdreg s2  }
0x28: {  	[dreg:$0x4] =	wrdreg $0x9  }
0x29: {  	_ =	task.clear_ibuf [dreg:s7], $0x5FFFF;
	_ =	strace $0x90000049  }
0x2a: {  	s29 =	simm.s32 $0x9;
	_ =	strace $0x8000004B  }
0x2b: {  	_ =	swait.ge [sflag:s29], $0x1  }
0x2c: {  	[sflag:s29] =	ssyncadd.s32 $0xFFFFFFFF  }
0x2d: {  	_ =	strace $0x9000004B  }
0x2e: {  	_ =	sfence  }
0x2f: {  	s30 =	sld [smem:$0x0];
	_ =	sdelay $0x2  }
0x30: {  	s31 =	sshll.u32 s1, $0xD;
	s1 =	sshrl.u32 s1, $0x2  }
0x31: {  	s3 =	sand.u32 $0x4000, s31;
	s1 =	sadd.s32 s1, s30  }
0x32: {  	s0 =	sor.u32 s3, s0;
	s1 =	sshll.u32 s1, $0x11  }
0x33: {  	s0 =	sor.u32 s1, s0  }
0x34: {  	s0 =	sadd.s32 $0x8F2B, s0  }
0x35: {  	[sflag:s0] =	ssyncadd.remote.s32 $0x1  }
0x36: {  	_ =	sfence.sel $0xFFFF  }
0x37: {  	[dreg:$0x0] =	wrdreg $0xFFFFFFFF;
	(pc) =	sbr.abs _section_cstart, $3  }
0x38: {  	[dreg:$0x1] =	wrdreg $0xFFFFFFFF  }
0x39: {  	_ =	task.clear_ibuf [dreg:s7], $0x2FFFF;
	_ =	strace $0x9FFFFFFF  }
0x3a: {  	(tm) =	ssettm $0x7FFFFFFF  }
0x3b: {  	_ =	shalt  }
tec
execute0_lowered:
.L_overlay_start_1:
0x0: {  	(tag) =	ssettag $0x1  }
0x1: {  	s0 =	srdreg.scid  }
0x2: {  	s1 =	sshll.u32 s0, $0x4  }
0x3: {  	s0 =	stileid.u32;
	s1 =	sand.u32 $0x10, s1  }
0x4: {  	s1 =	sor.u32 s0, s1  }
0x5: {  	s6 =	rddreg [dreg:$0x0];
	s4 =	simm.s32 $0x1;
	s2 =	sshll.u32 s1, $0x7  }
0x6: {  	s7 =	simm.s32 $0x2;
	s12 =	simm.s32 $0x0;
	s1 =	ssub.s32 $0x1000, s2  }
0x7: {  	s8 =	simm.s32 $0x8000;
	s13 =	simm.s32 $0x0;
	s3 =	sand.u32 $0xF80, s1  }
0x8: {  	s9 =	simm.s32 $0x0;
	s5 =	sshrl.u32 s1, $0xC;
	p0 =	sne.s32 s3, $0x0  }
.Ltmp0:
0x9: {  	s1 =	rddreg [dreg:$0x2];
	s4 =	simm.s32 @!p0 $0x0;
	(pc) =	sbr.rel .LBB1_1-.Ltmp0, $4  }
0xa: {  	s11 =	simm.s32 $0x0;
	s3 =	rddreg [dreg:$0x1];
	s5 =	sadd.s32 s4, s5  }
0xb: {  	_ =	strace $0x8000004A;
	s4 =	simm.s32 $0x1;
	s5 =	smul.u32 $0xC8, s5  }
0xc: {  	s6 =	sadd.s32 $0xA00, s6;
	s10 =	smov.u32 s2;
	[sflag:s4] =	ssyncpa.u1 $0x0  }
0xd: {  	p0 =	por $0x0, $0x0;
	[sflag:s7] =	ssyncpa.u1 $0x0;
	s7 =	sor.u32 $0x1, s5  }
.LBB1_4:
0xe: {  	s16 =	sshll.u32 s13, $0x3;
	s17 =	sand.u32 $0x78, s13  }
0xf: {  	s30 =	sand.u32 $0x7E00, s13;
	s12 =	sshll.u32 s12, $0xF;
	s16 =	sand.u32 $0xC00, s16  }
0x10: {  	[tilespmem:s15+$0x810 ss:$0x81] =	vst.msk $0xffff, v2;
	s31 =	sand.u32 $0x7, s13;
	s16 =	sor.u32 s17, s16;
	s17 =	sadd.s32 s3, s30  }
0x11: {  	[tilespmem:s15+$0x1020 ss:$0x81] =	vst.msk $0xffff, v0;
	s13 =	sshll.u32 s31, $0x12;
	s12 =	sadd.s32 s12, s17;
	s16 =	sshrl.u32 s16, $0x3  }
0x12: {  	[tilespmem:s15+$0x0 ss:$0x81] =	vst.msk $0xffff, v1;
	s13 =	sor.u32 $0x400, s13;
	s12 =	sadd.s32 s16, s12  }
0x13: {  	[hbm4b:s12+s13] =	stream.strided.scatter [tilespmem:s14], [sflag:$0x2], $0x2000, s8, s13, $0x20;
	[tilespmem:$0x8080] =	vst v63  }
.LBB1_5:
0x14: {  	s14 =	sadd.s32 $0x1, s9  }
0x15: {  	s12 =	sadd.s32 $0x1000, s10;
	s16 =	smov.u32 s10;
	p2 =	sgt.s32 s14, $0xC7  }
0x16: {  	s16 =	smov.u32 @p2 s12  }
0x17: {  	s14 =	simm.s32 @p2 $0x0;
	p2 =	sgt.s32 s16, $0xFFF  }
0x18: {  	s16 =	smov.u32 @p2 s2;
	p2 =	sne.s32 s11, s7  }
.Ltmp1:
0x19: {  	p1 =	slt.u32 s11, $0x2;
	(pc) =	sbr.rel @!p2 .LBB1_6-.Ltmp1, $4  }
0x1a: {  	s15 =	simm.s32 @!p1 $0x2  }
0x1b: {  	s13 =	smov.u32 s10;
	p0 =	por !p0, !p0;
	_ =	swait.ge @!p1 [sflag:s15], $0x2000  }
0x1c: {  	s12 =	smov.u32 s9;
	[sflag:s15] =	ssyncset.done @!p1 $0x0;
	s9 =	smov.u32 s14  }
0x1d: {  	s11 =	sadd.s32 $0x1, s11;
	[sflag:s15] =	ssyncadd.s32 @!p1 $0xFFFFE000;
	s10 =	smov.u32 s16  }
.LBB1_1:
0x1e: {  	p1 =	sge.u32 s11, s5  }
0x1f: {  	s14 =	sand.u32 @!p1 $0x1FFFFFF, s9  }
0x20: {  	s15 =	smulhi.u32 @!p1 $0x147AE15, s14;
	_ =	sdelay $0x1  }
0x21: {  	s15 =	smul.u32 @!p1 $0xC8, s15  }
0x22: {  	s16 =	sxor.u32 @!p1 $0xFFFFFFFF, s11;
	s17 =	smul.u32 @!p1 $0xC80, s10  }
0x23: {  	s31 =	sadd.s32 $0xFFFFFFFF, s11;
	s16 =	sshll.u32 @!p1 s16, $0xD;
	s14 =	ssub.s32 @!p1 s14, s15  }
0x24: {  	s15 =	sand.u32 @!p1 $0x2000, s16;
	s16 =	sadd.s32 @!p1 s6, s17;
	s14 =	sshll.u32 @!p1 s14, $0x4  }
0x25: {  	s17 =	simm.s32 @!p1 $0x6400;
	s14 =	sadd.s32 @!p1 s14, s16;
	s16 =	simm.s32 @!p1 $0x40  }
0x26: {  	[tilespmem:s15], [sflag:$0x1] =	stream.strided.gather @!p1 [hbm4b:s14+s16], $0x2000, s17, s16, $0x38;
	[tilespmem:$0x8080] =	vst v63  }
0x27: {  	p1 =	sge.u32 s31, s5  }
.Ltmp2:
0x28: {  	_ = 	snop;
	(pc) =	sbr.rel @p1 .LBB1_5-.Ltmp2, $1  }
0x29: {  	_ =	sdelay $0x3  }
0x2a: {  	s14 =	simm.s32 $0x1  }
0x2b: {  	_ =	swait.ge [sflag:s4], $0x2000;
	s14 =	simm.s32 @!p0 $0x0  }
0x2c: {  	[sflag:s4] =	ssyncset.done $0x0;
	s15 =	sshll.u32 s14, $0xD  }
0x2d: {  	[sflag:s4] =	ssyncadd.s32 $0xFFFFE000;
	s18 =	sor.u32 $0x20, s15  }
0x2e: {  	s14 =	smul.u32 $0x8100, s14;
	v3 =	vld [tilespmem:s18+$0x10]  }
0x2f: {  	s30 =	sand.u32 $0x1, s11;
	v2 =	vld [tilespmem:s18+$0xFFFFFFF0]  }
0x30: {  	s15 =	smul.u32 $0x8100, s30;
	s14 =	sshrl.u32 s14, $0x2;
	v0 =	vld [tilespmem:s18+$0x0]  }
0x31: {  	v1 =	vld [tilespmem:s18+$0xFFFFFFE0];
	s16 =	sor.u32 $0x4000, s14  }
0x32: {  	s31 =	sshrl.u32 s15, $0x2;
	s15 =	sadd.s32 $0x0, s16  }
0x33: {  	s17 =	simm.s32 $0x4;
	s18 =	sadd.s32 $0x40, s18;
	s14 =	sor.u32 $0x4000, s31;
	[tilespmem:s15+$0x1830 ss:$0x81] =	vst.msk $0xffff, v3  }
.LBB1_3:
0x34: {  	v3 =	vld [tilespmem:s18+$0x10];
	p1 =	sne.s32 s17, $0x1FC;
	[tilespmem:s15+$0x810 ss:$0x81] =	vst.msk $0xffff, v2;
	s19 =	smov.u32 s17;
	s17 =	sadd.s32 $0x4, s17  }
.Ltmp3:
0x35: {  	v2 =	vld [tilespmem:s18+$0xFFFFFFF0];
	[tilespmem:s15+$0x1020 ss:$0x81] =	vst.msk $0xffff, v0;
	(pc) =	sbr.rel @p1 .LBB1_3-.Ltmp3, $4  }
0x36: {  	v0 =	vld [tilespmem:s18+$0x0];
	[tilespmem:s15+$0x0 ss:$0x81] =	vst.msk $0xffff, v1  }
0x37: {  	s15 =	sshra.s32 s19, $0x2;
	v1 =	vld [tilespmem:s18+$0xFFFFFFE0]  }
0x38: {  	s15 =	sadd.s32 s15, s16  }
0x39: {  	s18 =	sadd.s32 $0x40, s18;
	[tilespmem:s15+$0x1830 ss:$0x81] =	vst.msk $0xffff, v3  }
.Ltmp4:
0x3a: {  	_ = 	snop;
	(pc) =	sbr.rel .LBB1_4-.Ltmp4, $1  }
0x3b: {  	_ =	sdelay $0x3  }
.LBB1_6:
0x3c: {  	_ =	sfence.sel $0x180000  }
0x3d: {  	s2 =	simm.s32 $0x1;
	[bflag:$0x0] =	sbarrier.arrive $0xFFFF  }
0x3e: {  	s31 =	simm.s32 $0x2;
	[sflag:s2] =	ssyncpa.u1 $0x1  }
0x3f: {  	[sflag:s31] =	ssyncpa.u1 $0x1  }
0x40: {  	p0 =	sne.s32 s0, $0x0;
	_ =	strace $0x9000004A  }
0x41: {  	s0 =	sadd.s32 @!p0 $0x100000, s1;
	[bflag:$0x2] =	sbarrier.arrive $0xFFFF  }
0x42: {  	[sflag:s0] =	ssyncadd.tile.s32 @!p0 $0x1;
	_ =	shalt  }
.Lfunc_end1:
_tile_overlayer_lowered:
.L_overlay_start_2:
0x43: {  	(tag) =	ssettag $0x2  }
0x44: {  	s0 =	rddreg [dreg:$0x0];
	s2 =	stileid.u32  }
0x45: {  	s1 =	rddreg [dreg:$0x1];
	p0 =	sne.s32 s2, $0x0  }
0x46: {  	s3 =	rddreg [dreg:$0x2];
	[bflag:$0x3] =	sbarrier.arrive $0xFFFF;
	s2 =	simm.s32 @!p0 $0x1C01  }
0x47: {  	[timem:s3], [sflag:s2] =	dma.local @!p0 [hbm:s0], s1  }
0x48: {  	s0 =	simm.s32 @!p0 $0x1  }
0x49: {  	_ =	swait.ge @!p0 [sflag:s0], s1  }
0x4a: {  	s1 =	ssub.s32 @!p0 $0x0, s1;
	[sflag:s0] =	ssyncset.done @!p0 $0x0  }
0x4b: {  	[sflag:s0] =	ssyncadd.s32 @!p0 s1  }
0x4c: {  	[bflag:$0x3] =	sbarrier.arrive $0xFFFF  }
0x4d: {  	_ =	shalt  }

</sc_bundles>
